<compile_context>
chip_gen: v7x
topology: tpu7x:2x2x1
jax: 0.10.2.dev20260603
libtpu: 0.0.44.dev20260713+nightly
codegen_flags: <defaults>
</compile_context>

<pallas_src>
import functools

import jax
import jax.numpy as jnp
from jax import lax
from jax.experimental import pallas as pl
from jax.experimental.pallas import tpu as pltpu
from jax.experimental.pallas import tpu_sc as plsc

R, N, K = 128, 8192, 256
L = 16
NWORKERS = 32
ROWS_PER_W = R // NWORKERS
NV = N // L
KV = K // L

_i32 = jnp.int32


def _lane_iota():
    return lax.iota(_i32, L)


def _cross_stage(ks, vs, dist):
    n = len(ks)
    for bs in range(0, n, 2 * dist):
        for i in range(bs, bs + dist):
            a, b = i, i + dist
            c = ks[a] <= ks[b]
            ka2 = jnp.where(c, ks[a], ks[b])
            kb2 = jnp.where(c, ks[b], ks[a])
            va2 = jnp.where(c, vs[a], vs[b])
            vb2 = jnp.where(c, vs[b], vs[a])
            ks[a], ks[b], vs[a], vs[b] = ka2, kb2, va2, vb2


def _rev16(x):
    return lax.rev(x, (0,))


def _merge(ak, av, bk, bv):
    m = len(ak)
    ks = ak + [_rev16(bk[m - 1 - j]) for j in range(m)]
    vs = av + [_rev16(bv[m - 1 - j]) for j in range(m)]
    d = m
    while d >= 1:
        _cross_stage(ks, vs, d)
        d //= 2
    ok, ov = [], []
    for k_, v_ in zip(ks, vs):
        sk, sv = plsc.sort_key_val(k_, v_)
        ok.append(sk)
        ov.append(sv)
    return ok, ov


def _sort_kv(keys, vals):
    runs = []
    for j in range(len(keys)):
        sk, sv = plsc.sort_key_val(keys[j], vals[j])
        runs.append(([sk], [sv]))
    while len(runs) > 1:
        nxt = []
        for a in range(0, len(runs), 2):
            nxt.append(_merge(runs[a][0], runs[a][1],
                              runs[a + 1][0], runs[a + 1][1]))
        runs = nxt
    return runs[0]


def _body(x_hbm, out_hbm, rowf, keys, hist, ckey, cidx, skey, obuf):
    wid = lax.axis_index("s") * 2 + lax.axis_index("c")
    iota = _lane_iota()
    ones = jnp.full((L,), 1, _i32)

    def row_body(rr, _carry):
        row = wid * ROWS_PER_W + rr
        pltpu.sync_copy(x_hbm.at[row], rowf)

        def keybody(i, c):
            v = rowf[pl.ds(i * L, L)]
            v = jnp.where(v != v, jnp.float32(1e10), v)
            b = lax.bitcast_convert_type(v, _i32)
            m = lax.shift_right_arithmetic(b, 31) & _i32(0x7FFFFFFF)
            keys[pl.ds(i * L, L)] = b ^ m
            return c

        lax.fori_loop(0, NV, keybody, _i32(0))

        kr = _i32(K)
        c_total = _i32(0)
        pfx = _i32(0)
        for level in range(4):
            shift = 24 - 8 * level

            def zbody(i, c):
                hist[pl.ds(i * L, L)] = jnp.zeros((L,), _i32)
                return c

            lax.fori_loop(0, 4096 // L, zbody, _i32(0))

            if level == 0:
                def hbody(i, c):
                    v = keys[pl.ds(i * L, L)]
                    dig = (lax.shift_right_arithmetic(v, 24) & _i32(0xFF)) ^ _i32(0x80)
                    plsc.addupdate_scatter(hist, [iota * 256 + dig], ones)
                    return c
            else:
                hi_bits = 8 * level
                hi_mask = _i32((1 << hi_bits) - 1)
                pfx_now = pfx

                def hbody(i, c, _s=shift, _hm=hi_mask, _pf=pfx_now):
                    v = keys[pl.ds(i * L, L)]
                    hi = lax.shift_right_arithmetic(v, _s + 8) & _hm
                    dig = lax.shift_right_arithmetic(v, _s) & _i32(0xFF)
                    plsc.addupdate_scatter(hist, [iota * 256 + dig], ones,
                                           mask=hi == _pf)
                    return c

            lax.fori_loop(0, NV, hbody, _i32(0))

            def sbody(j, carry):
                nb, cb, run = carry
                tot = hist[pl.ds(j * L, L)]
                for lane in range(1, L):
                    tot = tot + hist[pl.ds(lane * 256 + j * L, L)]
                cum = plsc.cumsum(tot) + run
                lt = cum < kr
                nb = nb + jnp.sum(lt.astype(_i32))
                cb = cb + jnp.sum(jnp.where(lt, tot, _i32(0)))
                return nb, cb, jnp.max(cum)

            nb, cb, _run = lax.fori_loop(0, 16, sbody,
                                         (_i32(0), _i32(0), _i32(0)))
            c_total = c_total + cb
            kr = kr - cb
            raw = nb ^ _i32(0x80) if level == 0 else nb
            pfx = lax.shift_left(pfx, 8) | raw
        thr = pfx

        budget = _i32(K) - c_total

        def cbody(i, carry):
            base, base_eq = carry
            v = keys[pl.ds(i * L, L)]
            gidx = i * L + iota
            m_lt = v < thr
            m_eq = v == thr
            eqc = base_eq + plsc.cumsum(m_eq.astype(_i32))
            m_take = m_lt | (m_eq & (eqc <= budget))
            ti = m_take.astype(_i32)
            pos = base + plsc.cumsum(ti) - 1
            plsc.store_scatter(ckey, [pos], v, mask=m_take)
            plsc.store_scatter(cidx, [pos], gidx, mask=m_take)
            return base + jnp.sum(ti), base_eq + jnp.sum(m_eq.astype(_i32))

        lax.fori_loop(0, NV, cbody, (_i32(0), _i32(0)))

        kl = [ckey[pl.ds(j * L, L)] for j in range(KV)]
        vl = [cidx[pl.ds(j * L, L)] for j in range(KV)]
        kl, vl = _sort_kv(kl, vl)

        for j in range(KV):
            skey[pl.ds((j + 1) * L, L)] = kl[j]
        skey[pl.ds(0, L)] = kl[0]
        comp = []
        carry = _i32(0)
        for j in range(KV):
            cur = skey[pl.ds((j + 1) * L, L)]
            prv = plsc.load_gather(skey, [iota + (j * L + L - 1)])
            neq = cur != prv
            g = jnp.where(neq, j * L + iota, _i32(0))
            f = jnp.maximum(plsc.cummax(g), carry)
            carry = jnp.max(f)
            comp.append(f * N + vl[j])

        _, ol = _sort_kv(comp, vl)
        for j in range(KV):
            obuf[pl.ds(j * L, L)] = ol[j]
        pltpu.sync_copy(obuf, out_hbm.at[row])
        return _carry

    lax.fori_loop(0, ROWS_PER_W, row_body, _i32(0))


@functools.partial(jax.jit, static_argnames=())
def _run(x):
    mesh = plsc.VectorSubcoreMesh(core_axis_name="c", subcore_axis_name="s")
    fn = pl.kernel(
        _body,
        out_type=jax.ShapeDtypeStruct((R, K), _i32),
        mesh=mesh,
        compiler_params=pltpu.CompilerParams(needs_layout_passes=False),
        scratch_types=[
            pltpu.VMEM((N,), jnp.float32),
            pltpu.VMEM((N,), _i32),
            pltpu.VMEM((4096,), _i32),
            pltpu.VMEM((K,), _i32),
            pltpu.VMEM((K,), _i32),
            pltpu.VMEM((K + L,), _i32),
            pltpu.VMEM((K,), _i32),
        ],
    )
    return fn(x)


def kernel(x, k):
    del k
    return _run(x)

# --- scband reference (transcript-rebuilt; emitter-appended) ---
"""Pipeline reference for scband-sub-top-kindices-53188874993916 (READ-ONLY COPY).

The authoritative reference and input builder live on the scoring server;
editing this copy changes nothing except your own understanding.
"""

import jax, jax.numpy as jnp
import numpy as np

def setup_inputs(seed: int = 0) -> dict:
    key = jax.random.key(seed)
    x = jax.random.normal(key, (128, 8192), dtype=jnp.float32)
    return {"x": x, "k": 256}

def reference(x, k):
    # torch: xn = nan_to_num(x, nan=1e10); topk(xn, k, dim=1, largest=False, sorted=True).indices
    xn = jnp.nan_to_num(x, nan=1e10)
    # smallest-k sorted ascending == top_k of negated values (sorted descending)
    _, idx = jax.lax.top_k(-xn, 256)
    k_zero = (jnp.asarray(k) - jnp.asarray(k)).astype(idx.dtype)
    return idx + k_zero

if __name__ == "__main__":
    import jax
    _d = setup_inputs()
    print(jax.jit(kernel)(*tuple(_d.values())))

</pallas_src>

<mosaic_0001>
#map = affine_map<(d0, d1) -> (0, 0)>
module attributes {stable_mosaic.version = 14 : i64} {
  func.func @_body(%arg0: i32, %arg1: i32, %arg2: memref<128x8192xf32, #tpu.memory_space<hbm>>, %arg3: memref<128x256xi32, #tpu.memory_space<hbm>>, %arg4: memref<8192xf32, #tpu.memory_space<vmem>>, %arg5: memref<8192xi32, #tpu.memory_space<vmem>>, %arg6: memref<4096xi32, #tpu.memory_space<vmem>>, %arg7: memref<256xi32, #tpu.memory_space<vmem>>, %arg8: memref<256xi32, #tpu.memory_space<vmem>>, %arg9: memref<272xi32, #tpu.memory_space<vmem>>, %arg10: memref<256xi32, #tpu.memory_space<vmem>>) attributes {dimension_semantics = [#tpu.dimension_semantics<core_parallel>, #tpu.dimension_semantics<subcore_parallel>], iteration_bounds = array<i64: 2, 16>, scalar_prefetch = 0 : i64, scratch_operands = 7 : i64, tpu.core_type = #tpu.core_type<sc_vector_subcore>, window_params = [{transform_indices = #map}, {transform_indices = #map}]} {
    %mul3A = arith.constant 2 : i32
    %mul3A_0 = arith.muli %arg1, %mul3A : i32
    %add3A = arith.addi %mul3A_0, %arg0 : i32
    %iota3A = tpu.iota {dimensions = array<i32: 0>} : vector<16xi32>
    %broadcast_in_dim3A = arith.constant 1 : i32
    %broadcast_in_dim3A_1 = vector.broadcast %broadcast_in_dim3A : i32 to vector<16xi32>
    %scan3A = arith.constant 0 : i32
    %scan3A_2 = arith.constant 0 : i32
    %scan3A_3 = arith.constant 4 : i32
    %scan3A_4 = arith.addi %scan3A_2, %scan3A_3 : i32
    %scan3A_5 = arith.constant 1 : i32
    scf.for %scan3A_7 = %scan3A_2 to %scan3A_4 step %scan3A_5  : i32 {
      %mul3A_8 = arith.constant 4 : i32
      %mul3A_9 = arith.muli %add3A, %mul3A_8 : i32
      %add3A_10 = arith.addi %mul3A_9, %scan3A_7 : i32
      "tpu.region"() ({
        %run_scoped3A = tpu.sem_alloc : memref<!tpu.dma_semaphore, #tpu.memory_space<semaphore_mem>>
        %dma_start3A = arith.constant 0 : i32
        %dma_start3A_3519 = tpu.memref_slice %arg2[%add3A_10, %dma_start3A] : memref<128x8192xf32, #tpu.memory_space<hbm>> -> memref<1x8192xf32, #tpu.memory_space<hbm>>
        %dma_start3A_3520 = tpu.memref_squeeze %dma_start3A_3519 : memref<1x8192xf32, #tpu.memory_space<hbm>> -> memref<8192xf32, #tpu.memory_space<hbm>>
        %dma_start3A_3521 = arith.constant 0 : i32
        %dma_start3A_3522 = tpu.memref_slice %arg2[%add3A_10, %dma_start3A_3521] : memref<128x8192xf32, #tpu.memory_space<hbm>> -> memref<1x8192xf32, #tpu.memory_space<hbm>>
        %dma_start3A_3523 = tpu.memref_squeeze %dma_start3A_3522 : memref<1x8192xf32, #tpu.memory_space<hbm>> -> memref<8192xf32, #tpu.memory_space<hbm>>
        tpu.enqueue_dma source(%dma_start3A_3523 : memref<8192xf32, #tpu.memory_space<hbm>>) target(%arg4 : memref<8192xf32, #tpu.memory_space<vmem>>) target_semaphore(%run_scoped3A : memref<!tpu.dma_semaphore, #tpu.memory_space<semaphore_mem>>)
        %dma_wait3A = arith.constant 0 : i32
        %dma_wait3A_3524 = tpu.memref_slice %arg2[%add3A_10, %dma_wait3A] : memref<128x8192xf32, #tpu.memory_space<hbm>> -> memref<1x8192xf32, #tpu.memory_space<hbm>>
        %dma_wait3A_3525 = tpu.memref_squeeze %dma_wait3A_3524 : memref<1x8192xf32, #tpu.memory_space<hbm>> -> memref<8192xf32, #tpu.memory_space<hbm>>
        %dma_wait3A_3526 = arith.constant 0 : i32
        %dma_wait3A_3527 = tpu.memref_slice %arg2[%add3A_10, %dma_wait3A_3526] : memref<128x8192xf32, #tpu.memory_space<hbm>> -> memref<1x8192xf32, #tpu.memory_space<hbm>>
        %dma_wait3A_3528 = tpu.memref_squeeze %dma_wait3A_3527 : memref<1x8192xf32, #tpu.memory_space<hbm>> -> memref<8192xf32, #tpu.memory_space<hbm>>
        tpu.wait_dma2 semaphore(%run_scoped3A : memref<!tpu.dma_semaphore, #tpu.memory_space<semaphore_mem>>) src(%dma_wait3A_3528 : memref<8192xf32, #tpu.memory_space<hbm>>) dst(%arg4 : memref<8192xf32, #tpu.memory_space<vmem>>)
        tpu.yield
      }) : () -> ()
      %scan3A_11 = arith.constant 0 : i32
      %scan3A_12 = arith.constant 0 : i32
      %scan3A_13 = arith.constant 512 : i32
      %scan3A_14 = arith.addi %scan3A_12, %scan3A_13 : i32
      %scan3A_15 = arith.constant 1 : i32
      scf.for %scan3A_3519 = %scan3A_12 to %scan3A_14 step %scan3A_15  : i32 {
        %mul3A_3520 = arith.constant 16 : i32
        %mul3A_3521 = arith.muli %scan3A_3519, %mul3A_3520 : i32
        %get3A_3522 = arith.index_cast %mul3A_3521 : i32 to index
        %get3A_3523 = tpu.vector_load %arg4[%get3A_3522] {strides = array<i32>} : memref<8192xf32, #tpu.memory_space<vmem>>, vector<16xf32>,
        %ne3A_3524 = arith.cmpf one, %get3A_3523, %get3A_3523 : vector<16xf32>
        %jit3A_3525 = arith.constant 1.000000e+10 : f32
        %broadcast_in_dim3A_3526 = vector.broadcast %jit3A_3525 : f32 to vector<16xf32>
        %select_n3A_3527 = arith.select %ne3A_3524, %broadcast_in_dim3A_3526, %get3A_3523 : vector<16xi1>, vector<16xf32>
        %bitcast_convert_type3A = tpu.bitcast %select_n3A_3527 : vector<16xf32> -> vector<16xi32>
        %shift_right_arithmetic3A = arith.constant 31 : i32
        %shift_right_arithmetic3A_3528 = vector.broadcast %shift_right_arithmetic3A : i32 to vector<16xi32>
        %shift_right_arithmetic3A_3529 = arith.shrsi %bitcast_convert_type3A, %shift_right_arithmetic3A_3528 : vector<16xi32>
        %and3A = arith.constant 2147483647 : i32
        %and3A_3530 = vector.broadcast %and3A : i32 to vector<16xi32>
        %and3A_3531 = arith.andi %shift_right_arithmetic3A_3529, %and3A_3530 : vector<16xi32>
        %xor3A_3532 = arith.xori %bitcast_convert_type3A, %and3A_3531 : vector<16xi32>
        %mul3A_3533 = arith.constant 16 : i32
        %mul3A_3534 = arith.muli %scan3A_3519, %mul3A_3533 : i32
        %swap3A_3535 = arith.index_cast %mul3A_3534 : i32 to index
        %swap3A_3536 = tpu.vector_load %arg5[%swap3A_3535] {strides = array<i32>} : memref<8192xi32, #tpu.memory_space<vmem>>, vector<16xi32>,
        tpu.vector_store %arg5[%swap3A_3535], %xor3A_3532 {strides = array<i32>} : memref<8192xi32, #tpu.memory_space<vmem>>, vector<16xi32>,
      }
      %scan3A_16 = arith.constant 512 : i32
      %scan3A_17 = arith.constant 0 : i32
      %scan3A_18 = arith.constant 0 : i32
      %scan3A_19 = arith.constant 256 : i32
      %scan3A_20 = arith.addi %scan3A_18, %scan3A_19 : i32
      %scan3A_21 = arith.constant 1 : i32
      scf.for %scan3A_3519 = %scan3A_18 to %scan3A_20 step %scan3A_21  : i32 {
        %broadcast_in_dim3A_3520 = arith.constant 0 : i32
        %broadcast_in_dim3A_3521 = vector.broadcast %broadcast_in_dim3A_3520 : i32 to vector<16xi32>
        %mul3A_3522 = arith.constant 16 : i32
        %mul3A_3523 = arith.muli %scan3A_3519, %mul3A_3522 : i32
        %swap3A_3524 = arith.index_cast %mul3A_3523 : i32 to index
        %swap3A_3525 = tpu.vector_load %arg6[%swap3A_3524] {strides = array<i32>} : memref<4096xi32, #tpu.memory_space<vmem>>, vector<16xi32>,
        tpu.vector_store %arg6[%swap3A_3524], %broadcast_in_dim3A_3521 {strides = array<i32>} : memref<4096xi32, #tpu.memory_space<vmem>>, vector<16xi32>,
      }
      %scan3A_22 = arith.constant 256 : i32
      %scan3A_23 = arith.constant 0 : i32
      %scan3A_24 = arith.constant 0 : i32
      %scan3A_25 = arith.constant 512 : i32
      %scan3A_26 = arith.addi %scan3A_24, %scan3A_25 : i32
      %scan3A_27 = arith.constant 1 : i32
      scf.for %scan3A_3519 = %scan3A_24 to %scan3A_26 step %scan3A_27  : i32 {
        %mul3A_3520 = arith.constant 16 : i32
        %mul3A_3521 = arith.muli %scan3A_3519, %mul3A_3520 : i32
        %get3A_3522 = arith.index_cast %mul3A_3521 : i32 to index
        %get3A_3523 = tpu.vector_load %arg5[%get3A_3522] {strides = array<i32>} : memref<8192xi32, #tpu.memory_space<vmem>>, vector<16xi32>,
        %shift_right_arithmetic3A = arith.constant 24 : i32
        %shift_right_arithmetic3A_3524 = vector.broadcast %shift_right_arithmetic3A : i32 to vector<16xi32>
        %shift_right_arithmetic3A_3525 = arith.shrsi %get3A_3523, %shift_right_arithmetic3A_3524 : vector<16xi32>
        %and3A = arith.constant 255 : i32
        %and3A_3526 = vector.broadcast %and3A : i32 to vector<16xi32>
        %and3A_3527 = arith.andi %shift_right_arithmetic3A_3525, %and3A_3526 : vector<16xi32>
        %xor3A_3528 = arith.constant 128 : i32
        %xor3A_3529 = vector.broadcast %xor3A_3528 : i32 to vector<16xi32>
        %xor3A_3530 = arith.xori %and3A_3527, %xor3A_3529 : vector<16xi32>
        %mul3A_3531 = arith.constant 256 : i32
        %mul3A_3532 = vector.broadcast %mul3A_3531 : i32 to vector<16xi32>
        %mul3A_3533 = arith.muli %iota3A, %mul3A_3532 : vector<16xi32>
        %add3A_3534 = arith.addi %mul3A_3533, %xor3A_3530 : vector<16xi32>
        tpu.vector_store_idx %arg6[%add3A_3534], %broadcast_in_dim3A_1 {add = true} : memref<4096xi32, #tpu.memory_space<vmem>>[vector<16xi32>], vector<16xi32>,
      }
      %scan3A_28 = arith.constant 512 : i32
      %scan3A_29 = arith.constant 256 : i32
      %scan3A_30 = arith.constant 0 : i32
      %scan3A_31 = arith.constant 0 : i32
      %scan3A_32 = arith.constant 0 : i32
      %scan3A_33 = arith.constant 0 : i32
      %scan3A_34 = arith.constant 16 : i32
      %scan3A_35 = arith.addi %scan3A_33, %scan3A_34 : i32
      %scan3A_36 = arith.constant 1 : i32
      %scan3A_37:3 = scf.for %scan3A_3519 = %scan3A_33 to %scan3A_35 step %scan3A_36 iter_args(%scan3A_3520 = %scan3A_30, %scan3A_3521 = %scan3A_31, %scan3A_3522 = %scan3A_32) -> (i32, i32, i32)  : i32 {
        %mul3A_3523 = arith.constant 16 : i32
        %mul3A_3524 = arith.muli %scan3A_3519, %mul3A_3523 : i32
        %get3A_3525 = arith.index_cast %mul3A_3524 : i32 to index
        %get3A_3526 = tpu.vector_load %arg6[%get3A_3525] {strides = array<i32>} : memref<4096xi32, #tpu.memory_space<vmem>>, vector<16xi32>,
        %mul3A_3527 = arith.constant 16 : i32
        %mul3A_3528 = arith.muli %scan3A_3519, %mul3A_3527 : i32
        %add3A_3529 = arith.constant 256 : i32
        %add3A_3530 = arith.addi %add3A_3529, %mul3A_3528 : i32
        %get3A_3531 = arith.index_cast %add3A_3530 : i32 to index
        %get3A_3532 = tpu.vector_load %arg6[%get3A_3531] {strides = array<i32>} : memref<4096xi32, #tpu.memory_space<vmem>>, vector<16xi32>,
        %add3A_3533 = arith.addi %get3A_3526, %get3A_3532 : vector<16xi32>
        %mul3A_3534 = arith.constant 16 : i32
        %mul3A_3535 = arith.muli %scan3A_3519, %mul3A_3534 : i32
        %add3A_3536 = arith.constant 512 : i32
        %add3A_3537 = arith.addi %add3A_3536, %mul3A_3535 : i32
        %get3A_3538 = arith.index_cast %add3A_3537 : i32 to index
        %get3A_3539 = tpu.vector_load %arg6[%get3A_3538] {strides = array<i32>} : memref<4096xi32, #tpu.memory_space<vmem>>, vector<16xi32>,
        %add3A_3540 = arith.addi %add3A_3533, %get3A_3539 : vector<16xi32>
        %mul3A_3541 = arith.constant 16 : i32
        %mul3A_3542 = arith.muli %scan3A_3519, %mul3A_3541 : i32
        %add3A_3543 = arith.constant 768 : i32
        %add3A_3544 = arith.addi %add3A_3543, %mul3A_3542 : i32
        %get3A_3545 = arith.index_cast %add3A_3544 : i32 to index
        %get3A_3546 = tpu.vector_load %arg6[%get3A_3545] {strides = array<i32>} : memref<4096xi32, #tpu.memory_space<vmem>>, vector<16xi32>,
        %add3A_3547 = arith.addi %add3A_3540, %get3A_3546 : vector<16xi32>
        %mul3A_3548 = arith.constant 16 : i32
        %mul3A_3549 = arith.muli %scan3A_3519, %mul3A_3548 : i32
        %add3A_3550 = arith.constant 1024 : i32
        %add3A_3551 = arith.addi %add3A_3550, %mul3A_3549 : i32
        %get3A_3552 = arith.index_cast %add3A_3551 : i32 to index
        %get3A_3553 = tpu.vector_load %arg6[%get3A_3552] {strides = array<i32>} : memref<4096xi32, #tpu.memory_space<vmem>>, vector<16xi32>,
        %add3A_3554 = arith.addi %add3A_3547, %get3A_3553 : vector<16xi32>
        %mul3A_3555 = arith.constant 16 : i32
        %mul3A_3556 = arith.muli %scan3A_3519, %mul3A_3555 : i32
        %add3A_3557 = arith.constant 1280 : i32
        %add3A_3558 = arith.addi %add3A_3557, %mul3A_3556 : i32
        %get3A_3559 = arith.index_cast %add3A_3558 : i32 to index
        %get3A_3560 = tpu.vector_load %arg6[%get3A_3559] {strides = array<i32>} : memref<4096xi32, #tpu.memory_space<vmem>>, vector<16xi32>,
        %add3A_3561 = arith.addi %add3A_3554, %get3A_3560 : vector<16xi32>
        %mul3A_3562 = arith.constant 16 : i32
        %mul3A_3563 = arith.muli %scan3A_3519, %mul3A_3562 : i32
        %add3A_3564 = arith.constant 1536 : i32
        %add3A_3565 = arith.addi %add3A_3564, %mul3A_3563 : i32
        %get3A_3566 = arith.index_cast %add3A_3565 : i32 to index
        %get3A_3567 = tpu.vector_load %arg6[%get3A_3566] {strides = array<i32>} : memref<4096xi32, #tpu.memory_space<vmem>>, vector<16xi32>,
        %add3A_3568 = arith.addi %add3A_3561, %get3A_3567 : vector<16xi32>
        %mul3A_3569 = arith.constant 16 : i32
        %mul3A_3570 = arith.muli %scan3A_3519, %mul3A_3569 : i32
        %add3A_3571 = arith.constant 1792 : i32
        %add3A_3572 = arith.addi %add3A_3571, %mul3A_3570 : i32
        %get3A_3573 = arith.index_cast %add3A_3572 : i32 to index
        %get3A_3574 = tpu.vector_load %arg6[%get3A_3573] {strides = array<i32>} : memref<4096xi32, #tpu.memory_space<vmem>>, vector<16xi32>,
        %add3A_3575 = arith.addi %add3A_3568, %get3A_3574 : vector<16xi32>
        %mul3A_3576 = arith.constant 16 : i32
        %mul3A_3577 = arith.muli %scan3A_3519, %mul3A_3576 : i32
        %add3A_3578 = arith.constant 2048 : i32
        %add3A_3579 = arith.addi %add3A_3578, %mul3A_3577 : i32
        %get3A_3580 = arith.index_cast %add3A_3579 : i32 to index
        %get3A_3581 = tpu.vector_load %arg6[%get3A_3580] {strides = array<i32>} : memref<4096xi32, #tpu.memory_space<vmem>>, vector<16xi32>,
        %add3A_3582 = arith.addi %add3A_3575, %get3A_3581 : vector<16xi32>
        %mul3A_3583 = arith.constant 16 : i32
        %mul3A_3584 = arith.muli %scan3A_3519, %mul3A_3583 : i32
        %add3A_3585 = arith.constant 2304 : i32
        %add3A_3586 = arith.addi %add3A_3585, %mul3A_3584 : i32
        %get3A_3587 = arith.index_cast %add3A_3586 : i32 to index
        %get3A_3588 = tpu.vector_load %arg6[%get3A_3587] {strides = array<i32>} : memref<4096xi32, #tpu.memory_space<vmem>>, vector<16xi32>,
        %add3A_3589 = arith.addi %add3A_3582, %get3A_3588 : vector<16xi32>
        %mul3A_3590 = arith.constant 16 : i32
        %mul3A_3591 = arith.muli %scan3A_3519, %mul3A_3590 : i32
        %add3A_3592 = arith.constant 2560 : i32
        %add3A_3593 = arith.addi %add3A_3592, %mul3A_3591 : i32
        %get3A_3594 = arith.index_cast %add3A_3593 : i32 to index
        %get3A_3595 = tpu.vector_load %arg6[%get3A_3594] {strides = array<i32>} : memref<4096xi32, #tpu.memory_space<vmem>>, vector<16xi32>,
        %add3A_3596 = arith.addi %add3A_3589, %get3A_3595 : vector<16xi32>
        %mul3A_3597 = arith.constant 16 : i32
        %mul3A_3598 = arith.muli %scan3A_3519, %mul3A_3597 : i32
        %add3A_3599 = arith.constant 2816 : i32
        %add3A_3600 = arith.addi %add3A_3599, %mul3A_3598 : i32
        %get3A_3601 = arith.index_cast %add3A_3600 : i32 to index
        %get3A_3602 = tpu.vector_load %arg6[%get3A_3601] {strides = array<i32>} : memref<4096xi32, #tpu.memory_space<vmem>>, vector<16xi32>,
        %add3A_3603 = arith.addi %add3A_3596, %get3A_3602 : vector<16xi32>
        %mul3A_3604 = arith.constant 16 : i32
        %mul3A_3605 = arith.muli %scan3A_3519, %mul3A_3604 : i32
        %add3A_3606 = arith.constant 3072 : i32
        %add3A_3607 = arith.addi %add3A_3606, %mul3A_3605 : i32
        %get3A_3608 = arith.index_cast %add3A_3607 : i32 to index
        %get3A_3609 = tpu.vector_load %arg6[%get3A_3608] {strides = array<i32>} : memref<4096xi32, #tpu.memory_space<vmem>>, vector<16xi32>,
        %add3A_3610 = arith.addi %add3A_3603, %get3A_3609 : vector<16xi32>
        %mul3A_3611 = arith.constant 16 : i32
        %mul3A_3612 = arith.muli %scan3A_3519, %mul3A_3611 : i32
        %add3A_3613 = arith.constant 3328 : i32
        %add3A_3614 = arith.addi %add3A_3613, %mul3A_3612 : i32
        %get3A_3615 = arith.index_cast %add3A_3614 : i32 to index
        %get3A_3616 = tpu.vector_load %arg6[%get3A_3615] {strides = array<i32>} : memref<4096xi32, #tpu.memory_space<vmem>>, vector<16xi32>,
        %add3A_3617 = arith.addi %add3A_3610, %get3A_3616 : vector<16xi32>
        %mul3A_3618 = arith.constant 16 : i32
        %mul3A_3619 = arith.muli %scan3A_3519, %mul3A_3618 : i32
        %add3A_3620 = arith.constant 3584 : i32
        %add3A_3621 = arith.addi %add3A_3620, %mul3A_3619 : i32
        %get3A_3622 = arith.index_cast %add3A_3621 : i32 to index
        %get3A_3623 = tpu.vector_load %arg6[%get3A_3622] {strides = array<i32>} : memref<4096xi32, #tpu.memory_space<vmem>>, vector<16xi32>,
        %add3A_3624 = arith.addi %add3A_3617, %get3A_3623 : vector<16xi32>
        %mul3A_3625 = arith.constant 16 : i32
        %mul3A_3626 = arith.muli %scan3A_3519, %mul3A_3625 : i32
        %add3A_3627 = arith.constant 3840 : i32
        %add3A_3628 = arith.addi %add3A_3627, %mul3A_3626 : i32
        %get3A_3629 = arith.index_cast %add3A_3628 : i32 to index
        %get3A_3630 = tpu.vector_load %arg6[%get3A_3629] {strides = array<i32>} : memref<4096xi32, #tpu.memory_space<vmem>>, vector<16xi32>,
        %add3A_3631 = arith.addi %add3A_3624, %get3A_3630 : vector<16xi32>
        %broadcast_in_dim3A_3632 = arith.constant true
        %broadcast_in_dim3A_3633 = vector.broadcast %broadcast_in_dim3A_3632 : i1 to vector<16xi1>
        %masked_cumsum3A = tpu.scan <sum>, %add3A_3631 masked %broadcast_in_dim3A_3633 : vector<16xi32>, vector<16xi1> -> vector<16xi32>
        %add3A_3634 = vector.broadcast %scan3A_3522 : i32 to vector<16xi32>
        %add3A_3635 = arith.addi %masked_cumsum3A, %add3A_3634 : vector<16xi32>
        %lt3A = vector.broadcast %scan3A_29 : i32 to vector<16xi32>
        %lt3A_3636 = arith.cmpi slt, %add3A_3635, %lt3A : vector<16xi32>
        %convert_element_type3A = arith.extui %lt3A_3636 : vector<16xi1> to vector<16xi32>
        %reduce_sum3A = arith.constant true
        %reduce_sum3A_3637 = vector.broadcast %reduce_sum3A : i1 to vector<16xi1>
        %reduce_sum3A_3638 = tpu.scan <sum>, %convert_element_type3A masked %reduce_sum3A_3637 : vector<16xi32>, vector<16xi1> -> vector<16xi32>
        %reduce_sum3A_3639 = vector.extract %reduce_sum3A_3638[15] : i32 from vector<16xi32>
        %add3A_3640 = arith.addi %scan3A_3520, %reduce_sum3A_3639 : i32
        %jit3A_3641 = arith.constant 0 : i32
        %broadcast_in_dim3A_3642 = vector.broadcast %jit3A_3641 : i32 to vector<16xi32>
        %select_n3A_3643 = arith.select %lt3A_3636, %add3A_3631, %broadcast_in_dim3A_3642 : vector<16xi1>, vector<16xi32>
        %reduce_sum3A_3644 = arith.constant true
        %reduce_sum3A_3645 = vector.broadcast %reduce_sum3A_3644 : i1 to vector<16xi1>
        %reduce_sum3A_3646 = tpu.scan <sum>, %select_n3A_3643 masked %reduce_sum3A_3645 : vector<16xi32>, vector<16xi1> -> vector<16xi32>
        %reduce_sum3A_3647 = vector.extract %reduce_sum3A_3646[15] : i32 from vector<16xi32>
        %add3A_3648 = arith.addi %scan3A_3521, %reduce_sum3A_3647 : i32
        %reduce_max3A_3649 = arith.constant true
        %reduce_max3A_3650 = vector.broadcast %reduce_max3A_3649 : i1 to vector<16xi1>
        %reduce_max3A_3651 = arith.constant -2147483648 : i32
        %reduce_max3A_3652 = vector.broadcast %reduce_max3A_3651 : i32 to vector<16xi32>
        %reduce_max3A_3653 = arith.xori %add3A_3635, %reduce_max3A_3652 : vector<16xi32>
        %reduce_max3A_3654 = tpu.scan <max>, %reduce_max3A_3653 masked %reduce_max3A_3650 : vector<16xi32>, vector<16xi1> -> vector<16xi32>
        %reduce_max3A_3655 = arith.xori %reduce_max3A_3654, %reduce_max3A_3652 : vector<16xi32>
        %reduce_max3A_3656 = vector.extract %reduce_max3A_3655[15] : i32 from vector<16xi32>
        scf.yield %add3A_3640, %add3A_3648, %reduce_max3A_3656 : i32, i32, i32
      }
      %scan3A_38 = arith.constant 16 : i32
      %add3A_39 = arith.constant 0 : i32
      %add3A_40 = arith.addi %add3A_39, %scan3A_37#1 : i32
      %sub3A = arith.constant 256 : i32
      %sub3A_41 = arith.subi %sub3A, %scan3A_37#1 : i32
      %xor3A = arith.constant 128 : i32
      %xor3A_42 = arith.xori %scan3A_37#0, %xor3A : i32
      %shift_left3A = arith.constant 0 : i32
      %shift_left3A_43 = arith.constant 8 : i32
      %shift_left3A_44 = arith.shli %shift_left3A, %shift_left3A_43 : i32
      %or3A = arith.ori %shift_left3A_44, %xor3A_42 : i32
      %scan3A_45 = arith.constant 0 : i32
      %scan3A_46 = arith.constant 0 : i32
      %scan3A_47 = arith.constant 256 : i32
      %scan3A_48 = arith.addi %scan3A_46, %scan3A_47 : i32
      %scan3A_49 = arith.constant 1 : i32
      scf.for %scan3A_3519 = %scan3A_46 to %scan3A_48 step %scan3A_49  : i32 {
        %broadcast_in_dim3A_3520 = arith.constant 0 : i32
        %broadcast_in_dim3A_3521 = vector.broadcast %broadcast_in_dim3A_3520 : i32 to vector<16xi32>
        %mul3A_3522 = arith.constant 16 : i32
        %mul3A_3523 = arith.muli %scan3A_3519, %mul3A_3522 : i32
        %swap3A_3524 = arith.index_cast %mul3A_3523 : i32 to index
        %swap3A_3525 = tpu.vector_load %arg6[%swap3A_3524] {strides = array<i32>} : memref<4096xi32, #tpu.memory_space<vmem>>, vector<16xi32>,
        tpu.vector_store %arg6[%swap3A_3524], %broadcast_in_dim3A_3521 {strides = array<i32>} : memref<4096xi32, #tpu.memory_space<vmem>>, vector<16xi32>,
      }
      %scan3A_50 = arith.constant 256 : i32
      %scan3A_51 = arith.constant 0 : i32
      %scan3A_52 = arith.constant 255 : i32
      %scan3A_53 = arith.constant 0 : i32
      %scan3A_54 = arith.constant 512 : i32
      %scan3A_55 = arith.addi %scan3A_53, %scan3A_54 : i32
      %scan3A_56 = arith.constant 1 : i32
      scf.for %scan3A_3519 = %scan3A_53 to %scan3A_55 step %scan3A_56  : i32 {
        %mul3A_3520 = arith.constant 16 : i32
        %mul3A_3521 = arith.muli %scan3A_3519, %mul3A_3520 : i32
        %get3A_3522 = arith.index_cast %mul3A_3521 : i32 to index
        %get3A_3523 = tpu.vector_load %arg5[%get3A_3522] {strides = array<i32>} : memref<8192xi32, #tpu.memory_space<vmem>>, vector<16xi32>,
        %shift_right_arithmetic3A = arith.constant 24 : i32
        %shift_right_arithmetic3A_3524 = vector.broadcast %shift_right_arithmetic3A : i32 to vector<16xi32>
        %shift_right_arithmetic3A_3525 = arith.shrsi %get3A_3523, %shift_right_arithmetic3A_3524 : vector<16xi32>
        %and3A = vector.broadcast %scan3A_52 : i32 to vector<16xi32>
        %and3A_3526 = arith.andi %shift_right_arithmetic3A_3525, %and3A : vector<16xi32>
        %shift_right_arithmetic3A_3527 = arith.constant 16 : i32
        %shift_right_arithmetic3A_3528 = vector.broadcast %shift_right_arithmetic3A_3527 : i32 to vector<16xi32>
        %shift_right_arithmetic3A_3529 = arith.shrsi %get3A_3523, %shift_right_arithmetic3A_3528 : vector<16xi32>
        %and3A_3530 = arith.constant 255 : i32
        %and3A_3531 = vector.broadcast %and3A_3530 : i32 to vector<16xi32>
        %and3A_3532 = arith.andi %shift_right_arithmetic3A_3529, %and3A_3531 : vector<16xi32>
        %mul3A_3533 = arith.constant 256 : i32
        %mul3A_3534 = vector.broadcast %mul3A_3533 : i32 to vector<16xi32>
        %mul3A_3535 = arith.muli %iota3A, %mul3A_3534 : vector<16xi32>
        %add3A_3536 = arith.addi %mul3A_3535, %and3A_3532 : vector<16xi32>
        %eq3A = vector.broadcast %or3A : i32 to vector<16xi32>
        %eq3A_3537 = arith.cmpi eq, %and3A_3526, %eq3A : vector<16xi32>
        tpu.vector_store_idx %arg6[%add3A_3536], %broadcast_in_dim3A_1 masked %eq3A_3537 {add = true} : memref<4096xi32, #tpu.memory_space<vmem>>[vector<16xi32>], vector<16xi32>, vector<16xi1>
      }
      %scan3A_57 = arith.constant 512 : i32
      %scan3A_58 = arith.constant 0 : i32
      %scan3A_59 = arith.constant 0 : i32
      %scan3A_60 = arith.constant 0 : i32
      %scan3A_61 = arith.constant 0 : i32
      %scan3A_62 = arith.constant 16 : i32
      %scan3A_63 = arith.addi %scan3A_61, %scan3A_62 : i32
      %scan3A_64 = arith.constant 1 : i32
      %scan3A_65:3 = scf.for %scan3A_3519 = %scan3A_61 to %scan3A_63 step %scan3A_64 iter_args(%scan3A_3520 = %scan3A_58, %scan3A_3521 = %scan3A_59, %scan3A_3522 = %scan3A_60) -> (i32, i32, i32)  : i32 {
        %mul3A_3523 = arith.constant 16 : i32
        %mul3A_3524 = arith.muli %scan3A_3519, %mul3A_3523 : i32
        %get3A_3525 = arith.index_cast %mul3A_3524 : i32 to index
        %get3A_3526 = tpu.vector_load %arg6[%get3A_3525] {strides = array<i32>} : memref<4096xi32, #tpu.memory_space<vmem>>, vector<16xi32>,
        %mul3A_3527 = arith.constant 16 : i32
        %mul3A_3528 = arith.muli %scan3A_3519, %mul3A_3527 : i32
        %add3A_3529 = arith.constant 256 : i32
        %add3A_3530 = arith.addi %add3A_3529, %mul3A_3528 : i32
        %get3A_3531 = arith.index_cast %add3A_3530 : i32 to index
        %get3A_3532 = tpu.vector_load %arg6[%get3A_3531] {strides = array<i32>} : memref<4096xi32, #tpu.memory_space<vmem>>, vector<16xi32>,
        %add3A_3533 = arith.addi %get3A_3526, %get3A_3532 : vector<16xi32>
        %mul3A_3534 = arith.constant 16 : i32
        %mul3A_3535 = arith.muli %scan3A_3519, %mul3A_3534 : i32
        %add3A_3536 = arith.constant 512 : i32
        %add3A_3537 = arith.addi %add3A_3536, %mul3A_3535 : i32
        %get3A_3538 = arith.index_cast %add3A_3537 : i32 to index
        %get3A_3539 = tpu.vector_load %arg6[%get3A_3538] {strides = array<i32>} : memref<4096xi32, #tpu.memory_space<vmem>>, vector<16xi32>,
        %add3A_3540 = arith.addi %add3A_3533, %get3A_3539 : vector<16xi32>
        %mul3A_3541 = arith.constant 16 : i32
        %mul3A_3542 = arith.muli %scan3A_3519, %mul3A_3541 : i32
        %add3A_3543 = arith.constant 768 : i32
        %add3A_3544 = arith.addi %add3A_3543, %mul3A_3542 : i32
        %get3A_3545 = arith.index_cast %add3A_3544 : i32 to index
        %get3A_3546 = tpu.vector_load %arg6[%get3A_3545] {strides = array<i32>} : memref<4096xi32, #tpu.memory_space<vmem>>, vector<16xi32>,
        %add3A_3547 = arith.addi %add3A_3540, %get3A_3546 : vector<16xi32>
        %mul3A_3548 = arith.constant 16 : i32
        %mul3A_3549 = arith.muli %scan3A_3519, %mul3A_3548 : i32
        %add3A_3550 = arith.constant 1024 : i32
        %add3A_3551 = arith.addi %add3A_3550, %mul3A_3549 : i32
        %get3A_3552 = arith.index_cast %add3A_3551 : i32 to index
        %get3A_3553 = tpu.vector_load %arg6[%get3A_3552] {strides = array<i32>} : memref<4096xi32, #tpu.memory_space<vmem>>, vector<16xi32>,
        %add3A_3554 = arith.addi %add3A_3547, %get3A_3553 : vector<16xi32>
        %mul3A_3555 = arith.constant 16 : i32
        %mul3A_3556 = arith.muli %scan3A_3519, %mul3A_3555 : i32
        %add3A_3557 = arith.constant 1280 : i32
        %add3A_3558 = arith.addi %add3A_3557, %mul3A_3556 : i32
        %get3A_3559 = arith.index_cast %add3A_3558 : i32 to index
        %get3A_3560 = tpu.vector_load %arg6[%get3A_3559] {strides = array<i32>} : memref<4096xi32, #tpu.memory_space<vmem>>, vector<16xi32>,
        %add3A_3561 = arith.addi %add3A_3554, %get3A_3560 : vector<16xi32>
        %mul3A_3562 = arith.constant 16 : i32
        %mul3A_3563 = arith.muli %scan3A_3519, %mul3A_3562 : i32
        %add3A_3564 = arith.constant 1536 : i32
        %add3A_3565 = arith.addi %add3A_3564, %mul3A_3563 : i32
        %get3A_3566 = arith.index_cast %add3A_3565 : i32 to index
        %get3A_3567 = tpu.vector_load %arg6[%get3A_3566] {strides = array<i32>} : memref<4096xi32, #tpu.memory_space<vmem>>, vector<16xi32>,
        %add3A_3568 = arith.addi %add3A_3561, %get3A_3567 : vector<16xi32>
        %mul3A_3569 = arith.constant 16 : i32
        %mul3A_3570 = arith.muli %scan3A_3519, %mul3A_3569 : i32
        %add3A_3571 = arith.constant 1792 : i32
        %add3A_3572 = arith.addi %add3A_3571, %mul3A_3570 : i32
        %get3A_3573 = arith.index_cast %add3A_3572 : i32 to index
        %get3A_3574 = tpu.vector_load %arg6[%get3A_3573] {strides = array<i32>} : memref<4096xi32, #tpu.memory_space<vmem>>, vector<16xi32>,
        %add3A_3575 = arith.addi %add3A_3568, %get3A_3574 : vector<16xi32>
        %mul3A_3576 = arith.constant 16 : i32
        %mul3A_3577 = arith.muli %scan3A_3519, %mul3A_3576 : i32
        %add3A_3578 = arith.constant 2048 : i32
        %add3A_3579 = arith.addi %add3A_3578, %mul3A_3577 : i32
        %get3A_3580 = arith.index_cast %add3A_3579 : i32 to index
        %get3A_3581 = tpu.vector_load %arg6[%get3A_3580] {strides = array<i32>} : memref<4096xi32, #tpu.memory_space<vmem>>, vector<16xi32>,
        %add3A_3582 = arith.addi %add3A_3575, %get3A_3581 : vector<16xi32>
        %mul3A_3583 = arith.constant 16 : i32
        %mul3A_3584 = arith.muli %scan3A_3519, %mul3A_3583 : i32
        %add3A_3585 = arith.constant 2304 : i32
        %add3A_3586 = arith.addi %add3A_3585, %mul3A_3584 : i32
        %get3A_3587 = arith.index_cast %add3A_3586 : i32 to index
        %get3A_3588 = tpu.vector_load %arg6[%get3A_3587] {strides = array<i32>} : memref<4096xi32, #tpu.memory_space<vmem>>, vector<16xi32>,
        %add3A_3589 = arith.addi %add3A_3582, %get3A_3588 : vector<16xi32>
        %mul3A_3590 = arith.constant 16 : i32
        %mul3A_3591 = arith.muli %scan3A_3519, %mul3A_3590 : i32
        %add3A_3592 = arith.constant 2560 : i32
        %add3A_3593 = arith.addi %add3A_3592, %mul3A_3591 : i32
        %get3A_3594 = arith.index_cast %add3A_3593 : i32 to index
        %get3A_3595 = tpu.vector_load %arg6[%get3A_3594] {strides = array<i32>} : memref<4096xi32, #tpu.memory_space<vmem>>, vector<16xi32>,
        %add3A_3596 = arith.addi %add3A_3589, %get3A_3595 : vector<16xi32>
        %mul3A_3597 = arith.constant 16 : i32
        %mul3A_3598 = arith.muli %scan3A_3519, %mul3A_3597 : i32
        %add3A_3599 = arith.constant 2816 : i32
        %add3A_3600 = arith.addi %add3A_3599, %mul3A_3598 : i32
        %get3A_3601 = arith.index_cast %add3A_3600 : i32 to index
        %get3A_3602 = tpu.vector_load %arg6[%get3A_3601] {strides = array<i32>} : memref<4096xi32, #tpu.memory_space<vmem>>, vector<16xi32>,
        %add3A_3603 = arith.addi %add3A_3596, %get3A_3602 : vector<16xi32>
        %mul3A_3604 = arith.constant 16 : i32
        %mul3A_3605 = arith.muli %scan3A_3519, %mul3A_3604 : i32
        %add3A_3606 = arith.constant 3072 : i32
        %add3A_3607 = arith.addi %add3A_3606, %mul3A_3605 : i32
        %get3A_3608 = arith.index_cast %add3A_3607 : i32 to index
        %get3A_3609 = tpu.vector_load %arg6[%get3A_3608] {strides = array<i32>} : memref<4096xi32, #tpu.memory_space<vmem>>, vector<16xi32>,
        %add3A_3610 = arith.addi %add3A_3603, %get3A_3609 : vector<16xi32>
        %mul3A_3611 = arith.constant 16 : i32
        %mul3A_3612 = arith.muli %scan3A_3519, %mul3A_3611 : i32
        %add3A_3613 = arith.constant 3328 : i32
        %add3A_3614 = arith.addi %add3A_3613, %mul3A_3612 : i32
        %get3A_3615 = arith.index_cast %add3A_3614 : i32 to index
        %get3A_3616 = tpu.vector_load %arg6[%get3A_3615] {strides = array<i32>} : memref<4096xi32, #tpu.memory_space<vmem>>, vector<16xi32>,
        %add3A_3617 = arith.addi %add3A_3610, %get3A_3616 : vector<16xi32>
        %mul3A_3618 = arith.constant 16 : i32
        %mul3A_3619 = arith.muli %scan3A_3519, %mul3A_3618 : i32
        %add3A_3620 = arith.constant 3584 : i32
        %add3A_3621 = arith.addi %add3A_3620, %mul3A_3619 : i32
        %get3A_3622 = arith.index_cast %add3A_3621 : i32 to index
        %get3A_3623 = tpu.vector_load %arg6[%get3A_3622] {strides = array<i32>} : memref<4096xi32, #tpu.memory_space<vmem>>, vector<16xi32>,
        %add3A_3624 = arith.addi %add3A_3617, %get3A_3623 : vector<16xi32>
        %mul3A_3625 = arith.constant 16 : i32
        %mul3A_3626 = arith.muli %scan3A_3519, %mul3A_3625 : i32
        %add3A_3627 = arith.constant 3840 : i32
        %add3A_3628 = arith.addi %add3A_3627, %mul3A_3626 : i32
        %get3A_3629 = arith.index_cast %add3A_3628 : i32 to index
        %get3A_3630 = tpu.vector_load %arg6[%get3A_3629] {strides = array<i32>} : memref<4096xi32, #tpu.memory_space<vmem>>, vector<16xi32>,
        %add3A_3631 = arith.addi %add3A_3624, %get3A_3630 : vector<16xi32>
        %broadcast_in_dim3A_3632 = arith.constant true
        %broadcast_in_dim3A_3633 = vector.broadcast %broadcast_in_dim3A_3632 : i1 to vector<16xi1>
        %masked_cumsum3A = tpu.scan <sum>, %add3A_3631 masked %broadcast_in_dim3A_3633 : vector<16xi32>, vector<16xi1> -> vector<16xi32>
        %add3A_3634 = vector.broadcast %scan3A_3522 : i32 to vector<16xi32>
        %add3A_3635 = arith.addi %masked_cumsum3A, %add3A_3634 : vector<16xi32>
        %lt3A = vector.broadcast %sub3A_41 : i32 to vector<16xi32>
        %lt3A_3636 = arith.cmpi slt, %add3A_3635, %lt3A : vector<16xi32>
        %convert_element_type3A = arith.extui %lt3A_3636 : vector<16xi1> to vector<16xi32>
        %reduce_sum3A = arith.constant true
        %reduce_sum3A_3637 = vector.broadcast %reduce_sum3A : i1 to vector<16xi1>
        %reduce_sum3A_3638 = tpu.scan <sum>, %convert_element_type3A masked %reduce_sum3A_3637 : vector<16xi32>, vector<16xi1> -> vector<16xi32>
        %reduce_sum3A_3639 = vector.extract %reduce_sum3A_3638[15] : i32 from vector<16xi32>
        %add3A_3640 = arith.addi %scan3A_3520, %reduce_sum3A_3639 : i32
        %jit3A_3641 = arith.constant 0 : i32
        %broadcast_in_dim3A_3642 = vector.broadcast %jit3A_3641 : i32 to vector<16xi32>
        %select_n3A_3643 = arith.select %lt3A_3636, %add3A_3631, %broadcast_in_dim3A_3642 : vector<16xi1>, vector<16xi32>
        %reduce_sum3A_3644 = arith.constant true
        %reduce_sum3A_3645 = vector.broadcast %reduce_sum3A_3644 : i1 to vector<16xi1>
        %reduce_sum3A_3646 = tpu.scan <sum>, %select_n3A_3643 masked %reduce_sum3A_3645 : vector<16xi32>, vector<16xi1> -> vector<16xi32>
        %reduce_sum3A_3647 = vector.extract %reduce_sum3A_3646[15] : i32 from vector<16xi32>
        %add3A_3648 = arith.addi %scan3A_3521, %reduce_sum3A_3647 : i32
        %reduce_max3A_3649 = arith.constant true
        %reduce_max3A_3650 = vector.broadcast %reduce_max3A_3649 : i1 to vector<16xi1>
        %reduce_max3A_3651 = arith.constant -2147483648 : i32
        %reduce_max3A_3652 = vector.broadcast %reduce_max3A_3651 : i32 to vector<16xi32>
        %reduce_max3A_3653 = arith.xori %add3A_3635, %reduce_max3A_3652 : vector<16xi32>
        %reduce_max3A_3654 = tpu.scan <max>, %reduce_max3A_3653 masked %reduce_max3A_3650 : vector<16xi32>, vector<16xi1> -> vector<16xi32>
        %reduce_max3A_3655 = arith.xori %reduce_max3A_3654, %reduce_max3A_3652 : vector<16xi32>
        %reduce_max3A_3656 = vector.extract %reduce_max3A_3655[15] : i32 from vector<16xi32>
        scf.yield %add3A_3640, %add3A_3648, %reduce_max3A_3656 : i32, i32, i32
      }
      %scan3A_66 = arith.constant 16 : i32
      %add3A_67 = arith.addi %add3A_40, %scan3A_65#1 : i32
      %sub3A_68 = arith.subi %sub3A_41, %scan3A_65#1 : i32
      %shift_left3A_69 = arith.constant 8 : i32
      %shift_left3A_70 = arith.shli %or3A, %shift_left3A_69 : i32
      %or3A_71 = arith.ori %shift_left3A_70, %scan3A_65#0 : i32
      %scan3A_72 = arith.constant 0 : i32
      %scan3A_73 = arith.constant 0 : i32
      %scan3A_74 = arith.constant 256 : i32
      %scan3A_75 = arith.addi %scan3A_73, %scan3A_74 : i32
      %scan3A_76 = arith.constant 1 : i32
      scf.for %scan3A_3519 = %scan3A_73 to %scan3A_75 step %scan3A_76  : i32 {
        %broadcast_in_dim3A_3520 = arith.constant 0 : i32
        %broadcast_in_dim3A_3521 = vector.broadcast %broadcast_in_dim3A_3520 : i32 to vector<16xi32>
        %mul3A_3522 = arith.constant 16 : i32
        %mul3A_3523 = arith.muli %scan3A_3519, %mul3A_3522 : i32
        %swap3A_3524 = arith.index_cast %mul3A_3523 : i32 to index
        %swap3A_3525 = tpu.vector_load %arg6[%swap3A_3524] {strides = array<i32>} : memref<4096xi32, #tpu.memory_space<vmem>>, vector<16xi32>,
        tpu.vector_store %arg6[%swap3A_3524], %broadcast_in_dim3A_3521 {strides = array<i32>} : memref<4096xi32, #tpu.memory_space<vmem>>, vector<16xi32>,
      }
      %scan3A_77 = arith.constant 256 : i32
      %scan3A_78 = arith.constant 0 : i32
      %scan3A_79 = arith.constant 65535 : i32
      %scan3A_80 = arith.constant 0 : i32
      %scan3A_81 = arith.constant 512 : i32
      %scan3A_82 = arith.addi %scan3A_80, %scan3A_81 : i32
      %scan3A_83 = arith.constant 1 : i32
      scf.for %scan3A_3519 = %scan3A_80 to %scan3A_82 step %scan3A_83  : i32 {
        %mul3A_3520 = arith.constant 16 : i32
        %mul3A_3521 = arith.muli %scan3A_3519, %mul3A_3520 : i32
        %get3A_3522 = arith.index_cast %mul3A_3521 : i32 to index
        %get3A_3523 = tpu.vector_load %arg5[%get3A_3522] {strides = array<i32>} : memref<8192xi32, #tpu.memory_space<vmem>>, vector<16xi32>,
        %shift_right_arithmetic3A = arith.constant 16 : i32
        %shift_right_arithmetic3A_3524 = vector.broadcast %shift_right_arithmetic3A : i32 to vector<16xi32>
        %shift_right_arithmetic3A_3525 = arith.shrsi %get3A_3523, %shift_right_arithmetic3A_3524 : vector<16xi32>
        %and3A = vector.broadcast %scan3A_79 : i32 to vector<16xi32>
        %and3A_3526 = arith.andi %shift_right_arithmetic3A_3525, %and3A : vector<16xi32>
        %shift_right_arithmetic3A_3527 = arith.constant 8 : i32
        %shift_right_arithmetic3A_3528 = vector.broadcast %shift_right_arithmetic3A_3527 : i32 to vector<16xi32>
        %shift_right_arithmetic3A_3529 = arith.shrsi %get3A_3523, %shift_right_arithmetic3A_3528 : vector<16xi32>
        %and3A_3530 = arith.constant 255 : i32
        %and3A_3531 = vector.broadcast %and3A_3530 : i32 to vector<16xi32>
        %and3A_3532 = arith.andi %shift_right_arithmetic3A_3529, %and3A_3531 : vector<16xi32>
        %mul3A_3533 = arith.constant 256 : i32
        %mul3A_3534 = vector.broadcast %mul3A_3533 : i32 to vector<16xi32>
        %mul3A_3535 = arith.muli %iota3A, %mul3A_3534 : vector<16xi32>
        %add3A_3536 = arith.addi %mul3A_3535, %and3A_3532 : vector<16xi32>
        %eq3A = vector.broadcast %or3A_71 : i32 to vector<16xi32>
        %eq3A_3537 = arith.cmpi eq, %and3A_3526, %eq3A : vector<16xi32>
        tpu.vector_store_idx %arg6[%add3A_3536], %broadcast_in_dim3A_1 masked %eq3A_3537 {add = true} : memref<4096xi32, #tpu.memory_space<vmem>>[vector<16xi32>], vector<16xi32>, vector<16xi1>
      }
      %scan3A_84 = arith.constant 512 : i32
      %scan3A_85 = arith.constant 0 : i32
      %scan3A_86 = arith.constant 0 : i32
      %scan3A_87 = arith.constant 0 : i32
      %scan3A_88 = arith.constant 0 : i32
      %scan3A_89 = arith.constant 16 : i32
      %scan3A_90 = arith.addi %scan3A_88, %scan3A_89 : i32
      %scan3A_91 = arith.constant 1 : i32
      %scan3A_92:3 = scf.for %scan3A_3519 = %scan3A_88 to %scan3A_90 step %scan3A_91 iter_args(%scan3A_3520 = %scan3A_85, %scan3A_3521 = %scan3A_86, %scan3A_3522 = %scan3A_87) -> (i32, i32, i32)  : i32 {
        %mul3A_3523 = arith.constant 16 : i32
        %mul3A_3524 = arith.muli %scan3A_3519, %mul3A_3523 : i32
        %get3A_3525 = arith.index_cast %mul3A_3524 : i32 to index
        %get3A_3526 = tpu.vector_load %arg6[%get3A_3525] {strides = array<i32>} : memref<4096xi32, #tpu.memory_space<vmem>>, vector<16xi32>,
        %mul3A_3527 = arith.constant 16 : i32
        %mul3A_3528 = arith.muli %scan3A_3519, %mul3A_3527 : i32
        %add3A_3529 = arith.constant 256 : i32
        %add3A_3530 = arith.addi %add3A_3529, %mul3A_3528 : i32
        %get3A_3531 = arith.index_cast %add3A_3530 : i32 to index
        %get3A_3532 = tpu.vector_load %arg6[%get3A_3531] {strides = array<i32>} : memref<4096xi32, #tpu.memory_space<vmem>>, vector<16xi32>,
        %add3A_3533 = arith.addi %get3A_3526, %get3A_3532 : vector<16xi32>
        %mul3A_3534 = arith.constant 16 : i32
        %mul3A_3535 = arith.muli %scan3A_3519, %mul3A_3534 : i32
        %add3A_3536 = arith.constant 512 : i32
        %add3A_3537 = arith.addi %add3A_3536, %mul3A_3535 : i32
        %get3A_3538 = arith.index_cast %add3A_3537 : i32 to index
        %get3A_3539 = tpu.vector_load %arg6[%get3A_3538] {strides = array<i32>} : memref<4096xi32, #tpu.memory_space<vmem>>, vector<16xi32>,
        %add3A_3540 = arith.addi %add3A_3533, %get3A_3539 : vector<16xi32>
        %mul3A_3541 = arith.constant 16 : i32
        %mul3A_3542 = arith.muli %scan3A_3519, %mul3A_3541 : i32
        %add3A_3543 = arith.constant 768 : i32
        %add3A_3544 = arith.addi %add3A_3543, %mul3A_3542 : i32
        %get3A_3545 = arith.index_cast %add3A_3544 : i32 to index
        %get3A_3546 = tpu.vector_load %arg6[%get3A_3545] {strides = array<i32>} : memref<4096xi32, #tpu.memory_space<vmem>>, vector<16xi32>,
        %add3A_3547 = arith.addi %add3A_3540, %get3A_3546 : vector<16xi32>
        %mul3A_3548 = arith.constant 16 : i32
        %mul3A_3549 = arith.muli %scan3A_3519, %mul3A_3548 : i32
        %add3A_3550 = arith.constant 1024 : i32
        %add3A_3551 = arith.addi %add3A_3550, %mul3A_3549 : i32
        %get3A_3552 = arith.index_cast %add3A_3551 : i32 to index
        %get3A_3553 = tpu.vector_load %arg6[%get3A_3552] {strides = array<i32>} : memref<4096xi32, #tpu.memory_space<vmem>>, vector<16xi32>,
        %add3A_3554 = arith.addi %add3A_3547, %get3A_3553 : vector<16xi32>
        %mul3A_3555 = arith.constant 16 : i32
        %mul3A_3556 = arith.muli %scan3A_3519, %mul3A_3555 : i32
        %add3A_3557 = arith.constant 1280 : i32
        %add3A_3558 = arith.addi %add3A_3557, %mul3A_3556 : i32
        %get3A_3559 = arith.index_cast %add3A_3558 : i32 to index
        %get3A_3560 = tpu.vector_load %arg6[%get3A_3559] {strides = array<i32>} : memref<4096xi32, #tpu.memory_space<vmem>>, vector<16xi32>,
        %add3A_3561 = arith.addi %add3A_3554, %get3A_3560 : vector<16xi32>
        %mul3A_3562 = arith.constant 16 : i32
        %mul3A_3563 = arith.muli %scan3A_3519, %mul3A_3562 : i32
        %add3A_3564 = arith.constant 1536 : i32
        %add3A_3565 = arith.addi %add3A_3564, %mul3A_3563 : i32
        %get3A_3566 = arith.index_cast %add3A_3565 : i32 to index
        %get3A_3567 = tpu.vector_load %arg6[%get3A_3566] {strides = array<i32>} : memref<4096xi32, #tpu.memory_space<vmem>>, vector<16xi32>,
        %add3A_3568 = arith.addi %add3A_3561, %get3A_3567 : vector<16xi32>
        %mul3A_3569 = arith.constant 16 : i32
        %mul3A_3570 = arith.muli %scan3A_3519, %mul3A_3569 : i32
        %add3A_3571 = arith.constant 1792 : i32
        %add3A_3572 = arith.addi %add3A_3571, %mul3A_3570 : i32
        %get3A_3573 = arith.index_cast %add3A_3572 : i32 to index
        %get3A_3574 = tpu.vector_load %arg6[%get3A_3573] {strides = array<i32>} : memref<4096xi32, #tpu.memory_space<vmem>>, vector<16xi32>,
        %add3A_3575 = arith.addi %add3A_3568, %get3A_3574 : vector<16xi32>
        %mul3A_3576 = arith.constant 16 : i32
        %mul3A_3577 = arith.muli %scan3A_3519, %mul3A_3576 : i32
        %add3A_3578 = arith.constant 2048 : i32
        %add3A_3579 = arith.addi %add3A_3578, %mul3A_3577 : i32
        %get3A_3580 = arith.index_cast %add3A_3579 : i32 to index
        %get3A_3581 = tpu.vector_load %arg6[%get3A_3580] {strides = array<i32>} : memref<4096xi32, #tpu.memory_space<vmem>>, vector<16xi32>,
        %add3A_3582 = arith.addi %add3A_3575, %get3A_3581 : vector<16xi32>
        %mul3A_3583 = arith.constant 16 : i32
        %mul3A_3584 = arith.muli %scan3A_3519, %mul3A_3583 : i32
        %add3A_3585 = arith.constant 2304 : i32
        %add3A_3586 = arith.addi %add3A_3585, %mul3A_3584 : i32
        %get3A_3587 = arith.index_cast %add3A_3586 : i32 to index
        %get3A_3588 = tpu.vector_load %arg6[%get3A_3587] {strides = array<i32>} : memref<4096xi32, #tpu.memory_space<vmem>>, vector<16xi32>,
        %add3A_3589 = arith.addi %add3A_3582, %get3A_3588 : vector<16xi32>
        %mul3A_3590 = arith.constant 16 : i32
        %mul3A_3591 = arith.muli %scan3A_3519, %mul3A_3590 : i32
        %add3A_3592 = arith.constant 2560 : i32
        %add3A_3593 = arith.addi %add3A_3592, %mul3A_3591 : i32
        %get3A_3594 = arith.index_cast %add3A_3593 : i32 to index
        %get3A_3595 = tpu.vector_load %arg6[%get3A_3594] {strides = array<i32>} : memref<4096xi32, #tpu.memory_space<vmem>>, vector<16xi32>,
        %add3A_3596 = arith.addi %add3A_3589, %get3A_3595 : vector<16xi32>
        %mul3A_3597 = arith.constant 16 : i32
        %mul3A_3598 = arith.muli %scan3A_3519, %mul3A_3597 : i32
        %add3A_3599 = arith.constant 2816 : i32
        %add3A_3600 = arith.addi %add3A_3599, %mul3A_3598 : i32
        %get3A_3601 = arith.index_cast %add3A_3600 : i32 to index
        %get3A_3602 = tpu.vector_load %arg6[%get3A_3601] {strides = array<i32>} : memref<4096xi32, #tpu.memory_space<vmem>>, vector<16xi32>,
        %add3A_3603 = arith.addi %add3A_3596, %get3A_3602 : vector<16xi32>
        %mul3A_3604 = arith.constant 16 : i32
        %mul3A_3605 = arith.muli %scan3A_3519, %mul3A_3604 : i32
        %add3A_3606 = arith.constant 3072 : i32
        %add3A_3607 = arith.addi %add3A_3606, %mul3A_3605 : i32
        %get3A_3608 = arith.index_cast %add3A_3607 : i32 to index
        %get3A_3609 = tpu.vector_load %arg6[%get3A_3608] {strides = array<i32>} : memref<4096xi32, #tpu.memory_space<vmem>>, vector<16xi32>,
        %add3A_3610 = arith.addi %add3A_3603, %get3A_3609 : vector<16xi32>
        %mul3A_3611 = arith.constant 16 : i32
        %mul3A_3612 = arith.muli %scan3A_3519, %mul3A_3611 : i32
        %add3A_3613 = arith.constant 3328 : i32
        %add3A_3614 = arith.addi %add3A_3613, %mul3A_3612 : i32
        %get3A_3615 = arith.index_cast %add3A_3614 : i32 to index
        %get3A_3616 = tpu.vector_load %arg6[%get3A_3615] {strides = array<i32>} : memref<4096xi32, #tpu.memory_space<vmem>>, vector<16xi32>,
        %add3A_3617 = arith.addi %add3A_3610, %get3A_3616 : vector<16xi32>
        %mul3A_3618 = arith.constant 16 : i32
        %mul3A_3619 = arith.muli %scan3A_3519, %mul3A_3618 : i32
        %add3A_3620 = arith.constant 3584 : i32
        %add3A_3621 = arith.addi %add3A_3620, %mul3A_3619 : i32
        %get3A_3622 = arith.index_cast %add3A_3621 : i32 to index
        %get3A_3623 = tpu.vector_load %arg6[%get3A_3622] {strides = array<i32>} : memref<4096xi32, #tpu.memory_space<vmem>>, vector<16xi32>,
        %add3A_3624 = arith.addi %add3A_3617, %get3A_3623 : vector<16xi32>
        %mul3A_3625 = arith.constant 16 : i32
        %mul3A_3626 = arith.muli %scan3A_3519, %mul3A_3625 : i32
        %add3A_3627 = arith.constant 3840 : i32
        %add3A_3628 = arith.addi %add3A_3627, %mul3A_3626 : i32
        %get3A_3629 = arith.index_cast %add3A_3628 : i32 to index
        %get3A_3630 = tpu.vector_load %arg6[%get3A_3629] {strides = array<i32>} : memref<4096xi32, #tpu.memory_space<vmem>>, vector<16xi32>,
        %add3A_3631 = arith.addi %add3A_3624, %get3A_3630 : vector<16xi32>
        %broadcast_in_dim3A_3632 = arith.constant true
        %broadcast_in_dim3A_3633 = vector.broadcast %broadcast_in_dim3A_3632 : i1 to vector<16xi1>
        %masked_cumsum3A = tpu.scan <sum>, %add3A_3631 masked %broadcast_in_dim3A_3633 : vector<16xi32>, vector<16xi1> -> vector<16xi32>
        %add3A_3634 = vector.broadcast %scan3A_3522 : i32 to vector<16xi32>
        %add3A_3635 = arith.addi %masked_cumsum3A, %add3A_3634 : vector<16xi32>
        %lt3A = vector.broadcast %sub3A_68 : i32 to vector<16xi32>
        %lt3A_3636 = arith.cmpi slt, %add3A_3635, %lt3A : vector<16xi32>
        %convert_element_type3A = arith.extui %lt3A_3636 : vector<16xi1> to vector<16xi32>
        %reduce_sum3A = arith.constant true
        %reduce_sum3A_3637 = vector.broadcast %reduce_sum3A : i1 to vector<16xi1>
        %reduce_sum3A_3638 = tpu.scan <sum>, %convert_element_type3A masked %reduce_sum3A_3637 : vector<16xi32>, vector<16xi1> -> vector<16xi32>
        %reduce_sum3A_3639 = vector.extract %reduce_sum3A_3638[15] : i32 from vector<16xi32>
        %add3A_3640 = arith.addi %scan3A_3520, %reduce_sum3A_3639 : i32
        %jit3A_3641 = arith.constant 0 : i32
        %broadcast_in_dim3A_3642 = vector.broadcast %jit3A_3641 : i32 to vector<16xi32>
        %select_n3A_3643 = arith.select %lt3A_3636, %add3A_3631, %broadcast_in_dim3A_3642 : vector<16xi1>, vector<16xi32>
        %reduce_sum3A_3644 = arith.constant true
        %reduce_sum3A_3645 = vector.broadcast %reduce_sum3A_3644 : i1 to vector<16xi1>
        %reduce_sum3A_3646 = tpu.scan <sum>, %select_n3A_3643 masked %reduce_sum3A_3645 : vector<16xi32>, vector<16xi1> -> vector<16xi32>
        %reduce_sum3A_3647 = vector.extract %reduce_sum3A_3646[15] : i32 from vector<16xi32>
        %add3A_3648 = arith.addi %scan3A_3521, %reduce_sum3A_3647 : i32
        %reduce_max3A_3649 = arith.constant true
        %reduce_max3A_3650 = vector.broadcast %reduce_max3A_3649 : i1 to vector<16xi1>
        %reduce_max3A_3651 = arith.constant -2147483648 : i32
        %reduce_max3A_3652 = vector.broadcast %reduce_max3A_3651 : i32 to vector<16xi32>
        %reduce_max3A_3653 = arith.xori %add3A_3635, %reduce_max3A_3652 : vector<16xi32>
        %reduce_max3A_3654 = tpu.scan <max>, %reduce_max3A_3653 masked %reduce_max3A_3650 : vector<16xi32>, vector<16xi1> -> vector<16xi32>
        %reduce_max3A_3655 = arith.xori %reduce_max3A_3654, %reduce_max3A_3652 : vector<16xi32>
        %reduce_max3A_3656 = vector.extract %reduce_max3A_3655[15] : i32 from vector<16xi32>
        scf.yield %add3A_3640, %add3A_3648, %reduce_max3A_3656 : i32, i32, i32
      }
      %scan3A_93 = arith.constant 16 : i32
      %add3A_94 = arith.addi %add3A_67, %scan3A_92#1 : i32
      %sub3A_95 = arith.subi %sub3A_68, %scan3A_92#1 : i32
      %shift_left3A_96 = arith.constant 8 : i32
      %shift_left3A_97 = arith.shli %or3A_71, %shift_left3A_96 : i32
      %or3A_98 = arith.ori %shift_left3A_97, %scan3A_92#0 : i32
      %scan3A_99 = arith.constant 0 : i32
      %scan3A_100 = arith.constant 0 : i32
      %scan3A_101 = arith.constant 256 : i32
      %scan3A_102 = arith.addi %scan3A_100, %scan3A_101 : i32
      %scan3A_103 = arith.constant 1 : i32
      scf.for %scan3A_3519 = %scan3A_100 to %scan3A_102 step %scan3A_103  : i32 {
        %broadcast_in_dim3A_3520 = arith.constant 0 : i32
        %broadcast_in_dim3A_3521 = vector.broadcast %broadcast_in_dim3A_3520 : i32 to vector<16xi32>
        %mul3A_3522 = arith.constant 16 : i32
        %mul3A_3523 = arith.muli %scan3A_3519, %mul3A_3522 : i32
        %swap3A_3524 = arith.index_cast %mul3A_3523 : i32 to index
        %swap3A_3525 = tpu.vector_load %arg6[%swap3A_3524] {strides = array<i32>} : memref<4096xi32, #tpu.memory_space<vmem>>, vector<16xi32>,
        tpu.vector_store %arg6[%swap3A_3524], %broadcast_in_dim3A_3521 {strides = array<i32>} : memref<4096xi32, #tpu.memory_space<vmem>>, vector<16xi32>,
      }
      %scan3A_104 = arith.constant 256 : i32
      %scan3A_105 = arith.constant 0 : i32
      %scan3A_106 = arith.constant 16777215 : i32
      %scan3A_107 = arith.constant 0 : i32
      %scan3A_108 = arith.constant 512 : i32
      %scan3A_109 = arith.addi %scan3A_107, %scan3A_108 : i32
      %scan3A_110 = arith.constant 1 : i32
      scf.for %scan3A_3519 = %scan3A_107 to %scan3A_109 step %scan3A_110  : i32 {
        %mul3A_3520 = arith.constant 16 : i32
        %mul3A_3521 = arith.muli %scan3A_3519, %mul3A_3520 : i32
        %get3A_3522 = arith.index_cast %mul3A_3521 : i32 to index
        %get3A_3523 = tpu.vector_load %arg5[%get3A_3522] {strides = array<i32>} : memref<8192xi32, #tpu.memory_space<vmem>>, vector<16xi32>,
        %shift_right_arithmetic3A = arith.constant 8 : i32
        %shift_right_arithmetic3A_3524 = vector.broadcast %shift_right_arithmetic3A : i32 to vector<16xi32>
        %shift_right_arithmetic3A_3525 = arith.shrsi %get3A_3523, %shift_right_arithmetic3A_3524 : vector<16xi32>
        %and3A = vector.broadcast %scan3A_106 : i32 to vector<16xi32>
        %and3A_3526 = arith.andi %shift_right_arithmetic3A_3525, %and3A : vector<16xi32>
        %shift_right_arithmetic3A_3527 = arith.constant 0 : i32
        %shift_right_arithmetic3A_3528 = vector.broadcast %shift_right_arithmetic3A_3527 : i32 to vector<16xi32>
        %shift_right_arithmetic3A_3529 = arith.shrsi %get3A_3523, %shift_right_arithmetic3A_3528 : vector<16xi32>
        %and3A_3530 = arith.constant 255 : i32
        %and3A_3531 = vector.broadcast %and3A_3530 : i32 to vector<16xi32>
        %and3A_3532 = arith.andi %shift_right_arithmetic3A_3529, %and3A_3531 : vector<16xi32>
        %mul3A_3533 = arith.constant 256 : i32
        %mul3A_3534 = vector.broadcast %mul3A_3533 : i32 to vector<16xi32>
        %mul3A_3535 = arith.muli %iota3A, %mul3A_3534 : vector<16xi32>
        %add3A_3536 = arith.addi %mul3A_3535, %and3A_3532 : vector<16xi32>
        %eq3A = vector.broadcast %or3A_98 : i32 to vector<16xi32>
        %eq3A_3537 = arith.cmpi eq, %and3A_3526, %eq3A : vector<16xi32>
        tpu.vector_store_idx %arg6[%add3A_3536], %broadcast_in_dim3A_1 masked %eq3A_3537 {add = true} : memref<4096xi32, #tpu.memory_space<vmem>>[vector<16xi32>], vector<16xi32>, vector<16xi1>
      }
      %scan3A_111 = arith.constant 512 : i32
      %scan3A_112 = arith.constant 0 : i32
      %scan3A_113 = arith.constant 0 : i32
      %scan3A_114 = arith.constant 0 : i32
      %scan3A_115 = arith.constant 0 : i32
      %scan3A_116 = arith.constant 16 : i32
      %scan3A_117 = arith.addi %scan3A_115, %scan3A_116 : i32
      %scan3A_118 = arith.constant 1 : i32
      %scan3A_119:3 = scf.for %scan3A_3519 = %scan3A_115 to %scan3A_117 step %scan3A_118 iter_args(%scan3A_3520 = %scan3A_112, %scan3A_3521 = %scan3A_113, %scan3A_3522 = %scan3A_114) -> (i32, i32, i32)  : i32 {
        %mul3A_3523 = arith.constant 16 : i32
        %mul3A_3524 = arith.muli %scan3A_3519, %mul3A_3523 : i32
        %get3A_3525 = arith.index_cast %mul3A_3524 : i32 to index
        %get3A_3526 = tpu.vector_load %arg6[%get3A_3525] {strides = array<i32>} : memref<4096xi32, #tpu.memory_space<vmem>>, vector<16xi32>,
        %mul3A_3527 = arith.constant 16 : i32
        %mul3A_3528 = arith.muli %scan3A_3519, %mul3A_3527 : i32
        %add3A_3529 = arith.constant 256 : i32
        %add3A_3530 = arith.addi %add3A_3529, %mul3A_3528 : i32
        %get3A_3531 = arith.index_cast %add3A_3530 : i32 to index
        %get3A_3532 = tpu.vector_load %arg6[%get3A_3531] {strides = array<i32>} : memref<4096xi32, #tpu.memory_space<vmem>>, vector<16xi32>,
        %add3A_3533 = arith.addi %get3A_3526, %get3A_3532 : vector<16xi32>
        %mul3A_3534 = arith.constant 16 : i32
        %mul3A_3535 = arith.muli %scan3A_3519, %mul3A_3534 : i32
        %add3A_3536 = arith.constant 512 : i32
        %add3A_3537 = arith.addi %add3A_3536, %mul3A_3535 : i32
        %get3A_3538 = arith.index_cast %add3A_3537 : i32 to index
        %get3A_3539 = tpu.vector_load %arg6[%get3A_3538] {strides = array<i32>} : memref<4096xi32, #tpu.memory_space<vmem>>, vector<16xi32>,
        %add3A_3540 = arith.addi %add3A_3533, %get3A_3539 : vector<16xi32>
        %mul3A_3541 = arith.constant 16 : i32
        %mul3A_3542 = arith.muli %scan3A_3519, %mul3A_3541 : i32
        %add3A_3543 = arith.constant 768 : i32
        %add3A_3544 = arith.addi %add3A_3543, %mul3A_3542 : i32
        %get3A_3545 = arith.index_cast %add3A_3544 : i32 to index
        %get3A_3546 = tpu.vector_load %arg6[%get3A_3545] {strides = array<i32>} : memref<4096xi32, #tpu.memory_space<vmem>>, vector<16xi32>,
        %add3A_3547 = arith.addi %add3A_3540, %get3A_3546 : vector<16xi32>
        %mul3A_3548 = arith.constant 16 : i32
        %mul3A_3549 = arith.muli %scan3A_3519, %mul3A_3548 : i32
        %add3A_3550 = arith.constant 1024 : i32
        %add3A_3551 = arith.addi %add3A_3550, %mul3A_3549 : i32
        %get3A_3552 = arith.index_cast %add3A_3551 : i32 to index
        %get3A_3553 = tpu.vector_load %arg6[%get3A_3552] {strides = array<i32>} : memref<4096xi32, #tpu.memory_space<vmem>>, vector<16xi32>,
        %add3A_3554 = arith.addi %add3A_3547, %get3A_3553 : vector<16xi32>
        %mul3A_3555 = arith.constant 16 : i32
        %mul3A_3556 = arith.muli %scan3A_3519, %mul3A_3555 : i32
        %add3A_3557 = arith.constant 1280 : i32
        %add3A_3558 = arith.addi %add3A_3557, %mul3A_3556 : i32
        %get3A_3559 = arith.index_cast %add3A_3558 : i32 to index
        %get3A_3560 = tpu.vector_load %arg6[%get3A_3559] {strides = array<i32>} : memref<4096xi32, #tpu.memory_space<vmem>>, vector<16xi32>,
        %add3A_3561 = arith.addi %add3A_3554, %get3A_3560 : vector<16xi32>
        %mul3A_3562 = arith.constant 16 : i32
        %mul3A_3563 = arith.muli %scan3A_3519, %mul3A_3562 : i32
        %add3A_3564 = arith.constant 1536 : i32
        %add3A_3565 = arith.addi %add3A_3564, %mul3A_3563 : i32
        %get3A_3566 = arith.index_cast %add3A_3565 : i32 to index
        %get3A_3567 = tpu.vector_load %arg6[%get3A_3566] {strides = array<i32>} : memref<4096xi32, #tpu.memory_space<vmem>>, vector<16xi32>,
        %add3A_3568 = arith.addi %add3A_3561, %get3A_3567 : vector<16xi32>
        %mul3A_3569 = arith.constant 16 : i32
        %mul3A_3570 = arith.muli %scan3A_3519, %mul3A_3569 : i32
        %add3A_3571 = arith.constant 1792 : i32
        %add3A_3572 = arith.addi %add3A_3571, %mul3A_3570 : i32
        %get3A_3573 = arith.index_cast %add3A_3572 : i32 to index
        %get3A_3574 = tpu.vector_load %arg6[%get3A_3573] {strides = array<i32>} : memref<4096xi32, #tpu.memory_space<vmem>>, vector<16xi32>,
        %add3A_3575 = arith.addi %add3A_3568, %get3A_3574 : vector<16xi32>
        %mul3A_3576 = arith.constant 16 : i32
        %mul3A_3577 = arith.muli %scan3A_3519, %mul3A_3576 : i32
        %add3A_3578 = arith.constant 2048 : i32
        %add3A_3579 = arith.addi %add3A_3578, %mul3A_3577 : i32
        %get3A_3580 = arith.index_cast %add3A_3579 : i32 to index
        %get3A_3581 = tpu.vector_load %arg6[%get3A_3580] {strides = array<i32>} : memref<4096xi32, #tpu.memory_space<vmem>>, vector<16xi32>,
        %add3A_3582 = arith.addi %add3A_3575, %get3A_3581 : vector<16xi32>
        %mul3A_3583 = arith.constant 16 : i32
        %mul3A_3584 = arith.muli %scan3A_3519, %mul3A_3583 : i32
        %add3A_3585 = arith.constant 2304 : i32
        %add3A_3586 = arith.addi %add3A_3585, %mul3A_3584 : i32
        %get3A_3587 = arith.index_cast %add3A_3586 : i32 to index
        %get3A_3588 = tpu.vector_load %arg6[%get3A_3587] {strides = array<i32>} : memref<4096xi32, #tpu.memory_space<vmem>>, vector<16xi32>,
        %add3A_3589 = arith.addi %add3A_3582, %get3A_3588 : vector<16xi32>
        %mul3A_3590 = arith.constant 16 : i32
        %mul3A_3591 = arith.muli %scan3A_3519, %mul3A_3590 : i32
        %add3A_3592 = arith.constant 2560 : i32
        %add3A_3593 = arith.addi %add3A_3592, %mul3A_3591 : i32
        %get3A_3594 = arith.index_cast %add3A_3593 : i32 to index
        %get3A_3595 = tpu.vector_load %arg6[%get3A_3594] {strides = array<i32>} : memref<4096xi32, #tpu.memory_space<vmem>>, vector<16xi32>,
        %add3A_3596 = arith.addi %add3A_3589, %get3A_3595 : vector<16xi32>
        %mul3A_3597 = arith.constant 16 : i32
        %mul3A_3598 = arith.muli %scan3A_3519, %mul3A_3597 : i32
        %add3A_3599 = arith.constant 2816 : i32
        %add3A_3600 = arith.addi %add3A_3599, %mul3A_3598 : i32
        %get3A_3601 = arith.index_cast %add3A_3600 : i32 to index
        %get3A_3602 = tpu.vector_load %arg6[%get3A_3601] {strides = array<i32>} : memref<4096xi32, #tpu.memory_space<vmem>>, vector<16xi32>,
        %add3A_3603 = arith.addi %add3A_3596, %get3A_3602 : vector<16xi32>
        %mul3A_3604 = arith.constant 16 : i32
        %mul3A_3605 = arith.muli %scan3A_3519, %mul3A_3604 : i32
        %add3A_3606 = arith.constant 3072 : i32
        %add3A_3607 = arith.addi %add3A_3606, %mul3A_3605 : i32
        %get3A_3608 = arith.index_cast %add3A_3607 : i32 to index
        %get3A_3609 = tpu.vector_load %arg6[%get3A_3608] {strides = array<i32>} : memref<4096xi32, #tpu.memory_space<vmem>>, vector<16xi32>,
        %add3A_3610 = arith.addi %add3A_3603, %get3A_3609 : vector<16xi32>
        %mul3A_3611 = arith.constant 16 : i32
        %mul3A_3612 = arith.muli %scan3A_3519, %mul3A_3611 : i32
        %add3A_3613 = arith.constant 3328 : i32
        %add3A_3614 = arith.addi %add3A_3613, %mul3A_3612 : i32
        %get3A_3615 = arith.index_cast %add3A_3614 : i32 to index
        %get3A_3616 = tpu.vector_load %arg6[%get3A_3615] {strides = array<i32>} : memref<4096xi32, #tpu.memory_space<vmem>>, vector<16xi32>,
        %add3A_3617 = arith.addi %add3A_3610, %get3A_3616 : vector<16xi32>
        %mul3A_3618 = arith.constant 16 : i32
        %mul3A_3619 = arith.muli %scan3A_3519, %mul3A_3618 : i32
        %add3A_3620 = arith.constant 3584 : i32
        %add3A_3621 = arith.addi %add3A_3620, %mul3A_3619 : i32
        %get3A_3622 = arith.index_cast %add3A_3621 : i32 to index
        %get3A_3623 = tpu.vector_load %arg6[%get3A_3622] {strides = array<i32>} : memref<4096xi32, #tpu.memory_space<vmem>>, vector<16xi32>,
        %add3A_3624 = arith.addi %add3A_3617, %get3A_3623 : vector<16xi32>
        %mul3A_3625 = arith.constant 16 : i32
        %mul3A_3626 = arith.muli %scan3A_3519, %mul3A_3625 : i32
        %add3A_3627 = arith.constant 3840 : i32
        %add3A_3628 = arith.addi %add3A_3627, %mul3A_3626 : i32
        %get3A_3629 = arith.index_cast %add3A_3628 : i32 to index
        %get3A_3630 = tpu.vector_load %arg6[%get3A_3629] {strides = array<i32>} : memref<4096xi32, #tpu.memory_space<vmem>>, vector<16xi32>,
        %add3A_3631 = arith.addi %add3A_3624, %get3A_3630 : vector<16xi32>
        %broadcast_in_dim3A_3632 = arith.constant true
        %broadcast_in_dim3A_3633 = vector.broadcast %broadcast_in_dim3A_3632 : i1 to vector<16xi1>
        %masked_cumsum3A = tpu.scan <sum>, %add3A_3631 masked %broadcast_in_dim3A_3633 : vector<16xi32>, vector<16xi1> -> vector<16xi32>
        %add3A_3634 = vector.broadcast %scan3A_3522 : i32 to vector<16xi32>
        %add3A_3635 = arith.addi %masked_cumsum3A, %add3A_3634 : vector<16xi32>
        %lt3A = vector.broadcast %sub3A_95 : i32 to vector<16xi32>
        %lt3A_3636 = arith.cmpi slt, %add3A_3635, %lt3A : vector<16xi32>
        %convert_element_type3A = arith.extui %lt3A_3636 : vector<16xi1> to vector<16xi32>
        %reduce_sum3A = arith.constant true
        %reduce_sum3A_3637 = vector.broadcast %reduce_sum3A : i1 to vector<16xi1>
        %reduce_sum3A_3638 = tpu.scan <sum>, %convert_element_type3A masked %reduce_sum3A_3637 : vector<16xi32>, vector<16xi1> -> vector<16xi32>
        %reduce_sum3A_3639 = vector.extract %reduce_sum3A_3638[15] : i32 from vector<16xi32>
        %add3A_3640 = arith.addi %scan3A_3520, %reduce_sum3A_3639 : i32
        %jit3A_3641 = arith.constant 0 : i32
        %broadcast_in_dim3A_3642 = vector.broadcast %jit3A_3641 : i32 to vector<16xi32>
        %select_n3A_3643 = arith.select %lt3A_3636, %add3A_3631, %broadcast_in_dim3A_3642 : vector<16xi1>, vector<16xi32>
        %reduce_sum3A_3644 = arith.constant true
        %reduce_sum3A_3645 = vector.broadcast %reduce_sum3A_3644 : i1 to vector<16xi1>
        %reduce_sum3A_3646 = tpu.scan <sum>, %select_n3A_3643 masked %reduce_sum3A_3645 : vector<16xi32>, vector<16xi1> -> vector<16xi32>
        %reduce_sum3A_3647 = vector.extract %reduce_sum3A_3646[15] : i32 from vector<16xi32>
        %add3A_3648 = arith.addi %scan3A_3521, %reduce_sum3A_3647 : i32
        %reduce_max3A_3649 = arith.constant true
        %reduce_max3A_3650 = vector.broadcast %reduce_max3A_3649 : i1 to vector<16xi1>
        %reduce_max3A_3651 = arith.constant -2147483648 : i32
        %reduce_max3A_3652 = vector.broadcast %reduce_max3A_3651 : i32 to vector<16xi32>
        %reduce_max3A_3653 = arith.xori %add3A_3635, %reduce_max3A_3652 : vector<16xi32>
        %reduce_max3A_3654 = tpu.scan <max>, %reduce_max3A_3653 masked %reduce_max3A_3650 : vector<16xi32>, vector<16xi1> -> vector<16xi32>
        %reduce_max3A_3655 = arith.xori %reduce_max3A_3654, %reduce_max3A_3652 : vector<16xi32>
        %reduce_max3A_3656 = vector.extract %reduce_max3A_3655[15] : i32 from vector<16xi32>
        scf.yield %add3A_3640, %add3A_3648, %reduce_max3A_3656 : i32, i32, i32
      }
      %scan3A_120 = arith.constant 16 : i32
      %add3A_121 = arith.addi %add3A_94, %scan3A_119#1 : i32
      %sub3A_122 = arith.subi %sub3A_95, %scan3A_119#1 : i32
      %shift_left3A_123 = arith.constant 8 : i32
      %shift_left3A_124 = arith.shli %or3A_98, %shift_left3A_123 : i32
      %or3A_125 = arith.ori %shift_left3A_124, %scan3A_119#0 : i32
      %sub3A_126 = arith.constant 256 : i32
      %sub3A_127 = arith.subi %sub3A_126, %add3A_121 : i32
      %scan3A_128 = arith.constant 0 : i32
      %scan3A_129 = arith.constant 0 : i32
      %scan3A_130 = arith.constant 0 : i32
      %scan3A_131 = arith.constant 512 : i32
      %scan3A_132 = arith.addi %scan3A_130, %scan3A_131 : i32
      %scan3A_133 = arith.constant 1 : i32
      %scan3A_134:2 = scf.for %scan3A_3519 = %scan3A_130 to %scan3A_132 step %scan3A_133 iter_args(%scan3A_3520 = %scan3A_128, %scan3A_3521 = %scan3A_129) -> (i32, i32)  : i32 {
        %mul3A_3522 = arith.constant 16 : i32
        %mul3A_3523 = arith.muli %scan3A_3519, %mul3A_3522 : i32
        %get3A_3524 = arith.index_cast %mul3A_3523 : i32 to index
        %get3A_3525 = tpu.vector_load %arg5[%get3A_3524] {strides = array<i32>} : memref<8192xi32, #tpu.memory_space<vmem>>, vector<16xi32>,
        %mul3A_3526 = arith.constant 16 : i32
        %mul3A_3527 = arith.muli %scan3A_3519, %mul3A_3526 : i32
        %add3A_3528 = vector.broadcast %mul3A_3527 : i32 to vector<16xi32>
        %add3A_3529 = arith.addi %add3A_3528, %iota3A : vector<16xi32>
        %lt3A = vector.broadcast %or3A_125 : i32 to vector<16xi32>
        %lt3A_3530 = arith.cmpi slt, %get3A_3525, %lt3A : vector<16xi32>
        %eq3A = vector.broadcast %or3A_125 : i32 to vector<16xi32>
        %eq3A_3531 = arith.cmpi eq, %get3A_3525, %eq3A : vector<16xi32>
        %convert_element_type3A = arith.extui %eq3A_3531 : vector<16xi1> to vector<16xi32>
        %broadcast_in_dim3A_3532 = arith.constant true
        %broadcast_in_dim3A_3533 = vector.broadcast %broadcast_in_dim3A_3532 : i1 to vector<16xi1>
        %masked_cumsum3A = tpu.scan <sum>, %convert_element_type3A masked %broadcast_in_dim3A_3533 : vector<16xi32>, vector<16xi1> -> vector<16xi32>
        %add3A_3534 = vector.broadcast %scan3A_3521 : i32 to vector<16xi32>
        %add3A_3535 = arith.addi %add3A_3534, %masked_cumsum3A : vector<16xi32>
        %le3A_3536 = vector.broadcast %sub3A_127 : i32 to vector<16xi32>
        %le3A_3537 = arith.cmpi sle, %add3A_3535, %le3A_3536 : vector<16xi32>
        %and3A = arith.andi %eq3A_3531, %le3A_3537 : vector<16xi1>
        %or3A_3538 = arith.ori %lt3A_3530, %and3A : vector<16xi1>
        %convert_element_type3A_3539 = arith.extui %or3A_3538 : vector<16xi1> to vector<16xi32>
        %broadcast_in_dim3A_3540 = arith.constant true
        %broadcast_in_dim3A_3541 = vector.broadcast %broadcast_in_dim3A_3540 : i1 to vector<16xi1>
        %masked_cumsum3A_3542 = tpu.scan <sum>, %convert_element_type3A_3539 masked %broadcast_in_dim3A_3541 : vector<16xi32>, vector<16xi1> -> vector<16xi32>
        %add3A_3543 = vector.broadcast %scan3A_3520 : i32 to vector<16xi32>
        %add3A_3544 = arith.addi %add3A_3543, %masked_cumsum3A_3542 : vector<16xi32>
        %sub3A_3545 = arith.constant 1 : i32
        %sub3A_3546 = vector.broadcast %sub3A_3545 : i32 to vector<16xi32>
        %sub3A_3547 = arith.subi %add3A_3544, %sub3A_3546 : vector<16xi32>
        tpu.vector_store_idx %arg7[%sub3A_3547], %get3A_3525 masked %or3A_3538 : memref<256xi32, #tpu.memory_space<vmem>>[vector<16xi32>], vector<16xi32>, vector<16xi1>
        tpu.vector_store_idx %arg8[%sub3A_3547], %add3A_3529 masked %or3A_3538 : memref<256xi32, #tpu.memory_space<vmem>>[vector<16xi32>], vector<16xi32>, vector<16xi1>
        %reduce_sum3A = arith.constant true
        %reduce_sum3A_3548 = vector.broadcast %reduce_sum3A : i1 to vector<16xi1>
        %reduce_sum3A_3549 = tpu.scan <sum>, %convert_element_type3A_3539 masked %reduce_sum3A_3548 : vector<16xi32>, vector<16xi1> -> vector<16xi32>
        %reduce_sum3A_3550 = vector.extract %reduce_sum3A_3549[15] : i32 from vector<16xi32>
        %add3A_3551 = arith.addi %scan3A_3520, %reduce_sum3A_3550 : i32
        %convert_element_type3A_3552 = arith.extui %eq3A_3531 : vector<16xi1> to vector<16xi32>
        %reduce_sum3A_3553 = arith.constant true
        %reduce_sum3A_3554 = vector.broadcast %reduce_sum3A_3553 : i1 to vector<16xi1>
        %reduce_sum3A_3555 = tpu.scan <sum>, %convert_element_type3A_3552 masked %reduce_sum3A_3554 : vector<16xi32>, vector<16xi1> -> vector<16xi32>
        %reduce_sum3A_3556 = vector.extract %reduce_sum3A_3555[15] : i32 from vector<16xi32>
        %add3A_3557 = arith.addi %scan3A_3521, %reduce_sum3A_3556 : i32
        scf.yield %add3A_3551, %add3A_3557 : i32, i32
      }
      %scan3A_135 = arith.constant 512 : i32
      %get3A = arith.constant 0 : index
      %get3A_136 = tpu.vector_load %arg7[%get3A] {strides = array<i32>} : memref<256xi32, #tpu.memory_space<vmem>>, vector<16xi32>,
      %get3A_137 = arith.constant 16 : index
      %get3A_138 = tpu.vector_load %arg7[%get3A_137] {strides = array<i32>} : memref<256xi32, #tpu.memory_space<vmem>>, vector<16xi32>,
      %get3A_139 = arith.constant 32 : index
      %get3A_140 = tpu.vector_load %arg7[%get3A_139] {strides = array<i32>} : memref<256xi32, #tpu.memory_space<vmem>>, vector<16xi32>,
      %get3A_141 = arith.constant 48 : index
      %get3A_142 = tpu.vector_load %arg7[%get3A_141] {strides = array<i32>} : memref<256xi32, #tpu.memory_space<vmem>>, vector<16xi32>,
      %get3A_143 = arith.constant 64 : index
      %get3A_144 = tpu.vector_load %arg7[%get3A_143] {strides = array<i32>} : memref<256xi32, #tpu.memory_space<vmem>>, vector<16xi32>,
      %get3A_145 = arith.constant 80 : index
      %get3A_146 = tpu.vector_load %arg7[%get3A_145] {strides = array<i32>} : memref<256xi32, #tpu.memory_space<vmem>>, vector<16xi32>,
      %get3A_147 = arith.constant 96 : index
      %get3A_148 = tpu.vector_load %arg7[%get3A_147] {strides = array<i32>} : memref<256xi32, #tpu.memory_space<vmem>>, vector<16xi32>,
      %get3A_149 = arith.constant 112 : index
      %get3A_150 = tpu.vector_load %arg7[%get3A_149] {strides = array<i32>} : memref<256xi32, #tpu.memory_space<vmem>>, vector<16xi32>,
      %get3A_151 = arith.constant 128 : index
      %get3A_152 = tpu.vector_load %arg7[%get3A_151] {strides = array<i32>} : memref<256xi32, #tpu.memory_space<vmem>>, vector<16xi32>,
      %get3A_153 = arith.constant 144 : index
      %get3A_154 = tpu.vector_load %arg7[%get3A_153] {strides = array<i32>} : memref<256xi32, #tpu.memory_space<vmem>>, vector<16xi32>,
      %get3A_155 = arith.constant 160 : index
      %get3A_156 = tpu.vector_load %arg7[%get3A_155] {strides = array<i32>} : memref<256xi32, #tpu.memory_space<vmem>>, vector<16xi32>,
      %get3A_157 = arith.constant 176 : index
      %get3A_158 = tpu.vector_load %arg7[%get3A_157] {strides = array<i32>} : memref<256xi32, #tpu.memory_space<vmem>>, vector<16xi32>,
      %get3A_159 = arith.constant 192 : index
      %get3A_160 = tpu.vector_load %arg7[%get3A_159] {strides = array<i32>} : memref<256xi32, #tpu.memory_space<vmem>>, vector<16xi32>,
      %get3A_161 = arith.constant 208 : index
      %get3A_162 = tpu.vector_load %arg7[%get3A_161] {strides = array<i32>} : memref<256xi32, #tpu.memory_space<vmem>>, vector<16xi32>,
      %get3A_163 = arith.constant 224 : index
      %get3A_164 = tpu.vector_load %arg7[%get3A_163] {strides = array<i32>} : memref<256xi32, #tpu.memory_space<vmem>>, vector<16xi32>,
      %get3A_165 = arith.constant 240 : index
      %get3A_166 = tpu.vector_load %arg7[%get3A_165] {strides = array<i32>} : memref<256xi32, #tpu.memory_space<vmem>>, vector<16xi32>,
      %get3A_167 = arith.constant 0 : index
      %get3A_168 = tpu.vector_load %arg8[%get3A_167] {strides = array<i32>} : memref<256xi32, #tpu.memory_space<vmem>>, vector<16xi32>,
      %get3A_169 = arith.constant 16 : index
      %get3A_170 = tpu.vector_load %arg8[%get3A_169] {strides = array<i32>} : memref<256xi32, #tpu.memory_space<vmem>>, vector<16xi32>,
      %get3A_171 = arith.constant 32 : index
      %get3A_172 = tpu.vector_load %arg8[%get3A_171] {strides = array<i32>} : memref<256xi32, #tpu.memory_space<vmem>>, vector<16xi32>,
      %get3A_173 = arith.constant 48 : index
      %get3A_174 = tpu.vector_load %arg8[%get3A_173] {strides = array<i32>} : memref<256xi32, #tpu.memory_space<vmem>>, vector<16xi32>,
      %get3A_175 = arith.constant 64 : index
      %get3A_176 = tpu.vector_load %arg8[%get3A_175] {strides = array<i32>} : memref<256xi32, #tpu.memory_space<vmem>>, vector<16xi32>,
      %get3A_177 = arith.constant 80 : index
      %get3A_178 = tpu.vector_load %arg8[%get3A_177] {strides = array<i32>} : memref<256xi32, #tpu.memory_space<vmem>>, vector<16xi32>,
      %get3A_179 = arith.constant 96 : index
      %get3A_180 = tpu.vector_load %arg8[%get3A_179] {strides = array<i32>} : memref<256xi32, #tpu.memory_space<vmem>>, vector<16xi32>,
      %get3A_181 = arith.constant 112 : index
      %get3A_182 = tpu.vector_load %arg8[%get3A_181] {strides = array<i32>} : memref<256xi32, #tpu.memory_space<vmem>>, vector<16xi32>,
      %get3A_183 = arith.constant 128 : index
      %get3A_184 = tpu.vector_load %arg8[%get3A_183] {strides = array<i32>} : memref<256xi32, #tpu.memory_space<vmem>>, vector<16xi32>,
      %get3A_185 = arith.constant 144 : index
      %get3A_186 = tpu.vector_load %arg8[%get3A_185] {strides = array<i32>} : memref<256xi32, #tpu.memory_space<vmem>>, vector<16xi32>,
      %get3A_187 = arith.constant 160 : index
      %get3A_188 = tpu.vector_load %arg8[%get3A_187] {strides = array<i32>} : memref<256xi32, #tpu.memory_space<vmem>>, vector<16xi32>,
      %get3A_189 = arith.constant 176 : index
      %get3A_190 = tpu.vector_load %arg8[%get3A_189] {strides = array<i32>} : memref<256xi32, #tpu.memory_space<vmem>>, vector<16xi32>,
      %get3A_191 = arith.constant 192 : index
      %get3A_192 = tpu.vector_load %arg8[%get3A_191] {strides = array<i32>} : memref<256xi32, #tpu.memory_space<vmem>>, vector<16xi32>,
      %get3A_193 = arith.constant 208 : index
      %get3A_194 = tpu.vector_load %arg8[%get3A_193] {strides = array<i32>} : memref<256xi32, #tpu.memory_space<vmem>>, vector<16xi32>,
      %get3A_195 = arith.constant 224 : index
      %get3A_196 = tpu.vector_load %arg8[%get3A_195] {strides = array<i32>} : memref<256xi32, #tpu.memory_space<vmem>>, vector<16xi32>,
      %get3A_197 = arith.constant 240 : index
      %get3A_198 = tpu.vector_load %arg8[%get3A_197] {strides = array<i32>} : memref<256xi32, #tpu.memory_space<vmem>>, vector<16xi32>,
      %masked_sort3A = arith.constant dense<true> : vector<16xi1>
      %masked_sort3A_199 = arith.constant -2147483648 : i32
      %masked_sort3A_200 = vector.broadcast %masked_sort3A_199 : i32 to vector<16xi32>
      %masked_sort3A_201 = arith.xori %get3A_136, %masked_sort3A_200 : vector<16xi32>
      %masked_sort3A_202, %masked_sort3A_203, %masked_sort3A_204 = tpu.sort %masked_sort3A_201, %get3A_168 masked %masked_sort3A : (vector<16xi32>, vector<16xi32>, vector<16xi1>) -> (vector<16xi1>, vector<16xi32>, vector<16xi32>)
      %masked_sort3A_205 = arith.xori %masked_sort3A_203, %masked_sort3A_200 : vector<16xi32>
      %masked_sort3A_206 = arith.constant dense<true> : vector<16xi1>
      %masked_sort3A_207 = arith.constant -2147483648 : i32
      %masked_sort3A_208 = vector.broadcast %masked_sort3A_207 : i32 to vector<16xi32>
      %masked_sort3A_209 = arith.xori %get3A_138, %masked_sort3A_208 : vector<16xi32>
      %masked_sort3A_210, %masked_sort3A_211, %masked_sort3A_212 = tpu.sort %masked_sort3A_209, %get3A_170 masked %masked_sort3A_206 : (vector<16xi32>, vector<16xi32>, vector<16xi1>) -> (vector<16xi1>, vector<16xi32>, vector<16xi32>)
      %masked_sort3A_213 = arith.xori %masked_sort3A_211, %masked_sort3A_208 : vector<16xi32>
      %masked_sort3A_214 = arith.constant dense<true> : vector<16xi1>
      %masked_sort3A_215 = arith.constant -2147483648 : i32
      %masked_sort3A_216 = vector.broadcast %masked_sort3A_215 : i32 to vector<16xi32>
      %masked_sort3A_217 = arith.xori %get3A_140, %masked_sort3A_216 : vector<16xi32>
      %masked_sort3A_218, %masked_sort3A_219, %masked_sort3A_220 = tpu.sort %masked_sort3A_217, %get3A_172 masked %masked_sort3A_214 : (vector<16xi32>, vector<16xi32>, vector<16xi1>) -> (vector<16xi1>, vector<16xi32>, vector<16xi32>)
      %masked_sort3A_221 = arith.xori %masked_sort3A_219, %masked_sort3A_216 : vector<16xi32>
      %masked_sort3A_222 = arith.constant dense<true> : vector<16xi1>
      %masked_sort3A_223 = arith.constant -2147483648 : i32
      %masked_sort3A_224 = vector.broadcast %masked_sort3A_223 : i32 to vector<16xi32>
      %masked_sort3A_225 = arith.xori %get3A_142, %masked_sort3A_224 : vector<16xi32>
      %masked_sort3A_226, %masked_sort3A_227, %masked_sort3A_228 = tpu.sort %masked_sort3A_225, %get3A_174 masked %masked_sort3A_222 : (vector<16xi32>, vector<16xi32>, vector<16xi1>) -> (vector<16xi1>, vector<16xi32>, vector<16xi32>)
      %masked_sort3A_229 = arith.xori %masked_sort3A_227, %masked_sort3A_224 : vector<16xi32>
      %masked_sort3A_230 = arith.constant dense<true> : vector<16xi1>
      %masked_sort3A_231 = arith.constant -2147483648 : i32
      %masked_sort3A_232 = vector.broadcast %masked_sort3A_231 : i32 to vector<16xi32>
      %masked_sort3A_233 = arith.xori %get3A_144, %masked_sort3A_232 : vector<16xi32>
      %masked_sort3A_234, %masked_sort3A_235, %masked_sort3A_236 = tpu.sort %masked_sort3A_233, %get3A_176 masked %masked_sort3A_230 : (vector<16xi32>, vector<16xi32>, vector<16xi1>) -> (vector<16xi1>, vector<16xi32>, vector<16xi32>)
      %masked_sort3A_237 = arith.xori %masked_sort3A_235, %masked_sort3A_232 : vector<16xi32>
      %masked_sort3A_238 = arith.constant dense<true> : vector<16xi1>
      %masked_sort3A_239 = arith.constant -2147483648 : i32
      %masked_sort3A_240 = vector.broadcast %masked_sort3A_239 : i32 to vector<16xi32>
      %masked_sort3A_241 = arith.xori %get3A_146, %masked_sort3A_240 : vector<16xi32>
      %masked_sort3A_242, %masked_sort3A_243, %masked_sort3A_244 = tpu.sort %masked_sort3A_241, %get3A_178 masked %masked_sort3A_238 : (vector<16xi32>, vector<16xi32>, vector<16xi1>) -> (vector<16xi1>, vector<16xi32>, vector<16xi32>)
      %masked_sort3A_245 = arith.xori %masked_sort3A_243, %masked_sort3A_240 : vector<16xi32>
      %masked_sort3A_246 = arith.constant dense<true> : vector<16xi1>
      %masked_sort3A_247 = arith.constant -2147483648 : i32
      %masked_sort3A_248 = vector.broadcast %masked_sort3A_247 : i32 to vector<16xi32>
      %masked_sort3A_249 = arith.xori %get3A_148, %masked_sort3A_248 : vector<16xi32>
      %masked_sort3A_250, %masked_sort3A_251, %masked_sort3A_252 = tpu.sort %masked_sort3A_249, %get3A_180 masked %masked_sort3A_246 : (vector<16xi32>, vector<16xi32>, vector<16xi1>) -> (vector<16xi1>, vector<16xi32>, vector<16xi32>)
      %masked_sort3A_253 = arith.xori %masked_sort3A_251, %masked_sort3A_248 : vector<16xi32>
      %masked_sort3A_254 = arith.constant dense<true> : vector<16xi1>
      %masked_sort3A_255 = arith.constant -2147483648 : i32
      %masked_sort3A_256 = vector.broadcast %masked_sort3A_255 : i32 to vector<16xi32>
      %masked_sort3A_257 = arith.xori %get3A_150, %masked_sort3A_256 : vector<16xi32>
      %masked_sort3A_258, %masked_sort3A_259, %masked_sort3A_260 = tpu.sort %masked_sort3A_257, %get3A_182 masked %masked_sort3A_254 : (vector<16xi32>, vector<16xi32>, vector<16xi1>) -> (vector<16xi1>, vector<16xi32>, vector<16xi32>)
      %masked_sort3A_261 = arith.xori %masked_sort3A_259, %masked_sort3A_256 : vector<16xi32>
      %masked_sort3A_262 = arith.constant dense<true> : vector<16xi1>
      %masked_sort3A_263 = arith.constant -2147483648 : i32
      %masked_sort3A_264 = vector.broadcast %masked_sort3A_263 : i32 to vector<16xi32>
      %masked_sort3A_265 = arith.xori %get3A_152, %masked_sort3A_264 : vector<16xi32>
      %masked_sort3A_266, %masked_sort3A_267, %masked_sort3A_268 = tpu.sort %masked_sort3A_265, %get3A_184 masked %masked_sort3A_262 : (vector<16xi32>, vector<16xi32>, vector<16xi1>) -> (vector<16xi1>, vector<16xi32>, vector<16xi32>)
      %masked_sort3A_269 = arith.xori %masked_sort3A_267, %masked_sort3A_264 : vector<16xi32>
      %masked_sort3A_270 = arith.constant dense<true> : vector<16xi1>
      %masked_sort3A_271 = arith.constant -2147483648 : i32
      %masked_sort3A_272 = vector.broadcast %masked_sort3A_271 : i32 to vector<16xi32>
      %masked_sort3A_273 = arith.xori %get3A_154, %masked_sort3A_272 : vector<16xi32>
      %masked_sort3A_274, %masked_sort3A_275, %masked_sort3A_276 = tpu.sort %masked_sort3A_273, %get3A_186 masked %masked_sort3A_270 : (vector<16xi32>, vector<16xi32>, vector<16xi1>) -> (vector<16xi1>, vector<16xi32>, vector<16xi32>)
      %masked_sort3A_277 = arith.xori %masked_sort3A_275, %masked_sort3A_272 : vector<16xi32>
      %masked_sort3A_278 = arith.constant dense<true> : vector<16xi1>
      %masked_sort3A_279 = arith.constant -2147483648 : i32
      %masked_sort3A_280 = vector.broadcast %masked_sort3A_279 : i32 to vector<16xi32>
      %masked_sort3A_281 = arith.xori %get3A_156, %masked_sort3A_280 : vector<16xi32>
      %masked_sort3A_282, %masked_sort3A_283, %masked_sort3A_284 = tpu.sort %masked_sort3A_281, %get3A_188 masked %masked_sort3A_278 : (vector<16xi32>, vector<16xi32>, vector<16xi1>) -> (vector<16xi1>, vector<16xi32>, vector<16xi32>)
      %masked_sort3A_285 = arith.xori %masked_sort3A_283, %masked_sort3A_280 : vector<16xi32>
      %masked_sort3A_286 = arith.constant dense<true> : vector<16xi1>
      %masked_sort3A_287 = arith.constant -2147483648 : i32
      %masked_sort3A_288 = vector.broadcast %masked_sort3A_287 : i32 to vector<16xi32>
      %masked_sort3A_289 = arith.xori %get3A_158, %masked_sort3A_288 : vector<16xi32>
      %masked_sort3A_290, %masked_sort3A_291, %masked_sort3A_292 = tpu.sort %masked_sort3A_289, %get3A_190 masked %masked_sort3A_286 : (vector<16xi32>, vector<16xi32>, vector<16xi1>) -> (vector<16xi1>, vector<16xi32>, vector<16xi32>)
      %masked_sort3A_293 = arith.xori %masked_sort3A_291, %masked_sort3A_288 : vector<16xi32>
      %masked_sort3A_294 = arith.constant dense<true> : vector<16xi1>
      %masked_sort3A_295 = arith.constant -2147483648 : i32
      %masked_sort3A_296 = vector.broadcast %masked_sort3A_295 : i32 to vector<16xi32>
      %masked_sort3A_297 = arith.xori %get3A_160, %masked_sort3A_296 : vector<16xi32>
      %masked_sort3A_298, %masked_sort3A_299, %masked_sort3A_300 = tpu.sort %masked_sort3A_297, %get3A_192 masked %masked_sort3A_294 : (vector<16xi32>, vector<16xi32>, vector<16xi1>) -> (vector<16xi1>, vector<16xi32>, vector<16xi32>)
      %masked_sort3A_301 = arith.xori %masked_sort3A_299, %masked_sort3A_296 : vector<16xi32>
      %masked_sort3A_302 = arith.constant dense<true> : vector<16xi1>
      %masked_sort3A_303 = arith.constant -2147483648 : i32
      %masked_sort3A_304 = vector.broadcast %masked_sort3A_303 : i32 to vector<16xi32>
      %masked_sort3A_305 = arith.xori %get3A_162, %masked_sort3A_304 : vector<16xi32>
      %masked_sort3A_306, %masked_sort3A_307, %masked_sort3A_308 = tpu.sort %masked_sort3A_305, %get3A_194 masked %masked_sort3A_302 : (vector<16xi32>, vector<16xi32>, vector<16xi1>) -> (vector<16xi1>, vector<16xi32>, vector<16xi32>)
      %masked_sort3A_309 = arith.xori %masked_sort3A_307, %masked_sort3A_304 : vector<16xi32>
      %masked_sort3A_310 = arith.constant dense<true> : vector<16xi1>
      %masked_sort3A_311 = arith.constant -2147483648 : i32
      %masked_sort3A_312 = vector.broadcast %masked_sort3A_311 : i32 to vector<16xi32>
      %masked_sort3A_313 = arith.xori %get3A_164, %masked_sort3A_312 : vector<16xi32>
      %masked_sort3A_314, %masked_sort3A_315, %masked_sort3A_316 = tpu.sort %masked_sort3A_313, %get3A_196 masked %masked_sort3A_310 : (vector<16xi32>, vector<16xi32>, vector<16xi1>) -> (vector<16xi1>, vector<16xi32>, vector<16xi32>)
      %masked_sort3A_317 = arith.xori %masked_sort3A_315, %masked_sort3A_312 : vector<16xi32>
      %masked_sort3A_318 = arith.constant dense<true> : vector<16xi1>
      %masked_sort3A_319 = arith.constant -2147483648 : i32
      %masked_sort3A_320 = vector.broadcast %masked_sort3A_319 : i32 to vector<16xi32>
      %masked_sort3A_321 = arith.xori %get3A_166, %masked_sort3A_320 : vector<16xi32>
      %masked_sort3A_322, %masked_sort3A_323, %masked_sort3A_324 = tpu.sort %masked_sort3A_321, %get3A_198 masked %masked_sort3A_318 : (vector<16xi32>, vector<16xi32>, vector<16xi1>) -> (vector<16xi1>, vector<16xi32>, vector<16xi32>)
      %masked_sort3A_325 = arith.xori %masked_sort3A_323, %masked_sort3A_320 : vector<16xi32>
      %rev3A = arith.constant 15 : i32
      %rev3A_326 = vector.broadcast %rev3A : i32 to vector<16xi32>
      %rev3A_327 = tpu.iota {dimensions = array<i32: 0>} : vector<16xi32>
      %rev3A_328 = arith.subi %rev3A_326, %rev3A_327 : vector<16xi32>
      %rev3A_329 = tpu.dynamic_gather %masked_sort3A_213[%rev3A_328] in [0] : vector<16xi32>, vector<16xi32> -> vector<16xi32>
      %rev3A_330 = arith.constant 15 : i32
      %rev3A_331 = vector.broadcast %rev3A_330 : i32 to vector<16xi32>
      %rev3A_332 = tpu.iota {dimensions = array<i32: 0>} : vector<16xi32>
      %rev3A_333 = arith.subi %rev3A_331, %rev3A_332 : vector<16xi32>
      %rev3A_334 = tpu.dynamic_gather %masked_sort3A_212[%rev3A_333] in [0] : vector<16xi32>, vector<16xi32> -> vector<16xi32>
      %le3A = arith.cmpi sle, %masked_sort3A_205, %rev3A_329 : vector<16xi32>
      %select_n3A = arith.select %le3A, %masked_sort3A_205, %rev3A_329 : vector<16xi1>, vector<16xi32>
      %select_n3A_335 = arith.select %le3A, %rev3A_329, %masked_sort3A_205 : vector<16xi1>, vector<16xi32>
      %select_n3A_336 = arith.select %le3A, %masked_sort3A_204, %rev3A_334 : vector<16xi1>, vector<16xi32>
      %select_n3A_337 = arith.select %le3A, %rev3A_334, %masked_sort3A_204 : vector<16xi1>, vector<16xi32>
      %masked_sort3A_338 = arith.constant dense<true> : vector<16xi1>
      %masked_sort3A_339 = arith.constant -2147483648 : i32
      %masked_sort3A_340 = vector.broadcast %masked_sort3A_339 : i32 to vector<16xi32>
      %masked_sort3A_341 = arith.xori %select_n3A, %masked_sort3A_340 : vector<16xi32>
      %masked_sort3A_342, %masked_sort3A_343, %masked_sort3A_344 = tpu.sort %masked_sort3A_341, %select_n3A_336 masked %masked_sort3A_338 : (vector<16xi32>, vector<16xi32>, vector<16xi1>) -> (vector<16xi1>, vector<16xi32>, vector<16xi32>)
      %masked_sort3A_345 = arith.xori %masked_sort3A_343, %masked_sort3A_340 : vector<16xi32>
      %masked_sort3A_346 = arith.constant dense<true> : vector<16xi1>
      %masked_sort3A_347 = arith.constant -2147483648 : i32
      %masked_sort3A_348 = vector.broadcast %masked_sort3A_347 : i32 to vector<16xi32>
      %masked_sort3A_349 = arith.xori %select_n3A_335, %masked_sort3A_348 : vector<16xi32>
      %masked_sort3A_350, %masked_sort3A_351, %masked_sort3A_352 = tpu.sort %masked_sort3A_349, %select_n3A_337 masked %masked_sort3A_346 : (vector<16xi32>, vector<16xi32>, vector<16xi1>) -> (vector<16xi1>, vector<16xi32>, vector<16xi32>)
      %masked_sort3A_353 = arith.xori %masked_sort3A_351, %masked_sort3A_348 : vector<16xi32>
      %rev3A_354 = arith.constant 15 : i32
      %rev3A_355 = vector.broadcast %rev3A_354 : i32 to vector<16xi32>
      %rev3A_356 = tpu.iota {dimensions = array<i32: 0>} : vector<16xi32>
      %rev3A_357 = arith.subi %rev3A_355, %rev3A_356 : vector<16xi32>
      %rev3A_358 = tpu.dynamic_gather %masked_sort3A_229[%rev3A_357] in [0] : vector<16xi32>, vector<16xi32> -> vector<16xi32>
      %rev3A_359 = arith.constant 15 : i32
      %rev3A_360 = vector.broadcast %rev3A_359 : i32 to vector<16xi32>
      %rev3A_361 = tpu.iota {dimensions = array<i32: 0>} : vector<16xi32>
      %rev3A_362 = arith.subi %rev3A_360, %rev3A_361 : vector<16xi32>
      %rev3A_363 = tpu.dynamic_gather %masked_sort3A_228[%rev3A_362] in [0] : vector<16xi32>, vector<16xi32> -> vector<16xi32>
      %le3A_364 = arith.cmpi sle, %masked_sort3A_221, %rev3A_358 : vector<16xi32>
      %select_n3A_365 = arith.select %le3A_364, %masked_sort3A_221, %rev3A_358 : vector<16xi1>, vector<16xi32>
      %select_n3A_366 = arith.select %le3A_364, %rev3A_358, %masked_sort3A_221 : vector<16xi1>, vector<16xi32>
      %select_n3A_367 = arith.select %le3A_364, %masked_sort3A_220, %rev3A_363 : vector<16xi1>, vector<16xi32>
      %select_n3A_368 = arith.select %le3A_364, %rev3A_363, %masked_sort3A_220 : vector<16xi1>, vector<16xi32>
      %masked_sort3A_369 = arith.constant dense<true> : vector<16xi1>
      %masked_sort3A_370 = arith.constant -2147483648 : i32
      %masked_sort3A_371 = vector.broadcast %masked_sort3A_370 : i32 to vector<16xi32>
      %masked_sort3A_372 = arith.xori %select_n3A_365, %masked_sort3A_371 : vector<16xi32>
      %masked_sort3A_373, %masked_sort3A_374, %masked_sort3A_375 = tpu.sort %masked_sort3A_372, %select_n3A_367 masked %masked_sort3A_369 : (vector<16xi32>, vector<16xi32>, vector<16xi1>) -> (vector<16xi1>, vector<16xi32>, vector<16xi32>)
      %masked_sort3A_376 = arith.xori %masked_sort3A_374, %masked_sort3A_371 : vector<16xi32>
      %masked_sort3A_377 = arith.constant dense<true> : vector<16xi1>
      %masked_sort3A_378 = arith.constant -2147483648 : i32
      %masked_sort3A_379 = vector.broadcast %masked_sort3A_378 : i32 to vector<16xi32>
      %masked_sort3A_380 = arith.xori %select_n3A_366, %masked_sort3A_379 : vector<16xi32>
      %masked_sort3A_381, %masked_sort3A_382, %masked_sort3A_383 = tpu.sort %masked_sort3A_380, %select_n3A_368 masked %masked_sort3A_377 : (vector<16xi32>, vector<16xi32>, vector<16xi1>) -> (vector<16xi1>, vector<16xi32>, vector<16xi32>)
      %masked_sort3A_384 = arith.xori %masked_sort3A_382, %masked_sort3A_379 : vector<16xi32>
      %rev3A_385 = arith.constant 15 : i32
      %rev3A_386 = vector.broadcast %rev3A_385 : i32 to vector<16xi32>
      %rev3A_387 = tpu.iota {dimensions = array<i32: 0>} : vector<16xi32>
      %rev3A_388 = arith.subi %rev3A_386, %rev3A_387 : vector<16xi32>
      %rev3A_389 = tpu.dynamic_gather %masked_sort3A_245[%rev3A_388] in [0] : vector<16xi32>, vector<16xi32> -> vector<16xi32>
      %rev3A_390 = arith.constant 15 : i32
      %rev3A_391 = vector.broadcast %rev3A_390 : i32 to vector<16xi32>
      %rev3A_392 = tpu.iota {dimensions = array<i32: 0>} : vector<16xi32>
      %rev3A_393 = arith.subi %rev3A_391, %rev3A_392 : vector<16xi32>
      %rev3A_394 = tpu.dynamic_gather %masked_sort3A_244[%rev3A_393] in [0] : vector<16xi32>, vector<16xi32> -> vector<16xi32>
      %le3A_395 = arith.cmpi sle, %masked_sort3A_237, %rev3A_389 : vector<16xi32>
      %select_n3A_396 = arith.select %le3A_395, %masked_sort3A_237, %rev3A_389 : vector<16xi1>, vector<16xi32>
      %select_n3A_397 = arith.select %le3A_395, %rev3A_389, %masked_sort3A_237 : vector<16xi1>, vector<16xi32>
      %select_n3A_398 = arith.select %le3A_395, %masked_sort3A_236, %rev3A_394 : vector<16xi1>, vector<16xi32>
      %select_n3A_399 = arith.select %le3A_395, %rev3A_394, %masked_sort3A_236 : vector<16xi1>, vector<16xi32>
      %masked_sort3A_400 = arith.constant dense<true> : vector<16xi1>
      %masked_sort3A_401 = arith.constant -2147483648 : i32
      %masked_sort3A_402 = vector.broadcast %masked_sort3A_401 : i32 to vector<16xi32>
      %masked_sort3A_403 = arith.xori %select_n3A_396, %masked_sort3A_402 : vector<16xi32>
      %masked_sort3A_404, %masked_sort3A_405, %masked_sort3A_406 = tpu.sort %masked_sort3A_403, %select_n3A_398 masked %masked_sort3A_400 : (vector<16xi32>, vector<16xi32>, vector<16xi1>) -> (vector<16xi1>, vector<16xi32>, vector<16xi32>)
      %masked_sort3A_407 = arith.xori %masked_sort3A_405, %masked_sort3A_402 : vector<16xi32>
      %masked_sort3A_408 = arith.constant dense<true> : vector<16xi1>
      %masked_sort3A_409 = arith.constant -2147483648 : i32
      %masked_sort3A_410 = vector.broadcast %masked_sort3A_409 : i32 to vector<16xi32>
      %masked_sort3A_411 = arith.xori %select_n3A_397, %masked_sort3A_410 : vector<16xi32>
      %masked_sort3A_412, %masked_sort3A_413, %masked_sort3A_414 = tpu.sort %masked_sort3A_411, %select_n3A_399 masked %masked_sort3A_408 : (vector<16xi32>, vector<16xi32>, vector<16xi1>) -> (vector<16xi1>, vector<16xi32>, vector<16xi32>)
      %masked_sort3A_415 = arith.xori %masked_sort3A_413, %masked_sort3A_410 : vector<16xi32>
      %rev3A_416 = arith.constant 15 : i32
      %rev3A_417 = vector.broadcast %rev3A_416 : i32 to vector<16xi32>
      %rev3A_418 = tpu.iota {dimensions = array<i32: 0>} : vector<16xi32>
      %rev3A_419 = arith.subi %rev3A_417, %rev3A_418 : vector<16xi32>
      %rev3A_420 = tpu.dynamic_gather %masked_sort3A_261[%rev3A_419] in [0] : vector<16xi32>, vector<16xi32> -> vector<16xi32>
      %rev3A_421 = arith.constant 15 : i32
      %rev3A_422 = vector.broadcast %rev3A_421 : i32 to vector<16xi32>
      %rev3A_423 = tpu.iota {dimensions = array<i32: 0>} : vector<16xi32>
      %rev3A_424 = arith.subi %rev3A_422, %rev3A_423 : vector<16xi32>
      %rev3A_425 = tpu.dynamic_gather %masked_sort3A_260[%rev3A_424] in [0] : vector<16xi32>, vector<16xi32> -> vector<16xi32>
      %le3A_426 = arith.cmpi sle, %masked_sort3A_253, %rev3A_420 : vector<16xi32>
      %select_n3A_427 = arith.select %le3A_426, %masked_sort3A_253, %rev3A_420 : vector<16xi1>, vector<16xi32>
      %select_n3A_428 = arith.select %le3A_426, %rev3A_420, %masked_sort3A_253 : vector<16xi1>, vector<16xi32>
      %select_n3A_429 = arith.select %le3A_426, %masked_sort3A_252, %rev3A_425 : vector<16xi1>, vector<16xi32>
      %select_n3A_430 = arith.select %le3A_426, %rev3A_425, %masked_sort3A_252 : vector<16xi1>, vector<16xi32>
      %masked_sort3A_431 = arith.constant dense<true> : vector<16xi1>
      %masked_sort3A_432 = arith.constant -2147483648 : i32
      %masked_sort3A_433 = vector.broadcast %masked_sort3A_432 : i32 to vector<16xi32>
      %masked_sort3A_434 = arith.xori %select_n3A_427, %masked_sort3A_433 : vector<16xi32>
      %masked_sort3A_435, %masked_sort3A_436, %masked_sort3A_437 = tpu.sort %masked_sort3A_434, %select_n3A_429 masked %masked_sort3A_431 : (vector<16xi32>, vector<16xi32>, vector<16xi1>) -> (vector<16xi1>, vector<16xi32>, vector<16xi32>)
      %masked_sort3A_438 = arith.xori %masked_sort3A_436, %masked_sort3A_433 : vector<16xi32>
      %masked_sort3A_439 = arith.constant dense<true> : vector<16xi1>
      %masked_sort3A_440 = arith.constant -2147483648 : i32
      %masked_sort3A_441 = vector.broadcast %masked_sort3A_440 : i32 to vector<16xi32>
      %masked_sort3A_442 = arith.xori %select_n3A_428, %masked_sort3A_441 : vector<16xi32>
      %masked_sort3A_443, %masked_sort3A_444, %masked_sort3A_445 = tpu.sort %masked_sort3A_442, %select_n3A_430 masked %masked_sort3A_439 : (vector<16xi32>, vector<16xi32>, vector<16xi1>) -> (vector<16xi1>, vector<16xi32>, vector<16xi32>)
      %masked_sort3A_446 = arith.xori %masked_sort3A_444, %masked_sort3A_441 : vector<16xi32>
      %rev3A_447 = arith.constant 15 : i32
      %rev3A_448 = vector.broadcast %rev3A_447 : i32 to vector<16xi32>
      %rev3A_449 = tpu.iota {dimensions = array<i32: 0>} : vector<16xi32>
      %rev3A_450 = arith.subi %rev3A_448, %rev3A_449 : vector<16xi32>
      %rev3A_451 = tpu.dynamic_gather %masked_sort3A_277[%rev3A_450] in [0] : vector<16xi32>, vector<16xi32> -> vector<16xi32>
      %rev3A_452 = arith.constant 15 : i32
      %rev3A_453 = vector.broadcast %rev3A_452 : i32 to vector<16xi32>
      %rev3A_454 = tpu.iota {dimensions = array<i32: 0>} : vector<16xi32>
      %rev3A_455 = arith.subi %rev3A_453, %rev3A_454 : vector<16xi32>
      %rev3A_456 = tpu.dynamic_gather %masked_sort3A_276[%rev3A_455] in [0] : vector<16xi32>, vector<16xi32> -> vector<16xi32>
      %le3A_457 = arith.cmpi sle, %masked_sort3A_269, %rev3A_451 : vector<16xi32>
      %select_n3A_458 = arith.select %le3A_457, %masked_sort3A_269, %rev3A_451 : vector<16xi1>, vector<16xi32>
      %select_n3A_459 = arith.select %le3A_457, %rev3A_451, %masked_sort3A_269 : vector<16xi1>, vector<16xi32>
      %select_n3A_460 = arith.select %le3A_457, %masked_sort3A_268, %rev3A_456 : vector<16xi1>, vector<16xi32>
      %select_n3A_461 = arith.select %le3A_457, %rev3A_456, %masked_sort3A_268 : vector<16xi1>, vector<16xi32>
      %masked_sort3A_462 = arith.constant dense<true> : vector<16xi1>
      %masked_sort3A_463 = arith.constant -2147483648 : i32
      %masked_sort3A_464 = vector.broadcast %masked_sort3A_463 : i32 to vector<16xi32>
      %masked_sort3A_465 = arith.xori %select_n3A_458, %masked_sort3A_464 : vector<16xi32>
      %masked_sort3A_466, %masked_sort3A_467, %masked_sort3A_468 = tpu.sort %masked_sort3A_465, %select_n3A_460 masked %masked_sort3A_462 : (vector<16xi32>, vector<16xi32>, vector<16xi1>) -> (vector<16xi1>, vector<16xi32>, vector<16xi32>)
      %masked_sort3A_469 = arith.xori %masked_sort3A_467, %masked_sort3A_464 : vector<16xi32>
      %masked_sort3A_470 = arith.constant dense<true> : vector<16xi1>
      %masked_sort3A_471 = arith.constant -2147483648 : i32
      %masked_sort3A_472 = vector.broadcast %masked_sort3A_471 : i32 to vector<16xi32>
      %masked_sort3A_473 = arith.xori %select_n3A_459, %masked_sort3A_472 : vector<16xi32>
      %masked_sort3A_474, %masked_sort3A_475, %masked_sort3A_476 = tpu.sort %masked_sort3A_473, %select_n3A_461 masked %masked_sort3A_470 : (vector<16xi32>, vector<16xi32>, vector<16xi1>) -> (vector<16xi1>, vector<16xi32>, vector<16xi32>)
      %masked_sort3A_477 = arith.xori %masked_sort3A_475, %masked_sort3A_472 : vector<16xi32>
      %rev3A_478 = arith.constant 15 : i32
      %rev3A_479 = vector.broadcast %rev3A_478 : i32 to vector<16xi32>
      %rev3A_480 = tpu.iota {dimensions = array<i32: 0>} : vector<16xi32>
      %rev3A_481 = arith.subi %rev3A_479, %rev3A_480 : vector<16xi32>
      %rev3A_482 = tpu.dynamic_gather %masked_sort3A_293[%rev3A_481] in [0] : vector<16xi32>, vector<16xi32> -> vector<16xi32>
      %rev3A_483 = arith.constant 15 : i32
      %rev3A_484 = vector.broadcast %rev3A_483 : i32 to vector<16xi32>
      %rev3A_485 = tpu.iota {dimensions = array<i32: 0>} : vector<16xi32>
      %rev3A_486 = arith.subi %rev3A_484, %rev3A_485 : vector<16xi32>
      %rev3A_487 = tpu.dynamic_gather %masked_sort3A_292[%rev3A_486] in [0] : vector<16xi32>, vector<16xi32> -> vector<16xi32>
      %le3A_488 = arith.cmpi sle, %masked_sort3A_285, %rev3A_482 : vector<16xi32>
      %select_n3A_489 = arith.select %le3A_488, %masked_sort3A_285, %rev3A_482 : vector<16xi1>, vector<16xi32>
      %select_n3A_490 = arith.select %le3A_488, %rev3A_482, %masked_sort3A_285 : vector<16xi1>, vector<16xi32>
      %select_n3A_491 = arith.select %le3A_488, %masked_sort3A_284, %rev3A_487 : vector<16xi1>, vector<16xi32>
      %select_n3A_492 = arith.select %le3A_488, %rev3A_487, %masked_sort3A_284 : vector<16xi1>, vector<16xi32>
      %masked_sort3A_493 = arith.constant dense<true> : vector<16xi1>
      %masked_sort3A_494 = arith.constant -2147483648 : i32
      %masked_sort3A_495 = vector.broadcast %masked_sort3A_494 : i32 to vector<16xi32>
      %masked_sort3A_496 = arith.xori %select_n3A_489, %masked_sort3A_495 : vector<16xi32>
      %masked_sort3A_497, %masked_sort3A_498, %masked_sort3A_499 = tpu.sort %masked_sort3A_496, %select_n3A_491 masked %masked_sort3A_493 : (vector<16xi32>, vector<16xi32>, vector<16xi1>) -> (vector<16xi1>, vector<16xi32>, vector<16xi32>)
      %masked_sort3A_500 = arith.xori %masked_sort3A_498, %masked_sort3A_495 : vector<16xi32>
      %masked_sort3A_501 = arith.constant dense<true> : vector<16xi1>
      %masked_sort3A_502 = arith.constant -2147483648 : i32
      %masked_sort3A_503 = vector.broadcast %masked_sort3A_502 : i32 to vector<16xi32>
      %masked_sort3A_504 = arith.xori %select_n3A_490, %masked_sort3A_503 : vector<16xi32>
      %masked_sort3A_505, %masked_sort3A_506, %masked_sort3A_507 = tpu.sort %masked_sort3A_504, %select_n3A_492 masked %masked_sort3A_501 : (vector<16xi32>, vector<16xi32>, vector<16xi1>) -> (vector<16xi1>, vector<16xi32>, vector<16xi32>)
      %masked_sort3A_508 = arith.xori %masked_sort3A_506, %masked_sort3A_503 : vector<16xi32>
      %rev3A_509 = arith.constant 15 : i32
      %rev3A_510 = vector.broadcast %rev3A_509 : i32 to vector<16xi32>
      %rev3A_511 = tpu.iota {dimensions = array<i32: 0>} : vector<16xi32>
      %rev3A_512 = arith.subi %rev3A_510, %rev3A_511 : vector<16xi32>
      %rev3A_513 = tpu.dynamic_gather %masked_sort3A_309[%rev3A_512] in [0] : vector<16xi32>, vector<16xi32> -> vector<16xi32>
      %rev3A_514 = arith.constant 15 : i32
      %rev3A_515 = vector.broadcast %rev3A_514 : i32 to vector<16xi32>
      %rev3A_516 = tpu.iota {dimensions = array<i32: 0>} : vector<16xi32>
      %rev3A_517 = arith.subi %rev3A_515, %rev3A_516 : vector<16xi32>
      %rev3A_518 = tpu.dynamic_gather %masked_sort3A_308[%rev3A_517] in [0] : vector<16xi32>, vector<16xi32> -> vector<16xi32>
      %le3A_519 = arith.cmpi sle, %masked_sort3A_301, %rev3A_513 : vector<16xi32>
      %select_n3A_520 = arith.select %le3A_519, %masked_sort3A_301, %rev3A_513 : vector<16xi1>, vector<16xi32>
      %select_n3A_521 = arith.select %le3A_519, %rev3A_513, %masked_sort3A_301 : vector<16xi1>, vector<16xi32>
      %select_n3A_522 = arith.select %le3A_519, %masked_sort3A_300, %rev3A_518 : vector<16xi1>, vector<16xi32>
      %select_n3A_523 = arith.select %le3A_519, %rev3A_518, %masked_sort3A_300 : vector<16xi1>, vector<16xi32>
      %masked_sort3A_524 = arith.constant dense<true> : vector<16xi1>
      %masked_sort3A_525 = arith.constant -2147483648 : i32
      %masked_sort3A_526 = vector.broadcast %masked_sort3A_525 : i32 to vector<16xi32>
      %masked_sort3A_527 = arith.xori %select_n3A_520, %masked_sort3A_526 : vector<16xi32>
      %masked_sort3A_528, %masked_sort3A_529, %masked_sort3A_530 = tpu.sort %masked_sort3A_527, %select_n3A_522 masked %masked_sort3A_524 : (vector<16xi32>, vector<16xi32>, vector<16xi1>) -> (vector<16xi1>, vector<16xi32>, vector<16xi32>)
      %masked_sort3A_531 = arith.xori %masked_sort3A_529, %masked_sort3A_526 : vector<16xi32>
      %masked_sort3A_532 = arith.constant dense<true> : vector<16xi1>
      %masked_sort3A_533 = arith.constant -2147483648 : i32
      %masked_sort3A_534 = vector.broadcast %masked_sort3A_533 : i32 to vector<16xi32>
      %masked_sort3A_535 = arith.xori %select_n3A_521, %masked_sort3A_534 : vector<16xi32>
      %masked_sort3A_536, %masked_sort3A_537, %masked_sort3A_538 = tpu.sort %masked_sort3A_535, %select_n3A_523 masked %masked_sort3A_532 : (vector<16xi32>, vector<16xi32>, vector<16xi1>) -> (vector<16xi1>, vector<16xi32>, vector<16xi32>)
      %masked_sort3A_539 = arith.xori %masked_sort3A_537, %masked_sort3A_534 : vector<16xi32>
      %rev3A_540 = arith.constant 15 : i32
      %rev3A_541 = vector.broadcast %rev3A_540 : i32 to vector<16xi32>
      %rev3A_542 = tpu.iota {dimensions = array<i32: 0>} : vector<16xi32>
      %rev3A_543 = arith.subi %rev3A_541, %rev3A_542 : vector<16xi32>
      %rev3A_544 = tpu.dynamic_gather %masked_sort3A_325[%rev3A_543] in [0] : vector<16xi32>, vector<16xi32> -> vector<16xi32>
      %rev3A_545 = arith.constant 15 : i32
      %rev3A_546 = vector.broadcast %rev3A_545 : i32 to vector<16xi32>
      %rev3A_547 = tpu.iota {dimensions = array<i32: 0>} : vector<16xi32>
      %rev3A_548 = arith.subi %rev3A_546, %rev3A_547 : vector<16xi32>
      %rev3A_549 = tpu.dynamic_gather %masked_sort3A_324[%rev3A_548] in [0] : vector<16xi32>, vector<16xi32> -> vector<16xi32>
      %le3A_550 = arith.cmpi sle, %masked_sort3A_317, %rev3A_544 : vector<16xi32>
      %select_n3A_551 = arith.select %le3A_550, %masked_sort3A_317, %rev3A_544 : vector<16xi1>, vector<16xi32>
      %select_n3A_552 = arith.select %le3A_550, %rev3A_544, %masked_sort3A_317 : vector<16xi1>, vector<16xi32>
      %select_n3A_553 = arith.select %le3A_550, %masked_sort3A_316, %rev3A_549 : vector<16xi1>, vector<16xi32>
      %select_n3A_554 = arith.select %le3A_550, %rev3A_549, %masked_sort3A_316 : vector<16xi1>, vector<16xi32>
      %masked_sort3A_555 = arith.constant dense<true> : vector<16xi1>
      %masked_sort3A_556 = arith.constant -2147483648 : i32
      %masked_sort3A_557 = vector.broadcast %masked_sort3A_556 : i32 to vector<16xi32>
      %masked_sort3A_558 = arith.xori %select_n3A_551, %masked_sort3A_557 : vector<16xi32>
      %masked_sort3A_559, %masked_sort3A_560, %masked_sort3A_561 = tpu.sort %masked_sort3A_558, %select_n3A_553 masked %masked_sort3A_555 : (vector<16xi32>, vector<16xi32>, vector<16xi1>) -> (vector<16xi1>, vector<16xi32>, vector<16xi32>)
      %masked_sort3A_562 = arith.xori %masked_sort3A_560, %masked_sort3A_557 : vector<16xi32>
      %masked_sort3A_563 = arith.constant dense<true> : vector<16xi1>
      %masked_sort3A_564 = arith.constant -2147483648 : i32
      %masked_sort3A_565 = vector.broadcast %masked_sort3A_564 : i32 to vector<16xi32>
      %masked_sort3A_566 = arith.xori %select_n3A_552, %masked_sort3A_565 : vector<16xi32>
      %masked_sort3A_567, %masked_sort3A_568, %masked_sort3A_569 = tpu.sort %masked_sort3A_566, %select_n3A_554 masked %masked_sort3A_563 : (vector<16xi32>, vector<16xi32>, vector<16xi1>) -> (vector<16xi1>, vector<16xi32>, vector<16xi32>)
      %masked_sort3A_570 = arith.xori %masked_sort3A_568, %masked_sort3A_565 : vector<16xi32>
      %rev3A_571 = arith.constant 15 : i32
      %rev3A_572 = vector.broadcast %rev3A_571 : i32 to vector<16xi32>
      %rev3A_573 = tpu.iota {dimensions = array<i32: 0>} : vector<16xi32>
      %rev3A_574 = arith.subi %rev3A_572, %rev3A_573 : vector<16xi32>
      %rev3A_575 = tpu.dynamic_gather %masked_sort3A_384[%rev3A_574] in [0] : vector<16xi32>, vector<16xi32> -> vector<16xi32>
      %rev3A_576 = arith.constant 15 : i32
      %rev3A_577 = vector.broadcast %rev3A_576 : i32 to vector<16xi32>
      %rev3A_578 = tpu.iota {dimensions = array<i32: 0>} : vector<16xi32>
      %rev3A_579 = arith.subi %rev3A_577, %rev3A_578 : vector<16xi32>
      %rev3A_580 = tpu.dynamic_gather %masked_sort3A_376[%rev3A_579] in [0] : vector<16xi32>, vector<16xi32> -> vector<16xi32>
      %rev3A_581 = arith.constant 15 : i32
      %rev3A_582 = vector.broadcast %rev3A_581 : i32 to vector<16xi32>
      %rev3A_583 = tpu.iota {dimensions = array<i32: 0>} : vector<16xi32>
      %rev3A_584 = arith.subi %rev3A_582, %rev3A_583 : vector<16xi32>
      %rev3A_585 = tpu.dynamic_gather %masked_sort3A_383[%rev3A_584] in [0] : vector<16xi32>, vector<16xi32> -> vector<16xi32>
      %rev3A_586 = arith.constant 15 : i32
      %rev3A_587 = vector.broadcast %rev3A_586 : i32 to vector<16xi32>
      %rev3A_588 = tpu.iota {dimensions = array<i32: 0>} : vector<16xi32>
      %rev3A_589 = arith.subi %rev3A_587, %rev3A_588 : vector<16xi32>
      %rev3A_590 = tpu.dynamic_gather %masked_sort3A_375[%rev3A_589] in [0] : vector<16xi32>, vector<16xi32> -> vector<16xi32>
      %le3A_591 = arith.cmpi sle, %masked_sort3A_345, %rev3A_575 : vector<16xi32>
      %select_n3A_592 = arith.select %le3A_591, %masked_sort3A_345, %rev3A_575 : vector<16xi1>, vector<16xi32>
      %select_n3A_593 = arith.select %le3A_591, %rev3A_575, %masked_sort3A_345 : vector<16xi1>, vector<16xi32>
      %select_n3A_594 = arith.select %le3A_591, %masked_sort3A_344, %rev3A_585 : vector<16xi1>, vector<16xi32>
      %select_n3A_595 = arith.select %le3A_591, %rev3A_585, %masked_sort3A_344 : vector<16xi1>, vector<16xi32>
      %le3A_596 = arith.cmpi sle, %masked_sort3A_353, %rev3A_580 : vector<16xi32>
      %select_n3A_597 = arith.select %le3A_596, %masked_sort3A_353, %rev3A_580 : vector<16xi1>, vector<16xi32>
      %select_n3A_598 = arith.select %le3A_596, %rev3A_580, %masked_sort3A_353 : vector<16xi1>, vector<16xi32>
      %select_n3A_599 = arith.select %le3A_596, %masked_sort3A_352, %rev3A_590 : vector<16xi1>, vector<16xi32>
      %select_n3A_600 = arith.select %le3A_596, %rev3A_590, %masked_sort3A_352 : vector<16xi1>, vector<16xi32>
      %le3A_601 = arith.cmpi sle, %select_n3A_592, %select_n3A_597 : vector<16xi32>
      %select_n3A_602 = arith.select %le3A_601, %select_n3A_592, %select_n3A_597 : vector<16xi1>, vector<16xi32>
      %select_n3A_603 = arith.select %le3A_601, %select_n3A_597, %select_n3A_592 : vector<16xi1>, vector<16xi32>
      %select_n3A_604 = arith.select %le3A_601, %select_n3A_594, %select_n3A_599 : vector<16xi1>, vector<16xi32>
      %select_n3A_605 = arith.select %le3A_601, %select_n3A_599, %select_n3A_594 : vector<16xi1>, vector<16xi32>
      %le3A_606 = arith.cmpi sle, %select_n3A_593, %select_n3A_598 : vector<16xi32>
      %select_n3A_607 = arith.select %le3A_606, %select_n3A_593, %select_n3A_598 : vector<16xi1>, vector<16xi32>
      %select_n3A_608 = arith.select %le3A_606, %select_n3A_598, %select_n3A_593 : vector<16xi1>, vector<16xi32>
      %select_n3A_609 = arith.select %le3A_606, %select_n3A_595, %select_n3A_600 : vector<16xi1>, vector<16xi32>
      %select_n3A_610 = arith.select %le3A_606, %select_n3A_600, %select_n3A_595 : vector<16xi1>, vector<16xi32>
      %masked_sort3A_611 = arith.constant dense<true> : vector<16xi1>
      %masked_sort3A_612 = arith.constant -2147483648 : i32
      %masked_sort3A_613 = vector.broadcast %masked_sort3A_612 : i32 to vector<16xi32>
      %masked_sort3A_614 = arith.xori %select_n3A_602, %masked_sort3A_613 : vector<16xi32>
      %masked_sort3A_615, %masked_sort3A_616, %masked_sort3A_617 = tpu.sort %masked_sort3A_614, %select_n3A_604 masked %masked_sort3A_611 : (vector<16xi32>, vector<16xi32>, vector<16xi1>) -> (vector<16xi1>, vector<16xi32>, vector<16xi32>)
      %masked_sort3A_618 = arith.xori %masked_sort3A_616, %masked_sort3A_613 : vector<16xi32>
      %masked_sort3A_619 = arith.constant dense<true> : vector<16xi1>
      %masked_sort3A_620 = arith.constant -2147483648 : i32
      %masked_sort3A_621 = vector.broadcast %masked_sort3A_620 : i32 to vector<16xi32>
      %masked_sort3A_622 = arith.xori %select_n3A_603, %masked_sort3A_621 : vector<16xi32>
      %masked_sort3A_623, %masked_sort3A_624, %masked_sort3A_625 = tpu.sort %masked_sort3A_622, %select_n3A_605 masked %masked_sort3A_619 : (vector<16xi32>, vector<16xi32>, vector<16xi1>) -> (vector<16xi1>, vector<16xi32>, vector<16xi32>)
      %masked_sort3A_626 = arith.xori %masked_sort3A_624, %masked_sort3A_621 : vector<16xi32>
      %masked_sort3A_627 = arith.constant dense<true> : vector<16xi1>
      %masked_sort3A_628 = arith.constant -2147483648 : i32
      %masked_sort3A_629 = vector.broadcast %masked_sort3A_628 : i32 to vector<16xi32>
      %masked_sort3A_630 = arith.xori %select_n3A_607, %masked_sort3A_629 : vector<16xi32>
      %masked_sort3A_631, %masked_sort3A_632, %masked_sort3A_633 = tpu.sort %masked_sort3A_630, %select_n3A_609 masked %masked_sort3A_627 : (vector<16xi32>, vector<16xi32>, vector<16xi1>) -> (vector<16xi1>, vector<16xi32>, vector<16xi32>)
      %masked_sort3A_634 = arith.xori %masked_sort3A_632, %masked_sort3A_629 : vector<16xi32>
      %masked_sort3A_635 = arith.constant dense<true> : vector<16xi1>
      %masked_sort3A_636 = arith.constant -2147483648 : i32
      %masked_sort3A_637 = vector.broadcast %masked_sort3A_636 : i32 to vector<16xi32>
      %masked_sort3A_638 = arith.xori %select_n3A_608, %masked_sort3A_637 : vector<16xi32>
      %masked_sort3A_639, %masked_sort3A_640, %masked_sort3A_641 = tpu.sort %masked_sort3A_638, %select_n3A_610 masked %masked_sort3A_635 : (vector<16xi32>, vector<16xi32>, vector<16xi1>) -> (vector<16xi1>, vector<16xi32>, vector<16xi32>)
      %masked_sort3A_642 = arith.xori %masked_sort3A_640, %masked_sort3A_637 : vector<16xi32>
      %rev3A_643 = arith.constant 15 : i32
      %rev3A_644 = vector.broadcast %rev3A_643 : i32 to vector<16xi32>
      %rev3A_645 = tpu.iota {dimensions = array<i32: 0>} : vector<16xi32>
      %rev3A_646 = arith.subi %rev3A_644, %rev3A_645 : vector<16xi32>
      %rev3A_647 = tpu.dynamic_gather %masked_sort3A_446[%rev3A_646] in [0] : vector<16xi32>, vector<16xi32> -> vector<16xi32>
      %rev3A_648 = arith.constant 15 : i32
      %rev3A_649 = vector.broadcast %rev3A_648 : i32 to vector<16xi32>
      %rev3A_650 = tpu.iota {dimensions = array<i32: 0>} : vector<16xi32>
      %rev3A_651 = arith.subi %rev3A_649, %rev3A_650 : vector<16xi32>
      %rev3A_652 = tpu.dynamic_gather %masked_sort3A_438[%rev3A_651] in [0] : vector<16xi32>, vector<16xi32> -> vector<16xi32>
      %rev3A_653 = arith.constant 15 : i32
      %rev3A_654 = vector.broadcast %rev3A_653 : i32 to vector<16xi32>
      %rev3A_655 = tpu.iota {dimensions = array<i32: 0>} : vector<16xi32>
      %rev3A_656 = arith.subi %rev3A_654, %rev3A_655 : vector<16xi32>
      %rev3A_657 = tpu.dynamic_gather %masked_sort3A_445[%rev3A_656] in [0] : vector<16xi32>, vector<16xi32> -> vector<16xi32>
      %rev3A_658 = arith.constant 15 : i32
      %rev3A_659 = vector.broadcast %rev3A_658 : i32 to vector<16xi32>
      %rev3A_660 = tpu.iota {dimensions = array<i32: 0>} : vector<16xi32>
      %rev3A_661 = arith.subi %rev3A_659, %rev3A_660 : vector<16xi32>
      %rev3A_662 = tpu.dynamic_gather %masked_sort3A_437[%rev3A_661] in [0] : vector<16xi32>, vector<16xi32> -> vector<16xi32>
      %le3A_663 = arith.cmpi sle, %masked_sort3A_407, %rev3A_647 : vector<16xi32>
      %select_n3A_664 = arith.select %le3A_663, %masked_sort3A_407, %rev3A_647 : vector<16xi1>, vector<16xi32>
      %select_n3A_665 = arith.select %le3A_663, %rev3A_647, %masked_sort3A_407 : vector<16xi1>, vector<16xi32>
      %select_n3A_666 = arith.select %le3A_663, %masked_sort3A_406, %rev3A_657 : vector<16xi1>, vector<16xi32>
      %select_n3A_667 = arith.select %le3A_663, %rev3A_657, %masked_sort3A_406 : vector<16xi1>, vector<16xi32>
      %le3A_668 = arith.cmpi sle, %masked_sort3A_415, %rev3A_652 : vector<16xi32>
      %select_n3A_669 = arith.select %le3A_668, %masked_sort3A_415, %rev3A_652 : vector<16xi1>, vector<16xi32>
      %select_n3A_670 = arith.select %le3A_668, %rev3A_652, %masked_sort3A_415 : vector<16xi1>, vector<16xi32>
      %select_n3A_671 = arith.select %le3A_668, %masked_sort3A_414, %rev3A_662 : vector<16xi1>, vector<16xi32>
      %select_n3A_672 = arith.select %le3A_668, %rev3A_662, %masked_sort3A_414 : vector<16xi1>, vector<16xi32>
      %le3A_673 = arith.cmpi sle, %select_n3A_664, %select_n3A_669 : vector<16xi32>
      %select_n3A_674 = arith.select %le3A_673, %select_n3A_664, %select_n3A_669 : vector<16xi1>, vector<16xi32>
      %select_n3A_675 = arith.select %le3A_673, %select_n3A_669, %select_n3A_664 : vector<16xi1>, vector<16xi32>
      %select_n3A_676 = arith.select %le3A_673, %select_n3A_666, %select_n3A_671 : vector<16xi1>, vector<16xi32>
      %select_n3A_677 = arith.select %le3A_673, %select_n3A_671, %select_n3A_666 : vector<16xi1>, vector<16xi32>
      %le3A_678 = arith.cmpi sle, %select_n3A_665, %select_n3A_670 : vector<16xi32>
      %select_n3A_679 = arith.select %le3A_678, %select_n3A_665, %select_n3A_670 : vector<16xi1>, vector<16xi32>
      %select_n3A_680 = arith.select %le3A_678, %select_n3A_670, %select_n3A_665 : vector<16xi1>, vector<16xi32>
      %select_n3A_681 = arith.select %le3A_678, %select_n3A_667, %select_n3A_672 : vector<16xi1>, vector<16xi32>
      %select_n3A_682 = arith.select %le3A_678, %select_n3A_672, %select_n3A_667 : vector<16xi1>, vector<16xi32>
      %masked_sort3A_683 = arith.constant dense<true> : vector<16xi1>
      %masked_sort3A_684 = arith.constant -2147483648 : i32
      %masked_sort3A_685 = vector.broadcast %masked_sort3A_684 : i32 to vector<16xi32>
      %masked_sort3A_686 = arith.xori %select_n3A_674, %masked_sort3A_685 : vector<16xi32>
      %masked_sort3A_687, %masked_sort3A_688, %masked_sort3A_689 = tpu.sort %masked_sort3A_686, %select_n3A_676 masked %masked_sort3A_683 : (vector<16xi32>, vector<16xi32>, vector<16xi1>) -> (vector<16xi1>, vector<16xi32>, vector<16xi32>)
      %masked_sort3A_690 = arith.xori %masked_sort3A_688, %masked_sort3A_685 : vector<16xi32>
      %masked_sort3A_691 = arith.constant dense<true> : vector<16xi1>
      %masked_sort3A_692 = arith.constant -2147483648 : i32
      %masked_sort3A_693 = vector.broadcast %masked_sort3A_692 : i32 to vector<16xi32>
      %masked_sort3A_694 = arith.xori %select_n3A_675, %masked_sort3A_693 : vector<16xi32>
      %masked_sort3A_695, %masked_sort3A_696, %masked_sort3A_697 = tpu.sort %masked_sort3A_694, %select_n3A_677 masked %masked_sort3A_691 : (vector<16xi32>, vector<16xi32>, vector<16xi1>) -> (vector<16xi1>, vector<16xi32>, vector<16xi32>)
      %masked_sort3A_698 = arith.xori %masked_sort3A_696, %masked_sort3A_693 : vector<16xi32>
      %masked_sort3A_699 = arith.constant dense<true> : vector<16xi1>
      %masked_sort3A_700 = arith.constant -2147483648 : i32
      %masked_sort3A_701 = vector.broadcast %masked_sort3A_700 : i32 to vector<16xi32>
      %masked_sort3A_702 = arith.xori %select_n3A_679, %masked_sort3A_701 : vector<16xi32>
      %masked_sort3A_703, %masked_sort3A_704, %masked_sort3A_705 = tpu.sort %masked_sort3A_702, %select_n3A_681 masked %masked_sort3A_699 : (vector<16xi32>, vector<16xi32>, vector<16xi1>) -> (vector<16xi1>, vector<16xi32>, vector<16xi32>)
      %masked_sort3A_706 = arith.xori %masked_sort3A_704, %masked_sort3A_701 : vector<16xi32>
      %masked_sort3A_707 = arith.constant dense<true> : vector<16xi1>
      %masked_sort3A_708 = arith.constant -2147483648 : i32
      %masked_sort3A_709 = vector.broadcast %masked_sort3A_708 : i32 to vector<16xi32>
      %masked_sort3A_710 = arith.xori %select_n3A_680, %masked_sort3A_709 : vector<16xi32>
      %masked_sort3A_711, %masked_sort3A_712, %masked_sort3A_713 = tpu.sort %masked_sort3A_710, %select_n3A_682 masked %masked_sort3A_707 : (vector<16xi32>, vector<16xi32>, vector<16xi1>) -> (vector<16xi1>, vector<16xi32>, vector<16xi32>)
      %masked_sort3A_714 = arith.xori %masked_sort3A_712, %masked_sort3A_709 : vector<16xi32>
      %rev3A_715 = arith.constant 15 : i32
      %rev3A_716 = vector.broadcast %rev3A_715 : i32 to vector<16xi32>
      %rev3A_717 = tpu.iota {dimensions = array<i32: 0>} : vector<16xi32>
      %rev3A_718 = arith.subi %rev3A_716, %rev3A_717 : vector<16xi32>
      %rev3A_719 = tpu.dynamic_gather %masked_sort3A_508[%rev3A_718] in [0] : vector<16xi32>, vector<16xi32> -> vector<16xi32>
      %rev3A_720 = arith.constant 15 : i32
      %rev3A_721 = vector.broadcast %rev3A_720 : i32 to vector<16xi32>
      %rev3A_722 = tpu.iota {dimensions = array<i32: 0>} : vector<16xi32>
      %rev3A_723 = arith.subi %rev3A_721, %rev3A_722 : vector<16xi32>
      %rev3A_724 = tpu.dynamic_gather %masked_sort3A_500[%rev3A_723] in [0] : vector<16xi32>, vector<16xi32> -> vector<16xi32>
      %rev3A_725 = arith.constant 15 : i32
      %rev3A_726 = vector.broadcast %rev3A_725 : i32 to vector<16xi32>
      %rev3A_727 = tpu.iota {dimensions = array<i32: 0>} : vector<16xi32>
      %rev3A_728 = arith.subi %rev3A_726, %rev3A_727 : vector<16xi32>
      %rev3A_729 = tpu.dynamic_gather %masked_sort3A_507[%rev3A_728] in [0] : vector<16xi32>, vector<16xi32> -> vector<16xi32>
      %rev3A_730 = arith.constant 15 : i32
      %rev3A_731 = vector.broadcast %rev3A_730 : i32 to vector<16xi32>
      %rev3A_732 = tpu.iota {dimensions = array<i32: 0>} : vector<16xi32>
      %rev3A_733 = arith.subi %rev3A_731, %rev3A_732 : vector<16xi32>
      %rev3A_734 = tpu.dynamic_gather %masked_sort3A_499[%rev3A_733] in [0] : vector<16xi32>, vector<16xi32> -> vector<16xi32>
      %le3A_735 = arith.cmpi sle, %masked_sort3A_469, %rev3A_719 : vector<16xi32>
      %select_n3A_736 = arith.select %le3A_735, %masked_sort3A_469, %rev3A_719 : vector<16xi1>, vector<16xi32>
      %select_n3A_737 = arith.select %le3A_735, %rev3A_719, %masked_sort3A_469 : vector<16xi1>, vector<16xi32>
      %select_n3A_738 = arith.select %le3A_735, %masked_sort3A_468, %rev3A_729 : vector<16xi1>, vector<16xi32>
      %select_n3A_739 = arith.select %le3A_735, %rev3A_729, %masked_sort3A_468 : vector<16xi1>, vector<16xi32>
      %le3A_740 = arith.cmpi sle, %masked_sort3A_477, %rev3A_724 : vector<16xi32>
      %select_n3A_741 = arith.select %le3A_740, %masked_sort3A_477, %rev3A_724 : vector<16xi1>, vector<16xi32>
      %select_n3A_742 = arith.select %le3A_740, %rev3A_724, %masked_sort3A_477 : vector<16xi1>, vector<16xi32>
      %select_n3A_743 = arith.select %le3A_740, %masked_sort3A_476, %rev3A_734 : vector<16xi1>, vector<16xi32>
      %select_n3A_744 = arith.select %le3A_740, %rev3A_734, %masked_sort3A_476 : vector<16xi1>, vector<16xi32>
      %le3A_745 = arith.cmpi sle, %select_n3A_736, %select_n3A_741 : vector<16xi32>
      %select_n3A_746 = arith.select %le3A_745, %select_n3A_736, %select_n3A_741 : vector<16xi1>, vector<16xi32>
      %select_n3A_747 = arith.select %le3A_745, %select_n3A_741, %select_n3A_736 : vector<16xi1>, vector<16xi32>
      %select_n3A_748 = arith.select %le3A_745, %select_n3A_738, %select_n3A_743 : vector<16xi1>, vector<16xi32>
      %select_n3A_749 = arith.select %le3A_745, %select_n3A_743, %select_n3A_738 : vector<16xi1>, vector<16xi32>
      %le3A_750 = arith.cmpi sle, %select_n3A_737, %select_n3A_742 : vector<16xi32>
      %select_n3A_751 = arith.select %le3A_750, %select_n3A_737, %select_n3A_742 : vector<16xi1>, vector<16xi32>
      %select_n3A_752 = arith.select %le3A_750, %select_n3A_742, %select_n3A_737 : vector<16xi1>, vector<16xi32>
      %select_n3A_753 = arith.select %le3A_750, %select_n3A_739, %select_n3A_744 : vector<16xi1>, vector<16xi32>
      %select_n3A_754 = arith.select %le3A_750, %select_n3A_744, %select_n3A_739 : vector<16xi1>, vector<16xi32>
      %masked_sort3A_755 = arith.constant dense<true> : vector<16xi1>
      %masked_sort3A_756 = arith.constant -2147483648 : i32
      %masked_sort3A_757 = vector.broadcast %masked_sort3A_756 : i32 to vector<16xi32>
      %masked_sort3A_758 = arith.xori %select_n3A_746, %masked_sort3A_757 : vector<16xi32>
      %masked_sort3A_759, %masked_sort3A_760, %masked_sort3A_761 = tpu.sort %masked_sort3A_758, %select_n3A_748 masked %masked_sort3A_755 : (vector<16xi32>, vector<16xi32>, vector<16xi1>) -> (vector<16xi1>, vector<16xi32>, vector<16xi32>)
      %masked_sort3A_762 = arith.xori %masked_sort3A_760, %masked_sort3A_757 : vector<16xi32>
      %masked_sort3A_763 = arith.constant dense<true> : vector<16xi1>
      %masked_sort3A_764 = arith.constant -2147483648 : i32
      %masked_sort3A_765 = vector.broadcast %masked_sort3A_764 : i32 to vector<16xi32>
      %masked_sort3A_766 = arith.xori %select_n3A_747, %masked_sort3A_765 : vector<16xi32>
      %masked_sort3A_767, %masked_sort3A_768, %masked_sort3A_769 = tpu.sort %masked_sort3A_766, %select_n3A_749 masked %masked_sort3A_763 : (vector<16xi32>, vector<16xi32>, vector<16xi1>) -> (vector<16xi1>, vector<16xi32>, vector<16xi32>)
      %masked_sort3A_770 = arith.xori %masked_sort3A_768, %masked_sort3A_765 : vector<16xi32>
      %masked_sort3A_771 = arith.constant dense<true> : vector<16xi1>
      %masked_sort3A_772 = arith.constant -2147483648 : i32
      %masked_sort3A_773 = vector.broadcast %masked_sort3A_772 : i32 to vector<16xi32>
      %masked_sort3A_774 = arith.xori %select_n3A_751, %masked_sort3A_773 : vector<16xi32>
      %masked_sort3A_775, %masked_sort3A_776, %masked_sort3A_777 = tpu.sort %masked_sort3A_774, %select_n3A_753 masked %masked_sort3A_771 : (vector<16xi32>, vector<16xi32>, vector<16xi1>) -> (vector<16xi1>, vector<16xi32>, vector<16xi32>)
      %masked_sort3A_778 = arith.xori %masked_sort3A_776, %masked_sort3A_773 : vector<16xi32>
      %masked_sort3A_779 = arith.constant dense<true> : vector<16xi1>
      %masked_sort3A_780 = arith.constant -2147483648 : i32
      %masked_sort3A_781 = vector.broadcast %masked_sort3A_780 : i32 to vector<16xi32>
      %masked_sort3A_782 = arith.xori %select_n3A_752, %masked_sort3A_781 : vector<16xi32>
      %masked_sort3A_783, %masked_sort3A_784, %masked_sort3A_785 = tpu.sort %masked_sort3A_782, %select_n3A_754 masked %masked_sort3A_779 : (vector<16xi32>, vector<16xi32>, vector<16xi1>) -> (vector<16xi1>, vector<16xi32>, vector<16xi32>)
      %masked_sort3A_786 = arith.xori %masked_sort3A_784, %masked_sort3A_781 : vector<16xi32>
      %rev3A_787 = arith.constant 15 : i32
      %rev3A_788 = vector.broadcast %rev3A_787 : i32 to vector<16xi32>
      %rev3A_789 = tpu.iota {dimensions = array<i32: 0>} : vector<16xi32>
      %rev3A_790 = arith.subi %rev3A_788, %rev3A_789 : vector<16xi32>
      %rev3A_791 = tpu.dynamic_gather %masked_sort3A_570[%rev3A_790] in [0] : vector<16xi32>, vector<16xi32> -> vector<16xi32>
      %rev3A_792 = arith.constant 15 : i32
      %rev3A_793 = vector.broadcast %rev3A_792 : i32 to vector<16xi32>
      %rev3A_794 = tpu.iota {dimensions = array<i32: 0>} : vector<16xi32>
      %rev3A_795 = arith.subi %rev3A_793, %rev3A_794 : vector<16xi32>
      %rev3A_796 = tpu.dynamic_gather %masked_sort3A_562[%rev3A_795] in [0] : vector<16xi32>, vector<16xi32> -> vector<16xi32>
      %rev3A_797 = arith.constant 15 : i32
      %rev3A_798 = vector.broadcast %rev3A_797 : i32 to vector<16xi32>
      %rev3A_799 = tpu.iota {dimensions = array<i32: 0>} : vector<16xi32>
      %rev3A_800 = arith.subi %rev3A_798, %rev3A_799 : vector<16xi32>
      %rev3A_801 = tpu.dynamic_gather %masked_sort3A_569[%rev3A_800] in [0] : vector<16xi32>, vector<16xi32> -> vector<16xi32>
      %rev3A_802 = arith.constant 15 : i32
      %rev3A_803 = vector.broadcast %rev3A_802 : i32 to vector<16xi32>
      %rev3A_804 = tpu.iota {dimensions = array<i32: 0>} : vector<16xi32>
      %rev3A_805 = arith.subi %rev3A_803, %rev3A_804 : vector<16xi32>
      %rev3A_806 = tpu.dynamic_gather %masked_sort3A_561[%rev3A_805] in [0] : vector<16xi32>, vector<16xi32> -> vector<16xi32>
      %le3A_807 = arith.cmpi sle, %masked_sort3A_531, %rev3A_791 : vector<16xi32>
      %select_n3A_808 = arith.select %le3A_807, %masked_sort3A_531, %rev3A_791 : vector<16xi1>, vector<16xi32>
      %select_n3A_809 = arith.select %le3A_807, %rev3A_791, %masked_sort3A_531 : vector<16xi1>, vector<16xi32>
      %select_n3A_810 = arith.select %le3A_807, %masked_sort3A_530, %rev3A_801 : vector<16xi1>, vector<16xi32>
      %select_n3A_811 = arith.select %le3A_807, %rev3A_801, %masked_sort3A_530 : vector<16xi1>, vector<16xi32>
      %le3A_812 = arith.cmpi sle, %masked_sort3A_539, %rev3A_796 : vector<16xi32>
      %select_n3A_813 = arith.select %le3A_812, %masked_sort3A_539, %rev3A_796 : vector<16xi1>, vector<16xi32>
      %select_n3A_814 = arith.select %le3A_812, %rev3A_796, %masked_sort3A_539 : vector<16xi1>, vector<16xi32>
      %select_n3A_815 = arith.select %le3A_812, %masked_sort3A_538, %rev3A_806 : vector<16xi1>, vector<16xi32>
      %select_n3A_816 = arith.select %le3A_812, %rev3A_806, %masked_sort3A_538 : vector<16xi1>, vector<16xi32>
      %le3A_817 = arith.cmpi sle, %select_n3A_808, %select_n3A_813 : vector<16xi32>
      %select_n3A_818 = arith.select %le3A_817, %select_n3A_808, %select_n3A_813 : vector<16xi1>, vector<16xi32>
      %select_n3A_819 = arith.select %le3A_817, %select_n3A_813, %select_n3A_808 : vector<16xi1>, vector<16xi32>
      %select_n3A_820 = arith.select %le3A_817, %select_n3A_810, %select_n3A_815 : vector<16xi1>, vector<16xi32>
      %select_n3A_821 = arith.select %le3A_817, %select_n3A_815, %select_n3A_810 : vector<16xi1>, vector<16xi32>
      %le3A_822 = arith.cmpi sle, %select_n3A_809, %select_n3A_814 : vector<16xi32>
      %select_n3A_823 = arith.select %le3A_822, %select_n3A_809, %select_n3A_814 : vector<16xi1>, vector<16xi32>
      %select_n3A_824 = arith.select %le3A_822, %select_n3A_814, %select_n3A_809 : vector<16xi1>, vector<16xi32>
      %select_n3A_825 = arith.select %le3A_822, %select_n3A_811, %select_n3A_816 : vector<16xi1>, vector<16xi32>
      %select_n3A_826 = arith.select %le3A_822, %select_n3A_816, %select_n3A_811 : vector<16xi1>, vector<16xi32>
      %masked_sort3A_827 = arith.constant dense<true> : vector<16xi1>
      %masked_sort3A_828 = arith.constant -2147483648 : i32
      %masked_sort3A_829 = vector.broadcast %masked_sort3A_828 : i32 to vector<16xi32>
      %masked_sort3A_830 = arith.xori %select_n3A_818, %masked_sort3A_829 : vector<16xi32>
      %masked_sort3A_831, %masked_sort3A_832, %masked_sort3A_833 = tpu.sort %masked_sort3A_830, %select_n3A_820 masked %masked_sort3A_827 : (vector<16xi32>, vector<16xi32>, vector<16xi1>) -> (vector<16xi1>, vector<16xi32>, vector<16xi32>)
      %masked_sort3A_834 = arith.xori %masked_sort3A_832, %masked_sort3A_829 : vector<16xi32>
      %masked_sort3A_835 = arith.constant dense<true> : vector<16xi1>
      %masked_sort3A_836 = arith.constant -2147483648 : i32
      %masked_sort3A_837 = vector.broadcast %masked_sort3A_836 : i32 to vector<16xi32>
      %masked_sort3A_838 = arith.xori %select_n3A_819, %masked_sort3A_837 : vector<16xi32>
      %masked_sort3A_839, %masked_sort3A_840, %masked_sort3A_841 = tpu.sort %masked_sort3A_838, %select_n3A_821 masked %masked_sort3A_835 : (vector<16xi32>, vector<16xi32>, vector<16xi1>) -> (vector<16xi1>, vector<16xi32>, vector<16xi32>)
      %masked_sort3A_842 = arith.xori %masked_sort3A_840, %masked_sort3A_837 : vector<16xi32>
      %masked_sort3A_843 = arith.constant dense<true> : vector<16xi1>
      %masked_sort3A_844 = arith.constant -2147483648 : i32
      %masked_sort3A_845 = vector.broadcast %masked_sort3A_844 : i32 to vector<16xi32>
      %masked_sort3A_846 = arith.xori %select_n3A_823, %masked_sort3A_845 : vector<16xi32>
      %masked_sort3A_847, %masked_sort3A_848, %masked_sort3A_849 = tpu.sort %masked_sort3A_846, %select_n3A_825 masked %masked_sort3A_843 : (vector<16xi32>, vector<16xi32>, vector<16xi1>) -> (vector<16xi1>, vector<16xi32>, vector<16xi32>)
      %masked_sort3A_850 = arith.xori %masked_sort3A_848, %masked_sort3A_845 : vector<16xi32>
      %masked_sort3A_851 = arith.constant dense<true> : vector<16xi1>
      %masked_sort3A_852 = arith.constant -2147483648 : i32
      %masked_sort3A_853 = vector.broadcast %masked_sort3A_852 : i32 to vector<16xi32>
      %masked_sort3A_854 = arith.xori %select_n3A_824, %masked_sort3A_853 : vector<16xi32>
      %masked_sort3A_855, %masked_sort3A_856, %masked_sort3A_857 = tpu.sort %masked_sort3A_854, %select_n3A_826 masked %masked_sort3A_851 : (vector<16xi32>, vector<16xi32>, vector<16xi1>) -> (vector<16xi1>, vector<16xi32>, vector<16xi32>)
      %masked_sort3A_858 = arith.xori %masked_sort3A_856, %masked_sort3A_853 : vector<16xi32>
      %rev3A_859 = arith.constant 15 : i32
      %rev3A_860 = vector.broadcast %rev3A_859 : i32 to vector<16xi32>
      %rev3A_861 = tpu.iota {dimensions = array<i32: 0>} : vector<16xi32>
      %rev3A_862 = arith.subi %rev3A_860, %rev3A_861 : vector<16xi32>
      %rev3A_863 = tpu.dynamic_gather %masked_sort3A_714[%rev3A_862] in [0] : vector<16xi32>, vector<16xi32> -> vector<16xi32>
      %rev3A_864 = arith.constant 15 : i32
      %rev3A_865 = vector.broadcast %rev3A_864 : i32 to vector<16xi32>
      %rev3A_866 = tpu.iota {dimensions = array<i32: 0>} : vector<16xi32>
      %rev3A_867 = arith.subi %rev3A_865, %rev3A_866 : vector<16xi32>
      %rev3A_868 = tpu.dynamic_gather %masked_sort3A_706[%rev3A_867] in [0] : vector<16xi32>, vector<16xi32> -> vector<16xi32>
      %rev3A_869 = arith.constant 15 : i32
      %rev3A_870 = vector.broadcast %rev3A_869 : i32 to vector<16xi32>
      %rev3A_871 = tpu.iota {dimensions = array<i32: 0>} : vector<16xi32>
      %rev3A_872 = arith.subi %rev3A_870, %rev3A_871 : vector<16xi32>
      %rev3A_873 = tpu.dynamic_gather %masked_sort3A_698[%rev3A_872] in [0] : vector<16xi32>, vector<16xi32> -> vector<16xi32>
      %rev3A_874 = arith.constant 15 : i32
      %rev3A_875 = vector.broadcast %rev3A_874 : i32 to vector<16xi32>
      %rev3A_876 = tpu.iota {dimensions = array<i32: 0>} : vector<16xi32>
      %rev3A_877 = arith.subi %rev3A_875, %rev3A_876 : vector<16xi32>
      %rev3A_878 = tpu.dynamic_gather %masked_sort3A_690[%rev3A_877] in [0] : vector<16xi32>, vector<16xi32> -> vector<16xi32>
      %rev3A_879 = arith.constant 15 : i32
      %rev3A_880 = vector.broadcast %rev3A_879 : i32 to vector<16xi32>
      %rev3A_881 = tpu.iota {dimensions = array<i32: 0>} : vector<16xi32>
      %rev3A_882 = arith.subi %rev3A_880, %rev3A_881 : vector<16xi32>
      %rev3A_883 = tpu.dynamic_gather %masked_sort3A_713[%rev3A_882] in [0] : vector<16xi32>, vector<16xi32> -> vector<16xi32>
      %rev3A_884 = arith.constant 15 : i32
      %rev3A_885 = vector.broadcast %rev3A_884 : i32 to vector<16xi32>
      %rev3A_886 = tpu.iota {dimensions = array<i32: 0>} : vector<16xi32>
      %rev3A_887 = arith.subi %rev3A_885, %rev3A_886 : vector<16xi32>
      %rev3A_888 = tpu.dynamic_gather %masked_sort3A_705[%rev3A_887] in [0] : vector<16xi32>, vector<16xi32> -> vector<16xi32>
      %rev3A_889 = arith.constant 15 : i32
      %rev3A_890 = vector.broadcast %rev3A_889 : i32 to vector<16xi32>
      %rev3A_891 = tpu.iota {dimensions = array<i32: 0>} : vector<16xi32>
      %rev3A_892 = arith.subi %rev3A_890, %rev3A_891 : vector<16xi32>
      %rev3A_893 = tpu.dynamic_gather %masked_sort3A_697[%rev3A_892] in [0] : vector<16xi32>, vector<16xi32> -> vector<16xi32>
      %rev3A_894 = arith.constant 15 : i32
      %rev3A_895 = vector.broadcast %rev3A_894 : i32 to vector<16xi32>
      %rev3A_896 = tpu.iota {dimensions = array<i32: 0>} : vector<16xi32>
      %rev3A_897 = arith.subi %rev3A_895, %rev3A_896 : vector<16xi32>
      %rev3A_898 = tpu.dynamic_gather %masked_sort3A_689[%rev3A_897] in [0] : vector<16xi32>, vector<16xi32> -> vector<16xi32>
      %le3A_899 = arith.cmpi sle, %masked_sort3A_618, %rev3A_863 : vector<16xi32>
      %select_n3A_900 = arith.select %le3A_899, %masked_sort3A_618, %rev3A_863 : vector<16xi1>, vector<16xi32>
      %select_n3A_901 = arith.select %le3A_899, %rev3A_863, %masked_sort3A_618 : vector<16xi1>, vector<16xi32>
      %select_n3A_902 = arith.select %le3A_899, %masked_sort3A_617, %rev3A_883 : vector<16xi1>, vector<16xi32>
      %select_n3A_903 = arith.select %le3A_899, %rev3A_883, %masked_sort3A_617 : vector<16xi1>, vector<16xi32>
      %le3A_904 = arith.cmpi sle, %masked_sort3A_626, %rev3A_868 : vector<16xi32>
      %select_n3A_905 = arith.select %le3A_904, %masked_sort3A_626, %rev3A_868 : vector<16xi1>, vector<16xi32>
      %select_n3A_906 = arith.select %le3A_904, %rev3A_868, %masked_sort3A_626 : vector<16xi1>, vector<16xi32>
      %select_n3A_907 = arith.select %le3A_904, %masked_sort3A_625, %rev3A_888 : vector<16xi1>, vector<16xi32>
      %select_n3A_908 = arith.select %le3A_904, %rev3A_888, %masked_sort3A_625 : vector<16xi1>, vector<16xi32>
      %le3A_909 = arith.cmpi sle, %masked_sort3A_634, %rev3A_873 : vector<16xi32>
      %select_n3A_910 = arith.select %le3A_909, %masked_sort3A_634, %rev3A_873 : vector<16xi1>, vector<16xi32>
      %select_n3A_911 = arith.select %le3A_909, %rev3A_873, %masked_sort3A_634 : vector<16xi1>, vector<16xi32>
      %select_n3A_912 = arith.select %le3A_909, %masked_sort3A_633, %rev3A_893 : vector<16xi1>, vector<16xi32>
      %select_n3A_913 = arith.select %le3A_909, %rev3A_893, %masked_sort3A_633 : vector<16xi1>, vector<16xi32>
      %le3A_914 = arith.cmpi sle, %masked_sort3A_642, %rev3A_878 : vector<16xi32>
      %select_n3A_915 = arith.select %le3A_914, %masked_sort3A_642, %rev3A_878 : vector<16xi1>, vector<16xi32>
      %select_n3A_916 = arith.select %le3A_914, %rev3A_878, %masked_sort3A_642 : vector<16xi1>, vector<16xi32>
      %select_n3A_917 = arith.select %le3A_914, %masked_sort3A_641, %rev3A_898 : vector<16xi1>, vector<16xi32>
      %select_n3A_918 = arith.select %le3A_914, %rev3A_898, %masked_sort3A_641 : vector<16xi1>, vector<16xi32>
      %le3A_919 = arith.cmpi sle, %select_n3A_900, %select_n3A_910 : vector<16xi32>
      %select_n3A_920 = arith.select %le3A_919, %select_n3A_900, %select_n3A_910 : vector<16xi1>, vector<16xi32>
      %select_n3A_921 = arith.select %le3A_919, %select_n3A_910, %select_n3A_900 : vector<16xi1>, vector<16xi32>
      %select_n3A_922 = arith.select %le3A_919, %select_n3A_902, %select_n3A_912 : vector<16xi1>, vector<16xi32>
      %select_n3A_923 = arith.select %le3A_919, %select_n3A_912, %select_n3A_902 : vector<16xi1>, vector<16xi32>
      %le3A_924 = arith.cmpi sle, %select_n3A_905, %select_n3A_915 : vector<16xi32>
      %select_n3A_925 = arith.select %le3A_924, %select_n3A_905, %select_n3A_915 : vector<16xi1>, vector<16xi32>
      %select_n3A_926 = arith.select %le3A_924, %select_n3A_915, %select_n3A_905 : vector<16xi1>, vector<16xi32>
      %select_n3A_927 = arith.select %le3A_924, %select_n3A_907, %select_n3A_917 : vector<16xi1>, vector<16xi32>
      %select_n3A_928 = arith.select %le3A_924, %select_n3A_917, %select_n3A_907 : vector<16xi1>, vector<16xi32>
      %le3A_929 = arith.cmpi sle, %select_n3A_901, %select_n3A_911 : vector<16xi32>
      %select_n3A_930 = arith.select %le3A_929, %select_n3A_901, %select_n3A_911 : vector<16xi1>, vector<16xi32>
      %select_n3A_931 = arith.select %le3A_929, %select_n3A_911, %select_n3A_901 : vector<16xi1>, vector<16xi32>
      %select_n3A_932 = arith.select %le3A_929, %select_n3A_903, %select_n3A_913 : vector<16xi1>, vector<16xi32>
      %select_n3A_933 = arith.select %le3A_929, %select_n3A_913, %select_n3A_903 : vector<16xi1>, vector<16xi32>
      %le3A_934 = arith.cmpi sle, %select_n3A_906, %select_n3A_916 : vector<16xi32>
      %select_n3A_935 = arith.select %le3A_934, %select_n3A_906, %select_n3A_916 : vector<16xi1>, vector<16xi32>
      %select_n3A_936 = arith.select %le3A_934, %select_n3A_916, %select_n3A_906 : vector<16xi1>, vector<16xi32>
      %select_n3A_937 = arith.select %le3A_934, %select_n3A_908, %select_n3A_918 : vector<16xi1>, vector<16xi32>
      %select_n3A_938 = arith.select %le3A_934, %select_n3A_918, %select_n3A_908 : vector<16xi1>, vector<16xi32>
      %le3A_939 = arith.cmpi sle, %select_n3A_920, %select_n3A_925 : vector<16xi32>
      %select_n3A_940 = arith.select %le3A_939, %select_n3A_920, %select_n3A_925 : vector<16xi1>, vector<16xi32>
      %select_n3A_941 = arith.select %le3A_939, %select_n3A_925, %select_n3A_920 : vector<16xi1>, vector<16xi32>
      %select_n3A_942 = arith.select %le3A_939, %select_n3A_922, %select_n3A_927 : vector<16xi1>, vector<16xi32>
      %select_n3A_943 = arith.select %le3A_939, %select_n3A_927, %select_n3A_922 : vector<16xi1>, vector<16xi32>
      %le3A_944 = arith.cmpi sle, %select_n3A_921, %select_n3A_926 : vector<16xi32>
      %select_n3A_945 = arith.select %le3A_944, %select_n3A_921, %select_n3A_926 : vector<16xi1>, vector<16xi32>
      %select_n3A_946 = arith.select %le3A_944, %select_n3A_926, %select_n3A_921 : vector<16xi1>, vector<16xi32>
      %select_n3A_947 = arith.select %le3A_944, %select_n3A_923, %select_n3A_928 : vector<16xi1>, vector<16xi32>
      %select_n3A_948 = arith.select %le3A_944, %select_n3A_928, %select_n3A_923 : vector<16xi1>, vector<16xi32>
      %le3A_949 = arith.cmpi sle, %select_n3A_930, %select_n3A_935 : vector<16xi32>
      %select_n3A_950 = arith.select %le3A_949, %select_n3A_930, %select_n3A_935 : vector<16xi1>, vector<16xi32>
      %select_n3A_951 = arith.select %le3A_949, %select_n3A_935, %select_n3A_930 : vector<16xi1>, vector<16xi32>
      %select_n3A_952 = arith.select %le3A_949, %select_n3A_932, %select_n3A_937 : vector<16xi1>, vector<16xi32>
      %select_n3A_953 = arith.select %le3A_949, %select_n3A_937, %select_n3A_932 : vector<16xi1>, vector<16xi32>
      %le3A_954 = arith.cmpi sle, %select_n3A_931, %select_n3A_936 : vector<16xi32>
      %select_n3A_955 = arith.select %le3A_954, %select_n3A_931, %select_n3A_936 : vector<16xi1>, vector<16xi32>
      %select_n3A_956 = arith.select %le3A_954, %select_n3A_936, %select_n3A_931 : vector<16xi1>, vector<16xi32>
      %select_n3A_957 = arith.select %le3A_954, %select_n3A_933, %select_n3A_938 : vector<16xi1>, vector<16xi32>
      %select_n3A_958 = arith.select %le3A_954, %select_n3A_938, %select_n3A_933 : vector<16xi1>, vector<16xi32>
      %masked_sort3A_959 = arith.constant dense<true> : vector<16xi1>
      %masked_sort3A_960 = arith.constant -2147483648 : i32
      %masked_sort3A_961 = vector.broadcast %masked_sort3A_960 : i32 to vector<16xi32>
      %masked_sort3A_962 = arith.xori %select_n3A_940, %masked_sort3A_961 : vector<16xi32>
      %masked_sort3A_963, %masked_sort3A_964, %masked_sort3A_965 = tpu.sort %masked_sort3A_962, %select_n3A_942 masked %masked_sort3A_959 : (vector<16xi32>, vector<16xi32>, vector<16xi1>) -> (vector<16xi1>, vector<16xi32>, vector<16xi32>)
      %masked_sort3A_966 = arith.xori %masked_sort3A_964, %masked_sort3A_961 : vector<16xi32>
      %masked_sort3A_967 = arith.constant dense<true> : vector<16xi1>
      %masked_sort3A_968 = arith.constant -2147483648 : i32
      %masked_sort3A_969 = vector.broadcast %masked_sort3A_968 : i32 to vector<16xi32>
      %masked_sort3A_970 = arith.xori %select_n3A_941, %masked_sort3A_969 : vector<16xi32>
      %masked_sort3A_971, %masked_sort3A_972, %masked_sort3A_973 = tpu.sort %masked_sort3A_970, %select_n3A_943 masked %masked_sort3A_967 : (vector<16xi32>, vector<16xi32>, vector<16xi1>) -> (vector<16xi1>, vector<16xi32>, vector<16xi32>)
      %masked_sort3A_974 = arith.xori %masked_sort3A_972, %masked_sort3A_969 : vector<16xi32>
      %masked_sort3A_975 = arith.constant dense<true> : vector<16xi1>
      %masked_sort3A_976 = arith.constant -2147483648 : i32
      %masked_sort3A_977 = vector.broadcast %masked_sort3A_976 : i32 to vector<16xi32>
      %masked_sort3A_978 = arith.xori %select_n3A_945, %masked_sort3A_977 : vector<16xi32>
      %masked_sort3A_979, %masked_sort3A_980, %masked_sort3A_981 = tpu.sort %masked_sort3A_978, %select_n3A_947 masked %masked_sort3A_975 : (vector<16xi32>, vector<16xi32>, vector<16xi1>) -> (vector<16xi1>, vector<16xi32>, vector<16xi32>)
      %masked_sort3A_982 = arith.xori %masked_sort3A_980, %masked_sort3A_977 : vector<16xi32>
      %masked_sort3A_983 = arith.constant dense<true> : vector<16xi1>
      %masked_sort3A_984 = arith.constant -2147483648 : i32
      %masked_sort3A_985 = vector.broadcast %masked_sort3A_984 : i32 to vector<16xi32>
      %masked_sort3A_986 = arith.xori %select_n3A_946, %masked_sort3A_985 : vector<16xi32>
      %masked_sort3A_987, %masked_sort3A_988, %masked_sort3A_989 = tpu.sort %masked_sort3A_986, %select_n3A_948 masked %masked_sort3A_983 : (vector<16xi32>, vector<16xi32>, vector<16xi1>) -> (vector<16xi1>, vector<16xi32>, vector<16xi32>)
      %masked_sort3A_990 = arith.xori %masked_sort3A_988, %masked_sort3A_985 : vector<16xi32>
      %masked_sort3A_991 = arith.constant dense<true> : vector<16xi1>
      %masked_sort3A_992 = arith.constant -2147483648 : i32
      %masked_sort3A_993 = vector.broadcast %masked_sort3A_992 : i32 to vector<16xi32>
      %masked_sort3A_994 = arith.xori %select_n3A_950, %masked_sort3A_993 : vector<16xi32>
      %masked_sort3A_995, %masked_sort3A_996, %masked_sort3A_997 = tpu.sort %masked_sort3A_994, %select_n3A_952 masked %masked_sort3A_991 : (vector<16xi32>, vector<16xi32>, vector<16xi1>) -> (vector<16xi1>, vector<16xi32>, vector<16xi32>)
      %masked_sort3A_998 = arith.xori %masked_sort3A_996, %masked_sort3A_993 : vector<16xi32>
      %masked_sort3A_999 = arith.constant dense<true> : vector<16xi1>
      %masked_sort3A_1000 = arith.constant -2147483648 : i32
      %masked_sort3A_1001 = vector.broadcast %masked_sort3A_1000 : i32 to vector<16xi32>
      %masked_sort3A_1002 = arith.xori %select_n3A_951, %masked_sort3A_1001 : vector<16xi32>
      %masked_sort3A_1003, %masked_sort3A_1004, %masked_sort3A_1005 = tpu.sort %masked_sort3A_1002, %select_n3A_953 masked %masked_sort3A_999 : (vector<16xi32>, vector<16xi32>, vector<16xi1>) -> (vector<16xi1>, vector<16xi32>, vector<16xi32>)
      %masked_sort3A_1006 = arith.xori %masked_sort3A_1004, %masked_sort3A_1001 : vector<16xi32>
      %masked_sort3A_1007 = arith.constant dense<true> : vector<16xi1>
      %masked_sort3A_1008 = arith.constant -2147483648 : i32
      %masked_sort3A_1009 = vector.broadcast %masked_sort3A_1008 : i32 to vector<16xi32>
      %masked_sort3A_1010 = arith.xori %select_n3A_955, %masked_sort3A_1009 : vector<16xi32>
      %masked_sort3A_1011, %masked_sort3A_1012, %masked_sort3A_1013 = tpu.sort %masked_sort3A_1010, %select_n3A_957 masked %masked_sort3A_1007 : (vector<16xi32>, vector<16xi32>, vector<16xi1>) -> (vector<16xi1>, vector<16xi32>, vector<16xi32>)
      %masked_sort3A_1014 = arith.xori %masked_sort3A_1012, %masked_sort3A_1009 : vector<16xi32>
      %masked_sort3A_1015 = arith.constant dense<true> : vector<16xi1>
      %masked_sort3A_1016 = arith.constant -2147483648 : i32
      %masked_sort3A_1017 = vector.broadcast %masked_sort3A_1016 : i32 to vector<16xi32>
      %masked_sort3A_1018 = arith.xori %select_n3A_956, %masked_sort3A_1017 : vector<16xi32>
      %masked_sort3A_1019, %masked_sort3A_1020, %masked_sort3A_1021 = tpu.sort %masked_sort3A_1018, %select_n3A_958 masked %masked_sort3A_1015 : (vector<16xi32>, vector<16xi32>, vector<16xi1>) -> (vector<16xi1>, vector<16xi32>, vector<16xi32>)
      %masked_sort3A_1022 = arith.xori %masked_sort3A_1020, %masked_sort3A_1017 : vector<16xi32>
      %rev3A_1023 = arith.constant 15 : i32
      %rev3A_1024 = vector.broadcast %rev3A_1023 : i32 to vector<16xi32>
      %rev3A_1025 = tpu.iota {dimensions = array<i32: 0>} : vector<16xi32>
      %rev3A_1026 = arith.subi %rev3A_1024, %rev3A_1025 : vector<16xi32>
      %rev3A_1027 = tpu.dynamic_gather %masked_sort3A_858[%rev3A_1026] in [0] : vector<16xi32>, vector<16xi32> -> vector<16xi32>
      %rev3A_1028 = arith.constant 15 : i32
      %rev3A_1029 = vector.broadcast %rev3A_1028 : i32 to vector<16xi32>
      %rev3A_1030 = tpu.iota {dimensions = array<i32: 0>} : vector<16xi32>
      %rev3A_1031 = arith.subi %rev3A_1029, %rev3A_1030 : vector<16xi32>
      %rev3A_1032 = tpu.dynamic_gather %masked_sort3A_850[%rev3A_1031] in [0] : vector<16xi32>, vector<16xi32> -> vector<16xi32>
      %rev3A_1033 = arith.constant 15 : i32
      %rev3A_1034 = vector.broadcast %rev3A_1033 : i32 to vector<16xi32>
      %rev3A_1035 = tpu.iota {dimensions = array<i32: 0>} : vector<16xi32>
      %rev3A_1036 = arith.subi %rev3A_1034, %rev3A_1035 : vector<16xi32>
      %rev3A_1037 = tpu.dynamic_gather %masked_sort3A_842[%rev3A_1036] in [0] : vector<16xi32>, vector<16xi32> -> vector<16xi32>
      %rev3A_1038 = arith.constant 15 : i32
      %rev3A_1039 = vector.broadcast %rev3A_1038 : i32 to vector<16xi32>
      %rev3A_1040 = tpu.iota {dimensions = array<i32: 0>} : vector<16xi32>
      %rev3A_1041 = arith.subi %rev3A_1039, %rev3A_1040 : vector<16xi32>
      %rev3A_1042 = tpu.dynamic_gather %masked_sort3A_834[%rev3A_1041] in [0] : vector<16xi32>, vector<16xi32> -> vector<16xi32>
      %rev3A_1043 = arith.constant 15 : i32
      %rev3A_1044 = vector.broadcast %rev3A_1043 : i32 to vector<16xi32>
      %rev3A_1045 = tpu.iota {dimensions = array<i32: 0>} : vector<16xi32>
      %rev3A_1046 = arith.subi %rev3A_1044, %rev3A_1045 : vector<16xi32>
      %rev3A_1047 = tpu.dynamic_gather %masked_sort3A_857[%rev3A_1046] in [0] : vector<16xi32>, vector<16xi32> -> vector<16xi32>
      %rev3A_1048 = arith.constant 15 : i32
      %rev3A_1049 = vector.broadcast %rev3A_1048 : i32 to vector<16xi32>
      %rev3A_1050 = tpu.iota {dimensions = array<i32: 0>} : vector<16xi32>
      %rev3A_1051 = arith.subi %rev3A_1049, %rev3A_1050 : vector<16xi32>
      %rev3A_1052 = tpu.dynamic_gather %masked_sort3A_849[%rev3A_1051] in [0] : vector<16xi32>, vector<16xi32> -> vector<16xi32>
      %rev3A_1053 = arith.constant 15 : i32
      %rev3A_1054 = vector.broadcast %rev3A_1053 : i32 to vector<16xi32>
      %rev3A_1055 = tpu.iota {dimensions = array<i32: 0>} : vector<16xi32>
      %rev3A_1056 = arith.subi %rev3A_1054, %rev3A_1055 : vector<16xi32>
      %rev3A_1057 = tpu.dynamic_gather %masked_sort3A_841[%rev3A_1056] in [0] : vector<16xi32>, vector<16xi32> -> vector<16xi32>
      %rev3A_1058 = arith.constant 15 : i32
      %rev3A_1059 = vector.broadcast %rev3A_1058 : i32 to vector<16xi32>
      %rev3A_1060 = tpu.iota {dimensions = array<i32: 0>} : vector<16xi32>
      %rev3A_1061 = arith.subi %rev3A_1059, %rev3A_1060 : vector<16xi32>
      %rev3A_1062 = tpu.dynamic_gather %masked_sort3A_833[%rev3A_1061] in [0] : vector<16xi32>, vector<16xi32> -> vector<16xi32>
      %le3A_1063 = arith.cmpi sle, %masked_sort3A_762, %rev3A_1027 : vector<16xi32>
      %select_n3A_1064 = arith.select %le3A_1063, %masked_sort3A_762, %rev3A_1027 : vector<16xi1>, vector<16xi32>
      %select_n3A_1065 = arith.select %le3A_1063, %rev3A_1027, %masked_sort3A_762 : vector<16xi1>, vector<16xi32>
      %select_n3A_1066 = arith.select %le3A_1063, %masked_sort3A_761, %rev3A_1047 : vector<16xi1>, vector<16xi32>
      %select_n3A_1067 = arith.select %le3A_1063, %rev3A_1047, %masked_sort3A_761 : vector<16xi1>, vector<16xi32>
      %le3A_1068 = arith.cmpi sle, %masked_sort3A_770, %rev3A_1032 : vector<16xi32>
      %select_n3A_1069 = arith.select %le3A_1068, %masked_sort3A_770, %rev3A_1032 : vector<16xi1>, vector<16xi32>
      %select_n3A_1070 = arith.select %le3A_1068, %rev3A_1032, %masked_sort3A_770 : vector<16xi1>, vector<16xi32>
      %select_n3A_1071 = arith.select %le3A_1068, %masked_sort3A_769, %rev3A_1052 : vector<16xi1>, vector<16xi32>
      %select_n3A_1072 = arith.select %le3A_1068, %rev3A_1052, %masked_sort3A_769 : vector<16xi1>, vector<16xi32>
      %le3A_1073 = arith.cmpi sle, %masked_sort3A_778, %rev3A_1037 : vector<16xi32>
      %select_n3A_1074 = arith.select %le3A_1073, %masked_sort3A_778, %rev3A_1037 : vector<16xi1>, vector<16xi32>
      %select_n3A_1075 = arith.select %le3A_1073, %rev3A_1037, %masked_sort3A_778 : vector<16xi1>, vector<16xi32>
      %select_n3A_1076 = arith.select %le3A_1073, %masked_sort3A_777, %rev3A_1057 : vector<16xi1>, vector<16xi32>
      %select_n3A_1077 = arith.select %le3A_1073, %rev3A_1057, %masked_sort3A_777 : vector<16xi1>, vector<16xi32>
      %le3A_1078 = arith.cmpi sle, %masked_sort3A_786, %rev3A_1042 : vector<16xi32>
      %select_n3A_1079 = arith.select %le3A_1078, %masked_sort3A_786, %rev3A_1042 : vector<16xi1>, vector<16xi32>
      %select_n3A_1080 = arith.select %le3A_1078, %rev3A_1042, %masked_sort3A_786 : vector<16xi1>, vector<16xi32>
      %select_n3A_1081 = arith.select %le3A_1078, %masked_sort3A_785, %rev3A_1062 : vector<16xi1>, vector<16xi32>
      %select_n3A_1082 = arith.select %le3A_1078, %rev3A_1062, %masked_sort3A_785 : vector<16xi1>, vector<16xi32>
      %le3A_1083 = arith.cmpi sle, %select_n3A_1064, %select_n3A_1074 : vector<16xi32>
      %select_n3A_1084 = arith.select %le3A_1083, %select_n3A_1064, %select_n3A_1074 : vector<16xi1>, vector<16xi32>
      %select_n3A_1085 = arith.select %le3A_1083, %select_n3A_1074, %select_n3A_1064 : vector<16xi1>, vector<16xi32>
      %select_n3A_1086 = arith.select %le3A_1083, %select_n3A_1066, %select_n3A_1076 : vector<16xi1>, vector<16xi32>
      %select_n3A_1087 = arith.select %le3A_1083, %select_n3A_1076, %select_n3A_1066 : vector<16xi1>, vector<16xi32>
      %le3A_1088 = arith.cmpi sle, %select_n3A_1069, %select_n3A_1079 : vector<16xi32>
      %select_n3A_1089 = arith.select %le3A_1088, %select_n3A_1069, %select_n3A_1079 : vector<16xi1>, vector<16xi32>
      %select_n3A_1090 = arith.select %le3A_1088, %select_n3A_1079, %select_n3A_1069 : vector<16xi1>, vector<16xi32>
      %select_n3A_1091 = arith.select %le3A_1088, %select_n3A_1071, %select_n3A_1081 : vector<16xi1>, vector<16xi32>
      %select_n3A_1092 = arith.select %le3A_1088, %select_n3A_1081, %select_n3A_1071 : vector<16xi1>, vector<16xi32>
      %le3A_1093 = arith.cmpi sle, %select_n3A_1065, %select_n3A_1075 : vector<16xi32>
      %select_n3A_1094 = arith.select %le3A_1093, %select_n3A_1065, %select_n3A_1075 : vector<16xi1>, vector<16xi32>
      %select_n3A_1095 = arith.select %le3A_1093, %select_n3A_1075, %select_n3A_1065 : vector<16xi1>, vector<16xi32>
      %select_n3A_1096 = arith.select %le3A_1093, %select_n3A_1067, %select_n3A_1077 : vector<16xi1>, vector<16xi32>
      %select_n3A_1097 = arith.select %le3A_1093, %select_n3A_1077, %select_n3A_1067 : vector<16xi1>, vector<16xi32>
      %le3A_1098 = arith.cmpi sle, %select_n3A_1070, %select_n3A_1080 : vector<16xi32>
      %select_n3A_1099 = arith.select %le3A_1098, %select_n3A_1070, %select_n3A_1080 : vector<16xi1>, vector<16xi32>
      %select_n3A_1100 = arith.select %le3A_1098, %select_n3A_1080, %select_n3A_1070 : vector<16xi1>, vector<16xi32>
      %select_n3A_1101 = arith.select %le3A_1098, %select_n3A_1072, %select_n3A_1082 : vector<16xi1>, vector<16xi32>
      %select_n3A_1102 = arith.select %le3A_1098, %select_n3A_1082, %select_n3A_1072 : vector<16xi1>, vector<16xi32>
      %le3A_1103 = arith.cmpi sle, %select_n3A_1084, %select_n3A_1089 : vector<16xi32>
      %select_n3A_1104 = arith.select %le3A_1103, %select_n3A_1084, %select_n3A_1089 : vector<16xi1>, vector<16xi32>
      %select_n3A_1105 = arith.select %le3A_1103, %select_n3A_1089, %select_n3A_1084 : vector<16xi1>, vector<16xi32>
      %select_n3A_1106 = arith.select %le3A_1103, %select_n3A_1086, %select_n3A_1091 : vector<16xi1>, vector<16xi32>
      %select_n3A_1107 = arith.select %le3A_1103, %select_n3A_1091, %select_n3A_1086 : vector<16xi1>, vector<16xi32>
      %le3A_1108 = arith.cmpi sle, %select_n3A_1085, %select_n3A_1090 : vector<16xi32>
      %select_n3A_1109 = arith.select %le3A_1108, %select_n3A_1085, %select_n3A_1090 : vector<16xi1>, vector<16xi32>
      %select_n3A_1110 = arith.select %le3A_1108, %select_n3A_1090, %select_n3A_1085 : vector<16xi1>, vector<16xi32>
      %select_n3A_1111 = arith.select %le3A_1108, %select_n3A_1087, %select_n3A_1092 : vector<16xi1>, vector<16xi32>
      %select_n3A_1112 = arith.select %le3A_1108, %select_n3A_1092, %select_n3A_1087 : vector<16xi1>, vector<16xi32>
      %le3A_1113 = arith.cmpi sle, %select_n3A_1094, %select_n3A_1099 : vector<16xi32>
      %select_n3A_1114 = arith.select %le3A_1113, %select_n3A_1094, %select_n3A_1099 : vector<16xi1>, vector<16xi32>
      %select_n3A_1115 = arith.select %le3A_1113, %select_n3A_1099, %select_n3A_1094 : vector<16xi1>, vector<16xi32>
      %select_n3A_1116 = arith.select %le3A_1113, %select_n3A_1096, %select_n3A_1101 : vector<16xi1>, vector<16xi32>
      %select_n3A_1117 = arith.select %le3A_1113, %select_n3A_1101, %select_n3A_1096 : vector<16xi1>, vector<16xi32>
      %le3A_1118 = arith.cmpi sle, %select_n3A_1095, %select_n3A_1100 : vector<16xi32>
      %select_n3A_1119 = arith.select %le3A_1118, %select_n3A_1095, %select_n3A_1100 : vector<16xi1>, vector<16xi32>
      %select_n3A_1120 = arith.select %le3A_1118, %select_n3A_1100, %select_n3A_1095 : vector<16xi1>, vector<16xi32>
      %select_n3A_1121 = arith.select %le3A_1118, %select_n3A_1097, %select_n3A_1102 : vector<16xi1>, vector<16xi32>
      %select_n3A_1122 = arith.select %le3A_1118, %select_n3A_1102, %select_n3A_1097 : vector<16xi1>, vector<16xi32>
      %masked_sort3A_1123 = arith.constant dense<true> : vector<16xi1>
      %masked_sort3A_1124 = arith.constant -2147483648 : i32
      %masked_sort3A_1125 = vector.broadcast %masked_sort3A_1124 : i32 to vector<16xi32>
      %masked_sort3A_1126 = arith.xori %select_n3A_1104, %masked_sort3A_1125 : vector<16xi32>
      %masked_sort3A_1127, %masked_sort3A_1128, %masked_sort3A_1129 = tpu.sort %masked_sort3A_1126, %select_n3A_1106 masked %masked_sort3A_1123 : (vector<16xi32>, vector<16xi32>, vector<16xi1>) -> (vector<16xi1>, vector<16xi32>, vector<16xi32>)
      %masked_sort3A_1130 = arith.xori %masked_sort3A_1128, %masked_sort3A_1125 : vector<16xi32>
      %masked_sort3A_1131 = arith.constant dense<true> : vector<16xi1>
      %masked_sort3A_1132 = arith.constant -2147483648 : i32
      %masked_sort3A_1133 = vector.broadcast %masked_sort3A_1132 : i32 to vector<16xi32>
      %masked_sort3A_1134 = arith.xori %select_n3A_1105, %masked_sort3A_1133 : vector<16xi32>
      %masked_sort3A_1135, %masked_sort3A_1136, %masked_sort3A_1137 = tpu.sort %masked_sort3A_1134, %select_n3A_1107 masked %masked_sort3A_1131 : (vector<16xi32>, vector<16xi32>, vector<16xi1>) -> (vector<16xi1>, vector<16xi32>, vector<16xi32>)
      %masked_sort3A_1138 = arith.xori %masked_sort3A_1136, %masked_sort3A_1133 : vector<16xi32>
      %masked_sort3A_1139 = arith.constant dense<true> : vector<16xi1>
      %masked_sort3A_1140 = arith.constant -2147483648 : i32
      %masked_sort3A_1141 = vector.broadcast %masked_sort3A_1140 : i32 to vector<16xi32>
      %masked_sort3A_1142 = arith.xori %select_n3A_1109, %masked_sort3A_1141 : vector<16xi32>
      %masked_sort3A_1143, %masked_sort3A_1144, %masked_sort3A_1145 = tpu.sort %masked_sort3A_1142, %select_n3A_1111 masked %masked_sort3A_1139 : (vector<16xi32>, vector<16xi32>, vector<16xi1>) -> (vector<16xi1>, vector<16xi32>, vector<16xi32>)
      %masked_sort3A_1146 = arith.xori %masked_sort3A_1144, %masked_sort3A_1141 : vector<16xi32>
      %masked_sort3A_1147 = arith.constant dense<true> : vector<16xi1>
      %masked_sort3A_1148 = arith.constant -2147483648 : i32
      %masked_sort3A_1149 = vector.broadcast %masked_sort3A_1148 : i32 to vector<16xi32>
      %masked_sort3A_1150 = arith.xori %select_n3A_1110, %masked_sort3A_1149 : vector<16xi32>
      %masked_sort3A_1151, %masked_sort3A_1152, %masked_sort3A_1153 = tpu.sort %masked_sort3A_1150, %select_n3A_1112 masked %masked_sort3A_1147 : (vector<16xi32>, vector<16xi32>, vector<16xi1>) -> (vector<16xi1>, vector<16xi32>, vector<16xi32>)
      %masked_sort3A_1154 = arith.xori %masked_sort3A_1152, %masked_sort3A_1149 : vector<16xi32>
      %masked_sort3A_1155 = arith.constant dense<true> : vector<16xi1>
      %masked_sort3A_1156 = arith.constant -2147483648 : i32
      %masked_sort3A_1157 = vector.broadcast %masked_sort3A_1156 : i32 to vector<16xi32>
      %masked_sort3A_1158 = arith.xori %select_n3A_1114, %masked_sort3A_1157 : vector<16xi32>
      %masked_sort3A_1159, %masked_sort3A_1160, %masked_sort3A_1161 = tpu.sort %masked_sort3A_1158, %select_n3A_1116 masked %masked_sort3A_1155 : (vector<16xi32>, vector<16xi32>, vector<16xi1>) -> (vector<16xi1>, vector<16xi32>, vector<16xi32>)
      %masked_sort3A_1162 = arith.xori %masked_sort3A_1160, %masked_sort3A_1157 : vector<16xi32>
      %masked_sort3A_1163 = arith.constant dense<true> : vector<16xi1>
      %masked_sort3A_1164 = arith.constant -2147483648 : i32
      %masked_sort3A_1165 = vector.broadcast %masked_sort3A_1164 : i32 to vector<16xi32>
      %masked_sort3A_1166 = arith.xori %select_n3A_1115, %masked_sort3A_1165 : vector<16xi32>
      %masked_sort3A_1167, %masked_sort3A_1168, %masked_sort3A_1169 = tpu.sort %masked_sort3A_1166, %select_n3A_1117 masked %masked_sort3A_1163 : (vector<16xi32>, vector<16xi32>, vector<16xi1>) -> (vector<16xi1>, vector<16xi32>, vector<16xi32>)
      %masked_sort3A_1170 = arith.xori %masked_sort3A_1168, %masked_sort3A_1165 : vector<16xi32>
      %masked_sort3A_1171 = arith.constant dense<true> : vector<16xi1>
      %masked_sort3A_1172 = arith.constant -2147483648 : i32
      %masked_sort3A_1173 = vector.broadcast %masked_sort3A_1172 : i32 to vector<16xi32>
      %masked_sort3A_1174 = arith.xori %select_n3A_1119, %masked_sort3A_1173 : vector<16xi32>
      %masked_sort3A_1175, %masked_sort3A_1176, %masked_sort3A_1177 = tpu.sort %masked_sort3A_1174, %select_n3A_1121 masked %masked_sort3A_1171 : (vector<16xi32>, vector<16xi32>, vector<16xi1>) -> (vector<16xi1>, vector<16xi32>, vector<16xi32>)
      %masked_sort3A_1178 = arith.xori %masked_sort3A_1176, %masked_sort3A_1173 : vector<16xi32>
      %masked_sort3A_1179 = arith.constant dense<true> : vector<16xi1>
      %masked_sort3A_1180 = arith.constant -2147483648 : i32
      %masked_sort3A_1181 = vector.broadcast %masked_sort3A_1180 : i32 to vector<16xi32>
      %masked_sort3A_1182 = arith.xori %select_n3A_1120, %masked_sort3A_1181 : vector<16xi32>
      %masked_sort3A_1183, %masked_sort3A_1184, %masked_sort3A_1185 = tpu.sort %masked_sort3A_1182, %select_n3A_1122 masked %masked_sort3A_1179 : (vector<16xi32>, vector<16xi32>, vector<16xi1>) -> (vector<16xi1>, vector<16xi32>, vector<16xi32>)
      %masked_sort3A_1186 = arith.xori %masked_sort3A_1184, %masked_sort3A_1181 : vector<16xi32>
      %rev3A_1187 = arith.constant 15 : i32
      %rev3A_1188 = vector.broadcast %rev3A_1187 : i32 to vector<16xi32>
      %rev3A_1189 = tpu.iota {dimensions = array<i32: 0>} : vector<16xi32>
      %rev3A_1190 = arith.subi %rev3A_1188, %rev3A_1189 : vector<16xi32>
      %rev3A_1191 = tpu.dynamic_gather %masked_sort3A_1186[%rev3A_1190] in [0] : vector<16xi32>, vector<16xi32> -> vector<16xi32>
      %rev3A_1192 = arith.constant 15 : i32
      %rev3A_1193 = vector.broadcast %rev3A_1192 : i32 to vector<16xi32>
      %rev3A_1194 = tpu.iota {dimensions = array<i32: 0>} : vector<16xi32>
      %rev3A_1195 = arith.subi %rev3A_1193, %rev3A_1194 : vector<16xi32>
      %rev3A_1196 = tpu.dynamic_gather %masked_sort3A_1178[%rev3A_1195] in [0] : vector<16xi32>, vector<16xi32> -> vector<16xi32>
      %rev3A_1197 = arith.constant 15 : i32
      %rev3A_1198 = vector.broadcast %rev3A_1197 : i32 to vector<16xi32>
      %rev3A_1199 = tpu.iota {dimensions = array<i32: 0>} : vector<16xi32>
      %rev3A_1200 = arith.subi %rev3A_1198, %rev3A_1199 : vector<16xi32>
      %rev3A_1201 = tpu.dynamic_gather %masked_sort3A_1170[%rev3A_1200] in [0] : vector<16xi32>, vector<16xi32> -> vector<16xi32>
      %rev3A_1202 = arith.constant 15 : i32
      %rev3A_1203 = vector.broadcast %rev3A_1202 : i32 to vector<16xi32>
      %rev3A_1204 = tpu.iota {dimensions = array<i32: 0>} : vector<16xi32>
      %rev3A_1205 = arith.subi %rev3A_1203, %rev3A_1204 : vector<16xi32>
      %rev3A_1206 = tpu.dynamic_gather %masked_sort3A_1162[%rev3A_1205] in [0] : vector<16xi32>, vector<16xi32> -> vector<16xi32>
      %rev3A_1207 = arith.constant 15 : i32
      %rev3A_1208 = vector.broadcast %rev3A_1207 : i32 to vector<16xi32>
      %rev3A_1209 = tpu.iota {dimensions = array<i32: 0>} : vector<16xi32>
      %rev3A_1210 = arith.subi %rev3A_1208, %rev3A_1209 : vector<16xi32>
      %rev3A_1211 = tpu.dynamic_gather %masked_sort3A_1154[%rev3A_1210] in [0] : vector<16xi32>, vector<16xi32> -> vector<16xi32>
      %rev3A_1212 = arith.constant 15 : i32
      %rev3A_1213 = vector.broadcast %rev3A_1212 : i32 to vector<16xi32>
      %rev3A_1214 = tpu.iota {dimensions = array<i32: 0>} : vector<16xi32>
      %rev3A_1215 = arith.subi %rev3A_1213, %rev3A_1214 : vector<16xi32>
      %rev3A_1216 = tpu.dynamic_gather %masked_sort3A_1146[%rev3A_1215] in [0] : vector<16xi32>, vector<16xi32> -> vector<16xi32>
      %rev3A_1217 = arith.constant 15 : i32
      %rev3A_1218 = vector.broadcast %rev3A_1217 : i32 to vector<16xi32>
      %rev3A_1219 = tpu.iota {dimensions = array<i32: 0>} : vector<16xi32>
      %rev3A_1220 = arith.subi %rev3A_1218, %rev3A_1219 : vector<16xi32>
      %rev3A_1221 = tpu.dynamic_gather %masked_sort3A_1138[%rev3A_1220] in [0] : vector<16xi32>, vector<16xi32> -> vector<16xi32>
      %rev3A_1222 = arith.constant 15 : i32
      %rev3A_1223 = vector.broadcast %rev3A_1222 : i32 to vector<16xi32>
      %rev3A_1224 = tpu.iota {dimensions = array<i32: 0>} : vector<16xi32>
      %rev3A_1225 = arith.subi %rev3A_1223, %rev3A_1224 : vector<16xi32>
      %rev3A_1226 = tpu.dynamic_gather %masked_sort3A_1130[%rev3A_1225] in [0] : vector<16xi32>, vector<16xi32> -> vector<16xi32>
      %rev3A_1227 = arith.constant 15 : i32
      %rev3A_1228 = vector.broadcast %rev3A_1227 : i32 to vector<16xi32>
      %rev3A_1229 = tpu.iota {dimensions = array<i32: 0>} : vector<16xi32>
      %rev3A_1230 = arith.subi %rev3A_1228, %rev3A_1229 : vector<16xi32>
      %rev3A_1231 = tpu.dynamic_gather %masked_sort3A_1185[%rev3A_1230] in [0] : vector<16xi32>, vector<16xi32> -> vector<16xi32>
      %rev3A_1232 = arith.constant 15 : i32
      %rev3A_1233 = vector.broadcast %rev3A_1232 : i32 to vector<16xi32>
      %rev3A_1234 = tpu.iota {dimensions = array<i32: 0>} : vector<16xi32>
      %rev3A_1235 = arith.subi %rev3A_1233, %rev3A_1234 : vector<16xi32>
      %rev3A_1236 = tpu.dynamic_gather %masked_sort3A_1177[%rev3A_1235] in [0] : vector<16xi32>, vector<16xi32> -> vector<16xi32>
      %rev3A_1237 = arith.constant 15 : i32
      %rev3A_1238 = vector.broadcast %rev3A_1237 : i32 to vector<16xi32>
      %rev3A_1239 = tpu.iota {dimensions = array<i32: 0>} : vector<16xi32>
      %rev3A_1240 = arith.subi %rev3A_1238, %rev3A_1239 : vector<16xi32>
      %rev3A_1241 = tpu.dynamic_gather %masked_sort3A_1169[%rev3A_1240] in [0] : vector<16xi32>, vector<16xi32> -> vector<16xi32>
      %rev3A_1242 = arith.constant 15 : i32
      %rev3A_1243 = vector.broadcast %rev3A_1242 : i32 to vector<16xi32>
      %rev3A_1244 = tpu.iota {dimensions = array<i32: 0>} : vector<16xi32>
      %rev3A_1245 = arith.subi %rev3A_1243, %rev3A_1244 : vector<16xi32>
      %rev3A_1246 = tpu.dynamic_gather %masked_sort3A_1161[%rev3A_1245] in [0] : vector<16xi32>, vector<16xi32> -> vector<16xi32>
      %rev3A_1247 = arith.constant 15 : i32
      %rev3A_1248 = vector.broadcast %rev3A_1247 : i32 to vector<16xi32>
      %rev3A_1249 = tpu.iota {dimensions = array<i32: 0>} : vector<16xi32>
      %rev3A_1250 = arith.subi %rev3A_1248, %rev3A_1249 : vector<16xi32>
      %rev3A_1251 = tpu.dynamic_gather %masked_sort3A_1153[%rev3A_1250] in [0] : vector<16xi32>, vector<16xi32> -> vector<16xi32>
      %rev3A_1252 = arith.constant 15 : i32
      %rev3A_1253 = vector.broadcast %rev3A_1252 : i32 to vector<16xi32>
      %rev3A_1254 = tpu.iota {dimensions = array<i32: 0>} : vector<16xi32>
      %rev3A_1255 = arith.subi %rev3A_1253, %rev3A_1254 : vector<16xi32>
      %rev3A_1256 = tpu.dynamic_gather %masked_sort3A_1145[%rev3A_1255] in [0] : vector<16xi32>, vector<16xi32> -> vector<16xi32>
      %rev3A_1257 = arith.constant 15 : i32
      %rev3A_1258 = vector.broadcast %rev3A_1257 : i32 to vector<16xi32>
      %rev3A_1259 = tpu.iota {dimensions = array<i32: 0>} : vector<16xi32>
      %rev3A_1260 = arith.subi %rev3A_1258, %rev3A_1259 : vector<16xi32>
      %rev3A_1261 = tpu.dynamic_gather %masked_sort3A_1137[%rev3A_1260] in [0] : vector<16xi32>, vector<16xi32> -> vector<16xi32>
      %rev3A_1262 = arith.constant 15 : i32
      %rev3A_1263 = vector.broadcast %rev3A_1262 : i32 to vector<16xi32>
      %rev3A_1264 = tpu.iota {dimensions = array<i32: 0>} : vector<16xi32>
      %rev3A_1265 = arith.subi %rev3A_1263, %rev3A_1264 : vector<16xi32>
      %rev3A_1266 = tpu.dynamic_gather %masked_sort3A_1129[%rev3A_1265] in [0] : vector<16xi32>, vector<16xi32> -> vector<16xi32>
      %le3A_1267 = arith.cmpi sle, %masked_sort3A_966, %rev3A_1191 : vector<16xi32>
      %select_n3A_1268 = arith.select %le3A_1267, %masked_sort3A_966, %rev3A_1191 : vector<16xi1>, vector<16xi32>
      %select_n3A_1269 = arith.select %le3A_1267, %rev3A_1191, %masked_sort3A_966 : vector<16xi1>, vector<16xi32>
      %select_n3A_1270 = arith.select %le3A_1267, %masked_sort3A_965, %rev3A_1231 : vector<16xi1>, vector<16xi32>
      %select_n3A_1271 = arith.select %le3A_1267, %rev3A_1231, %masked_sort3A_965 : vector<16xi1>, vector<16xi32>
      %le3A_1272 = arith.cmpi sle, %masked_sort3A_974, %rev3A_1196 : vector<16xi32>
      %select_n3A_1273 = arith.select %le3A_1272, %masked_sort3A_974, %rev3A_1196 : vector<16xi1>, vector<16xi32>
      %select_n3A_1274 = arith.select %le3A_1272, %rev3A_1196, %masked_sort3A_974 : vector<16xi1>, vector<16xi32>
      %select_n3A_1275 = arith.select %le3A_1272, %masked_sort3A_973, %rev3A_1236 : vector<16xi1>, vector<16xi32>
      %select_n3A_1276 = arith.select %le3A_1272, %rev3A_1236, %masked_sort3A_973 : vector<16xi1>, vector<16xi32>
      %le3A_1277 = arith.cmpi sle, %masked_sort3A_982, %rev3A_1201 : vector<16xi32>
      %select_n3A_1278 = arith.select %le3A_1277, %masked_sort3A_982, %rev3A_1201 : vector<16xi1>, vector<16xi32>
      %select_n3A_1279 = arith.select %le3A_1277, %rev3A_1201, %masked_sort3A_982 : vector<16xi1>, vector<16xi32>
      %select_n3A_1280 = arith.select %le3A_1277, %masked_sort3A_981, %rev3A_1241 : vector<16xi1>, vector<16xi32>
      %select_n3A_1281 = arith.select %le3A_1277, %rev3A_1241, %masked_sort3A_981 : vector<16xi1>, vector<16xi32>
      %le3A_1282 = arith.cmpi sle, %masked_sort3A_990, %rev3A_1206 : vector<16xi32>
      %select_n3A_1283 = arith.select %le3A_1282, %masked_sort3A_990, %rev3A_1206 : vector<16xi1>, vector<16xi32>
      %select_n3A_1284 = arith.select %le3A_1282, %rev3A_1206, %masked_sort3A_990 : vector<16xi1>, vector<16xi32>
      %select_n3A_1285 = arith.select %le3A_1282, %masked_sort3A_989, %rev3A_1246 : vector<16xi1>, vector<16xi32>
      %select_n3A_1286 = arith.select %le3A_1282, %rev3A_1246, %masked_sort3A_989 : vector<16xi1>, vector<16xi32>
      %le3A_1287 = arith.cmpi sle, %masked_sort3A_998, %rev3A_1211 : vector<16xi32>
      %select_n3A_1288 = arith.select %le3A_1287, %masked_sort3A_998, %rev3A_1211 : vector<16xi1>, vector<16xi32>
      %select_n3A_1289 = arith.select %le3A_1287, %rev3A_1211, %masked_sort3A_998 : vector<16xi1>, vector<16xi32>
      %select_n3A_1290 = arith.select %le3A_1287, %masked_sort3A_997, %rev3A_1251 : vector<16xi1>, vector<16xi32>
      %select_n3A_1291 = arith.select %le3A_1287, %rev3A_1251, %masked_sort3A_997 : vector<16xi1>, vector<16xi32>
      %le3A_1292 = arith.cmpi sle, %masked_sort3A_1006, %rev3A_1216 : vector<16xi32>
      %select_n3A_1293 = arith.select %le3A_1292, %masked_sort3A_1006, %rev3A_1216 : vector<16xi1>, vector<16xi32>
      %select_n3A_1294 = arith.select %le3A_1292, %rev3A_1216, %masked_sort3A_1006 : vector<16xi1>, vector<16xi32>
      %select_n3A_1295 = arith.select %le3A_1292, %masked_sort3A_1005, %rev3A_1256 : vector<16xi1>, vector<16xi32>
      %select_n3A_1296 = arith.select %le3A_1292, %rev3A_1256, %masked_sort3A_1005 : vector<16xi1>, vector<16xi32>
      %le3A_1297 = arith.cmpi sle, %masked_sort3A_1014, %rev3A_1221 : vector<16xi32>
      %select_n3A_1298 = arith.select %le3A_1297, %masked_sort3A_1014, %rev3A_1221 : vector<16xi1>, vector<16xi32>
      %select_n3A_1299 = arith.select %le3A_1297, %rev3A_1221, %masked_sort3A_1014 : vector<16xi1>, vector<16xi32>
      %select_n3A_1300 = arith.select %le3A_1297, %masked_sort3A_1013, %rev3A_1261 : vector<16xi1>, vector<16xi32>
      %select_n3A_1301 = arith.select %le3A_1297, %rev3A_1261, %masked_sort3A_1013 : vector<16xi1>, vector<16xi32>
      %le3A_1302 = arith.cmpi sle, %masked_sort3A_1022, %rev3A_1226 : vector<16xi32>
      %select_n3A_1303 = arith.select %le3A_1302, %masked_sort3A_1022, %rev3A_1226 : vector<16xi1>, vector<16xi32>
      %select_n3A_1304 = arith.select %le3A_1302, %rev3A_1226, %masked_sort3A_1022 : vector<16xi1>, vector<16xi32>
      %select_n3A_1305 = arith.select %le3A_1302, %masked_sort3A_1021, %rev3A_1266 : vector<16xi1>, vector<16xi32>
      %select_n3A_1306 = arith.select %le3A_1302, %rev3A_1266, %masked_sort3A_1021 : vector<16xi1>, vector<16xi32>
      %le3A_1307 = arith.cmpi sle, %select_n3A_1268, %select_n3A_1288 : vector<16xi32>
      %select_n3A_1308 = arith.select %le3A_1307, %select_n3A_1268, %select_n3A_1288 : vector<16xi1>, vector<16xi32>
      %select_n3A_1309 = arith.select %le3A_1307, %select_n3A_1288, %select_n3A_1268 : vector<16xi1>, vector<16xi32>
      %select_n3A_1310 = arith.select %le3A_1307, %select_n3A_1270, %select_n3A_1290 : vector<16xi1>, vector<16xi32>
      %select_n3A_1311 = arith.select %le3A_1307, %select_n3A_1290, %select_n3A_1270 : vector<16xi1>, vector<16xi32>
      %le3A_1312 = arith.cmpi sle, %select_n3A_1273, %select_n3A_1293 : vector<16xi32>
      %select_n3A_1313 = arith.select %le3A_1312, %select_n3A_1273, %select_n3A_1293 : vector<16xi1>, vector<16xi32>
      %select_n3A_1314 = arith.select %le3A_1312, %select_n3A_1293, %select_n3A_1273 : vector<16xi1>, vector<16xi32>
      %select_n3A_1315 = arith.select %le3A_1312, %select_n3A_1275, %select_n3A_1295 : vector<16xi1>, vector<16xi32>
      %select_n3A_1316 = arith.select %le3A_1312, %select_n3A_1295, %select_n3A_1275 : vector<16xi1>, vector<16xi32>
      %le3A_1317 = arith.cmpi sle, %select_n3A_1278, %select_n3A_1298 : vector<16xi32>
      %select_n3A_1318 = arith.select %le3A_1317, %select_n3A_1278, %select_n3A_1298 : vector<16xi1>, vector<16xi32>
      %select_n3A_1319 = arith.select %le3A_1317, %select_n3A_1298, %select_n3A_1278 : vector<16xi1>, vector<16xi32>
      %select_n3A_1320 = arith.select %le3A_1317, %select_n3A_1280, %select_n3A_1300 : vector<16xi1>, vector<16xi32>
      %select_n3A_1321 = arith.select %le3A_1317, %select_n3A_1300, %select_n3A_1280 : vector<16xi1>, vector<16xi32>
      %le3A_1322 = arith.cmpi sle, %select_n3A_1283, %select_n3A_1303 : vector<16xi32>
      %select_n3A_1323 = arith.select %le3A_1322, %select_n3A_1283, %select_n3A_1303 : vector<16xi1>, vector<16xi32>
      %select_n3A_1324 = arith.select %le3A_1322, %select_n3A_1303, %select_n3A_1283 : vector<16xi1>, vector<16xi32>
      %select_n3A_1325 = arith.select %le3A_1322, %select_n3A_1285, %select_n3A_1305 : vector<16xi1>, vector<16xi32>
      %select_n3A_1326 = arith.select %le3A_1322, %select_n3A_1305, %select_n3A_1285 : vector<16xi1>, vector<16xi32>
      %le3A_1327 = arith.cmpi sle, %select_n3A_1269, %select_n3A_1289 : vector<16xi32>
      %select_n3A_1328 = arith.select %le3A_1327, %select_n3A_1269, %select_n3A_1289 : vector<16xi1>, vector<16xi32>
      %select_n3A_1329 = arith.select %le3A_1327, %select_n3A_1289, %select_n3A_1269 : vector<16xi1>, vector<16xi32>
      %select_n3A_1330 = arith.select %le3A_1327, %select_n3A_1271, %select_n3A_1291 : vector<16xi1>, vector<16xi32>
      %select_n3A_1331 = arith.select %le3A_1327, %select_n3A_1291, %select_n3A_1271 : vector<16xi1>, vector<16xi32>
      %le3A_1332 = arith.cmpi sle, %select_n3A_1274, %select_n3A_1294 : vector<16xi32>
      %select_n3A_1333 = arith.select %le3A_1332, %select_n3A_1274, %select_n3A_1294 : vector<16xi1>, vector<16xi32>
      %select_n3A_1334 = arith.select %le3A_1332, %select_n3A_1294, %select_n3A_1274 : vector<16xi1>, vector<16xi32>
      %select_n3A_1335 = arith.select %le3A_1332, %select_n3A_1276, %select_n3A_1296 : vector<16xi1>, vector<16xi32>
      %select_n3A_1336 = arith.select %le3A_1332, %select_n3A_1296, %select_n3A_1276 : vector<16xi1>, vector<16xi32>
      %le3A_1337 = arith.cmpi sle, %select_n3A_1279, %select_n3A_1299 : vector<16xi32>
      %select_n3A_1338 = arith.select %le3A_1337, %select_n3A_1279, %select_n3A_1299 : vector<16xi1>, vector<16xi32>
      %select_n3A_1339 = arith.select %le3A_1337, %select_n3A_1299, %select_n3A_1279 : vector<16xi1>, vector<16xi32>
      %select_n3A_1340 = arith.select %le3A_1337, %select_n3A_1281, %select_n3A_1301 : vector<16xi1>, vector<16xi32>
      %select_n3A_1341 = arith.select %le3A_1337, %select_n3A_1301, %select_n3A_1281 : vector<16xi1>, vector<16xi32>
      %le3A_1342 = arith.cmpi sle, %select_n3A_1284, %select_n3A_1304 : vector<16xi32>
      %select_n3A_1343 = arith.select %le3A_1342, %select_n3A_1284, %select_n3A_1304 : vector<16xi1>, vector<16xi32>
      %select_n3A_1344 = arith.select %le3A_1342, %select_n3A_1304, %select_n3A_1284 : vector<16xi1>, vector<16xi32>
      %select_n3A_1345 = arith.select %le3A_1342, %select_n3A_1286, %select_n3A_1306 : vector<16xi1>, vector<16xi32>
      %select_n3A_1346 = arith.select %le3A_1342, %select_n3A_1306, %select_n3A_1286 : vector<16xi1>, vector<16xi32>
      %le3A_1347 = arith.cmpi sle, %select_n3A_1308, %select_n3A_1318 : vector<16xi32>
      %select_n3A_1348 = arith.select %le3A_1347, %select_n3A_1308, %select_n3A_1318 : vector<16xi1>, vector<16xi32>
      %select_n3A_1349 = arith.select %le3A_1347, %select_n3A_1318, %select_n3A_1308 : vector<16xi1>, vector<16xi32>
      %select_n3A_1350 = arith.select %le3A_1347, %select_n3A_1310, %select_n3A_1320 : vector<16xi1>, vector<16xi32>
      %select_n3A_1351 = arith.select %le3A_1347, %select_n3A_1320, %select_n3A_1310 : vector<16xi1>, vector<16xi32>
      %le3A_1352 = arith.cmpi sle, %select_n3A_1313, %select_n3A_1323 : vector<16xi32>
      %select_n3A_1353 = arith.select %le3A_1352, %select_n3A_1313, %select_n3A_1323 : vector<16xi1>, vector<16xi32>
      %select_n3A_1354 = arith.select %le3A_1352, %select_n3A_1323, %select_n3A_1313 : vector<16xi1>, vector<16xi32>
      %select_n3A_1355 = arith.select %le3A_1352, %select_n3A_1315, %select_n3A_1325 : vector<16xi1>, vector<16xi32>
      %select_n3A_1356 = arith.select %le3A_1352, %select_n3A_1325, %select_n3A_1315 : vector<16xi1>, vector<16xi32>
      %le3A_1357 = arith.cmpi sle, %select_n3A_1309, %select_n3A_1319 : vector<16xi32>
      %select_n3A_1358 = arith.select %le3A_1357, %select_n3A_1309, %select_n3A_1319 : vector<16xi1>, vector<16xi32>
      %select_n3A_1359 = arith.select %le3A_1357, %select_n3A_1319, %select_n3A_1309 : vector<16xi1>, vector<16xi32>
      %select_n3A_1360 = arith.select %le3A_1357, %select_n3A_1311, %select_n3A_1321 : vector<16xi1>, vector<16xi32>
      %select_n3A_1361 = arith.select %le3A_1357, %select_n3A_1321, %select_n3A_1311 : vector<16xi1>, vector<16xi32>
      %le3A_1362 = arith.cmpi sle, %select_n3A_1314, %select_n3A_1324 : vector<16xi32>
      %select_n3A_1363 = arith.select %le3A_1362, %select_n3A_1314, %select_n3A_1324 : vector<16xi1>, vector<16xi32>
      %select_n3A_1364 = arith.select %le3A_1362, %select_n3A_1324, %select_n3A_1314 : vector<16xi1>, vector<16xi32>
      %select_n3A_1365 = arith.select %le3A_1362, %select_n3A_1316, %select_n3A_1326 : vector<16xi1>, vector<16xi32>
      %select_n3A_1366 = arith.select %le3A_1362, %select_n3A_1326, %select_n3A_1316 : vector<16xi1>, vector<16xi32>
      %le3A_1367 = arith.cmpi sle, %select_n3A_1328, %select_n3A_1338 : vector<16xi32>
      %select_n3A_1368 = arith.select %le3A_1367, %select_n3A_1328, %select_n3A_1338 : vector<16xi1>, vector<16xi32>
      %select_n3A_1369 = arith.select %le3A_1367, %select_n3A_1338, %select_n3A_1328 : vector<16xi1>, vector<16xi32>
      %select_n3A_1370 = arith.select %le3A_1367, %select_n3A_1330, %select_n3A_1340 : vector<16xi1>, vector<16xi32>
      %select_n3A_1371 = arith.select %le3A_1367, %select_n3A_1340, %select_n3A_1330 : vector<16xi1>, vector<16xi32>
      %le3A_1372 = arith.cmpi sle, %select_n3A_1333, %select_n3A_1343 : vector<16xi32>
      %select_n3A_1373 = arith.select %le3A_1372, %select_n3A_1333, %select_n3A_1343 : vector<16xi1>, vector<16xi32>
      %select_n3A_1374 = arith.select %le3A_1372, %select_n3A_1343, %select_n3A_1333 : vector<16xi1>, vector<16xi32>
      %select_n3A_1375 = arith.select %le3A_1372, %select_n3A_1335, %select_n3A_1345 : vector<16xi1>, vector<16xi32>
      %select_n3A_1376 = arith.select %le3A_1372, %select_n3A_1345, %select_n3A_1335 : vector<16xi1>, vector<16xi32>
      %le3A_1377 = arith.cmpi sle, %select_n3A_1329, %select_n3A_1339 : vector<16xi32>
      %select_n3A_1378 = arith.select %le3A_1377, %select_n3A_1329, %select_n3A_1339 : vector<16xi1>, vector<16xi32>
      %select_n3A_1379 = arith.select %le3A_1377, %select_n3A_1339, %select_n3A_1329 : vector<16xi1>, vector<16xi32>
      %select_n3A_1380 = arith.select %le3A_1377, %select_n3A_1331, %select_n3A_1341 : vector<16xi1>, vector<16xi32>
      %select_n3A_1381 = arith.select %le3A_1377, %select_n3A_1341, %select_n3A_1331 : vector<16xi1>, vector<16xi32>
      %le3A_1382 = arith.cmpi sle, %select_n3A_1334, %select_n3A_1344 : vector<16xi32>
      %select_n3A_1383 = arith.select %le3A_1382, %select_n3A_1334, %select_n3A_1344 : vector<16xi1>, vector<16xi32>
      %select_n3A_1384 = arith.select %le3A_1382, %select_n3A_1344, %select_n3A_1334 : vector<16xi1>, vector<16xi32>
      %select_n3A_1385 = arith.select %le3A_1382, %select_n3A_1336, %select_n3A_1346 : vector<16xi1>, vector<16xi32>
      %select_n3A_1386 = arith.select %le3A_1382, %select_n3A_1346, %select_n3A_1336 : vector<16xi1>, vector<16xi32>
      %le3A_1387 = arith.cmpi sle, %select_n3A_1348, %select_n3A_1353 : vector<16xi32>
      %select_n3A_1388 = arith.select %le3A_1387, %select_n3A_1348, %select_n3A_1353 : vector<16xi1>, vector<16xi32>
      %select_n3A_1389 = arith.select %le3A_1387, %select_n3A_1353, %select_n3A_1348 : vector<16xi1>, vector<16xi32>
      %select_n3A_1390 = arith.select %le3A_1387, %select_n3A_1350, %select_n3A_1355 : vector<16xi1>, vector<16xi32>
      %select_n3A_1391 = arith.select %le3A_1387, %select_n3A_1355, %select_n3A_1350 : vector<16xi1>, vector<16xi32>
      %le3A_1392 = arith.cmpi sle, %select_n3A_1349, %select_n3A_1354 : vector<16xi32>
      %select_n3A_1393 = arith.select %le3A_1392, %select_n3A_1349, %select_n3A_1354 : vector<16xi1>, vector<16xi32>
      %select_n3A_1394 = arith.select %le3A_1392, %select_n3A_1354, %select_n3A_1349 : vector<16xi1>, vector<16xi32>
      %select_n3A_1395 = arith.select %le3A_1392, %select_n3A_1351, %select_n3A_1356 : vector<16xi1>, vector<16xi32>
      %select_n3A_1396 = arith.select %le3A_1392, %select_n3A_1356, %select_n3A_1351 : vector<16xi1>, vector<16xi32>
      %le3A_1397 = arith.cmpi sle, %select_n3A_1358, %select_n3A_1363 : vector<16xi32>
      %select_n3A_1398 = arith.select %le3A_1397, %select_n3A_1358, %select_n3A_1363 : vector<16xi1>, vector<16xi32>
      %select_n3A_1399 = arith.select %le3A_1397, %select_n3A_1363, %select_n3A_1358 : vector<16xi1>, vector<16xi32>
      %select_n3A_1400 = arith.select %le3A_1397, %select_n3A_1360, %select_n3A_1365 : vector<16xi1>, vector<16xi32>
      %select_n3A_1401 = arith.select %le3A_1397, %select_n3A_1365, %select_n3A_1360 : vector<16xi1>, vector<16xi32>
      %le3A_1402 = arith.cmpi sle, %select_n3A_1359, %select_n3A_1364 : vector<16xi32>
      %select_n3A_1403 = arith.select %le3A_1402, %select_n3A_1359, %select_n3A_1364 : vector<16xi1>, vector<16xi32>
      %select_n3A_1404 = arith.select %le3A_1402, %select_n3A_1364, %select_n3A_1359 : vector<16xi1>, vector<16xi32>
      %select_n3A_1405 = arith.select %le3A_1402, %select_n3A_1361, %select_n3A_1366 : vector<16xi1>, vector<16xi32>
      %select_n3A_1406 = arith.select %le3A_1402, %select_n3A_1366, %select_n3A_1361 : vector<16xi1>, vector<16xi32>
      %le3A_1407 = arith.cmpi sle, %select_n3A_1368, %select_n3A_1373 : vector<16xi32>
      %select_n3A_1408 = arith.select %le3A_1407, %select_n3A_1368, %select_n3A_1373 : vector<16xi1>, vector<16xi32>
      %select_n3A_1409 = arith.select %le3A_1407, %select_n3A_1373, %select_n3A_1368 : vector<16xi1>, vector<16xi32>
      %select_n3A_1410 = arith.select %le3A_1407, %select_n3A_1370, %select_n3A_1375 : vector<16xi1>, vector<16xi32>
      %select_n3A_1411 = arith.select %le3A_1407, %select_n3A_1375, %select_n3A_1370 : vector<16xi1>, vector<16xi32>
      %le3A_1412 = arith.cmpi sle, %select_n3A_1369, %select_n3A_1374 : vector<16xi32>
      %select_n3A_1413 = arith.select %le3A_1412, %select_n3A_1369, %select_n3A_1374 : vector<16xi1>, vector<16xi32>
      %select_n3A_1414 = arith.select %le3A_1412, %select_n3A_1374, %select_n3A_1369 : vector<16xi1>, vector<16xi32>
      %select_n3A_1415 = arith.select %le3A_1412, %select_n3A_1371, %select_n3A_1376 : vector<16xi1>, vector<16xi32>
      %select_n3A_1416 = arith.select %le3A_1412, %select_n3A_1376, %select_n3A_1371 : vector<16xi1>, vector<16xi32>
      %le3A_1417 = arith.cmpi sle, %select_n3A_1378, %select_n3A_1383 : vector<16xi32>
      %select_n3A_1418 = arith.select %le3A_1417, %select_n3A_1378, %select_n3A_1383 : vector<16xi1>, vector<16xi32>
      %select_n3A_1419 = arith.select %le3A_1417, %select_n3A_1383, %select_n3A_1378 : vector<16xi1>, vector<16xi32>
      %select_n3A_1420 = arith.select %le3A_1417, %select_n3A_1380, %select_n3A_1385 : vector<16xi1>, vector<16xi32>
      %select_n3A_1421 = arith.select %le3A_1417, %select_n3A_1385, %select_n3A_1380 : vector<16xi1>, vector<16xi32>
      %le3A_1422 = arith.cmpi sle, %select_n3A_1379, %select_n3A_1384 : vector<16xi32>
      %select_n3A_1423 = arith.select %le3A_1422, %select_n3A_1379, %select_n3A_1384 : vector<16xi1>, vector<16xi32>
      %select_n3A_1424 = arith.select %le3A_1422, %select_n3A_1384, %select_n3A_1379 : vector<16xi1>, vector<16xi32>
      %select_n3A_1425 = arith.select %le3A_1422, %select_n3A_1381, %select_n3A_1386 : vector<16xi1>, vector<16xi32>
      %select_n3A_1426 = arith.select %le3A_1422, %select_n3A_1386, %select_n3A_1381 : vector<16xi1>, vector<16xi32>
      %masked_sort3A_1427 = arith.constant dense<true> : vector<16xi1>
      %masked_sort3A_1428 = arith.constant -2147483648 : i32
      %masked_sort3A_1429 = vector.broadcast %masked_sort3A_1428 : i32 to vector<16xi32>
      %masked_sort3A_1430 = arith.xori %select_n3A_1388, %masked_sort3A_1429 : vector<16xi32>
      %masked_sort3A_1431, %masked_sort3A_1432, %masked_sort3A_1433 = tpu.sort %masked_sort3A_1430, %select_n3A_1390 masked %masked_sort3A_1427 : (vector<16xi32>, vector<16xi32>, vector<16xi1>) -> (vector<16xi1>, vector<16xi32>, vector<16xi32>)
      %masked_sort3A_1434 = arith.xori %masked_sort3A_1432, %masked_sort3A_1429 : vector<16xi32>
      %masked_sort3A_1435 = arith.constant dense<true> : vector<16xi1>
      %masked_sort3A_1436 = arith.constant -2147483648 : i32
      %masked_sort3A_1437 = vector.broadcast %masked_sort3A_1436 : i32 to vector<16xi32>
      %masked_sort3A_1438 = arith.xori %select_n3A_1389, %masked_sort3A_1437 : vector<16xi32>
      %masked_sort3A_1439, %masked_sort3A_1440, %masked_sort3A_1441 = tpu.sort %masked_sort3A_1438, %select_n3A_1391 masked %masked_sort3A_1435 : (vector<16xi32>, vector<16xi32>, vector<16xi1>) -> (vector<16xi1>, vector<16xi32>, vector<16xi32>)
      %masked_sort3A_1442 = arith.xori %masked_sort3A_1440, %masked_sort3A_1437 : vector<16xi32>
      %masked_sort3A_1443 = arith.constant dense<true> : vector<16xi1>
      %masked_sort3A_1444 = arith.constant -2147483648 : i32
      %masked_sort3A_1445 = vector.broadcast %masked_sort3A_1444 : i32 to vector<16xi32>
      %masked_sort3A_1446 = arith.xori %select_n3A_1393, %masked_sort3A_1445 : vector<16xi32>
      %masked_sort3A_1447, %masked_sort3A_1448, %masked_sort3A_1449 = tpu.sort %masked_sort3A_1446, %select_n3A_1395 masked %masked_sort3A_1443 : (vector<16xi32>, vector<16xi32>, vector<16xi1>) -> (vector<16xi1>, vector<16xi32>, vector<16xi32>)
      %masked_sort3A_1450 = arith.xori %masked_sort3A_1448, %masked_sort3A_1445 : vector<16xi32>
      %masked_sort3A_1451 = arith.constant dense<true> : vector<16xi1>
      %masked_sort3A_1452 = arith.constant -2147483648 : i32
      %masked_sort3A_1453 = vector.broadcast %masked_sort3A_1452 : i32 to vector<16xi32>
      %masked_sort3A_1454 = arith.xori %select_n3A_1394, %masked_sort3A_1453 : vector<16xi32>
      %masked_sort3A_1455, %masked_sort3A_1456, %masked_sort3A_1457 = tpu.sort %masked_sort3A_1454, %select_n3A_1396 masked %masked_sort3A_1451 : (vector<16xi32>, vector<16xi32>, vector<16xi1>) -> (vector<16xi1>, vector<16xi32>, vector<16xi32>)
      %masked_sort3A_1458 = arith.xori %masked_sort3A_1456, %masked_sort3A_1453 : vector<16xi32>
      %masked_sort3A_1459 = arith.constant dense<true> : vector<16xi1>
      %masked_sort3A_1460 = arith.constant -2147483648 : i32
      %masked_sort3A_1461 = vector.broadcast %masked_sort3A_1460 : i32 to vector<16xi32>
      %masked_sort3A_1462 = arith.xori %select_n3A_1398, %masked_sort3A_1461 : vector<16xi32>
      %masked_sort3A_1463, %masked_sort3A_1464, %masked_sort3A_1465 = tpu.sort %masked_sort3A_1462, %select_n3A_1400 masked %masked_sort3A_1459 : (vector<16xi32>, vector<16xi32>, vector<16xi1>) -> (vector<16xi1>, vector<16xi32>, vector<16xi32>)
      %masked_sort3A_1466 = arith.xori %masked_sort3A_1464, %masked_sort3A_1461 : vector<16xi32>
      %masked_sort3A_1467 = arith.constant dense<true> : vector<16xi1>
      %masked_sort3A_1468 = arith.constant -2147483648 : i32
      %masked_sort3A_1469 = vector.broadcast %masked_sort3A_1468 : i32 to vector<16xi32>
      %masked_sort3A_1470 = arith.xori %select_n3A_1399, %masked_sort3A_1469 : vector<16xi32>
      %masked_sort3A_1471, %masked_sort3A_1472, %masked_sort3A_1473 = tpu.sort %masked_sort3A_1470, %select_n3A_1401 masked %masked_sort3A_1467 : (vector<16xi32>, vector<16xi32>, vector<16xi1>) -> (vector<16xi1>, vector<16xi32>, vector<16xi32>)
      %masked_sort3A_1474 = arith.xori %masked_sort3A_1472, %masked_sort3A_1469 : vector<16xi32>
      %masked_sort3A_1475 = arith.constant dense<true> : vector<16xi1>
      %masked_sort3A_1476 = arith.constant -2147483648 : i32
      %masked_sort3A_1477 = vector.broadcast %masked_sort3A_1476 : i32 to vector<16xi32>
      %masked_sort3A_1478 = arith.xori %select_n3A_1403, %masked_sort3A_1477 : vector<16xi32>
      %masked_sort3A_1479, %masked_sort3A_1480, %masked_sort3A_1481 = tpu.sort %masked_sort3A_1478, %select_n3A_1405 masked %masked_sort3A_1475 : (vector<16xi32>, vector<16xi32>, vector<16xi1>) -> (vector<16xi1>, vector<16xi32>, vector<16xi32>)
      %masked_sort3A_1482 = arith.xori %masked_sort3A_1480, %masked_sort3A_1477 : vector<16xi32>
      %masked_sort3A_1483 = arith.constant dense<true> : vector<16xi1>
      %masked_sort3A_1484 = arith.constant -2147483648 : i32
      %masked_sort3A_1485 = vector.broadcast %masked_sort3A_1484 : i32 to vector<16xi32>
      %masked_sort3A_1486 = arith.xori %select_n3A_1404, %masked_sort3A_1485 : vector<16xi32>
      %masked_sort3A_1487, %masked_sort3A_1488, %masked_sort3A_1489 = tpu.sort %masked_sort3A_1486, %select_n3A_1406 masked %masked_sort3A_1483 : (vector<16xi32>, vector<16xi32>, vector<16xi1>) -> (vector<16xi1>, vector<16xi32>, vector<16xi32>)
      %masked_sort3A_1490 = arith.xori %masked_sort3A_1488, %masked_sort3A_1485 : vector<16xi32>
      %masked_sort3A_1491 = arith.constant dense<true> : vector<16xi1>
      %masked_sort3A_1492 = arith.constant -2147483648 : i32
      %masked_sort3A_1493 = vector.broadcast %masked_sort3A_1492 : i32 to vector<16xi32>
      %masked_sort3A_1494 = arith.xori %select_n3A_1408, %masked_sort3A_1493 : vector<16xi32>
      %masked_sort3A_1495, %masked_sort3A_1496, %masked_sort3A_1497 = tpu.sort %masked_sort3A_1494, %select_n3A_1410 masked %masked_sort3A_1491 : (vector<16xi32>, vector<16xi32>, vector<16xi1>) -> (vector<16xi1>, vector<16xi32>, vector<16xi32>)
      %masked_sort3A_1498 = arith.xori %masked_sort3A_1496, %masked_sort3A_1493 : vector<16xi32>
      %masked_sort3A_1499 = arith.constant dense<true> : vector<16xi1>
      %masked_sort3A_1500 = arith.constant -2147483648 : i32
      %masked_sort3A_1501 = vector.broadcast %masked_sort3A_1500 : i32 to vector<16xi32>
      %masked_sort3A_1502 = arith.xori %select_n3A_1409, %masked_sort3A_1501 : vector<16xi32>
      %masked_sort3A_1503, %masked_sort3A_1504, %masked_sort3A_1505 = tpu.sort %masked_sort3A_1502, %select_n3A_1411 masked %masked_sort3A_1499 : (vector<16xi32>, vector<16xi32>, vector<16xi1>) -> (vector<16xi1>, vector<16xi32>, vector<16xi32>)
      %masked_sort3A_1506 = arith.xori %masked_sort3A_1504, %masked_sort3A_1501 : vector<16xi32>
      %masked_sort3A_1507 = arith.constant dense<true> : vector<16xi1>
      %masked_sort3A_1508 = arith.constant -2147483648 : i32
      %masked_sort3A_1509 = vector.broadcast %masked_sort3A_1508 : i32 to vector<16xi32>
      %masked_sort3A_1510 = arith.xori %select_n3A_1413, %masked_sort3A_1509 : vector<16xi32>
      %masked_sort3A_1511, %masked_sort3A_1512, %masked_sort3A_1513 = tpu.sort %masked_sort3A_1510, %select_n3A_1415 masked %masked_sort3A_1507 : (vector<16xi32>, vector<16xi32>, vector<16xi1>) -> (vector<16xi1>, vector<16xi32>, vector<16xi32>)
      %masked_sort3A_1514 = arith.xori %masked_sort3A_1512, %masked_sort3A_1509 : vector<16xi32>
      %masked_sort3A_1515 = arith.constant dense<true> : vector<16xi1>
      %masked_sort3A_1516 = arith.constant -2147483648 : i32
      %masked_sort3A_1517 = vector.broadcast %masked_sort3A_1516 : i32 to vector<16xi32>
      %masked_sort3A_1518 = arith.xori %select_n3A_1414, %masked_sort3A_1517 : vector<16xi32>
      %masked_sort3A_1519, %masked_sort3A_1520, %masked_sort3A_1521 = tpu.sort %masked_sort3A_1518, %select_n3A_1416 masked %masked_sort3A_1515 : (vector<16xi32>, vector<16xi32>, vector<16xi1>) -> (vector<16xi1>, vector<16xi32>, vector<16xi32>)
      %masked_sort3A_1522 = arith.xori %masked_sort3A_1520, %masked_sort3A_1517 : vector<16xi32>
      %masked_sort3A_1523 = arith.constant dense<true> : vector<16xi1>
      %masked_sort3A_1524 = arith.constant -2147483648 : i32
      %masked_sort3A_1525 = vector.broadcast %masked_sort3A_1524 : i32 to vector<16xi32>
      %masked_sort3A_1526 = arith.xori %select_n3A_1418, %masked_sort3A_1525 : vector<16xi32>
      %masked_sort3A_1527, %masked_sort3A_1528, %masked_sort3A_1529 = tpu.sort %masked_sort3A_1526, %select_n3A_1420 masked %masked_sort3A_1523 : (vector<16xi32>, vector<16xi32>, vector<16xi1>) -> (vector<16xi1>, vector<16xi32>, vector<16xi32>)
      %masked_sort3A_1530 = arith.xori %masked_sort3A_1528, %masked_sort3A_1525 : vector<16xi32>
      %masked_sort3A_1531 = arith.constant dense<true> : vector<16xi1>
      %masked_sort3A_1532 = arith.constant -2147483648 : i32
      %masked_sort3A_1533 = vector.broadcast %masked_sort3A_1532 : i32 to vector<16xi32>
      %masked_sort3A_1534 = arith.xori %select_n3A_1419, %masked_sort3A_1533 : vector<16xi32>
      %masked_sort3A_1535, %masked_sort3A_1536, %masked_sort3A_1537 = tpu.sort %masked_sort3A_1534, %select_n3A_1421 masked %masked_sort3A_1531 : (vector<16xi32>, vector<16xi32>, vector<16xi1>) -> (vector<16xi1>, vector<16xi32>, vector<16xi32>)
      %masked_sort3A_1538 = arith.xori %masked_sort3A_1536, %masked_sort3A_1533 : vector<16xi32>
      %masked_sort3A_1539 = arith.constant dense<true> : vector<16xi1>
      %masked_sort3A_1540 = arith.constant -2147483648 : i32
      %masked_sort3A_1541 = vector.broadcast %masked_sort3A_1540 : i32 to vector<16xi32>
      %masked_sort3A_1542 = arith.xori %select_n3A_1423, %masked_sort3A_1541 : vector<16xi32>
      %masked_sort3A_1543, %masked_sort3A_1544, %masked_sort3A_1545 = tpu.sort %masked_sort3A_1542, %select_n3A_1425 masked %masked_sort3A_1539 : (vector<16xi32>, vector<16xi32>, vector<16xi1>) -> (vector<16xi1>, vector<16xi32>, vector<16xi32>)
      %masked_sort3A_1546 = arith.xori %masked_sort3A_1544, %masked_sort3A_1541 : vector<16xi32>
      %masked_sort3A_1547 = arith.constant dense<true> : vector<16xi1>
      %masked_sort3A_1548 = arith.constant -2147483648 : i32
      %masked_sort3A_1549 = vector.broadcast %masked_sort3A_1548 : i32 to vector<16xi32>
      %masked_sort3A_1550 = arith.xori %select_n3A_1424, %masked_sort3A_1549 : vector<16xi32>
      %masked_sort3A_1551, %masked_sort3A_1552, %masked_sort3A_1553 = tpu.sort %masked_sort3A_1550, %select_n3A_1426 masked %masked_sort3A_1547 : (vector<16xi32>, vector<16xi32>, vector<16xi1>) -> (vector<16xi1>, vector<16xi32>, vector<16xi32>)
      %masked_sort3A_1554 = arith.xori %masked_sort3A_1552, %masked_sort3A_1549 : vector<16xi32>
      %swap3A = arith.constant 16 : index
      %swap3A_1555 = tpu.vector_load %arg9[%swap3A] {strides = array<i32>} : memref<272xi32, #tpu.memory_space<vmem>>, vector<16xi32>,
      tpu.vector_store %arg9[%swap3A], %masked_sort3A_1434 {strides = array<i32>} : memref<272xi32, #tpu.memory_space<vmem>>, vector<16xi32>,
      %swap3A_1556 = arith.constant 32 : index
      %swap3A_1557 = tpu.vector_load %arg9[%swap3A_1556] {strides = array<i32>} : memref<272xi32, #tpu.memory_space<vmem>>, vector<16xi32>,
      tpu.vector_store %arg9[%swap3A_1556], %masked_sort3A_1442 {strides = array<i32>} : memref<272xi32, #tpu.memory_space<vmem>>, vector<16xi32>,
      %swap3A_1558 = arith.constant 48 : index
      %swap3A_1559 = tpu.vector_load %arg9[%swap3A_1558] {strides = array<i32>} : memref<272xi32, #tpu.memory_space<vmem>>, vector<16xi32>,
      tpu.vector_store %arg9[%swap3A_1558], %masked_sort3A_1450 {strides = array<i32>} : memref<272xi32, #tpu.memory_space<vmem>>, vector<16xi32>,
      %swap3A_1560 = arith.constant 64 : index
      %swap3A_1561 = tpu.vector_load %arg9[%swap3A_1560] {strides = array<i32>} : memref<272xi32, #tpu.memory_space<vmem>>, vector<16xi32>,
      tpu.vector_store %arg9[%swap3A_1560], %masked_sort3A_1458 {strides = array<i32>} : memref<272xi32, #tpu.memory_space<vmem>>, vector<16xi32>,
      %swap3A_1562 = arith.constant 80 : index
      %swap3A_1563 = tpu.vector_load %arg9[%swap3A_1562] {strides = array<i32>} : memref<272xi32, #tpu.memory_space<vmem>>, vector<16xi32>,
      tpu.vector_store %arg9[%swap3A_1562], %masked_sort3A_1466 {strides = array<i32>} : memref<272xi32, #tpu.memory_space<vmem>>, vector<16xi32>,
      %swap3A_1564 = arith.constant 96 : index
      %swap3A_1565 = tpu.vector_load %arg9[%swap3A_1564] {strides = array<i32>} : memref<272xi32, #tpu.memory_space<vmem>>, vector<16xi32>,
      tpu.vector_store %arg9[%swap3A_1564], %masked_sort3A_1474 {strides = array<i32>} : memref<272xi32, #tpu.memory_space<vmem>>, vector<16xi32>,
      %swap3A_1566 = arith.constant 112 : index
      %swap3A_1567 = tpu.vector_load %arg9[%swap3A_1566] {strides = array<i32>} : memref<272xi32, #tpu.memory_space<vmem>>, vector<16xi32>,
      tpu.vector_store %arg9[%swap3A_1566], %masked_sort3A_1482 {strides = array<i32>} : memref<272xi32, #tpu.memory_space<vmem>>, vector<16xi32>,
      %swap3A_1568 = arith.constant 128 : index
      %swap3A_1569 = tpu.vector_load %arg9[%swap3A_1568] {strides = array<i32>} : memref<272xi32, #tpu.memory_space<vmem>>, vector<16xi32>,
      tpu.vector_store %arg9[%swap3A_1568], %masked_sort3A_1490 {strides = array<i32>} : memref<272xi32, #tpu.memory_space<vmem>>, vector<16xi32>,
      %swap3A_1570 = arith.constant 144 : index
      %swap3A_1571 = tpu.vector_load %arg9[%swap3A_1570] {strides = array<i32>} : memref<272xi32, #tpu.memory_space<vmem>>, vector<16xi32>,
      tpu.vector_store %arg9[%swap3A_1570], %masked_sort3A_1498 {strides = array<i32>} : memref<272xi32, #tpu.memory_space<vmem>>, vector<16xi32>,
      %swap3A_1572 = arith.constant 160 : index
      %swap3A_1573 = tpu.vector_load %arg9[%swap3A_1572] {strides = array<i32>} : memref<272xi32, #tpu.memory_space<vmem>>, vector<16xi32>,
      tpu.vector_store %arg9[%swap3A_1572], %masked_sort3A_1506 {strides = array<i32>} : memref<272xi32, #tpu.memory_space<vmem>>, vector<16xi32>,
      %swap3A_1574 = arith.constant 176 : index
      %swap3A_1575 = tpu.vector_load %arg9[%swap3A_1574] {strides = array<i32>} : memref<272xi32, #tpu.memory_space<vmem>>, vector<16xi32>,
      tpu.vector_store %arg9[%swap3A_1574], %masked_sort3A_1514 {strides = array<i32>} : memref<272xi32, #tpu.memory_space<vmem>>, vector<16xi32>,
      %swap3A_1576 = arith.constant 192 : index
      %swap3A_1577 = tpu.vector_load %arg9[%swap3A_1576] {strides = array<i32>} : memref<272xi32, #tpu.memory_space<vmem>>, vector<16xi32>,
      tpu.vector_store %arg9[%swap3A_1576], %masked_sort3A_1522 {strides = array<i32>} : memref<272xi32, #tpu.memory_space<vmem>>, vector<16xi32>,
      %swap3A_1578 = arith.constant 208 : index
      %swap3A_1579 = tpu.vector_load %arg9[%swap3A_1578] {strides = array<i32>} : memref<272xi32, #tpu.memory_space<vmem>>, vector<16xi32>,
      tpu.vector_store %arg9[%swap3A_1578], %masked_sort3A_1530 {strides = array<i32>} : memref<272xi32, #tpu.memory_space<vmem>>, vector<16xi32>,
      %swap3A_1580 = arith.constant 224 : index
      %swap3A_1581 = tpu.vector_load %arg9[%swap3A_1580] {strides = array<i32>} : memref<272xi32, #tpu.memory_space<vmem>>, vector<16xi32>,
      tpu.vector_store %arg9[%swap3A_1580], %masked_sort3A_1538 {strides = array<i32>} : memref<272xi32, #tpu.memory_space<vmem>>, vector<16xi32>,
      %swap3A_1582 = arith.constant 240 : index
      %swap3A_1583 = tpu.vector_load %arg9[%swap3A_1582] {strides = array<i32>} : memref<272xi32, #tpu.memory_space<vmem>>, vector<16xi32>,
      tpu.vector_store %arg9[%swap3A_1582], %masked_sort3A_1546 {strides = array<i32>} : memref<272xi32, #tpu.memory_space<vmem>>, vector<16xi32>,
      %swap3A_1584 = arith.constant 256 : index
      %swap3A_1585 = tpu.vector_load %arg9[%swap3A_1584] {strides = array<i32>} : memref<272xi32, #tpu.memory_space<vmem>>, vector<16xi32>,
      tpu.vector_store %arg9[%swap3A_1584], %masked_sort3A_1554 {strides = array<i32>} : memref<272xi32, #tpu.memory_space<vmem>>, vector<16xi32>,
      %swap3A_1586 = arith.constant 0 : index
      %swap3A_1587 = tpu.vector_load %arg9[%swap3A_1586] {strides = array<i32>} : memref<272xi32, #tpu.memory_space<vmem>>, vector<16xi32>,
      tpu.vector_store %arg9[%swap3A_1586], %masked_sort3A_1434 {strides = array<i32>} : memref<272xi32, #tpu.memory_space<vmem>>, vector<16xi32>,
      %get3A_1588 = arith.constant 16 : index
      %get3A_1589 = tpu.vector_load %arg9[%get3A_1588] {strides = array<i32>} : memref<272xi32, #tpu.memory_space<vmem>>, vector<16xi32>,
      %add3A_1590 = arith.constant 15 : i32
      %add3A_1591 = vector.broadcast %add3A_1590 : i32 to vector<16xi32>
      %add3A_1592 = arith.addi %iota3A, %add3A_1591 : vector<16xi32>
      %gather3A = tpu.vector_load_idx %arg9[%add3A_1592] : memref<272xi32, #tpu.memory_space<vmem>>[vector<16xi32>], vector<16xi32>,
      %ne3A = arith.cmpi ne, %get3A_1589, %gather3A : vector<16xi32>
      %add3A_1593 = arith.constant 0 : i32
      %add3A_1594 = vector.broadcast %add3A_1593 : i32 to vector<16xi32>
      %add3A_1595 = arith.addi %add3A_1594, %iota3A : vector<16xi32>
      %jit3A = arith.constant 0 : i32
      %broadcast_in_dim3A_1596 = vector.broadcast %jit3A : i32 to vector<16xi32>
      %select_n3A_1597 = arith.select %ne3A, %add3A_1595, %broadcast_in_dim3A_1596 : vector<16xi1>, vector<16xi32>
      %broadcast_in_dim3A_1598 = arith.constant true
      %broadcast_in_dim3A_1599 = vector.broadcast %broadcast_in_dim3A_1598 : i1 to vector<16xi1>
      %masked_cummax3A = arith.constant -2147483648 : i32
      %masked_cummax3A_1600 = vector.broadcast %masked_cummax3A : i32 to vector<16xi32>
      %masked_cummax3A_1601 = arith.xori %select_n3A_1597, %masked_cummax3A_1600 : vector<16xi32>
      %masked_cummax3A_1602 = tpu.scan <max>, %masked_cummax3A_1601 masked %broadcast_in_dim3A_1599 : vector<16xi32>, vector<16xi1> -> vector<16xi32>
      %masked_cummax3A_1603 = arith.xori %masked_cummax3A_1602, %masked_cummax3A_1600 : vector<16xi32>
      %max3A = arith.constant 0 : i32
      %max3A_1604 = vector.broadcast %max3A : i32 to vector<16xi32>
      %max3A_1605 = arith.maxsi %masked_cummax3A_1603, %max3A_1604 : vector<16xi32>
      %reduce_max3A = arith.constant true
      %reduce_max3A_1606 = vector.broadcast %reduce_max3A : i1 to vector<16xi1>
      %reduce_max3A_1607 = arith.constant -2147483648 : i32
      %reduce_max3A_1608 = vector.broadcast %reduce_max3A_1607 : i32 to vector<16xi32>
      %reduce_max3A_1609 = arith.xori %max3A_1605, %reduce_max3A_1608 : vector<16xi32>
      %reduce_max3A_1610 = tpu.scan <max>, %reduce_max3A_1609 masked %reduce_max3A_1606 : vector<16xi32>, vector<16xi1> -> vector<16xi32>
      %reduce_max3A_1611 = arith.xori %reduce_max3A_1610, %reduce_max3A_1608 : vector<16xi32>
      %reduce_max3A_1612 = vector.extract %reduce_max3A_1611[15] : i32 from vector<16xi32>
      %mul3A_1613 = arith.constant 8192 : i32
      %mul3A_1614 = vector.broadcast %mul3A_1613 : i32 to vector<16xi32>
      %mul3A_1615 = arith.muli %max3A_1605, %mul3A_1614 : vector<16xi32>
      %add3A_1616 = arith.addi %mul3A_1615, %masked_sort3A_1433 : vector<16xi32>
      %get3A_1617 = arith.constant 32 : index
      %get3A_1618 = tpu.vector_load %arg9[%get3A_1617] {strides = array<i32>} : memref<272xi32, #tpu.memory_space<vmem>>, vector<16xi32>,
      %add3A_1619 = arith.constant 31 : i32
      %add3A_1620 = vector.broadcast %add3A_1619 : i32 to vector<16xi32>
      %add3A_1621 = arith.addi %iota3A, %add3A_1620 : vector<16xi32>
      %gather3A_1622 = tpu.vector_load_idx %arg9[%add3A_1621] : memref<272xi32, #tpu.memory_space<vmem>>[vector<16xi32>], vector<16xi32>,
      %ne3A_1623 = arith.cmpi ne, %get3A_1618, %gather3A_1622 : vector<16xi32>
      %add3A_1624 = arith.constant 16 : i32
      %add3A_1625 = vector.broadcast %add3A_1624 : i32 to vector<16xi32>
      %add3A_1626 = arith.addi %add3A_1625, %iota3A : vector<16xi32>
      %jit3A_1627 = arith.constant 0 : i32
      %broadcast_in_dim3A_1628 = vector.broadcast %jit3A_1627 : i32 to vector<16xi32>
      %select_n3A_1629 = arith.select %ne3A_1623, %add3A_1626, %broadcast_in_dim3A_1628 : vector<16xi1>, vector<16xi32>
      %broadcast_in_dim3A_1630 = arith.constant true
      %broadcast_in_dim3A_1631 = vector.broadcast %broadcast_in_dim3A_1630 : i1 to vector<16xi1>
      %masked_cummax3A_1632 = arith.constant -2147483648 : i32
      %masked_cummax3A_1633 = vector.broadcast %masked_cummax3A_1632 : i32 to vector<16xi32>
      %masked_cummax3A_1634 = arith.xori %select_n3A_1629, %masked_cummax3A_1633 : vector<16xi32>
      %masked_cummax3A_1635 = tpu.scan <max>, %masked_cummax3A_1634 masked %broadcast_in_dim3A_1631 : vector<16xi32>, vector<16xi1> -> vector<16xi32>
      %masked_cummax3A_1636 = arith.xori %masked_cummax3A_1635, %masked_cummax3A_1633 : vector<16xi32>
      %max3A_1637 = vector.broadcast %reduce_max3A_1612 : i32 to vector<16xi32>
      %max3A_1638 = arith.maxsi %masked_cummax3A_1636, %max3A_1637 : vector<16xi32>
      %reduce_max3A_1639 = arith.constant true
      %reduce_max3A_1640 = vector.broadcast %reduce_max3A_1639 : i1 to vector<16xi1>
      %reduce_max3A_1641 = arith.constant -2147483648 : i32
      %reduce_max3A_1642 = vector.broadcast %reduce_max3A_1641 : i32 to vector<16xi32>
      %reduce_max3A_1643 = arith.xori %max3A_1638, %reduce_max3A_1642 : vector<16xi32>
      %reduce_max3A_1644 = tpu.scan <max>, %reduce_max3A_1643 masked %reduce_max3A_1640 : vector<16xi32>, vector<16xi1> -> vector<16xi32>
      %reduce_max3A_1645 = arith.xori %reduce_max3A_1644, %reduce_max3A_1642 : vector<16xi32>
      %reduce_max3A_1646 = vector.extract %reduce_max3A_1645[15] : i32 from vector<16xi32>
      %mul3A_1647 = arith.constant 8192 : i32
      %mul3A_1648 = vector.broadcast %mul3A_1647 : i32 to vector<16xi32>
      %mul3A_1649 = arith.muli %max3A_1638, %mul3A_1648 : vector<16xi32>
      %add3A_1650 = arith.addi %mul3A_1649, %masked_sort3A_1441 : vector<16xi32>
      %get3A_1651 = arith.constant 48 : index
      %get3A_1652 = tpu.vector_load %arg9[%get3A_1651] {strides = array<i32>} : memref<272xi32, #tpu.memory_space<vmem>>, vector<16xi32>,
      %add3A_1653 = arith.constant 47 : i32
      %add3A_1654 = vector.broadcast %add3A_1653 : i32 to vector<16xi32>
      %add3A_1655 = arith.addi %iota3A, %add3A_1654 : vector<16xi32>
      %gather3A_1656 = tpu.vector_load_idx %arg9[%add3A_1655] : memref<272xi32, #tpu.memory_space<vmem>>[vector<16xi32>], vector<16xi32>,
      %ne3A_1657 = arith.cmpi ne, %get3A_1652, %gather3A_1656 : vector<16xi32>
      %add3A_1658 = arith.constant 32 : i32
      %add3A_1659 = vector.broadcast %add3A_1658 : i32 to vector<16xi32>
      %add3A_1660 = arith.addi %add3A_1659, %iota3A : vector<16xi32>
      %jit3A_1661 = arith.constant 0 : i32
      %broadcast_in_dim3A_1662 = vector.broadcast %jit3A_1661 : i32 to vector<16xi32>
      %select_n3A_1663 = arith.select %ne3A_1657, %add3A_1660, %broadcast_in_dim3A_1662 : vector<16xi1>, vector<16xi32>
      %broadcast_in_dim3A_1664 = arith.constant true
      %broadcast_in_dim3A_1665 = vector.broadcast %broadcast_in_dim3A_1664 : i1 to vector<16xi1>
      %masked_cummax3A_1666 = arith.constant -2147483648 : i32
      %masked_cummax3A_1667 = vector.broadcast %masked_cummax3A_1666 : i32 to vector<16xi32>
      %masked_cummax3A_1668 = arith.xori %select_n3A_1663, %masked_cummax3A_1667 : vector<16xi32>
      %masked_cummax3A_1669 = tpu.scan <max>, %masked_cummax3A_1668 masked %broadcast_in_dim3A_1665 : vector<16xi32>, vector<16xi1> -> vector<16xi32>
      %masked_cummax3A_1670 = arith.xori %masked_cummax3A_1669, %masked_cummax3A_1667 : vector<16xi32>
      %max3A_1671 = vector.broadcast %reduce_max3A_1646 : i32 to vector<16xi32>
      %max3A_1672 = arith.maxsi %masked_cummax3A_1670, %max3A_1671 : vector<16xi32>
      %reduce_max3A_1673 = arith.constant true
      %reduce_max3A_1674 = vector.broadcast %reduce_max3A_1673 : i1 to vector<16xi1>
      %reduce_max3A_1675 = arith.constant -2147483648 : i32
      %reduce_max3A_1676 = vector.broadcast %reduce_max3A_1675 : i32 to vector<16xi32>
      %reduce_max3A_1677 = arith.xori %max3A_1672, %reduce_max3A_1676 : vector<16xi32>
      %reduce_max3A_1678 = tpu.scan <max>, %reduce_max3A_1677 masked %reduce_max3A_1674 : vector<16xi32>, vector<16xi1> -> vector<16xi32>
      %reduce_max3A_1679 = arith.xori %reduce_max3A_1678, %reduce_max3A_1676 : vector<16xi32>
      %reduce_max3A_1680 = vector.extract %reduce_max3A_1679[15] : i32 from vector<16xi32>
      %mul3A_1681 = arith.constant 8192 : i32
      %mul3A_1682 = vector.broadcast %mul3A_1681 : i32 to vector<16xi32>
      %mul3A_1683 = arith.muli %max3A_1672, %mul3A_1682 : vector<16xi32>
      %add3A_1684 = arith.addi %mul3A_1683, %masked_sort3A_1449 : vector<16xi32>
      %get3A_1685 = arith.constant 64 : index
      %get3A_1686 = tpu.vector_load %arg9[%get3A_1685] {strides = array<i32>} : memref<272xi32, #tpu.memory_space<vmem>>, vector<16xi32>,
      %add3A_1687 = arith.constant 63 : i32
      %add3A_1688 = vector.broadcast %add3A_1687 : i32 to vector<16xi32>
      %add3A_1689 = arith.addi %iota3A, %add3A_1688 : vector<16xi32>
      %gather3A_1690 = tpu.vector_load_idx %arg9[%add3A_1689] : memref<272xi32, #tpu.memory_space<vmem>>[vector<16xi32>], vector<16xi32>,
      %ne3A_1691 = arith.cmpi ne, %get3A_1686, %gather3A_1690 : vector<16xi32>
      %add3A_1692 = arith.constant 48 : i32
      %add3A_1693 = vector.broadcast %add3A_1692 : i32 to vector<16xi32>
      %add3A_1694 = arith.addi %add3A_1693, %iota3A : vector<16xi32>
      %jit3A_1695 = arith.constant 0 : i32
      %broadcast_in_dim3A_1696 = vector.broadcast %jit3A_1695 : i32 to vector<16xi32>
      %select_n3A_1697 = arith.select %ne3A_1691, %add3A_1694, %broadcast_in_dim3A_1696 : vector<16xi1>, vector<16xi32>
      %broadcast_in_dim3A_1698 = arith.constant true
      %broadcast_in_dim3A_1699 = vector.broadcast %broadcast_in_dim3A_1698 : i1 to vector<16xi1>
      %masked_cummax3A_1700 = arith.constant -2147483648 : i32
      %masked_cummax3A_1701 = vector.broadcast %masked_cummax3A_1700 : i32 to vector<16xi32>
      %masked_cummax3A_1702 = arith.xori %select_n3A_1697, %masked_cummax3A_1701 : vector<16xi32>
      %masked_cummax3A_1703 = tpu.scan <max>, %masked_cummax3A_1702 masked %broadcast_in_dim3A_1699 : vector<16xi32>, vector<16xi1> -> vector<16xi32>
      %masked_cummax3A_1704 = arith.xori %masked_cummax3A_1703, %masked_cummax3A_1701 : vector<16xi32>
      %max3A_1705 = vector.broadcast %reduce_max3A_1680 : i32 to vector<16xi32>
      %max3A_1706 = arith.maxsi %masked_cummax3A_1704, %max3A_1705 : vector<16xi32>
      %reduce_max3A_1707 = arith.constant true
      %reduce_max3A_1708 = vector.broadcast %reduce_max3A_1707 : i1 to vector<16xi1>
      %reduce_max3A_1709 = arith.constant -2147483648 : i32
      %reduce_max3A_1710 = vector.broadcast %reduce_max3A_1709 : i32 to vector<16xi32>
      %reduce_max3A_1711 = arith.xori %max3A_1706, %reduce_max3A_1710 : vector<16xi32>
      %reduce_max3A_1712 = tpu.scan <max>, %reduce_max3A_1711 masked %reduce_max3A_1708 : vector<16xi32>, vector<16xi1> -> vector<16xi32>
      %reduce_max3A_1713 = arith.xori %reduce_max3A_1712, %reduce_max3A_1710 : vector<16xi32>
      %reduce_max3A_1714 = vector.extract %reduce_max3A_1713[15] : i32 from vector<16xi32>
      %mul3A_1715 = arith.constant 8192 : i32
      %mul3A_1716 = vector.broadcast %mul3A_1715 : i32 to vector<16xi32>
      %mul3A_1717 = arith.muli %max3A_1706, %mul3A_1716 : vector<16xi32>
      %add3A_1718 = arith.addi %mul3A_1717, %masked_sort3A_1457 : vector<16xi32>
      %get3A_1719 = arith.constant 80 : index
      %get3A_1720 = tpu.vector_load %arg9[%get3A_1719] {strides = array<i32>} : memref<272xi32, #tpu.memory_space<vmem>>, vector<16xi32>,
      %add3A_1721 = arith.constant 79 : i32
      %add3A_1722 = vector.broadcast %add3A_1721 : i32 to vector<16xi32>
      %add3A_1723 = arith.addi %iota3A, %add3A_1722 : vector<16xi32>
      %gather3A_1724 = tpu.vector_load_idx %arg9[%add3A_1723] : memref<272xi32, #tpu.memory_space<vmem>>[vector<16xi32>], vector<16xi32>,
      %ne3A_1725 = arith.cmpi ne, %get3A_1720, %gather3A_1724 : vector<16xi32>
      %add3A_1726 = arith.constant 64 : i32
      %add3A_1727 = vector.broadcast %add3A_1726 : i32 to vector<16xi32>
      %add3A_1728 = arith.addi %add3A_1727, %iota3A : vector<16xi32>
      %jit3A_1729 = arith.constant 0 : i32
      %broadcast_in_dim3A_1730 = vector.broadcast %jit3A_1729 : i32 to vector<16xi32>
      %select_n3A_1731 = arith.select %ne3A_1725, %add3A_1728, %broadcast_in_dim3A_1730 : vector<16xi1>, vector<16xi32>
      %broadcast_in_dim3A_1732 = arith.constant true
      %broadcast_in_dim3A_1733 = vector.broadcast %broadcast_in_dim3A_1732 : i1 to vector<16xi1>
      %masked_cummax3A_1734 = arith.constant -2147483648 : i32
      %masked_cummax3A_1735 = vector.broadcast %masked_cummax3A_1734 : i32 to vector<16xi32>
      %masked_cummax3A_1736 = arith.xori %select_n3A_1731, %masked_cummax3A_1735 : vector<16xi32>
      %masked_cummax3A_1737 = tpu.scan <max>, %masked_cummax3A_1736 masked %broadcast_in_dim3A_1733 : vector<16xi32>, vector<16xi1> -> vector<16xi32>
      %masked_cummax3A_1738 = arith.xori %masked_cummax3A_1737, %masked_cummax3A_1735 : vector<16xi32>
      %max3A_1739 = vector.broadcast %reduce_max3A_1714 : i32 to vector<16xi32>
      %max3A_1740 = arith.maxsi %masked_cummax3A_1738, %max3A_1739 : vector<16xi32>
      %reduce_max3A_1741 = arith.constant true
      %reduce_max3A_1742 = vector.broadcast %reduce_max3A_1741 : i1 to vector<16xi1>
      %reduce_max3A_1743 = arith.constant -2147483648 : i32
      %reduce_max3A_1744 = vector.broadcast %reduce_max3A_1743 : i32 to vector<16xi32>
      %reduce_max3A_1745 = arith.xori %max3A_1740, %reduce_max3A_1744 : vector<16xi32>
      %reduce_max3A_1746 = tpu.scan <max>, %reduce_max3A_1745 masked %reduce_max3A_1742 : vector<16xi32>, vector<16xi1> -> vector<16xi32>
      %reduce_max3A_1747 = arith.xori %reduce_max3A_1746, %reduce_max3A_1744 : vector<16xi32>
      %reduce_max3A_1748 = vector.extract %reduce_max3A_1747[15] : i32 from vector<16xi32>
      %mul3A_1749 = arith.constant 8192 : i32
      %mul3A_1750 = vector.broadcast %mul3A_1749 : i32 to vector<16xi32>
      %mul3A_1751 = arith.muli %max3A_1740, %mul3A_1750 : vector<16xi32>
      %add3A_1752 = arith.addi %mul3A_1751, %masked_sort3A_1465 : vector<16xi32>
      %get3A_1753 = arith.constant 96 : index
      %get3A_1754 = tpu.vector_load %arg9[%get3A_1753] {strides = array<i32>} : memref<272xi32, #tpu.memory_space<vmem>>, vector<16xi32>,
      %add3A_1755 = arith.constant 95 : i32
      %add3A_1756 = vector.broadcast %add3A_1755 : i32 to vector<16xi32>
      %add3A_1757 = arith.addi %iota3A, %add3A_1756 : vector<16xi32>
      %gather3A_1758 = tpu.vector_load_idx %arg9[%add3A_1757] : memref<272xi32, #tpu.memory_space<vmem>>[vector<16xi32>], vector<16xi32>,
      %ne3A_1759 = arith.cmpi ne, %get3A_1754, %gather3A_1758 : vector<16xi32>
      %add3A_1760 = arith.constant 80 : i32
      %add3A_1761 = vector.broadcast %add3A_1760 : i32 to vector<16xi32>
      %add3A_1762 = arith.addi %add3A_1761, %iota3A : vector<16xi32>
      %jit3A_1763 = arith.constant 0 : i32
      %broadcast_in_dim3A_1764 = vector.broadcast %jit3A_1763 : i32 to vector<16xi32>
      %select_n3A_1765 = arith.select %ne3A_1759, %add3A_1762, %broadcast_in_dim3A_1764 : vector<16xi1>, vector<16xi32>
      %broadcast_in_dim3A_1766 = arith.constant true
      %broadcast_in_dim3A_1767 = vector.broadcast %broadcast_in_dim3A_1766 : i1 to vector<16xi1>
      %masked_cummax3A_1768 = arith.constant -2147483648 : i32
      %masked_cummax3A_1769 = vector.broadcast %masked_cummax3A_1768 : i32 to vector<16xi32>
      %masked_cummax3A_1770 = arith.xori %select_n3A_1765, %masked_cummax3A_1769 : vector<16xi32>
      %masked_cummax3A_1771 = tpu.scan <max>, %masked_cummax3A_1770 masked %broadcast_in_dim3A_1767 : vector<16xi32>, vector<16xi1> -> vector<16xi32>
      %masked_cummax3A_1772 = arith.xori %masked_cummax3A_1771, %masked_cummax3A_1769 : vector<16xi32>
      %max3A_1773 = vector.broadcast %reduce_max3A_1748 : i32 to vector<16xi32>
      %max3A_1774 = arith.maxsi %masked_cummax3A_1772, %max3A_1773 : vector<16xi32>
      %reduce_max3A_1775 = arith.constant true
      %reduce_max3A_1776 = vector.broadcast %reduce_max3A_1775 : i1 to vector<16xi1>
      %reduce_max3A_1777 = arith.constant -2147483648 : i32
      %reduce_max3A_1778 = vector.broadcast %reduce_max3A_1777 : i32 to vector<16xi32>
      %reduce_max3A_1779 = arith.xori %max3A_1774, %reduce_max3A_1778 : vector<16xi32>
      %reduce_max3A_1780 = tpu.scan <max>, %reduce_max3A_1779 masked %reduce_max3A_1776 : vector<16xi32>, vector<16xi1> -> vector<16xi32>
      %reduce_max3A_1781 = arith.xori %reduce_max3A_1780, %reduce_max3A_1778 : vector<16xi32>
      %reduce_max3A_1782 = vector.extract %reduce_max3A_1781[15] : i32 from vector<16xi32>
      %mul3A_1783 = arith.constant 8192 : i32
      %mul3A_1784 = vector.broadcast %mul3A_1783 : i32 to vector<16xi32>
      %mul3A_1785 = arith.muli %max3A_1774, %mul3A_1784 : vector<16xi32>
      %add3A_1786 = arith.addi %mul3A_1785, %masked_sort3A_1473 : vector<16xi32>
      %get3A_1787 = arith.constant 112 : index
      %get3A_1788 = tpu.vector_load %arg9[%get3A_1787] {strides = array<i32>} : memref<272xi32, #tpu.memory_space<vmem>>, vector<16xi32>,
      %add3A_1789 = arith.constant 111 : i32
      %add3A_1790 = vector.broadcast %add3A_1789 : i32 to vector<16xi32>
      %add3A_1791 = arith.addi %iota3A, %add3A_1790 : vector<16xi32>
      %gather3A_1792 = tpu.vector_load_idx %arg9[%add3A_1791] : memref<272xi32, #tpu.memory_space<vmem>>[vector<16xi32>], vector<16xi32>,
      %ne3A_1793 = arith.cmpi ne, %get3A_1788, %gather3A_1792 : vector<16xi32>
      %add3A_1794 = arith.constant 96 : i32
      %add3A_1795 = vector.broadcast %add3A_1794 : i32 to vector<16xi32>
      %add3A_1796 = arith.addi %add3A_1795, %iota3A : vector<16xi32>
      %jit3A_1797 = arith.constant 0 : i32
      %broadcast_in_dim3A_1798 = vector.broadcast %jit3A_1797 : i32 to vector<16xi32>
      %select_n3A_1799 = arith.select %ne3A_1793, %add3A_1796, %broadcast_in_dim3A_1798 : vector<16xi1>, vector<16xi32>
      %broadcast_in_dim3A_1800 = arith.constant true
      %broadcast_in_dim3A_1801 = vector.broadcast %broadcast_in_dim3A_1800 : i1 to vector<16xi1>
      %masked_cummax3A_1802 = arith.constant -2147483648 : i32
      %masked_cummax3A_1803 = vector.broadcast %masked_cummax3A_1802 : i32 to vector<16xi32>
      %masked_cummax3A_1804 = arith.xori %select_n3A_1799, %masked_cummax3A_1803 : vector<16xi32>
      %masked_cummax3A_1805 = tpu.scan <max>, %masked_cummax3A_1804 masked %broadcast_in_dim3A_1801 : vector<16xi32>, vector<16xi1> -> vector<16xi32>
      %masked_cummax3A_1806 = arith.xori %masked_cummax3A_1805, %masked_cummax3A_1803 : vector<16xi32>
      %max3A_1807 = vector.broadcast %reduce_max3A_1782 : i32 to vector<16xi32>
      %max3A_1808 = arith.maxsi %masked_cummax3A_1806, %max3A_1807 : vector<16xi32>
      %reduce_max3A_1809 = arith.constant true
      %reduce_max3A_1810 = vector.broadcast %reduce_max3A_1809 : i1 to vector<16xi1>
      %reduce_max3A_1811 = arith.constant -2147483648 : i32
      %reduce_max3A_1812 = vector.broadcast %reduce_max3A_1811 : i32 to vector<16xi32>
      %reduce_max3A_1813 = arith.xori %max3A_1808, %reduce_max3A_1812 : vector<16xi32>
      %reduce_max3A_1814 = tpu.scan <max>, %reduce_max3A_1813 masked %reduce_max3A_1810 : vector<16xi32>, vector<16xi1> -> vector<16xi32>
      %reduce_max3A_1815 = arith.xori %reduce_max3A_1814, %reduce_max3A_1812 : vector<16xi32>
      %reduce_max3A_1816 = vector.extract %reduce_max3A_1815[15] : i32 from vector<16xi32>
      %mul3A_1817 = arith.constant 8192 : i32
      %mul3A_1818 = vector.broadcast %mul3A_1817 : i32 to vector<16xi32>
      %mul3A_1819 = arith.muli %max3A_1808, %mul3A_1818 : vector<16xi32>
      %add3A_1820 = arith.addi %mul3A_1819, %masked_sort3A_1481 : vector<16xi32>
      %get3A_1821 = arith.constant 128 : index
      %get3A_1822 = tpu.vector_load %arg9[%get3A_1821] {strides = array<i32>} : memref<272xi32, #tpu.memory_space<vmem>>, vector<16xi32>,
      %add3A_1823 = arith.constant 127 : i32
      %add3A_1824 = vector.broadcast %add3A_1823 : i32 to vector<16xi32>
      %add3A_1825 = arith.addi %iota3A, %add3A_1824 : vector<16xi32>
      %gather3A_1826 = tpu.vector_load_idx %arg9[%add3A_1825] : memref<272xi32, #tpu.memory_space<vmem>>[vector<16xi32>], vector<16xi32>,
      %ne3A_1827 = arith.cmpi ne, %get3A_1822, %gather3A_1826 : vector<16xi32>
      %add3A_1828 = arith.constant 112 : i32
      %add3A_1829 = vector.broadcast %add3A_1828 : i32 to vector<16xi32>
      %add3A_1830 = arith.addi %add3A_1829, %iota3A : vector<16xi32>
      %jit3A_1831 = arith.constant 0 : i32
      %broadcast_in_dim3A_1832 = vector.broadcast %jit3A_1831 : i32 to vector<16xi32>
      %select_n3A_1833 = arith.select %ne3A_1827, %add3A_1830, %broadcast_in_dim3A_1832 : vector<16xi1>, vector<16xi32>
      %broadcast_in_dim3A_1834 = arith.constant true
      %broadcast_in_dim3A_1835 = vector.broadcast %broadcast_in_dim3A_1834 : i1 to vector<16xi1>
      %masked_cummax3A_1836 = arith.constant -2147483648 : i32
      %masked_cummax3A_1837 = vector.broadcast %masked_cummax3A_1836 : i32 to vector<16xi32>
      %masked_cummax3A_1838 = arith.xori %select_n3A_1833, %masked_cummax3A_1837 : vector<16xi32>
      %masked_cummax3A_1839 = tpu.scan <max>, %masked_cummax3A_1838 masked %broadcast_in_dim3A_1835 : vector<16xi32>, vector<16xi1> -> vector<16xi32>
      %masked_cummax3A_1840 = arith.xori %masked_cummax3A_1839, %masked_cummax3A_1837 : vector<16xi32>
      %max3A_1841 = vector.broadcast %reduce_max3A_1816 : i32 to vector<16xi32>
      %max3A_1842 = arith.maxsi %masked_cummax3A_1840, %max3A_1841 : vector<16xi32>
      %reduce_max3A_1843 = arith.constant true
      %reduce_max3A_1844 = vector.broadcast %reduce_max3A_1843 : i1 to vector<16xi1>
      %reduce_max3A_1845 = arith.constant -2147483648 : i32
      %reduce_max3A_1846 = vector.broadcast %reduce_max3A_1845 : i32 to vector<16xi32>
      %reduce_max3A_1847 = arith.xori %max3A_1842, %reduce_max3A_1846 : vector<16xi32>
      %reduce_max3A_1848 = tpu.scan <max>, %reduce_max3A_1847 masked %reduce_max3A_1844 : vector<16xi32>, vector<16xi1> -> vector<16xi32>
      %reduce_max3A_1849 = arith.xori %reduce_max3A_1848, %reduce_max3A_1846 : vector<16xi32>
      %reduce_max3A_1850 = vector.extract %reduce_max3A_1849[15] : i32 from vector<16xi32>
      %mul3A_1851 = arith.constant 8192 : i32
      %mul3A_1852 = vector.broadcast %mul3A_1851 : i32 to vector<16xi32>
      %mul3A_1853 = arith.muli %max3A_1842, %mul3A_1852 : vector<16xi32>
      %add3A_1854 = arith.addi %mul3A_1853, %masked_sort3A_1489 : vector<16xi32>
      %get3A_1855 = arith.constant 144 : index
      %get3A_1856 = tpu.vector_load %arg9[%get3A_1855] {strides = array<i32>} : memref<272xi32, #tpu.memory_space<vmem>>, vector<16xi32>,
      %add3A_1857 = arith.constant 143 : i32
      %add3A_1858 = vector.broadcast %add3A_1857 : i32 to vector<16xi32>
      %add3A_1859 = arith.addi %iota3A, %add3A_1858 : vector<16xi32>
      %gather3A_1860 = tpu.vector_load_idx %arg9[%add3A_1859] : memref<272xi32, #tpu.memory_space<vmem>>[vector<16xi32>], vector<16xi32>,
      %ne3A_1861 = arith.cmpi ne, %get3A_1856, %gather3A_1860 : vector<16xi32>
      %add3A_1862 = arith.constant 128 : i32
      %add3A_1863 = vector.broadcast %add3A_1862 : i32 to vector<16xi32>
      %add3A_1864 = arith.addi %add3A_1863, %iota3A : vector<16xi32>
      %jit3A_1865 = arith.constant 0 : i32
      %broadcast_in_dim3A_1866 = vector.broadcast %jit3A_1865 : i32 to vector<16xi32>
      %select_n3A_1867 = arith.select %ne3A_1861, %add3A_1864, %broadcast_in_dim3A_1866 : vector<16xi1>, vector<16xi32>
      %broadcast_in_dim3A_1868 = arith.constant true
      %broadcast_in_dim3A_1869 = vector.broadcast %broadcast_in_dim3A_1868 : i1 to vector<16xi1>
      %masked_cummax3A_1870 = arith.constant -2147483648 : i32
      %masked_cummax3A_1871 = vector.broadcast %masked_cummax3A_1870 : i32 to vector<16xi32>
      %masked_cummax3A_1872 = arith.xori %select_n3A_1867, %masked_cummax3A_1871 : vector<16xi32>
      %masked_cummax3A_1873 = tpu.scan <max>, %masked_cummax3A_1872 masked %broadcast_in_dim3A_1869 : vector<16xi32>, vector<16xi1> -> vector<16xi32>
      %masked_cummax3A_1874 = arith.xori %masked_cummax3A_1873, %masked_cummax3A_1871 : vector<16xi32>
      %max3A_1875 = vector.broadcast %reduce_max3A_1850 : i32 to vector<16xi32>
      %max3A_1876 = arith.maxsi %masked_cummax3A_1874, %max3A_1875 : vector<16xi32>
      %reduce_max3A_1877 = arith.constant true
      %reduce_max3A_1878 = vector.broadcast %reduce_max3A_1877 : i1 to vector<16xi1>
      %reduce_max3A_1879 = arith.constant -2147483648 : i32
      %reduce_max3A_1880 = vector.broadcast %reduce_max3A_1879 : i32 to vector<16xi32>
      %reduce_max3A_1881 = arith.xori %max3A_1876, %reduce_max3A_1880 : vector<16xi32>
      %reduce_max3A_1882 = tpu.scan <max>, %reduce_max3A_1881 masked %reduce_max3A_1878 : vector<16xi32>, vector<16xi1> -> vector<16xi32>
      %reduce_max3A_1883 = arith.xori %reduce_max3A_1882, %reduce_max3A_1880 : vector<16xi32>
      %reduce_max3A_1884 = vector.extract %reduce_max3A_1883[15] : i32 from vector<16xi32>
      %mul3A_1885 = arith.constant 8192 : i32
      %mul3A_1886 = vector.broadcast %mul3A_1885 : i32 to vector<16xi32>
      %mul3A_1887 = arith.muli %max3A_1876, %mul3A_1886 : vector<16xi32>
      %add3A_1888 = arith.addi %mul3A_1887, %masked_sort3A_1497 : vector<16xi32>
      %get3A_1889 = arith.constant 160 : index
      %get3A_1890 = tpu.vector_load %arg9[%get3A_1889] {strides = array<i32>} : memref<272xi32, #tpu.memory_space<vmem>>, vector<16xi32>,
      %add3A_1891 = arith.constant 159 : i32
      %add3A_1892 = vector.broadcast %add3A_1891 : i32 to vector<16xi32>
      %add3A_1893 = arith.addi %iota3A, %add3A_1892 : vector<16xi32>
      %gather3A_1894 = tpu.vector_load_idx %arg9[%add3A_1893] : memref<272xi32, #tpu.memory_space<vmem>>[vector<16xi32>], vector<16xi32>,
      %ne3A_1895 = arith.cmpi ne, %get3A_1890, %gather3A_1894 : vector<16xi32>
      %add3A_1896 = arith.constant 144 : i32
      %add3A_1897 = vector.broadcast %add3A_1896 : i32 to vector<16xi32>
      %add3A_1898 = arith.addi %add3A_1897, %iota3A : vector<16xi32>
      %jit3A_1899 = arith.constant 0 : i32
      %broadcast_in_dim3A_1900 = vector.broadcast %jit3A_1899 : i32 to vector<16xi32>
      %select_n3A_1901 = arith.select %ne3A_1895, %add3A_1898, %broadcast_in_dim3A_1900 : vector<16xi1>, vector<16xi32>
      %broadcast_in_dim3A_1902 = arith.constant true
      %broadcast_in_dim3A_1903 = vector.broadcast %broadcast_in_dim3A_1902 : i1 to vector<16xi1>
      %masked_cummax3A_1904 = arith.constant -2147483648 : i32
      %masked_cummax3A_1905 = vector.broadcast %masked_cummax3A_1904 : i32 to vector<16xi32>
      %masked_cummax3A_1906 = arith.xori %select_n3A_1901, %masked_cummax3A_1905 : vector<16xi32>
      %masked_cummax3A_1907 = tpu.scan <max>, %masked_cummax3A_1906 masked %broadcast_in_dim3A_1903 : vector<16xi32>, vector<16xi1> -> vector<16xi32>
      %masked_cummax3A_1908 = arith.xori %masked_cummax3A_1907, %masked_cummax3A_1905 : vector<16xi32>
      %max3A_1909 = vector.broadcast %reduce_max3A_1884 : i32 to vector<16xi32>
      %max3A_1910 = arith.maxsi %masked_cummax3A_1908, %max3A_1909 : vector<16xi32>
      %reduce_max3A_1911 = arith.constant true
      %reduce_max3A_1912 = vector.broadcast %reduce_max3A_1911 : i1 to vector<16xi1>
      %reduce_max3A_1913 = arith.constant -2147483648 : i32
      %reduce_max3A_1914 = vector.broadcast %reduce_max3A_1913 : i32 to vector<16xi32>
      %reduce_max3A_1915 = arith.xori %max3A_1910, %reduce_max3A_1914 : vector<16xi32>
      %reduce_max3A_1916 = tpu.scan <max>, %reduce_max3A_1915 masked %reduce_max3A_1912 : vector<16xi32>, vector<16xi1> -> vector<16xi32>
      %reduce_max3A_1917 = arith.xori %reduce_max3A_1916, %reduce_max3A_1914 : vector<16xi32>
      %reduce_max3A_1918 = vector.extract %reduce_max3A_1917[15] : i32 from vector<16xi32>
      %mul3A_1919 = arith.constant 8192 : i32
      %mul3A_1920 = vector.broadcast %mul3A_1919 : i32 to vector<16xi32>
      %mul3A_1921 = arith.muli %max3A_1910, %mul3A_1920 : vector<16xi32>
      %add3A_1922 = arith.addi %mul3A_1921, %masked_sort3A_1505 : vector<16xi32>
      %get3A_1923 = arith.constant 176 : index
      %get3A_1924 = tpu.vector_load %arg9[%get3A_1923] {strides = array<i32>} : memref<272xi32, #tpu.memory_space<vmem>>, vector<16xi32>,
      %add3A_1925 = arith.constant 175 : i32
      %add3A_1926 = vector.broadcast %add3A_1925 : i32 to vector<16xi32>
      %add3A_1927 = arith.addi %iota3A, %add3A_1926 : vector<16xi32>
      %gather3A_1928 = tpu.vector_load_idx %arg9[%add3A_1927] : memref<272xi32, #tpu.memory_space<vmem>>[vector<16xi32>], vector<16xi32>,
      %ne3A_1929 = arith.cmpi ne, %get3A_1924, %gather3A_1928 : vector<16xi32>
      %add3A_1930 = arith.constant 160 : i32
      %add3A_1931 = vector.broadcast %add3A_1930 : i32 to vector<16xi32>
      %add3A_1932 = arith.addi %add3A_1931, %iota3A : vector<16xi32>
      %jit3A_1933 = arith.constant 0 : i32
      %broadcast_in_dim3A_1934 = vector.broadcast %jit3A_1933 : i32 to vector<16xi32>
      %select_n3A_1935 = arith.select %ne3A_1929, %add3A_1932, %broadcast_in_dim3A_1934 : vector<16xi1>, vector<16xi32>
      %broadcast_in_dim3A_1936 = arith.constant true
      %broadcast_in_dim3A_1937 = vector.broadcast %broadcast_in_dim3A_1936 : i1 to vector<16xi1>
      %masked_cummax3A_1938 = arith.constant -2147483648 : i32
      %masked_cummax3A_1939 = vector.broadcast %masked_cummax3A_1938 : i32 to vector<16xi32>
      %masked_cummax3A_1940 = arith.xori %select_n3A_1935, %masked_cummax3A_1939 : vector<16xi32>
      %masked_cummax3A_1941 = tpu.scan <max>, %masked_cummax3A_1940 masked %broadcast_in_dim3A_1937 : vector<16xi32>, vector<16xi1> -> vector<16xi32>
      %masked_cummax3A_1942 = arith.xori %masked_cummax3A_1941, %masked_cummax3A_1939 : vector<16xi32>
      %max3A_1943 = vector.broadcast %reduce_max3A_1918 : i32 to vector<16xi32>
      %max3A_1944 = arith.maxsi %masked_cummax3A_1942, %max3A_1943 : vector<16xi32>
      %reduce_max3A_1945 = arith.constant true
      %reduce_max3A_1946 = vector.broadcast %reduce_max3A_1945 : i1 to vector<16xi1>
      %reduce_max3A_1947 = arith.constant -2147483648 : i32
      %reduce_max3A_1948 = vector.broadcast %reduce_max3A_1947 : i32 to vector<16xi32>
      %reduce_max3A_1949 = arith.xori %max3A_1944, %reduce_max3A_1948 : vector<16xi32>
      %reduce_max3A_1950 = tpu.scan <max>, %reduce_max3A_1949 masked %reduce_max3A_1946 : vector<16xi32>, vector<16xi1> -> vector<16xi32>
      %reduce_max3A_1951 = arith.xori %reduce_max3A_1950, %reduce_max3A_1948 : vector<16xi32>
      %reduce_max3A_1952 = vector.extract %reduce_max3A_1951[15] : i32 from vector<16xi32>
      %mul3A_1953 = arith.constant 8192 : i32
      %mul3A_1954 = vector.broadcast %mul3A_1953 : i32 to vector<16xi32>
      %mul3A_1955 = arith.muli %max3A_1944, %mul3A_1954 : vector<16xi32>
      %add3A_1956 = arith.addi %mul3A_1955, %masked_sort3A_1513 : vector<16xi32>
      %get3A_1957 = arith.constant 192 : index
      %get3A_1958 = tpu.vector_load %arg9[%get3A_1957] {strides = array<i32>} : memref<272xi32, #tpu.memory_space<vmem>>, vector<16xi32>,
      %add3A_1959 = arith.constant 191 : i32
      %add3A_1960 = vector.broadcast %add3A_1959 : i32 to vector<16xi32>
      %add3A_1961 = arith.addi %iota3A, %add3A_1960 : vector<16xi32>
      %gather3A_1962 = tpu.vector_load_idx %arg9[%add3A_1961] : memref<272xi32, #tpu.memory_space<vmem>>[vector<16xi32>], vector<16xi32>,
      %ne3A_1963 = arith.cmpi ne, %get3A_1958, %gather3A_1962 : vector<16xi32>
      %add3A_1964 = arith.constant 176 : i32
      %add3A_1965 = vector.broadcast %add3A_1964 : i32 to vector<16xi32>
      %add3A_1966 = arith.addi %add3A_1965, %iota3A : vector<16xi32>
      %jit3A_1967 = arith.constant 0 : i32
      %broadcast_in_dim3A_1968 = vector.broadcast %jit3A_1967 : i32 to vector<16xi32>
      %select_n3A_1969 = arith.select %ne3A_1963, %add3A_1966, %broadcast_in_dim3A_1968 : vector<16xi1>, vector<16xi32>
      %broadcast_in_dim3A_1970 = arith.constant true
      %broadcast_in_dim3A_1971 = vector.broadcast %broadcast_in_dim3A_1970 : i1 to vector<16xi1>
      %masked_cummax3A_1972 = arith.constant -2147483648 : i32
      %masked_cummax3A_1973 = vector.broadcast %masked_cummax3A_1972 : i32 to vector<16xi32>
      %masked_cummax3A_1974 = arith.xori %select_n3A_1969, %masked_cummax3A_1973 : vector<16xi32>
      %masked_cummax3A_1975 = tpu.scan <max>, %masked_cummax3A_1974 masked %broadcast_in_dim3A_1971 : vector<16xi32>, vector<16xi1> -> vector<16xi32>
      %masked_cummax3A_1976 = arith.xori %masked_cummax3A_1975, %masked_cummax3A_1973 : vector<16xi32>
      %max3A_1977 = vector.broadcast %reduce_max3A_1952 : i32 to vector<16xi32>
      %max3A_1978 = arith.maxsi %masked_cummax3A_1976, %max3A_1977 : vector<16xi32>
      %reduce_max3A_1979 = arith.constant true
      %reduce_max3A_1980 = vector.broadcast %reduce_max3A_1979 : i1 to vector<16xi1>
      %reduce_max3A_1981 = arith.constant -2147483648 : i32
      %reduce_max3A_1982 = vector.broadcast %reduce_max3A_1981 : i32 to vector<16xi32>
      %reduce_max3A_1983 = arith.xori %max3A_1978, %reduce_max3A_1982 : vector<16xi32>
      %reduce_max3A_1984 = tpu.scan <max>, %reduce_max3A_1983 masked %reduce_max3A_1980 : vector<16xi32>, vector<16xi1> -> vector<16xi32>
      %reduce_max3A_1985 = arith.xori %reduce_max3A_1984, %reduce_max3A_1982 : vector<16xi32>
      %reduce_max3A_1986 = vector.extract %reduce_max3A_1985[15] : i32 from vector<16xi32>
      %mul3A_1987 = arith.constant 8192 : i32
      %mul3A_1988 = vector.broadcast %mul3A_1987 : i32 to vector<16xi32>
      %mul3A_1989 = arith.muli %max3A_1978, %mul3A_1988 : vector<16xi32>
      %add3A_1990 = arith.addi %mul3A_1989, %masked_sort3A_1521 : vector<16xi32>
      %get3A_1991 = arith.constant 208 : index
      %get3A_1992 = tpu.vector_load %arg9[%get3A_1991] {strides = array<i32>} : memref<272xi32, #tpu.memory_space<vmem>>, vector<16xi32>,
      %add3A_1993 = arith.constant 207 : i32
      %add3A_1994 = vector.broadcast %add3A_1993 : i32 to vector<16xi32>
      %add3A_1995 = arith.addi %iota3A, %add3A_1994 : vector<16xi32>
      %gather3A_1996 = tpu.vector_load_idx %arg9[%add3A_1995] : memref<272xi32, #tpu.memory_space<vmem>>[vector<16xi32>], vector<16xi32>,
      %ne3A_1997 = arith.cmpi ne, %get3A_1992, %gather3A_1996 : vector<16xi32>
      %add3A_1998 = arith.constant 192 : i32
      %add3A_1999 = vector.broadcast %add3A_1998 : i32 to vector<16xi32>
      %add3A_2000 = arith.addi %add3A_1999, %iota3A : vector<16xi32>
      %jit3A_2001 = arith.constant 0 : i32
      %broadcast_in_dim3A_2002 = vector.broadcast %jit3A_2001 : i32 to vector<16xi32>
      %select_n3A_2003 = arith.select %ne3A_1997, %add3A_2000, %broadcast_in_dim3A_2002 : vector<16xi1>, vector<16xi32>
      %broadcast_in_dim3A_2004 = arith.constant true
      %broadcast_in_dim3A_2005 = vector.broadcast %broadcast_in_dim3A_2004 : i1 to vector<16xi1>
      %masked_cummax3A_2006 = arith.constant -2147483648 : i32
      %masked_cummax3A_2007 = vector.broadcast %masked_cummax3A_2006 : i32 to vector<16xi32>
      %masked_cummax3A_2008 = arith.xori %select_n3A_2003, %masked_cummax3A_2007 : vector<16xi32>
      %masked_cummax3A_2009 = tpu.scan <max>, %masked_cummax3A_2008 masked %broadcast_in_dim3A_2005 : vector<16xi32>, vector<16xi1> -> vector<16xi32>
      %masked_cummax3A_2010 = arith.xori %masked_cummax3A_2009, %masked_cummax3A_2007 : vector<16xi32>
      %max3A_2011 = vector.broadcast %reduce_max3A_1986 : i32 to vector<16xi32>
      %max3A_2012 = arith.maxsi %masked_cummax3A_2010, %max3A_2011 : vector<16xi32>
      %reduce_max3A_2013 = arith.constant true
      %reduce_max3A_2014 = vector.broadcast %reduce_max3A_2013 : i1 to vector<16xi1>
      %reduce_max3A_2015 = arith.constant -2147483648 : i32
      %reduce_max3A_2016 = vector.broadcast %reduce_max3A_2015 : i32 to vector<16xi32>
      %reduce_max3A_2017 = arith.xori %max3A_2012, %reduce_max3A_2016 : vector<16xi32>
      %reduce_max3A_2018 = tpu.scan <max>, %reduce_max3A_2017 masked %reduce_max3A_2014 : vector<16xi32>, vector<16xi1> -> vector<16xi32>
      %reduce_max3A_2019 = arith.xori %reduce_max3A_2018, %reduce_max3A_2016 : vector<16xi32>
      %reduce_max3A_2020 = vector.extract %reduce_max3A_2019[15] : i32 from vector<16xi32>
      %mul3A_2021 = arith.constant 8192 : i32
      %mul3A_2022 = vector.broadcast %mul3A_2021 : i32 to vector<16xi32>
      %mul3A_2023 = arith.muli %max3A_2012, %mul3A_2022 : vector<16xi32>
      %add3A_2024 = arith.addi %mul3A_2023, %masked_sort3A_1529 : vector<16xi32>
      %get3A_2025 = arith.constant 224 : index
      %get3A_2026 = tpu.vector_load %arg9[%get3A_2025] {strides = array<i32>} : memref<272xi32, #tpu.memory_space<vmem>>, vector<16xi32>,
      %add3A_2027 = arith.constant 223 : i32
      %add3A_2028 = vector.broadcast %add3A_2027 : i32 to vector<16xi32>
      %add3A_2029 = arith.addi %iota3A, %add3A_2028 : vector<16xi32>
      %gather3A_2030 = tpu.vector_load_idx %arg9[%add3A_2029] : memref<272xi32, #tpu.memory_space<vmem>>[vector<16xi32>], vector<16xi32>,
      %ne3A_2031 = arith.cmpi ne, %get3A_2026, %gather3A_2030 : vector<16xi32>
      %add3A_2032 = arith.constant 208 : i32
      %add3A_2033 = vector.broadcast %add3A_2032 : i32 to vector<16xi32>
      %add3A_2034 = arith.addi %add3A_2033, %iota3A : vector<16xi32>
      %jit3A_2035 = arith.constant 0 : i32
      %broadcast_in_dim3A_2036 = vector.broadcast %jit3A_2035 : i32 to vector<16xi32>
      %select_n3A_2037 = arith.select %ne3A_2031, %add3A_2034, %broadcast_in_dim3A_2036 : vector<16xi1>, vector<16xi32>
      %broadcast_in_dim3A_2038 = arith.constant true
      %broadcast_in_dim3A_2039 = vector.broadcast %broadcast_in_dim3A_2038 : i1 to vector<16xi1>
      %masked_cummax3A_2040 = arith.constant -2147483648 : i32
      %masked_cummax3A_2041 = vector.broadcast %masked_cummax3A_2040 : i32 to vector<16xi32>
      %masked_cummax3A_2042 = arith.xori %select_n3A_2037, %masked_cummax3A_2041 : vector<16xi32>
      %masked_cummax3A_2043 = tpu.scan <max>, %masked_cummax3A_2042 masked %broadcast_in_dim3A_2039 : vector<16xi32>, vector<16xi1> -> vector<16xi32>
      %masked_cummax3A_2044 = arith.xori %masked_cummax3A_2043, %masked_cummax3A_2041 : vector<16xi32>
      %max3A_2045 = vector.broadcast %reduce_max3A_2020 : i32 to vector<16xi32>
      %max3A_2046 = arith.maxsi %masked_cummax3A_2044, %max3A_2045 : vector<16xi32>
      %reduce_max3A_2047 = arith.constant true
      %reduce_max3A_2048 = vector.broadcast %reduce_max3A_2047 : i1 to vector<16xi1>
      %reduce_max3A_2049 = arith.constant -2147483648 : i32
      %reduce_max3A_2050 = vector.broadcast %reduce_max3A_2049 : i32 to vector<16xi32>
      %reduce_max3A_2051 = arith.xori %max3A_2046, %reduce_max3A_2050 : vector<16xi32>
      %reduce_max3A_2052 = tpu.scan <max>, %reduce_max3A_2051 masked %reduce_max3A_2048 : vector<16xi32>, vector<16xi1> -> vector<16xi32>
      %reduce_max3A_2053 = arith.xori %reduce_max3A_2052, %reduce_max3A_2050 : vector<16xi32>
      %reduce_max3A_2054 = vector.extract %reduce_max3A_2053[15] : i32 from vector<16xi32>
      %mul3A_2055 = arith.constant 8192 : i32
      %mul3A_2056 = vector.broadcast %mul3A_2055 : i32 to vector<16xi32>
      %mul3A_2057 = arith.muli %max3A_2046, %mul3A_2056 : vector<16xi32>
      %add3A_2058 = arith.addi %mul3A_2057, %masked_sort3A_1537 : vector<16xi32>
      %get3A_2059 = arith.constant 240 : index
      %get3A_2060 = tpu.vector_load %arg9[%get3A_2059] {strides = array<i32>} : memref<272xi32, #tpu.memory_space<vmem>>, vector<16xi32>,
      %add3A_2061 = arith.constant 239 : i32
      %add3A_2062 = vector.broadcast %add3A_2061 : i32 to vector<16xi32>
      %add3A_2063 = arith.addi %iota3A, %add3A_2062 : vector<16xi32>
      %gather3A_2064 = tpu.vector_load_idx %arg9[%add3A_2063] : memref<272xi32, #tpu.memory_space<vmem>>[vector<16xi32>], vector<16xi32>,
      %ne3A_2065 = arith.cmpi ne, %get3A_2060, %gather3A_2064 : vector<16xi32>
      %add3A_2066 = arith.constant 224 : i32
      %add3A_2067 = vector.broadcast %add3A_2066 : i32 to vector<16xi32>
      %add3A_2068 = arith.addi %add3A_2067, %iota3A : vector<16xi32>
      %jit3A_2069 = arith.constant 0 : i32
      %broadcast_in_dim3A_2070 = vector.broadcast %jit3A_2069 : i32 to vector<16xi32>
      %select_n3A_2071 = arith.select %ne3A_2065, %add3A_2068, %broadcast_in_dim3A_2070 : vector<16xi1>, vector<16xi32>
      %broadcast_in_dim3A_2072 = arith.constant true
      %broadcast_in_dim3A_2073 = vector.broadcast %broadcast_in_dim3A_2072 : i1 to vector<16xi1>
      %masked_cummax3A_2074 = arith.constant -2147483648 : i32
      %masked_cummax3A_2075 = vector.broadcast %masked_cummax3A_2074 : i32 to vector<16xi32>
      %masked_cummax3A_2076 = arith.xori %select_n3A_2071, %masked_cummax3A_2075 : vector<16xi32>
      %masked_cummax3A_2077 = tpu.scan <max>, %masked_cummax3A_2076 masked %broadcast_in_dim3A_2073 : vector<16xi32>, vector<16xi1> -> vector<16xi32>
      %masked_cummax3A_2078 = arith.xori %masked_cummax3A_2077, %masked_cummax3A_2075 : vector<16xi32>
      %max3A_2079 = vector.broadcast %reduce_max3A_2054 : i32 to vector<16xi32>
      %max3A_2080 = arith.maxsi %masked_cummax3A_2078, %max3A_2079 : vector<16xi32>
      %reduce_max3A_2081 = arith.constant true
      %reduce_max3A_2082 = vector.broadcast %reduce_max3A_2081 : i1 to vector<16xi1>
      %reduce_max3A_2083 = arith.constant -2147483648 : i32
      %reduce_max3A_2084 = vector.broadcast %reduce_max3A_2083 : i32 to vector<16xi32>
      %reduce_max3A_2085 = arith.xori %max3A_2080, %reduce_max3A_2084 : vector<16xi32>
      %reduce_max3A_2086 = tpu.scan <max>, %reduce_max3A_2085 masked %reduce_max3A_2082 : vector<16xi32>, vector<16xi1> -> vector<16xi32>
      %reduce_max3A_2087 = arith.xori %reduce_max3A_2086, %reduce_max3A_2084 : vector<16xi32>
      %reduce_max3A_2088 = vector.extract %reduce_max3A_2087[15] : i32 from vector<16xi32>
      %mul3A_2089 = arith.constant 8192 : i32
      %mul3A_2090 = vector.broadcast %mul3A_2089 : i32 to vector<16xi32>
      %mul3A_2091 = arith.muli %max3A_2080, %mul3A_2090 : vector<16xi32>
      %add3A_2092 = arith.addi %mul3A_2091, %masked_sort3A_1545 : vector<16xi32>
      %get3A_2093 = arith.constant 256 : index
      %get3A_2094 = tpu.vector_load %arg9[%get3A_2093] {strides = array<i32>} : memref<272xi32, #tpu.memory_space<vmem>>, vector<16xi32>,
      %add3A_2095 = arith.constant 255 : i32
      %add3A_2096 = vector.broadcast %add3A_2095 : i32 to vector<16xi32>
      %add3A_2097 = arith.addi %iota3A, %add3A_2096 : vector<16xi32>
      %gather3A_2098 = tpu.vector_load_idx %arg9[%add3A_2097] : memref<272xi32, #tpu.memory_space<vmem>>[vector<16xi32>], vector<16xi32>,
      %ne3A_2099 = arith.cmpi ne, %get3A_2094, %gather3A_2098 : vector<16xi32>
      %add3A_2100 = arith.constant 240 : i32
      %add3A_2101 = vector.broadcast %add3A_2100 : i32 to vector<16xi32>
      %add3A_2102 = arith.addi %add3A_2101, %iota3A : vector<16xi32>
      %jit3A_2103 = arith.constant 0 : i32
      %broadcast_in_dim3A_2104 = vector.broadcast %jit3A_2103 : i32 to vector<16xi32>
      %select_n3A_2105 = arith.select %ne3A_2099, %add3A_2102, %broadcast_in_dim3A_2104 : vector<16xi1>, vector<16xi32>
      %broadcast_in_dim3A_2106 = arith.constant true
      %broadcast_in_dim3A_2107 = vector.broadcast %broadcast_in_dim3A_2106 : i1 to vector<16xi1>
      %masked_cummax3A_2108 = arith.constant -2147483648 : i32
      %masked_cummax3A_2109 = vector.broadcast %masked_cummax3A_2108 : i32 to vector<16xi32>
      %masked_cummax3A_2110 = arith.xori %select_n3A_2105, %masked_cummax3A_2109 : vector<16xi32>
      %masked_cummax3A_2111 = tpu.scan <max>, %masked_cummax3A_2110 masked %broadcast_in_dim3A_2107 : vector<16xi32>, vector<16xi1> -> vector<16xi32>
      %masked_cummax3A_2112 = arith.xori %masked_cummax3A_2111, %masked_cummax3A_2109 : vector<16xi32>
      %max3A_2113 = vector.broadcast %reduce_max3A_2088 : i32 to vector<16xi32>
      %max3A_2114 = arith.maxsi %masked_cummax3A_2112, %max3A_2113 : vector<16xi32>
      %reduce_max3A_2115 = arith.constant true
      %reduce_max3A_2116 = vector.broadcast %reduce_max3A_2115 : i1 to vector<16xi1>
      %reduce_max3A_2117 = arith.constant -2147483648 : i32
      %reduce_max3A_2118 = vector.broadcast %reduce_max3A_2117 : i32 to vector<16xi32>
      %reduce_max3A_2119 = arith.xori %max3A_2114, %reduce_max3A_2118 : vector<16xi32>
      %reduce_max3A_2120 = tpu.scan <max>, %reduce_max3A_2119 masked %reduce_max3A_2116 : vector<16xi32>, vector<16xi1> -> vector<16xi32>
      %reduce_max3A_2121 = arith.xori %reduce_max3A_2120, %reduce_max3A_2118 : vector<16xi32>
      %reduce_max3A_2122 = vector.extract %reduce_max3A_2121[15] : i32 from vector<16xi32>
      %mul3A_2123 = arith.constant 8192 : i32
      %mul3A_2124 = vector.broadcast %mul3A_2123 : i32 to vector<16xi32>
      %mul3A_2125 = arith.muli %max3A_2114, %mul3A_2124 : vector<16xi32>
      %add3A_2126 = arith.addi %mul3A_2125, %masked_sort3A_1553 : vector<16xi32>
      %masked_sort3A_2127 = arith.constant dense<true> : vector<16xi1>
      %masked_sort3A_2128 = arith.constant -2147483648 : i32
      %masked_sort3A_2129 = vector.broadcast %masked_sort3A_2128 : i32 to vector<16xi32>
      %masked_sort3A_2130 = arith.xori %add3A_1616, %masked_sort3A_2129 : vector<16xi32>
      %masked_sort3A_2131, %masked_sort3A_2132, %masked_sort3A_2133 = tpu.sort %masked_sort3A_2130, %masked_sort3A_1433 masked %masked_sort3A_2127 : (vector<16xi32>, vector<16xi32>, vector<16xi1>) -> (vector<16xi1>, vector<16xi32>, vector<16xi32>)
      %masked_sort3A_2134 = arith.xori %masked_sort3A_2132, %masked_sort3A_2129 : vector<16xi32>
      %masked_sort3A_2135 = arith.constant dense<true> : vector<16xi1>
      %masked_sort3A_2136 = arith.constant -2147483648 : i32
      %masked_sort3A_2137 = vector.broadcast %masked_sort3A_2136 : i32 to vector<16xi32>
      %masked_sort3A_2138 = arith.xori %add3A_1650, %masked_sort3A_2137 : vector<16xi32>
      %masked_sort3A_2139, %masked_sort3A_2140, %masked_sort3A_2141 = tpu.sort %masked_sort3A_2138, %masked_sort3A_1441 masked %masked_sort3A_2135 : (vector<16xi32>, vector<16xi32>, vector<16xi1>) -> (vector<16xi1>, vector<16xi32>, vector<16xi32>)
      %masked_sort3A_2142 = arith.xori %masked_sort3A_2140, %masked_sort3A_2137 : vector<16xi32>
      %masked_sort3A_2143 = arith.constant dense<true> : vector<16xi1>
      %masked_sort3A_2144 = arith.constant -2147483648 : i32
      %masked_sort3A_2145 = vector.broadcast %masked_sort3A_2144 : i32 to vector<16xi32>
      %masked_sort3A_2146 = arith.xori %add3A_1684, %masked_sort3A_2145 : vector<16xi32>
      %masked_sort3A_2147, %masked_sort3A_2148, %masked_sort3A_2149 = tpu.sort %masked_sort3A_2146, %masked_sort3A_1449 masked %masked_sort3A_2143 : (vector<16xi32>, vector<16xi32>, vector<16xi1>) -> (vector<16xi1>, vector<16xi32>, vector<16xi32>)
      %masked_sort3A_2150 = arith.xori %masked_sort3A_2148, %masked_sort3A_2145 : vector<16xi32>
      %masked_sort3A_2151 = arith.constant dense<true> : vector<16xi1>
      %masked_sort3A_2152 = arith.constant -2147483648 : i32
      %masked_sort3A_2153 = vector.broadcast %masked_sort3A_2152 : i32 to vector<16xi32>
      %masked_sort3A_2154 = arith.xori %add3A_1718, %masked_sort3A_2153 : vector<16xi32>
      %masked_sort3A_2155, %masked_sort3A_2156, %masked_sort3A_2157 = tpu.sort %masked_sort3A_2154, %masked_sort3A_1457 masked %masked_sort3A_2151 : (vector<16xi32>, vector<16xi32>, vector<16xi1>) -> (vector<16xi1>, vector<16xi32>, vector<16xi32>)
      %masked_sort3A_2158 = arith.xori %masked_sort3A_2156, %masked_sort3A_2153 : vector<16xi32>
      %masked_sort3A_2159 = arith.constant dense<true> : vector<16xi1>
      %masked_sort3A_2160 = arith.constant -2147483648 : i32
      %masked_sort3A_2161 = vector.broadcast %masked_sort3A_2160 : i32 to vector<16xi32>
      %masked_sort3A_2162 = arith.xori %add3A_1752, %masked_sort3A_2161 : vector<16xi32>
      %masked_sort3A_2163, %masked_sort3A_2164, %masked_sort3A_2165 = tpu.sort %masked_sort3A_2162, %masked_sort3A_1465 masked %masked_sort3A_2159 : (vector<16xi32>, vector<16xi32>, vector<16xi1>) -> (vector<16xi1>, vector<16xi32>, vector<16xi32>)
      %masked_sort3A_2166 = arith.xori %masked_sort3A_2164, %masked_sort3A_2161 : vector<16xi32>
      %masked_sort3A_2167 = arith.constant dense<true> : vector<16xi1>
      %masked_sort3A_2168 = arith.constant -2147483648 : i32
      %masked_sort3A_2169 = vector.broadcast %masked_sort3A_2168 : i32 to vector<16xi32>
      %masked_sort3A_2170 = arith.xori %add3A_1786, %masked_sort3A_2169 : vector<16xi32>
      %masked_sort3A_2171, %masked_sort3A_2172, %masked_sort3A_2173 = tpu.sort %masked_sort3A_2170, %masked_sort3A_1473 masked %masked_sort3A_2167 : (vector<16xi32>, vector<16xi32>, vector<16xi1>) -> (vector<16xi1>, vector<16xi32>, vector<16xi32>)
      %masked_sort3A_2174 = arith.xori %masked_sort3A_2172, %masked_sort3A_2169 : vector<16xi32>
      %masked_sort3A_2175 = arith.constant dense<true> : vector<16xi1>
      %masked_sort3A_2176 = arith.constant -2147483648 : i32
      %masked_sort3A_2177 = vector.broadcast %masked_sort3A_2176 : i32 to vector<16xi32>
      %masked_sort3A_2178 = arith.xori %add3A_1820, %masked_sort3A_2177 : vector<16xi32>
      %masked_sort3A_2179, %masked_sort3A_2180, %masked_sort3A_2181 = tpu.sort %masked_sort3A_2178, %masked_sort3A_1481 masked %masked_sort3A_2175 : (vector<16xi32>, vector<16xi32>, vector<16xi1>) -> (vector<16xi1>, vector<16xi32>, vector<16xi32>)
      %masked_sort3A_2182 = arith.xori %masked_sort3A_2180, %masked_sort3A_2177 : vector<16xi32>
      %masked_sort3A_2183 = arith.constant dense<true> : vector<16xi1>
      %masked_sort3A_2184 = arith.constant -2147483648 : i32
      %masked_sort3A_2185 = vector.broadcast %masked_sort3A_2184 : i32 to vector<16xi32>
      %masked_sort3A_2186 = arith.xori %add3A_1854, %masked_sort3A_2185 : vector<16xi32>
      %masked_sort3A_2187, %masked_sort3A_2188, %masked_sort3A_2189 = tpu.sort %masked_sort3A_2186, %masked_sort3A_1489 masked %masked_sort3A_2183 : (vector<16xi32>, vector<16xi32>, vector<16xi1>) -> (vector<16xi1>, vector<16xi32>, vector<16xi32>)
      %masked_sort3A_2190 = arith.xori %masked_sort3A_2188, %masked_sort3A_2185 : vector<16xi32>
      %masked_sort3A_2191 = arith.constant dense<true> : vector<16xi1>
      %masked_sort3A_2192 = arith.constant -2147483648 : i32
      %masked_sort3A_2193 = vector.broadcast %masked_sort3A_2192 : i32 to vector<16xi32>
      %masked_sort3A_2194 = arith.xori %add3A_1888, %masked_sort3A_2193 : vector<16xi32>
      %masked_sort3A_2195, %masked_sort3A_2196, %masked_sort3A_2197 = tpu.sort %masked_sort3A_2194, %masked_sort3A_1497 masked %masked_sort3A_2191 : (vector<16xi32>, vector<16xi32>, vector<16xi1>) -> (vector<16xi1>, vector<16xi32>, vector<16xi32>)
      %masked_sort3A_2198 = arith.xori %masked_sort3A_2196, %masked_sort3A_2193 : vector<16xi32>
      %masked_sort3A_2199 = arith.constant dense<true> : vector<16xi1>
      %masked_sort3A_2200 = arith.constant -2147483648 : i32
      %masked_sort3A_2201 = vector.broadcast %masked_sort3A_2200 : i32 to vector<16xi32>
      %masked_sort3A_2202 = arith.xori %add3A_1922, %masked_sort3A_2201 : vector<16xi32>
      %masked_sort3A_2203, %masked_sort3A_2204, %masked_sort3A_2205 = tpu.sort %masked_sort3A_2202, %masked_sort3A_1505 masked %masked_sort3A_2199 : (vector<16xi32>, vector<16xi32>, vector<16xi1>) -> (vector<16xi1>, vector<16xi32>, vector<16xi32>)
      %masked_sort3A_2206 = arith.xori %masked_sort3A_2204, %masked_sort3A_2201 : vector<16xi32>
      %masked_sort3A_2207 = arith.constant dense<true> : vector<16xi1>
      %masked_sort3A_2208 = arith.constant -2147483648 : i32
      %masked_sort3A_2209 = vector.broadcast %masked_sort3A_2208 : i32 to vector<16xi32>
      %masked_sort3A_2210 = arith.xori %add3A_1956, %masked_sort3A_2209 : vector<16xi32>
      %masked_sort3A_2211, %masked_sort3A_2212, %masked_sort3A_2213 = tpu.sort %masked_sort3A_2210, %masked_sort3A_1513 masked %masked_sort3A_2207 : (vector<16xi32>, vector<16xi32>, vector<16xi1>) -> (vector<16xi1>, vector<16xi32>, vector<16xi32>)
      %masked_sort3A_2214 = arith.xori %masked_sort3A_2212, %masked_sort3A_2209 : vector<16xi32>
      %masked_sort3A_2215 = arith.constant dense<true> : vector<16xi1>
      %masked_sort3A_2216 = arith.constant -2147483648 : i32
      %masked_sort3A_2217 = vector.broadcast %masked_sort3A_2216 : i32 to vector<16xi32>
      %masked_sort3A_2218 = arith.xori %add3A_1990, %masked_sort3A_2217 : vector<16xi32>
      %masked_sort3A_2219, %masked_sort3A_2220, %masked_sort3A_2221 = tpu.sort %masked_sort3A_2218, %masked_sort3A_1521 masked %masked_sort3A_2215 : (vector<16xi32>, vector<16xi32>, vector<16xi1>) -> (vector<16xi1>, vector<16xi32>, vector<16xi32>)
      %masked_sort3A_2222 = arith.xori %masked_sort3A_2220, %masked_sort3A_2217 : vector<16xi32>
      %masked_sort3A_2223 = arith.constant dense<true> : vector<16xi1>
      %masked_sort3A_2224 = arith.constant -2147483648 : i32
      %masked_sort3A_2225 = vector.broadcast %masked_sort3A_2224 : i32 to vector<16xi32>
      %masked_sort3A_2226 = arith.xori %add3A_2024, %masked_sort3A_2225 : vector<16xi32>
      %masked_sort3A_2227, %masked_sort3A_2228, %masked_sort3A_2229 = tpu.sort %masked_sort3A_2226, %masked_sort3A_1529 masked %masked_sort3A_2223 : (vector<16xi32>, vector<16xi32>, vector<16xi1>) -> (vector<16xi1>, vector<16xi32>, vector<16xi32>)
      %masked_sort3A_2230 = arith.xori %masked_sort3A_2228, %masked_sort3A_2225 : vector<16xi32>
      %masked_sort3A_2231 = arith.constant dense<true> : vector<16xi1>
      %masked_sort3A_2232 = arith.constant -2147483648 : i32
      %masked_sort3A_2233 = vector.broadcast %masked_sort3A_2232 : i32 to vector<16xi32>
      %masked_sort3A_2234 = arith.xori %add3A_2058, %masked_sort3A_2233 : vector<16xi32>
      %masked_sort3A_2235, %masked_sort3A_2236, %masked_sort3A_2237 = tpu.sort %masked_sort3A_2234, %masked_sort3A_1537 masked %masked_sort3A_2231 : (vector<16xi32>, vector<16xi32>, vector<16xi1>) -> (vector<16xi1>, vector<16xi32>, vector<16xi32>)
      %masked_sort3A_2238 = arith.xori %masked_sort3A_2236, %masked_sort3A_2233 : vector<16xi32>
      %masked_sort3A_2239 = arith.constant dense<true> : vector<16xi1>
      %masked_sort3A_2240 = arith.constant -2147483648 : i32
      %masked_sort3A_2241 = vector.broadcast %masked_sort3A_2240 : i32 to vector<16xi32>
      %masked_sort3A_2242 = arith.xori %add3A_2092, %masked_sort3A_2241 : vector<16xi32>
      %masked_sort3A_2243, %masked_sort3A_2244, %masked_sort3A_2245 = tpu.sort %masked_sort3A_2242, %masked_sort3A_1545 masked %masked_sort3A_2239 : (vector<16xi32>, vector<16xi32>, vector<16xi1>) -> (vector<16xi1>, vector<16xi32>, vector<16xi32>)
      %masked_sort3A_2246 = arith.xori %masked_sort3A_2244, %masked_sort3A_2241 : vector<16xi32>
      %masked_sort3A_2247 = arith.constant dense<true> : vector<16xi1>
      %masked_sort3A_2248 = arith.constant -2147483648 : i32
      %masked_sort3A_2249 = vector.broadcast %masked_sort3A_2248 : i32 to vector<16xi32>
      %masked_sort3A_2250 = arith.xori %add3A_2126, %masked_sort3A_2249 : vector<16xi32>
      %masked_sort3A_2251, %masked_sort3A_2252, %masked_sort3A_2253 = tpu.sort %masked_sort3A_2250, %masked_sort3A_1553 masked %masked_sort3A_2247 : (vector<16xi32>, vector<16xi32>, vector<16xi1>) -> (vector<16xi1>, vector<16xi32>, vector<16xi32>)
      %masked_sort3A_2254 = arith.xori %masked_sort3A_2252, %masked_sort3A_2249 : vector<16xi32>
      %rev3A_2255 = arith.constant 15 : i32
      %rev3A_2256 = vector.broadcast %rev3A_2255 : i32 to vector<16xi32>
      %rev3A_2257 = tpu.iota {dimensions = array<i32: 0>} : vector<16xi32>
      %rev3A_2258 = arith.subi %rev3A_2256, %rev3A_2257 : vector<16xi32>
      %rev3A_2259 = tpu.dynamic_gather %masked_sort3A_2142[%rev3A_2258] in [0] : vector<16xi32>, vector<16xi32> -> vector<16xi32>
      %rev3A_2260 = arith.constant 15 : i32
      %rev3A_2261 = vector.broadcast %rev3A_2260 : i32 to vector<16xi32>
      %rev3A_2262 = tpu.iota {dimensions = array<i32: 0>} : vector<16xi32>
      %rev3A_2263 = arith.subi %rev3A_2261, %rev3A_2262 : vector<16xi32>
      %rev3A_2264 = tpu.dynamic_gather %masked_sort3A_2141[%rev3A_2263] in [0] : vector<16xi32>, vector<16xi32> -> vector<16xi32>
      %le3A_2265 = arith.cmpi sle, %masked_sort3A_2134, %rev3A_2259 : vector<16xi32>
      %select_n3A_2266 = arith.select %le3A_2265, %masked_sort3A_2134, %rev3A_2259 : vector<16xi1>, vector<16xi32>
      %select_n3A_2267 = arith.select %le3A_2265, %rev3A_2259, %masked_sort3A_2134 : vector<16xi1>, vector<16xi32>
      %select_n3A_2268 = arith.select %le3A_2265, %masked_sort3A_2133, %rev3A_2264 : vector<16xi1>, vector<16xi32>
      %select_n3A_2269 = arith.select %le3A_2265, %rev3A_2264, %masked_sort3A_2133 : vector<16xi1>, vector<16xi32>
      %masked_sort3A_2270 = arith.constant dense<true> : vector<16xi1>
      %masked_sort3A_2271 = arith.constant -2147483648 : i32
      %masked_sort3A_2272 = vector.broadcast %masked_sort3A_2271 : i32 to vector<16xi32>
      %masked_sort3A_2273 = arith.xori %select_n3A_2266, %masked_sort3A_2272 : vector<16xi32>
      %masked_sort3A_2274, %masked_sort3A_2275, %masked_sort3A_2276 = tpu.sort %masked_sort3A_2273, %select_n3A_2268 masked %masked_sort3A_2270 : (vector<16xi32>, vector<16xi32>, vector<16xi1>) -> (vector<16xi1>, vector<16xi32>, vector<16xi32>)
      %masked_sort3A_2277 = arith.xori %masked_sort3A_2275, %masked_sort3A_2272 : vector<16xi32>
      %masked_sort3A_2278 = arith.constant dense<true> : vector<16xi1>
      %masked_sort3A_2279 = arith.constant -2147483648 : i32
      %masked_sort3A_2280 = vector.broadcast %masked_sort3A_2279 : i32 to vector<16xi32>
      %masked_sort3A_2281 = arith.xori %select_n3A_2267, %masked_sort3A_2280 : vector<16xi32>
      %masked_sort3A_2282, %masked_sort3A_2283, %masked_sort3A_2284 = tpu.sort %masked_sort3A_2281, %select_n3A_2269 masked %masked_sort3A_2278 : (vector<16xi32>, vector<16xi32>, vector<16xi1>) -> (vector<16xi1>, vector<16xi32>, vector<16xi32>)
      %masked_sort3A_2285 = arith.xori %masked_sort3A_2283, %masked_sort3A_2280 : vector<16xi32>
      %rev3A_2286 = arith.constant 15 : i32
      %rev3A_2287 = vector.broadcast %rev3A_2286 : i32 to vector<16xi32>
      %rev3A_2288 = tpu.iota {dimensions = array<i32: 0>} : vector<16xi32>
      %rev3A_2289 = arith.subi %rev3A_2287, %rev3A_2288 : vector<16xi32>
      %rev3A_2290 = tpu.dynamic_gather %masked_sort3A_2158[%rev3A_2289] in [0] : vector<16xi32>, vector<16xi32> -> vector<16xi32>
      %rev3A_2291 = arith.constant 15 : i32
      %rev3A_2292 = vector.broadcast %rev3A_2291 : i32 to vector<16xi32>
      %rev3A_2293 = tpu.iota {dimensions = array<i32: 0>} : vector<16xi32>
      %rev3A_2294 = arith.subi %rev3A_2292, %rev3A_2293 : vector<16xi32>
      %rev3A_2295 = tpu.dynamic_gather %masked_sort3A_2157[%rev3A_2294] in [0] : vector<16xi32>, vector<16xi32> -> vector<16xi32>
      %le3A_2296 = arith.cmpi sle, %masked_sort3A_2150, %rev3A_2290 : vector<16xi32>
      %select_n3A_2297 = arith.select %le3A_2296, %masked_sort3A_2150, %rev3A_2290 : vector<16xi1>, vector<16xi32>
      %select_n3A_2298 = arith.select %le3A_2296, %rev3A_2290, %masked_sort3A_2150 : vector<16xi1>, vector<16xi32>
      %select_n3A_2299 = arith.select %le3A_2296, %masked_sort3A_2149, %rev3A_2295 : vector<16xi1>, vector<16xi32>
      %select_n3A_2300 = arith.select %le3A_2296, %rev3A_2295, %masked_sort3A_2149 : vector<16xi1>, vector<16xi32>
      %masked_sort3A_2301 = arith.constant dense<true> : vector<16xi1>
      %masked_sort3A_2302 = arith.constant -2147483648 : i32
      %masked_sort3A_2303 = vector.broadcast %masked_sort3A_2302 : i32 to vector<16xi32>
      %masked_sort3A_2304 = arith.xori %select_n3A_2297, %masked_sort3A_2303 : vector<16xi32>
      %masked_sort3A_2305, %masked_sort3A_2306, %masked_sort3A_2307 = tpu.sort %masked_sort3A_2304, %select_n3A_2299 masked %masked_sort3A_2301 : (vector<16xi32>, vector<16xi32>, vector<16xi1>) -> (vector<16xi1>, vector<16xi32>, vector<16xi32>)
      %masked_sort3A_2308 = arith.xori %masked_sort3A_2306, %masked_sort3A_2303 : vector<16xi32>
      %masked_sort3A_2309 = arith.constant dense<true> : vector<16xi1>
      %masked_sort3A_2310 = arith.constant -2147483648 : i32
      %masked_sort3A_2311 = vector.broadcast %masked_sort3A_2310 : i32 to vector<16xi32>
      %masked_sort3A_2312 = arith.xori %select_n3A_2298, %masked_sort3A_2311 : vector<16xi32>
      %masked_sort3A_2313, %masked_sort3A_2314, %masked_sort3A_2315 = tpu.sort %masked_sort3A_2312, %select_n3A_2300 masked %masked_sort3A_2309 : (vector<16xi32>, vector<16xi32>, vector<16xi1>) -> (vector<16xi1>, vector<16xi32>, vector<16xi32>)
      %masked_sort3A_2316 = arith.xori %masked_sort3A_2314, %masked_sort3A_2311 : vector<16xi32>
      %rev3A_2317 = arith.constant 15 : i32
      %rev3A_2318 = vector.broadcast %rev3A_2317 : i32 to vector<16xi32>
      %rev3A_2319 = tpu.iota {dimensions = array<i32: 0>} : vector<16xi32>
      %rev3A_2320 = arith.subi %rev3A_2318, %rev3A_2319 : vector<16xi32>
      %rev3A_2321 = tpu.dynamic_gather %masked_sort3A_2174[%rev3A_2320] in [0] : vector<16xi32>, vector<16xi32> -> vector<16xi32>
      %rev3A_2322 = arith.constant 15 : i32
      %rev3A_2323 = vector.broadcast %rev3A_2322 : i32 to vector<16xi32>
      %rev3A_2324 = tpu.iota {dimensions = array<i32: 0>} : vector<16xi32>
      %rev3A_2325 = arith.subi %rev3A_2323, %rev3A_2324 : vector<16xi32>
      %rev3A_2326 = tpu.dynamic_gather %masked_sort3A_2173[%rev3A_2325] in [0] : vector<16xi32>, vector<16xi32> -> vector<16xi32>
      %le3A_2327 = arith.cmpi sle, %masked_sort3A_2166, %rev3A_2321 : vector<16xi32>
      %select_n3A_2328 = arith.select %le3A_2327, %masked_sort3A_2166, %rev3A_2321 : vector<16xi1>, vector<16xi32>
      %select_n3A_2329 = arith.select %le3A_2327, %rev3A_2321, %masked_sort3A_2166 : vector<16xi1>, vector<16xi32>
      %select_n3A_2330 = arith.select %le3A_2327, %masked_sort3A_2165, %rev3A_2326 : vector<16xi1>, vector<16xi32>
      %select_n3A_2331 = arith.select %le3A_2327, %rev3A_2326, %masked_sort3A_2165 : vector<16xi1>, vector<16xi32>
      %masked_sort3A_2332 = arith.constant dense<true> : vector<16xi1>
      %masked_sort3A_2333 = arith.constant -2147483648 : i32
      %masked_sort3A_2334 = vector.broadcast %masked_sort3A_2333 : i32 to vector<16xi32>
      %masked_sort3A_2335 = arith.xori %select_n3A_2328, %masked_sort3A_2334 : vector<16xi32>
      %masked_sort3A_2336, %masked_sort3A_2337, %masked_sort3A_2338 = tpu.sort %masked_sort3A_2335, %select_n3A_2330 masked %masked_sort3A_2332 : (vector<16xi32>, vector<16xi32>, vector<16xi1>) -> (vector<16xi1>, vector<16xi32>, vector<16xi32>)
      %masked_sort3A_2339 = arith.xori %masked_sort3A_2337, %masked_sort3A_2334 : vector<16xi32>
      %masked_sort3A_2340 = arith.constant dense<true> : vector<16xi1>
      %masked_sort3A_2341 = arith.constant -2147483648 : i32
      %masked_sort3A_2342 = vector.broadcast %masked_sort3A_2341 : i32 to vector<16xi32>
      %masked_sort3A_2343 = arith.xori %select_n3A_2329, %masked_sort3A_2342 : vector<16xi32>
      %masked_sort3A_2344, %masked_sort3A_2345, %masked_sort3A_2346 = tpu.sort %masked_sort3A_2343, %select_n3A_2331 masked %masked_sort3A_2340 : (vector<16xi32>, vector<16xi32>, vector<16xi1>) -> (vector<16xi1>, vector<16xi32>, vector<16xi32>)
      %masked_sort3A_2347 = arith.xori %masked_sort3A_2345, %masked_sort3A_2342 : vector<16xi32>
      %rev3A_2348 = arith.constant 15 : i32
      %rev3A_2349 = vector.broadcast %rev3A_2348 : i32 to vector<16xi32>
      %rev3A_2350 = tpu.iota {dimensions = array<i32: 0>} : vector<16xi32>
      %rev3A_2351 = arith.subi %rev3A_2349, %rev3A_2350 : vector<16xi32>
      %rev3A_2352 = tpu.dynamic_gather %masked_sort3A_2190[%rev3A_2351] in [0] : vector<16xi32>, vector<16xi32> -> vector<16xi32>
      %rev3A_2353 = arith.constant 15 : i32
      %rev3A_2354 = vector.broadcast %rev3A_2353 : i32 to vector<16xi32>
      %rev3A_2355 = tpu.iota {dimensions = array<i32: 0>} : vector<16xi32>
      %rev3A_2356 = arith.subi %rev3A_2354, %rev3A_2355 : vector<16xi32>
      %rev3A_2357 = tpu.dynamic_gather %masked_sort3A_2189[%rev3A_2356] in [0] : vector<16xi32>, vector<16xi32> -> vector<16xi32>
      %le3A_2358 = arith.cmpi sle, %masked_sort3A_2182, %rev3A_2352 : vector<16xi32>
      %select_n3A_2359 = arith.select %le3A_2358, %masked_sort3A_2182, %rev3A_2352 : vector<16xi1>, vector<16xi32>
      %select_n3A_2360 = arith.select %le3A_2358, %rev3A_2352, %masked_sort3A_2182 : vector<16xi1>, vector<16xi32>
      %select_n3A_2361 = arith.select %le3A_2358, %masked_sort3A_2181, %rev3A_2357 : vector<16xi1>, vector<16xi32>
      %select_n3A_2362 = arith.select %le3A_2358, %rev3A_2357, %masked_sort3A_2181 : vector<16xi1>, vector<16xi32>
      %masked_sort3A_2363 = arith.constant dense<true> : vector<16xi1>
      %masked_sort3A_2364 = arith.constant -2147483648 : i32
      %masked_sort3A_2365 = vector.broadcast %masked_sort3A_2364 : i32 to vector<16xi32>
      %masked_sort3A_2366 = arith.xori %select_n3A_2359, %masked_sort3A_2365 : vector<16xi32>
      %masked_sort3A_2367, %masked_sort3A_2368, %masked_sort3A_2369 = tpu.sort %masked_sort3A_2366, %select_n3A_2361 masked %masked_sort3A_2363 : (vector<16xi32>, vector<16xi32>, vector<16xi1>) -> (vector<16xi1>, vector<16xi32>, vector<16xi32>)
      %masked_sort3A_2370 = arith.xori %masked_sort3A_2368, %masked_sort3A_2365 : vector<16xi32>
      %masked_sort3A_2371 = arith.constant dense<true> : vector<16xi1>
      %masked_sort3A_2372 = arith.constant -2147483648 : i32
      %masked_sort3A_2373 = vector.broadcast %masked_sort3A_2372 : i32 to vector<16xi32>
      %masked_sort3A_2374 = arith.xori %select_n3A_2360, %masked_sort3A_2373 : vector<16xi32>
      %masked_sort3A_2375, %masked_sort3A_2376, %masked_sort3A_2377 = tpu.sort %masked_sort3A_2374, %select_n3A_2362 masked %masked_sort3A_2371 : (vector<16xi32>, vector<16xi32>, vector<16xi1>) -> (vector<16xi1>, vector<16xi32>, vector<16xi32>)
      %masked_sort3A_2378 = arith.xori %masked_sort3A_2376, %masked_sort3A_2373 : vector<16xi32>
      %rev3A_2379 = arith.constant 15 : i32
      %rev3A_2380 = vector.broadcast %rev3A_2379 : i32 to vector<16xi32>
      %rev3A_2381 = tpu.iota {dimensions = array<i32: 0>} : vector<16xi32>
      %rev3A_2382 = arith.subi %rev3A_2380, %rev3A_2381 : vector<16xi32>
      %rev3A_2383 = tpu.dynamic_gather %masked_sort3A_2206[%rev3A_2382] in [0] : vector<16xi32>, vector<16xi32> -> vector<16xi32>
      %rev3A_2384 = arith.constant 15 : i32
      %rev3A_2385 = vector.broadcast %rev3A_2384 : i32 to vector<16xi32>
      %rev3A_2386 = tpu.iota {dimensions = array<i32: 0>} : vector<16xi32>
      %rev3A_2387 = arith.subi %rev3A_2385, %rev3A_2386 : vector<16xi32>
      %rev3A_2388 = tpu.dynamic_gather %masked_sort3A_2205[%rev3A_2387] in [0] : vector<16xi32>, vector<16xi32> -> vector<16xi32>
      %le3A_2389 = arith.cmpi sle, %masked_sort3A_2198, %rev3A_2383 : vector<16xi32>
      %select_n3A_2390 = arith.select %le3A_2389, %masked_sort3A_2198, %rev3A_2383 : vector<16xi1>, vector<16xi32>
      %select_n3A_2391 = arith.select %le3A_2389, %rev3A_2383, %masked_sort3A_2198 : vector<16xi1>, vector<16xi32>
      %select_n3A_2392 = arith.select %le3A_2389, %masked_sort3A_2197, %rev3A_2388 : vector<16xi1>, vector<16xi32>
      %select_n3A_2393 = arith.select %le3A_2389, %rev3A_2388, %masked_sort3A_2197 : vector<16xi1>, vector<16xi32>
      %masked_sort3A_2394 = arith.constant dense<true> : vector<16xi1>
      %masked_sort3A_2395 = arith.constant -2147483648 : i32
      %masked_sort3A_2396 = vector.broadcast %masked_sort3A_2395 : i32 to vector<16xi32>
      %masked_sort3A_2397 = arith.xori %select_n3A_2390, %masked_sort3A_2396 : vector<16xi32>
      %masked_sort3A_2398, %masked_sort3A_2399, %masked_sort3A_2400 = tpu.sort %masked_sort3A_2397, %select_n3A_2392 masked %masked_sort3A_2394 : (vector<16xi32>, vector<16xi32>, vector<16xi1>) -> (vector<16xi1>, vector<16xi32>, vector<16xi32>)
      %masked_sort3A_2401 = arith.xori %masked_sort3A_2399, %masked_sort3A_2396 : vector<16xi32>
      %masked_sort3A_2402 = arith.constant dense<true> : vector<16xi1>
      %masked_sort3A_2403 = arith.constant -2147483648 : i32
      %masked_sort3A_2404 = vector.broadcast %masked_sort3A_2403 : i32 to vector<16xi32>
      %masked_sort3A_2405 = arith.xori %select_n3A_2391, %masked_sort3A_2404 : vector<16xi32>
      %masked_sort3A_2406, %masked_sort3A_2407, %masked_sort3A_2408 = tpu.sort %masked_sort3A_2405, %select_n3A_2393 masked %masked_sort3A_2402 : (vector<16xi32>, vector<16xi32>, vector<16xi1>) -> (vector<16xi1>, vector<16xi32>, vector<16xi32>)
      %masked_sort3A_2409 = arith.xori %masked_sort3A_2407, %masked_sort3A_2404 : vector<16xi32>
      %rev3A_2410 = arith.constant 15 : i32
      %rev3A_2411 = vector.broadcast %rev3A_2410 : i32 to vector<16xi32>
      %rev3A_2412 = tpu.iota {dimensions = array<i32: 0>} : vector<16xi32>
      %rev3A_2413 = arith.subi %rev3A_2411, %rev3A_2412 : vector<16xi32>
      %rev3A_2414 = tpu.dynamic_gather %masked_sort3A_2222[%rev3A_2413] in [0] : vector<16xi32>, vector<16xi32> -> vector<16xi32>
      %rev3A_2415 = arith.constant 15 : i32
      %rev3A_2416 = vector.broadcast %rev3A_2415 : i32 to vector<16xi32>
      %rev3A_2417 = tpu.iota {dimensions = array<i32: 0>} : vector<16xi32>
      %rev3A_2418 = arith.subi %rev3A_2416, %rev3A_2417 : vector<16xi32>
      %rev3A_2419 = tpu.dynamic_gather %masked_sort3A_2221[%rev3A_2418] in [0] : vector<16xi32>, vector<16xi32> -> vector<16xi32>
      %le3A_2420 = arith.cmpi sle, %masked_sort3A_2214, %rev3A_2414 : vector<16xi32>
      %select_n3A_2421 = arith.select %le3A_2420, %masked_sort3A_2214, %rev3A_2414 : vector<16xi1>, vector<16xi32>
      %select_n3A_2422 = arith.select %le3A_2420, %rev3A_2414, %masked_sort3A_2214 : vector<16xi1>, vector<16xi32>
      %select_n3A_2423 = arith.select %le3A_2420, %masked_sort3A_2213, %rev3A_2419 : vector<16xi1>, vector<16xi32>
      %select_n3A_2424 = arith.select %le3A_2420, %rev3A_2419, %masked_sort3A_2213 : vector<16xi1>, vector<16xi32>
      %masked_sort3A_2425 = arith.constant dense<true> : vector<16xi1>
      %masked_sort3A_2426 = arith.constant -2147483648 : i32
      %masked_sort3A_2427 = vector.broadcast %masked_sort3A_2426 : i32 to vector<16xi32>
      %masked_sort3A_2428 = arith.xori %select_n3A_2421, %masked_sort3A_2427 : vector<16xi32>
      %masked_sort3A_2429, %masked_sort3A_2430, %masked_sort3A_2431 = tpu.sort %masked_sort3A_2428, %select_n3A_2423 masked %masked_sort3A_2425 : (vector<16xi32>, vector<16xi32>, vector<16xi1>) -> (vector<16xi1>, vector<16xi32>, vector<16xi32>)
      %masked_sort3A_2432 = arith.xori %masked_sort3A_2430, %masked_sort3A_2427 : vector<16xi32>
      %masked_sort3A_2433 = arith.constant dense<true> : vector<16xi1>
      %masked_sort3A_2434 = arith.constant -2147483648 : i32
      %masked_sort3A_2435 = vector.broadcast %masked_sort3A_2434 : i32 to vector<16xi32>
      %masked_sort3A_2436 = arith.xori %select_n3A_2422, %masked_sort3A_2435 : vector<16xi32>
      %masked_sort3A_2437, %masked_sort3A_2438, %masked_sort3A_2439 = tpu.sort %masked_sort3A_2436, %select_n3A_2424 masked %masked_sort3A_2433 : (vector<16xi32>, vector<16xi32>, vector<16xi1>) -> (vector<16xi1>, vector<16xi32>, vector<16xi32>)
      %masked_sort3A_2440 = arith.xori %masked_sort3A_2438, %masked_sort3A_2435 : vector<16xi32>
      %rev3A_2441 = arith.constant 15 : i32
      %rev3A_2442 = vector.broadcast %rev3A_2441 : i32 to vector<16xi32>
      %rev3A_2443 = tpu.iota {dimensions = array<i32: 0>} : vector<16xi32>
      %rev3A_2444 = arith.subi %rev3A_2442, %rev3A_2443 : vector<16xi32>
      %rev3A_2445 = tpu.dynamic_gather %masked_sort3A_2238[%rev3A_2444] in [0] : vector<16xi32>, vector<16xi32> -> vector<16xi32>
      %rev3A_2446 = arith.constant 15 : i32
      %rev3A_2447 = vector.broadcast %rev3A_2446 : i32 to vector<16xi32>
      %rev3A_2448 = tpu.iota {dimensions = array<i32: 0>} : vector<16xi32>
      %rev3A_2449 = arith.subi %rev3A_2447, %rev3A_2448 : vector<16xi32>
      %rev3A_2450 = tpu.dynamic_gather %masked_sort3A_2237[%rev3A_2449] in [0] : vector<16xi32>, vector<16xi32> -> vector<16xi32>
      %le3A_2451 = arith.cmpi sle, %masked_sort3A_2230, %rev3A_2445 : vector<16xi32>
      %select_n3A_2452 = arith.select %le3A_2451, %masked_sort3A_2230, %rev3A_2445 : vector<16xi1>, vector<16xi32>
      %select_n3A_2453 = arith.select %le3A_2451, %rev3A_2445, %masked_sort3A_2230 : vector<16xi1>, vector<16xi32>
      %select_n3A_2454 = arith.select %le3A_2451, %masked_sort3A_2229, %rev3A_2450 : vector<16xi1>, vector<16xi32>
      %select_n3A_2455 = arith.select %le3A_2451, %rev3A_2450, %masked_sort3A_2229 : vector<16xi1>, vector<16xi32>
      %masked_sort3A_2456 = arith.constant dense<true> : vector<16xi1>
      %masked_sort3A_2457 = arith.constant -2147483648 : i32
      %masked_sort3A_2458 = vector.broadcast %masked_sort3A_2457 : i32 to vector<16xi32>
      %masked_sort3A_2459 = arith.xori %select_n3A_2452, %masked_sort3A_2458 : vector<16xi32>
      %masked_sort3A_2460, %masked_sort3A_2461, %masked_sort3A_2462 = tpu.sort %masked_sort3A_2459, %select_n3A_2454 masked %masked_sort3A_2456 : (vector<16xi32>, vector<16xi32>, vector<16xi1>) -> (vector<16xi1>, vector<16xi32>, vector<16xi32>)
      %masked_sort3A_2463 = arith.xori %masked_sort3A_2461, %masked_sort3A_2458 : vector<16xi32>
      %masked_sort3A_2464 = arith.constant dense<true> : vector<16xi1>
      %masked_sort3A_2465 = arith.constant -2147483648 : i32
      %masked_sort3A_2466 = vector.broadcast %masked_sort3A_2465 : i32 to vector<16xi32>
      %masked_sort3A_2467 = arith.xori %select_n3A_2453, %masked_sort3A_2466 : vector<16xi32>
      %masked_sort3A_2468, %masked_sort3A_2469, %masked_sort3A_2470 = tpu.sort %masked_sort3A_2467, %select_n3A_2455 masked %masked_sort3A_2464 : (vector<16xi32>, vector<16xi32>, vector<16xi1>) -> (vector<16xi1>, vector<16xi32>, vector<16xi32>)
      %masked_sort3A_2471 = arith.xori %masked_sort3A_2469, %masked_sort3A_2466 : vector<16xi32>
      %rev3A_2472 = arith.constant 15 : i32
      %rev3A_2473 = vector.broadcast %rev3A_2472 : i32 to vector<16xi32>
      %rev3A_2474 = tpu.iota {dimensions = array<i32: 0>} : vector<16xi32>
      %rev3A_2475 = arith.subi %rev3A_2473, %rev3A_2474 : vector<16xi32>
      %rev3A_2476 = tpu.dynamic_gather %masked_sort3A_2254[%rev3A_2475] in [0] : vector<16xi32>, vector<16xi32> -> vector<16xi32>
      %rev3A_2477 = arith.constant 15 : i32
      %rev3A_2478 = vector.broadcast %rev3A_2477 : i32 to vector<16xi32>
      %rev3A_2479 = tpu.iota {dimensions = array<i32: 0>} : vector<16xi32>
      %rev3A_2480 = arith.subi %rev3A_2478, %rev3A_2479 : vector<16xi32>
      %rev3A_2481 = tpu.dynamic_gather %masked_sort3A_2253[%rev3A_2480] in [0] : vector<16xi32>, vector<16xi32> -> vector<16xi32>
      %le3A_2482 = arith.cmpi sle, %masked_sort3A_2246, %rev3A_2476 : vector<16xi32>
      %select_n3A_2483 = arith.select %le3A_2482, %masked_sort3A_2246, %rev3A_2476 : vector<16xi1>, vector<16xi32>
      %select_n3A_2484 = arith.select %le3A_2482, %rev3A_2476, %masked_sort3A_2246 : vector<16xi1>, vector<16xi32>
      %select_n3A_2485 = arith.select %le3A_2482, %masked_sort3A_2245, %rev3A_2481 : vector<16xi1>, vector<16xi32>
      %select_n3A_2486 = arith.select %le3A_2482, %rev3A_2481, %masked_sort3A_2245 : vector<16xi1>, vector<16xi32>
      %masked_sort3A_2487 = arith.constant dense<true> : vector<16xi1>
      %masked_sort3A_2488 = arith.constant -2147483648 : i32
      %masked_sort3A_2489 = vector.broadcast %masked_sort3A_2488 : i32 to vector<16xi32>
      %masked_sort3A_2490 = arith.xori %select_n3A_2483, %masked_sort3A_2489 : vector<16xi32>
      %masked_sort3A_2491, %masked_sort3A_2492, %masked_sort3A_2493 = tpu.sort %masked_sort3A_2490, %select_n3A_2485 masked %masked_sort3A_2487 : (vector<16xi32>, vector<16xi32>, vector<16xi1>) -> (vector<16xi1>, vector<16xi32>, vector<16xi32>)
      %masked_sort3A_2494 = arith.xori %masked_sort3A_2492, %masked_sort3A_2489 : vector<16xi32>
      %masked_sort3A_2495 = arith.constant dense<true> : vector<16xi1>
      %masked_sort3A_2496 = arith.constant -2147483648 : i32
      %masked_sort3A_2497 = vector.broadcast %masked_sort3A_2496 : i32 to vector<16xi32>
      %masked_sort3A_2498 = arith.xori %select_n3A_2484, %masked_sort3A_2497 : vector<16xi32>
      %masked_sort3A_2499, %masked_sort3A_2500, %masked_sort3A_2501 = tpu.sort %masked_sort3A_2498, %select_n3A_2486 masked %masked_sort3A_2495 : (vector<16xi32>, vector<16xi32>, vector<16xi1>) -> (vector<16xi1>, vector<16xi32>, vector<16xi32>)
      %masked_sort3A_2502 = arith.xori %masked_sort3A_2500, %masked_sort3A_2497 : vector<16xi32>
      %rev3A_2503 = arith.constant 15 : i32
      %rev3A_2504 = vector.broadcast %rev3A_2503 : i32 to vector<16xi32>
      %rev3A_2505 = tpu.iota {dimensions = array<i32: 0>} : vector<16xi32>
      %rev3A_2506 = arith.subi %rev3A_2504, %rev3A_2505 : vector<16xi32>
      %rev3A_2507 = tpu.dynamic_gather %masked_sort3A_2316[%rev3A_2506] in [0] : vector<16xi32>, vector<16xi32> -> vector<16xi32>
      %rev3A_2508 = arith.constant 15 : i32
      %rev3A_2509 = vector.broadcast %rev3A_2508 : i32 to vector<16xi32>
      %rev3A_2510 = tpu.iota {dimensions = array<i32: 0>} : vector<16xi32>
      %rev3A_2511 = arith.subi %rev3A_2509, %rev3A_2510 : vector<16xi32>
      %rev3A_2512 = tpu.dynamic_gather %masked_sort3A_2308[%rev3A_2511] in [0] : vector<16xi32>, vector<16xi32> -> vector<16xi32>
      %rev3A_2513 = arith.constant 15 : i32
      %rev3A_2514 = vector.broadcast %rev3A_2513 : i32 to vector<16xi32>
      %rev3A_2515 = tpu.iota {dimensions = array<i32: 0>} : vector<16xi32>
      %rev3A_2516 = arith.subi %rev3A_2514, %rev3A_2515 : vector<16xi32>
      %rev3A_2517 = tpu.dynamic_gather %masked_sort3A_2315[%rev3A_2516] in [0] : vector<16xi32>, vector<16xi32> -> vector<16xi32>
      %rev3A_2518 = arith.constant 15 : i32
      %rev3A_2519 = vector.broadcast %rev3A_2518 : i32 to vector<16xi32>
      %rev3A_2520 = tpu.iota {dimensions = array<i32: 0>} : vector<16xi32>
      %rev3A_2521 = arith.subi %rev3A_2519, %rev3A_2520 : vector<16xi32>
      %rev3A_2522 = tpu.dynamic_gather %masked_sort3A_2307[%rev3A_2521] in [0] : vector<16xi32>, vector<16xi32> -> vector<16xi32>
      %le3A_2523 = arith.cmpi sle, %masked_sort3A_2277, %rev3A_2507 : vector<16xi32>
      %select_n3A_2524 = arith.select %le3A_2523, %masked_sort3A_2277, %rev3A_2507 : vector<16xi1>, vector<16xi32>
      %select_n3A_2525 = arith.select %le3A_2523, %rev3A_2507, %masked_sort3A_2277 : vector<16xi1>, vector<16xi32>
      %select_n3A_2526 = arith.select %le3A_2523, %masked_sort3A_2276, %rev3A_2517 : vector<16xi1>, vector<16xi32>
      %select_n3A_2527 = arith.select %le3A_2523, %rev3A_2517, %masked_sort3A_2276 : vector<16xi1>, vector<16xi32>
      %le3A_2528 = arith.cmpi sle, %masked_sort3A_2285, %rev3A_2512 : vector<16xi32>
      %select_n3A_2529 = arith.select %le3A_2528, %masked_sort3A_2285, %rev3A_2512 : vector<16xi1>, vector<16xi32>
      %select_n3A_2530 = arith.select %le3A_2528, %rev3A_2512, %masked_sort3A_2285 : vector<16xi1>, vector<16xi32>
      %select_n3A_2531 = arith.select %le3A_2528, %masked_sort3A_2284, %rev3A_2522 : vector<16xi1>, vector<16xi32>
      %select_n3A_2532 = arith.select %le3A_2528, %rev3A_2522, %masked_sort3A_2284 : vector<16xi1>, vector<16xi32>
      %le3A_2533 = arith.cmpi sle, %select_n3A_2524, %select_n3A_2529 : vector<16xi32>
      %select_n3A_2534 = arith.select %le3A_2533, %select_n3A_2524, %select_n3A_2529 : vector<16xi1>, vector<16xi32>
      %select_n3A_2535 = arith.select %le3A_2533, %select_n3A_2529, %select_n3A_2524 : vector<16xi1>, vector<16xi32>
      %select_n3A_2536 = arith.select %le3A_2533, %select_n3A_2526, %select_n3A_2531 : vector<16xi1>, vector<16xi32>
      %select_n3A_2537 = arith.select %le3A_2533, %select_n3A_2531, %select_n3A_2526 : vector<16xi1>, vector<16xi32>
      %le3A_2538 = arith.cmpi sle, %select_n3A_2525, %select_n3A_2530 : vector<16xi32>
      %select_n3A_2539 = arith.select %le3A_2538, %select_n3A_2525, %select_n3A_2530 : vector<16xi1>, vector<16xi32>
      %select_n3A_2540 = arith.select %le3A_2538, %select_n3A_2530, %select_n3A_2525 : vector<16xi1>, vector<16xi32>
      %select_n3A_2541 = arith.select %le3A_2538, %select_n3A_2527, %select_n3A_2532 : vector<16xi1>, vector<16xi32>
      %select_n3A_2542 = arith.select %le3A_2538, %select_n3A_2532, %select_n3A_2527 : vector<16xi1>, vector<16xi32>
      %masked_sort3A_2543 = arith.constant dense<true> : vector<16xi1>
      %masked_sort3A_2544 = arith.constant -2147483648 : i32
      %masked_sort3A_2545 = vector.broadcast %masked_sort3A_2544 : i32 to vector<16xi32>
      %masked_sort3A_2546 = arith.xori %select_n3A_2534, %masked_sort3A_2545 : vector<16xi32>
      %masked_sort3A_2547, %masked_sort3A_2548, %masked_sort3A_2549 = tpu.sort %masked_sort3A_2546, %select_n3A_2536 masked %masked_sort3A_2543 : (vector<16xi32>, vector<16xi32>, vector<16xi1>) -> (vector<16xi1>, vector<16xi32>, vector<16xi32>)
      %masked_sort3A_2550 = arith.xori %masked_sort3A_2548, %masked_sort3A_2545 : vector<16xi32>
      %masked_sort3A_2551 = arith.constant dense<true> : vector<16xi1>
      %masked_sort3A_2552 = arith.constant -2147483648 : i32
      %masked_sort3A_2553 = vector.broadcast %masked_sort3A_2552 : i32 to vector<16xi32>
      %masked_sort3A_2554 = arith.xori %select_n3A_2535, %masked_sort3A_2553 : vector<16xi32>
      %masked_sort3A_2555, %masked_sort3A_2556, %masked_sort3A_2557 = tpu.sort %masked_sort3A_2554, %select_n3A_2537 masked %masked_sort3A_2551 : (vector<16xi32>, vector<16xi32>, vector<16xi1>) -> (vector<16xi1>, vector<16xi32>, vector<16xi32>)
      %masked_sort3A_2558 = arith.xori %masked_sort3A_2556, %masked_sort3A_2553 : vector<16xi32>
      %masked_sort3A_2559 = arith.constant dense<true> : vector<16xi1>
      %masked_sort3A_2560 = arith.constant -2147483648 : i32
      %masked_sort3A_2561 = vector.broadcast %masked_sort3A_2560 : i32 to vector<16xi32>
      %masked_sort3A_2562 = arith.xori %select_n3A_2539, %masked_sort3A_2561 : vector<16xi32>
      %masked_sort3A_2563, %masked_sort3A_2564, %masked_sort3A_2565 = tpu.sort %masked_sort3A_2562, %select_n3A_2541 masked %masked_sort3A_2559 : (vector<16xi32>, vector<16xi32>, vector<16xi1>) -> (vector<16xi1>, vector<16xi32>, vector<16xi32>)
      %masked_sort3A_2566 = arith.xori %masked_sort3A_2564, %masked_sort3A_2561 : vector<16xi32>
      %masked_sort3A_2567 = arith.constant dense<true> : vector<16xi1>
      %masked_sort3A_2568 = arith.constant -2147483648 : i32
      %masked_sort3A_2569 = vector.broadcast %masked_sort3A_2568 : i32 to vector<16xi32>
      %masked_sort3A_2570 = arith.xori %select_n3A_2540, %masked_sort3A_2569 : vector<16xi32>
      %masked_sort3A_2571, %masked_sort3A_2572, %masked_sort3A_2573 = tpu.sort %masked_sort3A_2570, %select_n3A_2542 masked %masked_sort3A_2567 : (vector<16xi32>, vector<16xi32>, vector<16xi1>) -> (vector<16xi1>, vector<16xi32>, vector<16xi32>)
      %masked_sort3A_2574 = arith.xori %masked_sort3A_2572, %masked_sort3A_2569 : vector<16xi32>
      %rev3A_2575 = arith.constant 15 : i32
      %rev3A_2576 = vector.broadcast %rev3A_2575 : i32 to vector<16xi32>
      %rev3A_2577 = tpu.iota {dimensions = array<i32: 0>} : vector<16xi32>
      %rev3A_2578 = arith.subi %rev3A_2576, %rev3A_2577 : vector<16xi32>
      %rev3A_2579 = tpu.dynamic_gather %masked_sort3A_2378[%rev3A_2578] in [0] : vector<16xi32>, vector<16xi32> -> vector<16xi32>
      %rev3A_2580 = arith.constant 15 : i32
      %rev3A_2581 = vector.broadcast %rev3A_2580 : i32 to vector<16xi32>
      %rev3A_2582 = tpu.iota {dimensions = array<i32: 0>} : vector<16xi32>
      %rev3A_2583 = arith.subi %rev3A_2581, %rev3A_2582 : vector<16xi32>
      %rev3A_2584 = tpu.dynamic_gather %masked_sort3A_2370[%rev3A_2583] in [0] : vector<16xi32>, vector<16xi32> -> vector<16xi32>
      %rev3A_2585 = arith.constant 15 : i32
      %rev3A_2586 = vector.broadcast %rev3A_2585 : i32 to vector<16xi32>
      %rev3A_2587 = tpu.iota {dimensions = array<i32: 0>} : vector<16xi32>
      %rev3A_2588 = arith.subi %rev3A_2586, %rev3A_2587 : vector<16xi32>
      %rev3A_2589 = tpu.dynamic_gather %masked_sort3A_2377[%rev3A_2588] in [0] : vector<16xi32>, vector<16xi32> -> vector<16xi32>
      %rev3A_2590 = arith.constant 15 : i32
      %rev3A_2591 = vector.broadcast %rev3A_2590 : i32 to vector<16xi32>
      %rev3A_2592 = tpu.iota {dimensions = array<i32: 0>} : vector<16xi32>
      %rev3A_2593 = arith.subi %rev3A_2591, %rev3A_2592 : vector<16xi32>
      %rev3A_2594 = tpu.dynamic_gather %masked_sort3A_2369[%rev3A_2593] in [0] : vector<16xi32>, vector<16xi32> -> vector<16xi32>
      %le3A_2595 = arith.cmpi sle, %masked_sort3A_2339, %rev3A_2579 : vector<16xi32>
      %select_n3A_2596 = arith.select %le3A_2595, %masked_sort3A_2339, %rev3A_2579 : vector<16xi1>, vector<16xi32>
      %select_n3A_2597 = arith.select %le3A_2595, %rev3A_2579, %masked_sort3A_2339 : vector<16xi1>, vector<16xi32>
      %select_n3A_2598 = arith.select %le3A_2595, %masked_sort3A_2338, %rev3A_2589 : vector<16xi1>, vector<16xi32>
      %select_n3A_2599 = arith.select %le3A_2595, %rev3A_2589, %masked_sort3A_2338 : vector<16xi1>, vector<16xi32>
      %le3A_2600 = arith.cmpi sle, %masked_sort3A_2347, %rev3A_2584 : vector<16xi32>
      %select_n3A_2601 = arith.select %le3A_2600, %masked_sort3A_2347, %rev3A_2584 : vector<16xi1>, vector<16xi32>
      %select_n3A_2602 = arith.select %le3A_2600, %rev3A_2584, %masked_sort3A_2347 : vector<16xi1>, vector<16xi32>
      %select_n3A_2603 = arith.select %le3A_2600, %masked_sort3A_2346, %rev3A_2594 : vector<16xi1>, vector<16xi32>
      %select_n3A_2604 = arith.select %le3A_2600, %rev3A_2594, %masked_sort3A_2346 : vector<16xi1>, vector<16xi32>
      %le3A_2605 = arith.cmpi sle, %select_n3A_2596, %select_n3A_2601 : vector<16xi32>
      %select_n3A_2606 = arith.select %le3A_2605, %select_n3A_2596, %select_n3A_2601 : vector<16xi1>, vector<16xi32>
      %select_n3A_2607 = arith.select %le3A_2605, %select_n3A_2601, %select_n3A_2596 : vector<16xi1>, vector<16xi32>
      %select_n3A_2608 = arith.select %le3A_2605, %select_n3A_2598, %select_n3A_2603 : vector<16xi1>, vector<16xi32>
      %select_n3A_2609 = arith.select %le3A_2605, %select_n3A_2603, %select_n3A_2598 : vector<16xi1>, vector<16xi32>
      %le3A_2610 = arith.cmpi sle, %select_n3A_2597, %select_n3A_2602 : vector<16xi32>
      %select_n3A_2611 = arith.select %le3A_2610, %select_n3A_2597, %select_n3A_2602 : vector<16xi1>, vector<16xi32>
      %select_n3A_2612 = arith.select %le3A_2610, %select_n3A_2602, %select_n3A_2597 : vector<16xi1>, vector<16xi32>
      %select_n3A_2613 = arith.select %le3A_2610, %select_n3A_2599, %select_n3A_2604 : vector<16xi1>, vector<16xi32>
      %select_n3A_2614 = arith.select %le3A_2610, %select_n3A_2604, %select_n3A_2599 : vector<16xi1>, vector<16xi32>
      %masked_sort3A_2615 = arith.constant dense<true> : vector<16xi1>
      %masked_sort3A_2616 = arith.constant -2147483648 : i32
      %masked_sort3A_2617 = vector.broadcast %masked_sort3A_2616 : i32 to vector<16xi32>
      %masked_sort3A_2618 = arith.xori %select_n3A_2606, %masked_sort3A_2617 : vector<16xi32>
      %masked_sort3A_2619, %masked_sort3A_2620, %masked_sort3A_2621 = tpu.sort %masked_sort3A_2618, %select_n3A_2608 masked %masked_sort3A_2615 : (vector<16xi32>, vector<16xi32>, vector<16xi1>) -> (vector<16xi1>, vector<16xi32>, vector<16xi32>)
      %masked_sort3A_2622 = arith.xori %masked_sort3A_2620, %masked_sort3A_2617 : vector<16xi32>
      %masked_sort3A_2623 = arith.constant dense<true> : vector<16xi1>
      %masked_sort3A_2624 = arith.constant -2147483648 : i32
      %masked_sort3A_2625 = vector.broadcast %masked_sort3A_2624 : i32 to vector<16xi32>
      %masked_sort3A_2626 = arith.xori %select_n3A_2607, %masked_sort3A_2625 : vector<16xi32>
      %masked_sort3A_2627, %masked_sort3A_2628, %masked_sort3A_2629 = tpu.sort %masked_sort3A_2626, %select_n3A_2609 masked %masked_sort3A_2623 : (vector<16xi32>, vector<16xi32>, vector<16xi1>) -> (vector<16xi1>, vector<16xi32>, vector<16xi32>)
      %masked_sort3A_2630 = arith.xori %masked_sort3A_2628, %masked_sort3A_2625 : vector<16xi32>
      %masked_sort3A_2631 = arith.constant dense<true> : vector<16xi1>
      %masked_sort3A_2632 = arith.constant -2147483648 : i32
      %masked_sort3A_2633 = vector.broadcast %masked_sort3A_2632 : i32 to vector<16xi32>
      %masked_sort3A_2634 = arith.xori %select_n3A_2611, %masked_sort3A_2633 : vector<16xi32>
      %masked_sort3A_2635, %masked_sort3A_2636, %masked_sort3A_2637 = tpu.sort %masked_sort3A_2634, %select_n3A_2613 masked %masked_sort3A_2631 : (vector<16xi32>, vector<16xi32>, vector<16xi1>) -> (vector<16xi1>, vector<16xi32>, vector<16xi32>)
      %masked_sort3A_2638 = arith.xori %masked_sort3A_2636, %masked_sort3A_2633 : vector<16xi32>
      %masked_sort3A_2639 = arith.constant dense<true> : vector<16xi1>
      %masked_sort3A_2640 = arith.constant -2147483648 : i32
      %masked_sort3A_2641 = vector.broadcast %masked_sort3A_2640 : i32 to vector<16xi32>
      %masked_sort3A_2642 = arith.xori %select_n3A_2612, %masked_sort3A_2641 : vector<16xi32>
      %masked_sort3A_2643, %masked_sort3A_2644, %masked_sort3A_2645 = tpu.sort %masked_sort3A_2642, %select_n3A_2614 masked %masked_sort3A_2639 : (vector<16xi32>, vector<16xi32>, vector<16xi1>) -> (vector<16xi1>, vector<16xi32>, vector<16xi32>)
      %masked_sort3A_2646 = arith.xori %masked_sort3A_2644, %masked_sort3A_2641 : vector<16xi32>
      %rev3A_2647 = arith.constant 15 : i32
      %rev3A_2648 = vector.broadcast %rev3A_2647 : i32 to vector<16xi32>
      %rev3A_2649 = tpu.iota {dimensions = array<i32: 0>} : vector<16xi32>
      %rev3A_2650 = arith.subi %rev3A_2648, %rev3A_2649 : vector<16xi32>
      %rev3A_2651 = tpu.dynamic_gather %masked_sort3A_2440[%rev3A_2650] in [0] : vector<16xi32>, vector<16xi32> -> vector<16xi32>
      %rev3A_2652 = arith.constant 15 : i32
      %rev3A_2653 = vector.broadcast %rev3A_2652 : i32 to vector<16xi32>
      %rev3A_2654 = tpu.iota {dimensions = array<i32: 0>} : vector<16xi32>
      %rev3A_2655 = arith.subi %rev3A_2653, %rev3A_2654 : vector<16xi32>
      %rev3A_2656 = tpu.dynamic_gather %masked_sort3A_2432[%rev3A_2655] in [0] : vector<16xi32>, vector<16xi32> -> vector<16xi32>
      %rev3A_2657 = arith.constant 15 : i32
      %rev3A_2658 = vector.broadcast %rev3A_2657 : i32 to vector<16xi32>
      %rev3A_2659 = tpu.iota {dimensions = array<i32: 0>} : vector<16xi32>
      %rev3A_2660 = arith.subi %rev3A_2658, %rev3A_2659 : vector<16xi32>
      %rev3A_2661 = tpu.dynamic_gather %masked_sort3A_2439[%rev3A_2660] in [0] : vector<16xi32>, vector<16xi32> -> vector<16xi32>
      %rev3A_2662 = arith.constant 15 : i32
      %rev3A_2663 = vector.broadcast %rev3A_2662 : i32 to vector<16xi32>
      %rev3A_2664 = tpu.iota {dimensions = array<i32: 0>} : vector<16xi32>
      %rev3A_2665 = arith.subi %rev3A_2663, %rev3A_2664 : vector<16xi32>
      %rev3A_2666 = tpu.dynamic_gather %masked_sort3A_2431[%rev3A_2665] in [0] : vector<16xi32>, vector<16xi32> -> vector<16xi32>
      %le3A_2667 = arith.cmpi sle, %masked_sort3A_2401, %rev3A_2651 : vector<16xi32>
      %select_n3A_2668 = arith.select %le3A_2667, %masked_sort3A_2401, %rev3A_2651 : vector<16xi1>, vector<16xi32>
      %select_n3A_2669 = arith.select %le3A_2667, %rev3A_2651, %masked_sort3A_2401 : vector<16xi1>, vector<16xi32>
      %select_n3A_2670 = arith.select %le3A_2667, %masked_sort3A_2400, %rev3A_2661 : vector<16xi1>, vector<16xi32>
      %select_n3A_2671 = arith.select %le3A_2667, %rev3A_2661, %masked_sort3A_2400 : vector<16xi1>, vector<16xi32>
      %le3A_2672 = arith.cmpi sle, %masked_sort3A_2409, %rev3A_2656 : vector<16xi32>
      %select_n3A_2673 = arith.select %le3A_2672, %masked_sort3A_2409, %rev3A_2656 : vector<16xi1>, vector<16xi32>
      %select_n3A_2674 = arith.select %le3A_2672, %rev3A_2656, %masked_sort3A_2409 : vector<16xi1>, vector<16xi32>
      %select_n3A_2675 = arith.select %le3A_2672, %masked_sort3A_2408, %rev3A_2666 : vector<16xi1>, vector<16xi32>
      %select_n3A_2676 = arith.select %le3A_2672, %rev3A_2666, %masked_sort3A_2408 : vector<16xi1>, vector<16xi32>
      %le3A_2677 = arith.cmpi sle, %select_n3A_2668, %select_n3A_2673 : vector<16xi32>
      %select_n3A_2678 = arith.select %le3A_2677, %select_n3A_2668, %select_n3A_2673 : vector<16xi1>, vector<16xi32>
      %select_n3A_2679 = arith.select %le3A_2677, %select_n3A_2673, %select_n3A_2668 : vector<16xi1>, vector<16xi32>
      %select_n3A_2680 = arith.select %le3A_2677, %select_n3A_2670, %select_n3A_2675 : vector<16xi1>, vector<16xi32>
      %select_n3A_2681 = arith.select %le3A_2677, %select_n3A_2675, %select_n3A_2670 : vector<16xi1>, vector<16xi32>
      %le3A_2682 = arith.cmpi sle, %select_n3A_2669, %select_n3A_2674 : vector<16xi32>
      %select_n3A_2683 = arith.select %le3A_2682, %select_n3A_2669, %select_n3A_2674 : vector<16xi1>, vector<16xi32>
      %select_n3A_2684 = arith.select %le3A_2682, %select_n3A_2674, %select_n3A_2669 : vector<16xi1>, vector<16xi32>
      %select_n3A_2685 = arith.select %le3A_2682, %select_n3A_2671, %select_n3A_2676 : vector<16xi1>, vector<16xi32>
      %select_n3A_2686 = arith.select %le3A_2682, %select_n3A_2676, %select_n3A_2671 : vector<16xi1>, vector<16xi32>
      %masked_sort3A_2687 = arith.constant dense<true> : vector<16xi1>
      %masked_sort3A_2688 = arith.constant -2147483648 : i32
      %masked_sort3A_2689 = vector.broadcast %masked_sort3A_2688 : i32 to vector<16xi32>
      %masked_sort3A_2690 = arith.xori %select_n3A_2678, %masked_sort3A_2689 : vector<16xi32>
      %masked_sort3A_2691, %masked_sort3A_2692, %masked_sort3A_2693 = tpu.sort %masked_sort3A_2690, %select_n3A_2680 masked %masked_sort3A_2687 : (vector<16xi32>, vector<16xi32>, vector<16xi1>) -> (vector<16xi1>, vector<16xi32>, vector<16xi32>)
      %masked_sort3A_2694 = arith.xori %masked_sort3A_2692, %masked_sort3A_2689 : vector<16xi32>
      %masked_sort3A_2695 = arith.constant dense<true> : vector<16xi1>
      %masked_sort3A_2696 = arith.constant -2147483648 : i32
      %masked_sort3A_2697 = vector.broadcast %masked_sort3A_2696 : i32 to vector<16xi32>
      %masked_sort3A_2698 = arith.xori %select_n3A_2679, %masked_sort3A_2697 : vector<16xi32>
      %masked_sort3A_2699, %masked_sort3A_2700, %masked_sort3A_2701 = tpu.sort %masked_sort3A_2698, %select_n3A_2681 masked %masked_sort3A_2695 : (vector<16xi32>, vector<16xi32>, vector<16xi1>) -> (vector<16xi1>, vector<16xi32>, vector<16xi32>)
      %masked_sort3A_2702 = arith.xori %masked_sort3A_2700, %masked_sort3A_2697 : vector<16xi32>
      %masked_sort3A_2703 = arith.constant dense<true> : vector<16xi1>
      %masked_sort3A_2704 = arith.constant -2147483648 : i32
      %masked_sort3A_2705 = vector.broadcast %masked_sort3A_2704 : i32 to vector<16xi32>
      %masked_sort3A_2706 = arith.xori %select_n3A_2683, %masked_sort3A_2705 : vector<16xi32>
      %masked_sort3A_2707, %masked_sort3A_2708, %masked_sort3A_2709 = tpu.sort %masked_sort3A_2706, %select_n3A_2685 masked %masked_sort3A_2703 : (vector<16xi32>, vector<16xi32>, vector<16xi1>) -> (vector<16xi1>, vector<16xi32>, vector<16xi32>)
      %masked_sort3A_2710 = arith.xori %masked_sort3A_2708, %masked_sort3A_2705 : vector<16xi32>
      %masked_sort3A_2711 = arith.constant dense<true> : vector<16xi1>
      %masked_sort3A_2712 = arith.constant -2147483648 : i32
      %masked_sort3A_2713 = vector.broadcast %masked_sort3A_2712 : i32 to vector<16xi32>
      %masked_sort3A_2714 = arith.xori %select_n3A_2684, %masked_sort3A_2713 : vector<16xi32>
      %masked_sort3A_2715, %masked_sort3A_2716, %masked_sort3A_2717 = tpu.sort %masked_sort3A_2714, %select_n3A_2686 masked %masked_sort3A_2711 : (vector<16xi32>, vector<16xi32>, vector<16xi1>) -> (vector<16xi1>, vector<16xi32>, vector<16xi32>)
      %masked_sort3A_2718 = arith.xori %masked_sort3A_2716, %masked_sort3A_2713 : vector<16xi32>
      %rev3A_2719 = arith.constant 15 : i32
      %rev3A_2720 = vector.broadcast %rev3A_2719 : i32 to vector<16xi32>
      %rev3A_2721 = tpu.iota {dimensions = array<i32: 0>} : vector<16xi32>
      %rev3A_2722 = arith.subi %rev3A_2720, %rev3A_2721 : vector<16xi32>
      %rev3A_2723 = tpu.dynamic_gather %masked_sort3A_2502[%rev3A_2722] in [0] : vector<16xi32>, vector<16xi32> -> vector<16xi32>
      %rev3A_2724 = arith.constant 15 : i32
      %rev3A_2725 = vector.broadcast %rev3A_2724 : i32 to vector<16xi32>
      %rev3A_2726 = tpu.iota {dimensions = array<i32: 0>} : vector<16xi32>
      %rev3A_2727 = arith.subi %rev3A_2725, %rev3A_2726 : vector<16xi32>
      %rev3A_2728 = tpu.dynamic_gather %masked_sort3A_2494[%rev3A_2727] in [0] : vector<16xi32>, vector<16xi32> -> vector<16xi32>
      %rev3A_2729 = arith.constant 15 : i32
      %rev3A_2730 = vector.broadcast %rev3A_2729 : i32 to vector<16xi32>
      %rev3A_2731 = tpu.iota {dimensions = array<i32: 0>} : vector<16xi32>
      %rev3A_2732 = arith.subi %rev3A_2730, %rev3A_2731 : vector<16xi32>
      %rev3A_2733 = tpu.dynamic_gather %masked_sort3A_2501[%rev3A_2732] in [0] : vector<16xi32>, vector<16xi32> -> vector<16xi32>
      %rev3A_2734 = arith.constant 15 : i32
      %rev3A_2735 = vector.broadcast %rev3A_2734 : i32 to vector<16xi32>
      %rev3A_2736 = tpu.iota {dimensions = array<i32: 0>} : vector<16xi32>
      %rev3A_2737 = arith.subi %rev3A_2735, %rev3A_2736 : vector<16xi32>
      %rev3A_2738 = tpu.dynamic_gather %masked_sort3A_2493[%rev3A_2737] in [0] : vector<16xi32>, vector<16xi32> -> vector<16xi32>
      %le3A_2739 = arith.cmpi sle, %masked_sort3A_2463, %rev3A_2723 : vector<16xi32>
      %select_n3A_2740 = arith.select %le3A_2739, %masked_sort3A_2463, %rev3A_2723 : vector<16xi1>, vector<16xi32>
      %select_n3A_2741 = arith.select %le3A_2739, %rev3A_2723, %masked_sort3A_2463 : vector<16xi1>, vector<16xi32>
      %select_n3A_2742 = arith.select %le3A_2739, %masked_sort3A_2462, %rev3A_2733 : vector<16xi1>, vector<16xi32>
      %select_n3A_2743 = arith.select %le3A_2739, %rev3A_2733, %masked_sort3A_2462 : vector<16xi1>, vector<16xi32>
      %le3A_2744 = arith.cmpi sle, %masked_sort3A_2471, %rev3A_2728 : vector<16xi32>
      %select_n3A_2745 = arith.select %le3A_2744, %masked_sort3A_2471, %rev3A_2728 : vector<16xi1>, vector<16xi32>
      %select_n3A_2746 = arith.select %le3A_2744, %rev3A_2728, %masked_sort3A_2471 : vector<16xi1>, vector<16xi32>
      %select_n3A_2747 = arith.select %le3A_2744, %masked_sort3A_2470, %rev3A_2738 : vector<16xi1>, vector<16xi32>
      %select_n3A_2748 = arith.select %le3A_2744, %rev3A_2738, %masked_sort3A_2470 : vector<16xi1>, vector<16xi32>
      %le3A_2749 = arith.cmpi sle, %select_n3A_2740, %select_n3A_2745 : vector<16xi32>
      %select_n3A_2750 = arith.select %le3A_2749, %select_n3A_2740, %select_n3A_2745 : vector<16xi1>, vector<16xi32>
      %select_n3A_2751 = arith.select %le3A_2749, %select_n3A_2745, %select_n3A_2740 : vector<16xi1>, vector<16xi32>
      %select_n3A_2752 = arith.select %le3A_2749, %select_n3A_2742, %select_n3A_2747 : vector<16xi1>, vector<16xi32>
      %select_n3A_2753 = arith.select %le3A_2749, %select_n3A_2747, %select_n3A_2742 : vector<16xi1>, vector<16xi32>
      %le3A_2754 = arith.cmpi sle, %select_n3A_2741, %select_n3A_2746 : vector<16xi32>
      %select_n3A_2755 = arith.select %le3A_2754, %select_n3A_2741, %select_n3A_2746 : vector<16xi1>, vector<16xi32>
      %select_n3A_2756 = arith.select %le3A_2754, %select_n3A_2746, %select_n3A_2741 : vector<16xi1>, vector<16xi32>
      %select_n3A_2757 = arith.select %le3A_2754, %select_n3A_2743, %select_n3A_2748 : vector<16xi1>, vector<16xi32>
      %select_n3A_2758 = arith.select %le3A_2754, %select_n3A_2748, %select_n3A_2743 : vector<16xi1>, vector<16xi32>
      %masked_sort3A_2759 = arith.constant dense<true> : vector<16xi1>
      %masked_sort3A_2760 = arith.constant -2147483648 : i32
      %masked_sort3A_2761 = vector.broadcast %masked_sort3A_2760 : i32 to vector<16xi32>
      %masked_sort3A_2762 = arith.xori %select_n3A_2750, %masked_sort3A_2761 : vector<16xi32>
      %masked_sort3A_2763, %masked_sort3A_2764, %masked_sort3A_2765 = tpu.sort %masked_sort3A_2762, %select_n3A_2752 masked %masked_sort3A_2759 : (vector<16xi32>, vector<16xi32>, vector<16xi1>) -> (vector<16xi1>, vector<16xi32>, vector<16xi32>)
      %masked_sort3A_2766 = arith.xori %masked_sort3A_2764, %masked_sort3A_2761 : vector<16xi32>
      %masked_sort3A_2767 = arith.constant dense<true> : vector<16xi1>
      %masked_sort3A_2768 = arith.constant -2147483648 : i32
      %masked_sort3A_2769 = vector.broadcast %masked_sort3A_2768 : i32 to vector<16xi32>
      %masked_sort3A_2770 = arith.xori %select_n3A_2751, %masked_sort3A_2769 : vector<16xi32>
      %masked_sort3A_2771, %masked_sort3A_2772, %masked_sort3A_2773 = tpu.sort %masked_sort3A_2770, %select_n3A_2753 masked %masked_sort3A_2767 : (vector<16xi32>, vector<16xi32>, vector<16xi1>) -> (vector<16xi1>, vector<16xi32>, vector<16xi32>)
      %masked_sort3A_2774 = arith.xori %masked_sort3A_2772, %masked_sort3A_2769 : vector<16xi32>
      %masked_sort3A_2775 = arith.constant dense<true> : vector<16xi1>
      %masked_sort3A_2776 = arith.constant -2147483648 : i32
      %masked_sort3A_2777 = vector.broadcast %masked_sort3A_2776 : i32 to vector<16xi32>
      %masked_sort3A_2778 = arith.xori %select_n3A_2755, %masked_sort3A_2777 : vector<16xi32>
      %masked_sort3A_2779, %masked_sort3A_2780, %masked_sort3A_2781 = tpu.sort %masked_sort3A_2778, %select_n3A_2757 masked %masked_sort3A_2775 : (vector<16xi32>, vector<16xi32>, vector<16xi1>) -> (vector<16xi1>, vector<16xi32>, vector<16xi32>)
      %masked_sort3A_2782 = arith.xori %masked_sort3A_2780, %masked_sort3A_2777 : vector<16xi32>
      %masked_sort3A_2783 = arith.constant dense<true> : vector<16xi1>
      %masked_sort3A_2784 = arith.constant -2147483648 : i32
      %masked_sort3A_2785 = vector.broadcast %masked_sort3A_2784 : i32 to vector<16xi32>
      %masked_sort3A_2786 = arith.xori %select_n3A_2756, %masked_sort3A_2785 : vector<16xi32>
      %masked_sort3A_2787, %masked_sort3A_2788, %masked_sort3A_2789 = tpu.sort %masked_sort3A_2786, %select_n3A_2758 masked %masked_sort3A_2783 : (vector<16xi32>, vector<16xi32>, vector<16xi1>) -> (vector<16xi1>, vector<16xi32>, vector<16xi32>)
      %masked_sort3A_2790 = arith.xori %masked_sort3A_2788, %masked_sort3A_2785 : vector<16xi32>
      %rev3A_2791 = arith.constant 15 : i32
      %rev3A_2792 = vector.broadcast %rev3A_2791 : i32 to vector<16xi32>
      %rev3A_2793 = tpu.iota {dimensions = array<i32: 0>} : vector<16xi32>
      %rev3A_2794 = arith.subi %rev3A_2792, %rev3A_2793 : vector<16xi32>
      %rev3A_2795 = tpu.dynamic_gather %masked_sort3A_2646[%rev3A_2794] in [0] : vector<16xi32>, vector<16xi32> -> vector<16xi32>
      %rev3A_2796 = arith.constant 15 : i32
      %rev3A_2797 = vector.broadcast %rev3A_2796 : i32 to vector<16xi32>
      %rev3A_2798 = tpu.iota {dimensions = array<i32: 0>} : vector<16xi32>
      %rev3A_2799 = arith.subi %rev3A_2797, %rev3A_2798 : vector<16xi32>
      %rev3A_2800 = tpu.dynamic_gather %masked_sort3A_2638[%rev3A_2799] in [0] : vector<16xi32>, vector<16xi32> -> vector<16xi32>
      %rev3A_2801 = arith.constant 15 : i32
      %rev3A_2802 = vector.broadcast %rev3A_2801 : i32 to vector<16xi32>
      %rev3A_2803 = tpu.iota {dimensions = array<i32: 0>} : vector<16xi32>
      %rev3A_2804 = arith.subi %rev3A_2802, %rev3A_2803 : vector<16xi32>
      %rev3A_2805 = tpu.dynamic_gather %masked_sort3A_2630[%rev3A_2804] in [0] : vector<16xi32>, vector<16xi32> -> vector<16xi32>
      %rev3A_2806 = arith.constant 15 : i32
      %rev3A_2807 = vector.broadcast %rev3A_2806 : i32 to vector<16xi32>
      %rev3A_2808 = tpu.iota {dimensions = array<i32: 0>} : vector<16xi32>
      %rev3A_2809 = arith.subi %rev3A_2807, %rev3A_2808 : vector<16xi32>
      %rev3A_2810 = tpu.dynamic_gather %masked_sort3A_2622[%rev3A_2809] in [0] : vector<16xi32>, vector<16xi32> -> vector<16xi32>
      %rev3A_2811 = arith.constant 15 : i32
      %rev3A_2812 = vector.broadcast %rev3A_2811 : i32 to vector<16xi32>
      %rev3A_2813 = tpu.iota {dimensions = array<i32: 0>} : vector<16xi32>
      %rev3A_2814 = arith.subi %rev3A_2812, %rev3A_2813 : vector<16xi32>
      %rev3A_2815 = tpu.dynamic_gather %masked_sort3A_2645[%rev3A_2814] in [0] : vector<16xi32>, vector<16xi32> -> vector<16xi32>
      %rev3A_2816 = arith.constant 15 : i32
      %rev3A_2817 = vector.broadcast %rev3A_2816 : i32 to vector<16xi32>
      %rev3A_2818 = tpu.iota {dimensions = array<i32: 0>} : vector<16xi32>
      %rev3A_2819 = arith.subi %rev3A_2817, %rev3A_2818 : vector<16xi32>
      %rev3A_2820 = tpu.dynamic_gather %masked_sort3A_2637[%rev3A_2819] in [0] : vector<16xi32>, vector<16xi32> -> vector<16xi32>
      %rev3A_2821 = arith.constant 15 : i32
      %rev3A_2822 = vector.broadcast %rev3A_2821 : i32 to vector<16xi32>
      %rev3A_2823 = tpu.iota {dimensions = array<i32: 0>} : vector<16xi32>
      %rev3A_2824 = arith.subi %rev3A_2822, %rev3A_2823 : vector<16xi32>
      %rev3A_2825 = tpu.dynamic_gather %masked_sort3A_2629[%rev3A_2824] in [0] : vector<16xi32>, vector<16xi32> -> vector<16xi32>
      %rev3A_2826 = arith.constant 15 : i32
      %rev3A_2827 = vector.broadcast %rev3A_2826 : i32 to vector<16xi32>
      %rev3A_2828 = tpu.iota {dimensions = array<i32: 0>} : vector<16xi32>
      %rev3A_2829 = arith.subi %rev3A_2827, %rev3A_2828 : vector<16xi32>
      %rev3A_2830 = tpu.dynamic_gather %masked_sort3A_2621[%rev3A_2829] in [0] : vector<16xi32>, vector<16xi32> -> vector<16xi32>
      %le3A_2831 = arith.cmpi sle, %masked_sort3A_2550, %rev3A_2795 : vector<16xi32>
      %select_n3A_2832 = arith.select %le3A_2831, %masked_sort3A_2550, %rev3A_2795 : vector<16xi1>, vector<16xi32>
      %select_n3A_2833 = arith.select %le3A_2831, %rev3A_2795, %masked_sort3A_2550 : vector<16xi1>, vector<16xi32>
      %select_n3A_2834 = arith.select %le3A_2831, %masked_sort3A_2549, %rev3A_2815 : vector<16xi1>, vector<16xi32>
      %select_n3A_2835 = arith.select %le3A_2831, %rev3A_2815, %masked_sort3A_2549 : vector<16xi1>, vector<16xi32>
      %le3A_2836 = arith.cmpi sle, %masked_sort3A_2558, %rev3A_2800 : vector<16xi32>
      %select_n3A_2837 = arith.select %le3A_2836, %masked_sort3A_2558, %rev3A_2800 : vector<16xi1>, vector<16xi32>
      %select_n3A_2838 = arith.select %le3A_2836, %rev3A_2800, %masked_sort3A_2558 : vector<16xi1>, vector<16xi32>
      %select_n3A_2839 = arith.select %le3A_2836, %masked_sort3A_2557, %rev3A_2820 : vector<16xi1>, vector<16xi32>
      %select_n3A_2840 = arith.select %le3A_2836, %rev3A_2820, %masked_sort3A_2557 : vector<16xi1>, vector<16xi32>
      %le3A_2841 = arith.cmpi sle, %masked_sort3A_2566, %rev3A_2805 : vector<16xi32>
      %select_n3A_2842 = arith.select %le3A_2841, %masked_sort3A_2566, %rev3A_2805 : vector<16xi1>, vector<16xi32>
      %select_n3A_2843 = arith.select %le3A_2841, %rev3A_2805, %masked_sort3A_2566 : vector<16xi1>, vector<16xi32>
      %select_n3A_2844 = arith.select %le3A_2841, %masked_sort3A_2565, %rev3A_2825 : vector<16xi1>, vector<16xi32>
      %select_n3A_2845 = arith.select %le3A_2841, %rev3A_2825, %masked_sort3A_2565 : vector<16xi1>, vector<16xi32>
      %le3A_2846 = arith.cmpi sle, %masked_sort3A_2574, %rev3A_2810 : vector<16xi32>
      %select_n3A_2847 = arith.select %le3A_2846, %masked_sort3A_2574, %rev3A_2810 : vector<16xi1>, vector<16xi32>
      %select_n3A_2848 = arith.select %le3A_2846, %rev3A_2810, %masked_sort3A_2574 : vector<16xi1>, vector<16xi32>
      %select_n3A_2849 = arith.select %le3A_2846, %masked_sort3A_2573, %rev3A_2830 : vector<16xi1>, vector<16xi32>
      %select_n3A_2850 = arith.select %le3A_2846, %rev3A_2830, %masked_sort3A_2573 : vector<16xi1>, vector<16xi32>
      %le3A_2851 = arith.cmpi sle, %select_n3A_2832, %select_n3A_2842 : vector<16xi32>
      %select_n3A_2852 = arith.select %le3A_2851, %select_n3A_2832, %select_n3A_2842 : vector<16xi1>, vector<16xi32>
      %select_n3A_2853 = arith.select %le3A_2851, %select_n3A_2842, %select_n3A_2832 : vector<16xi1>, vector<16xi32>
      %select_n3A_2854 = arith.select %le3A_2851, %select_n3A_2834, %select_n3A_2844 : vector<16xi1>, vector<16xi32>
      %select_n3A_2855 = arith.select %le3A_2851, %select_n3A_2844, %select_n3A_2834 : vector<16xi1>, vector<16xi32>
      %le3A_2856 = arith.cmpi sle, %select_n3A_2837, %select_n3A_2847 : vector<16xi32>
      %select_n3A_2857 = arith.select %le3A_2856, %select_n3A_2837, %select_n3A_2847 : vector<16xi1>, vector<16xi32>
      %select_n3A_2858 = arith.select %le3A_2856, %select_n3A_2847, %select_n3A_2837 : vector<16xi1>, vector<16xi32>
      %select_n3A_2859 = arith.select %le3A_2856, %select_n3A_2839, %select_n3A_2849 : vector<16xi1>, vector<16xi32>
      %select_n3A_2860 = arith.select %le3A_2856, %select_n3A_2849, %select_n3A_2839 : vector<16xi1>, vector<16xi32>
      %le3A_2861 = arith.cmpi sle, %select_n3A_2833, %select_n3A_2843 : vector<16xi32>
      %select_n3A_2862 = arith.select %le3A_2861, %select_n3A_2833, %select_n3A_2843 : vector<16xi1>, vector<16xi32>
      %select_n3A_2863 = arith.select %le3A_2861, %select_n3A_2843, %select_n3A_2833 : vector<16xi1>, vector<16xi32>
      %select_n3A_2864 = arith.select %le3A_2861, %select_n3A_2835, %select_n3A_2845 : vector<16xi1>, vector<16xi32>
      %select_n3A_2865 = arith.select %le3A_2861, %select_n3A_2845, %select_n3A_2835 : vector<16xi1>, vector<16xi32>
      %le3A_2866 = arith.cmpi sle, %select_n3A_2838, %select_n3A_2848 : vector<16xi32>
      %select_n3A_2867 = arith.select %le3A_2866, %select_n3A_2838, %select_n3A_2848 : vector<16xi1>, vector<16xi32>
      %select_n3A_2868 = arith.select %le3A_2866, %select_n3A_2848, %select_n3A_2838 : vector<16xi1>, vector<16xi32>
      %select_n3A_2869 = arith.select %le3A_2866, %select_n3A_2840, %select_n3A_2850 : vector<16xi1>, vector<16xi32>
      %select_n3A_2870 = arith.select %le3A_2866, %select_n3A_2850, %select_n3A_2840 : vector<16xi1>, vector<16xi32>
      %le3A_2871 = arith.cmpi sle, %select_n3A_2852, %select_n3A_2857 : vector<16xi32>
      %select_n3A_2872 = arith.select %le3A_2871, %select_n3A_2852, %select_n3A_2857 : vector<16xi1>, vector<16xi32>
      %select_n3A_2873 = arith.select %le3A_2871, %select_n3A_2857, %select_n3A_2852 : vector<16xi1>, vector<16xi32>
      %select_n3A_2874 = arith.select %le3A_2871, %select_n3A_2854, %select_n3A_2859 : vector<16xi1>, vector<16xi32>
      %select_n3A_2875 = arith.select %le3A_2871, %select_n3A_2859, %select_n3A_2854 : vector<16xi1>, vector<16xi32>
      %le3A_2876 = arith.cmpi sle, %select_n3A_2853, %select_n3A_2858 : vector<16xi32>
      %select_n3A_2877 = arith.select %le3A_2876, %select_n3A_2853, %select_n3A_2858 : vector<16xi1>, vector<16xi32>
      %select_n3A_2878 = arith.select %le3A_2876, %select_n3A_2858, %select_n3A_2853 : vector<16xi1>, vector<16xi32>
      %select_n3A_2879 = arith.select %le3A_2876, %select_n3A_2855, %select_n3A_2860 : vector<16xi1>, vector<16xi32>
      %select_n3A_2880 = arith.select %le3A_2876, %select_n3A_2860, %select_n3A_2855 : vector<16xi1>, vector<16xi32>
      %le3A_2881 = arith.cmpi sle, %select_n3A_2862, %select_n3A_2867 : vector<16xi32>
      %select_n3A_2882 = arith.select %le3A_2881, %select_n3A_2862, %select_n3A_2867 : vector<16xi1>, vector<16xi32>
      %select_n3A_2883 = arith.select %le3A_2881, %select_n3A_2867, %select_n3A_2862 : vector<16xi1>, vector<16xi32>
      %select_n3A_2884 = arith.select %le3A_2881, %select_n3A_2864, %select_n3A_2869 : vector<16xi1>, vector<16xi32>
      %select_n3A_2885 = arith.select %le3A_2881, %select_n3A_2869, %select_n3A_2864 : vector<16xi1>, vector<16xi32>
      %le3A_2886 = arith.cmpi sle, %select_n3A_2863, %select_n3A_2868 : vector<16xi32>
      %select_n3A_2887 = arith.select %le3A_2886, %select_n3A_2863, %select_n3A_2868 : vector<16xi1>, vector<16xi32>
      %select_n3A_2888 = arith.select %le3A_2886, %select_n3A_2868, %select_n3A_2863 : vector<16xi1>, vector<16xi32>
      %select_n3A_2889 = arith.select %le3A_2886, %select_n3A_2865, %select_n3A_2870 : vector<16xi1>, vector<16xi32>
      %select_n3A_2890 = arith.select %le3A_2886, %select_n3A_2870, %select_n3A_2865 : vector<16xi1>, vector<16xi32>
      %masked_sort3A_2891 = arith.constant dense<true> : vector<16xi1>
      %masked_sort3A_2892 = arith.constant -2147483648 : i32
      %masked_sort3A_2893 = vector.broadcast %masked_sort3A_2892 : i32 to vector<16xi32>
      %masked_sort3A_2894 = arith.xori %select_n3A_2872, %masked_sort3A_2893 : vector<16xi32>
      %masked_sort3A_2895, %masked_sort3A_2896, %masked_sort3A_2897 = tpu.sort %masked_sort3A_2894, %select_n3A_2874 masked %masked_sort3A_2891 : (vector<16xi32>, vector<16xi32>, vector<16xi1>) -> (vector<16xi1>, vector<16xi32>, vector<16xi32>)
      %masked_sort3A_2898 = arith.xori %masked_sort3A_2896, %masked_sort3A_2893 : vector<16xi32>
      %masked_sort3A_2899 = arith.constant dense<true> : vector<16xi1>
      %masked_sort3A_2900 = arith.constant -2147483648 : i32
      %masked_sort3A_2901 = vector.broadcast %masked_sort3A_2900 : i32 to vector<16xi32>
      %masked_sort3A_2902 = arith.xori %select_n3A_2873, %masked_sort3A_2901 : vector<16xi32>
      %masked_sort3A_2903, %masked_sort3A_2904, %masked_sort3A_2905 = tpu.sort %masked_sort3A_2902, %select_n3A_2875 masked %masked_sort3A_2899 : (vector<16xi32>, vector<16xi32>, vector<16xi1>) -> (vector<16xi1>, vector<16xi32>, vector<16xi32>)
      %masked_sort3A_2906 = arith.xori %masked_sort3A_2904, %masked_sort3A_2901 : vector<16xi32>
      %masked_sort3A_2907 = arith.constant dense<true> : vector<16xi1>
      %masked_sort3A_2908 = arith.constant -2147483648 : i32
      %masked_sort3A_2909 = vector.broadcast %masked_sort3A_2908 : i32 to vector<16xi32>
      %masked_sort3A_2910 = arith.xori %select_n3A_2877, %masked_sort3A_2909 : vector<16xi32>
      %masked_sort3A_2911, %masked_sort3A_2912, %masked_sort3A_2913 = tpu.sort %masked_sort3A_2910, %select_n3A_2879 masked %masked_sort3A_2907 : (vector<16xi32>, vector<16xi32>, vector<16xi1>) -> (vector<16xi1>, vector<16xi32>, vector<16xi32>)
      %masked_sort3A_2914 = arith.xori %masked_sort3A_2912, %masked_sort3A_2909 : vector<16xi32>
      %masked_sort3A_2915 = arith.constant dense<true> : vector<16xi1>
      %masked_sort3A_2916 = arith.constant -2147483648 : i32
      %masked_sort3A_2917 = vector.broadcast %masked_sort3A_2916 : i32 to vector<16xi32>
      %masked_sort3A_2918 = arith.xori %select_n3A_2878, %masked_sort3A_2917 : vector<16xi32>
      %masked_sort3A_2919, %masked_sort3A_2920, %masked_sort3A_2921 = tpu.sort %masked_sort3A_2918, %select_n3A_2880 masked %masked_sort3A_2915 : (vector<16xi32>, vector<16xi32>, vector<16xi1>) -> (vector<16xi1>, vector<16xi32>, vector<16xi32>)
      %masked_sort3A_2922 = arith.xori %masked_sort3A_2920, %masked_sort3A_2917 : vector<16xi32>
      %masked_sort3A_2923 = arith.constant dense<true> : vector<16xi1>
      %masked_sort3A_2924 = arith.constant -2147483648 : i32
      %masked_sort3A_2925 = vector.broadcast %masked_sort3A_2924 : i32 to vector<16xi32>
      %masked_sort3A_2926 = arith.xori %select_n3A_2882, %masked_sort3A_2925 : vector<16xi32>
      %masked_sort3A_2927, %masked_sort3A_2928, %masked_sort3A_2929 = tpu.sort %masked_sort3A_2926, %select_n3A_2884 masked %masked_sort3A_2923 : (vector<16xi32>, vector<16xi32>, vector<16xi1>) -> (vector<16xi1>, vector<16xi32>, vector<16xi32>)
      %masked_sort3A_2930 = arith.xori %masked_sort3A_2928, %masked_sort3A_2925 : vector<16xi32>
      %masked_sort3A_2931 = arith.constant dense<true> : vector<16xi1>
      %masked_sort3A_2932 = arith.constant -2147483648 : i32
      %masked_sort3A_2933 = vector.broadcast %masked_sort3A_2932 : i32 to vector<16xi32>
      %masked_sort3A_2934 = arith.xori %select_n3A_2883, %masked_sort3A_2933 : vector<16xi32>
      %masked_sort3A_2935, %masked_sort3A_2936, %masked_sort3A_2937 = tpu.sort %masked_sort3A_2934, %select_n3A_2885 masked %masked_sort3A_2931 : (vector<16xi32>, vector<16xi32>, vector<16xi1>) -> (vector<16xi1>, vector<16xi32>, vector<16xi32>)
      %masked_sort3A_2938 = arith.xori %masked_sort3A_2936, %masked_sort3A_2933 : vector<16xi32>
      %masked_sort3A_2939 = arith.constant dense<true> : vector<16xi1>
      %masked_sort3A_2940 = arith.constant -2147483648 : i32
      %masked_sort3A_2941 = vector.broadcast %masked_sort3A_2940 : i32 to vector<16xi32>
      %masked_sort3A_2942 = arith.xori %select_n3A_2887, %masked_sort3A_2941 : vector<16xi32>
      %masked_sort3A_2943, %masked_sort3A_2944, %masked_sort3A_2945 = tpu.sort %masked_sort3A_2942, %select_n3A_2889 masked %masked_sort3A_2939 : (vector<16xi32>, vector<16xi32>, vector<16xi1>) -> (vector<16xi1>, vector<16xi32>, vector<16xi32>)
      %masked_sort3A_2946 = arith.xori %masked_sort3A_2944, %masked_sort3A_2941 : vector<16xi32>
      %masked_sort3A_2947 = arith.constant dense<true> : vector<16xi1>
      %masked_sort3A_2948 = arith.constant -2147483648 : i32
      %masked_sort3A_2949 = vector.broadcast %masked_sort3A_2948 : i32 to vector<16xi32>
      %masked_sort3A_2950 = arith.xori %select_n3A_2888, %masked_sort3A_2949 : vector<16xi32>
      %masked_sort3A_2951, %masked_sort3A_2952, %masked_sort3A_2953 = tpu.sort %masked_sort3A_2950, %select_n3A_2890 masked %masked_sort3A_2947 : (vector<16xi32>, vector<16xi32>, vector<16xi1>) -> (vector<16xi1>, vector<16xi32>, vector<16xi32>)
      %masked_sort3A_2954 = arith.xori %masked_sort3A_2952, %masked_sort3A_2949 : vector<16xi32>
      %rev3A_2955 = arith.constant 15 : i32
      %rev3A_2956 = vector.broadcast %rev3A_2955 : i32 to vector<16xi32>
      %rev3A_2957 = tpu.iota {dimensions = array<i32: 0>} : vector<16xi32>
      %rev3A_2958 = arith.subi %rev3A_2956, %rev3A_2957 : vector<16xi32>
      %rev3A_2959 = tpu.dynamic_gather %masked_sort3A_2790[%rev3A_2958] in [0] : vector<16xi32>, vector<16xi32> -> vector<16xi32>
      %rev3A_2960 = arith.constant 15 : i32
      %rev3A_2961 = vector.broadcast %rev3A_2960 : i32 to vector<16xi32>
      %rev3A_2962 = tpu.iota {dimensions = array<i32: 0>} : vector<16xi32>
      %rev3A_2963 = arith.subi %rev3A_2961, %rev3A_2962 : vector<16xi32>
      %rev3A_2964 = tpu.dynamic_gather %masked_sort3A_2782[%rev3A_2963] in [0] : vector<16xi32>, vector<16xi32> -> vector<16xi32>
      %rev3A_2965 = arith.constant 15 : i32
      %rev3A_2966 = vector.broadcast %rev3A_2965 : i32 to vector<16xi32>
      %rev3A_2967 = tpu.iota {dimensions = array<i32: 0>} : vector<16xi32>
      %rev3A_2968 = arith.subi %rev3A_2966, %rev3A_2967 : vector<16xi32>
      %rev3A_2969 = tpu.dynamic_gather %masked_sort3A_2774[%rev3A_2968] in [0] : vector<16xi32>, vector<16xi32> -> vector<16xi32>
      %rev3A_2970 = arith.constant 15 : i32
      %rev3A_2971 = vector.broadcast %rev3A_2970 : i32 to vector<16xi32>
      %rev3A_2972 = tpu.iota {dimensions = array<i32: 0>} : vector<16xi32>
      %rev3A_2973 = arith.subi %rev3A_2971, %rev3A_2972 : vector<16xi32>
      %rev3A_2974 = tpu.dynamic_gather %masked_sort3A_2766[%rev3A_2973] in [0] : vector<16xi32>, vector<16xi32> -> vector<16xi32>
      %rev3A_2975 = arith.constant 15 : i32
      %rev3A_2976 = vector.broadcast %rev3A_2975 : i32 to vector<16xi32>
      %rev3A_2977 = tpu.iota {dimensions = array<i32: 0>} : vector<16xi32>
      %rev3A_2978 = arith.subi %rev3A_2976, %rev3A_2977 : vector<16xi32>
      %rev3A_2979 = tpu.dynamic_gather %masked_sort3A_2789[%rev3A_2978] in [0] : vector<16xi32>, vector<16xi32> -> vector<16xi32>
      %rev3A_2980 = arith.constant 15 : i32
      %rev3A_2981 = vector.broadcast %rev3A_2980 : i32 to vector<16xi32>
      %rev3A_2982 = tpu.iota {dimensions = array<i32: 0>} : vector<16xi32>
      %rev3A_2983 = arith.subi %rev3A_2981, %rev3A_2982 : vector<16xi32>
      %rev3A_2984 = tpu.dynamic_gather %masked_sort3A_2781[%rev3A_2983] in [0] : vector<16xi32>, vector<16xi32> -> vector<16xi32>
      %rev3A_2985 = arith.constant 15 : i32
      %rev3A_2986 = vector.broadcast %rev3A_2985 : i32 to vector<16xi32>
      %rev3A_2987 = tpu.iota {dimensions = array<i32: 0>} : vector<16xi32>
      %rev3A_2988 = arith.subi %rev3A_2986, %rev3A_2987 : vector<16xi32>
      %rev3A_2989 = tpu.dynamic_gather %masked_sort3A_2773[%rev3A_2988] in [0] : vector<16xi32>, vector<16xi32> -> vector<16xi32>
      %rev3A_2990 = arith.constant 15 : i32
      %rev3A_2991 = vector.broadcast %rev3A_2990 : i32 to vector<16xi32>
      %rev3A_2992 = tpu.iota {dimensions = array<i32: 0>} : vector<16xi32>
      %rev3A_2993 = arith.subi %rev3A_2991, %rev3A_2992 : vector<16xi32>
      %rev3A_2994 = tpu.dynamic_gather %masked_sort3A_2765[%rev3A_2993] in [0] : vector<16xi32>, vector<16xi32> -> vector<16xi32>
      %le3A_2995 = arith.cmpi sle, %masked_sort3A_2694, %rev3A_2959 : vector<16xi32>
      %select_n3A_2996 = arith.select %le3A_2995, %masked_sort3A_2694, %rev3A_2959 : vector<16xi1>, vector<16xi32>
      %select_n3A_2997 = arith.select %le3A_2995, %rev3A_2959, %masked_sort3A_2694 : vector<16xi1>, vector<16xi32>
      %select_n3A_2998 = arith.select %le3A_2995, %masked_sort3A_2693, %rev3A_2979 : vector<16xi1>, vector<16xi32>
      %select_n3A_2999 = arith.select %le3A_2995, %rev3A_2979, %masked_sort3A_2693 : vector<16xi1>, vector<16xi32>
      %le3A_3000 = arith.cmpi sle, %masked_sort3A_2702, %rev3A_2964 : vector<16xi32>
      %select_n3A_3001 = arith.select %le3A_3000, %masked_sort3A_2702, %rev3A_2964 : vector<16xi1>, vector<16xi32>
      %select_n3A_3002 = arith.select %le3A_3000, %rev3A_2964, %masked_sort3A_2702 : vector<16xi1>, vector<16xi32>
      %select_n3A_3003 = arith.select %le3A_3000, %masked_sort3A_2701, %rev3A_2984 : vector<16xi1>, vector<16xi32>
      %select_n3A_3004 = arith.select %le3A_3000, %rev3A_2984, %masked_sort3A_2701 : vector<16xi1>, vector<16xi32>
      %le3A_3005 = arith.cmpi sle, %masked_sort3A_2710, %rev3A_2969 : vector<16xi32>
      %select_n3A_3006 = arith.select %le3A_3005, %masked_sort3A_2710, %rev3A_2969 : vector<16xi1>, vector<16xi32>
      %select_n3A_3007 = arith.select %le3A_3005, %rev3A_2969, %masked_sort3A_2710 : vector<16xi1>, vector<16xi32>
      %select_n3A_3008 = arith.select %le3A_3005, %masked_sort3A_2709, %rev3A_2989 : vector<16xi1>, vector<16xi32>
      %select_n3A_3009 = arith.select %le3A_3005, %rev3A_2989, %masked_sort3A_2709 : vector<16xi1>, vector<16xi32>
      %le3A_3010 = arith.cmpi sle, %masked_sort3A_2718, %rev3A_2974 : vector<16xi32>
      %select_n3A_3011 = arith.select %le3A_3010, %masked_sort3A_2718, %rev3A_2974 : vector<16xi1>, vector<16xi32>
      %select_n3A_3012 = arith.select %le3A_3010, %rev3A_2974, %masked_sort3A_2718 : vector<16xi1>, vector<16xi32>
      %select_n3A_3013 = arith.select %le3A_3010, %masked_sort3A_2717, %rev3A_2994 : vector<16xi1>, vector<16xi32>
      %select_n3A_3014 = arith.select %le3A_3010, %rev3A_2994, %masked_sort3A_2717 : vector<16xi1>, vector<16xi32>
      %le3A_3015 = arith.cmpi sle, %select_n3A_2996, %select_n3A_3006 : vector<16xi32>
      %select_n3A_3016 = arith.select %le3A_3015, %select_n3A_2996, %select_n3A_3006 : vector<16xi1>, vector<16xi32>
      %select_n3A_3017 = arith.select %le3A_3015, %select_n3A_3006, %select_n3A_2996 : vector<16xi1>, vector<16xi32>
      %select_n3A_3018 = arith.select %le3A_3015, %select_n3A_2998, %select_n3A_3008 : vector<16xi1>, vector<16xi32>
      %select_n3A_3019 = arith.select %le3A_3015, %select_n3A_3008, %select_n3A_2998 : vector<16xi1>, vector<16xi32>
      %le3A_3020 = arith.cmpi sle, %select_n3A_3001, %select_n3A_3011 : vector<16xi32>
      %select_n3A_3021 = arith.select %le3A_3020, %select_n3A_3001, %select_n3A_3011 : vector<16xi1>, vector<16xi32>
      %select_n3A_3022 = arith.select %le3A_3020, %select_n3A_3011, %select_n3A_3001 : vector<16xi1>, vector<16xi32>
      %select_n3A_3023 = arith.select %le3A_3020, %select_n3A_3003, %select_n3A_3013 : vector<16xi1>, vector<16xi32>
      %select_n3A_3024 = arith.select %le3A_3020, %select_n3A_3013, %select_n3A_3003 : vector<16xi1>, vector<16xi32>
      %le3A_3025 = arith.cmpi sle, %select_n3A_2997, %select_n3A_3007 : vector<16xi32>
      %select_n3A_3026 = arith.select %le3A_3025, %select_n3A_2997, %select_n3A_3007 : vector<16xi1>, vector<16xi32>
      %select_n3A_3027 = arith.select %le3A_3025, %select_n3A_3007, %select_n3A_2997 : vector<16xi1>, vector<16xi32>
      %select_n3A_3028 = arith.select %le3A_3025, %select_n3A_2999, %select_n3A_3009 : vector<16xi1>, vector<16xi32>
      %select_n3A_3029 = arith.select %le3A_3025, %select_n3A_3009, %select_n3A_2999 : vector<16xi1>, vector<16xi32>
      %le3A_3030 = arith.cmpi sle, %select_n3A_3002, %select_n3A_3012 : vector<16xi32>
      %select_n3A_3031 = arith.select %le3A_3030, %select_n3A_3002, %select_n3A_3012 : vector<16xi1>, vector<16xi32>
      %select_n3A_3032 = arith.select %le3A_3030, %select_n3A_3012, %select_n3A_3002 : vector<16xi1>, vector<16xi32>
      %select_n3A_3033 = arith.select %le3A_3030, %select_n3A_3004, %select_n3A_3014 : vector<16xi1>, vector<16xi32>
      %select_n3A_3034 = arith.select %le3A_3030, %select_n3A_3014, %select_n3A_3004 : vector<16xi1>, vector<16xi32>
      %le3A_3035 = arith.cmpi sle, %select_n3A_3016, %select_n3A_3021 : vector<16xi32>
      %select_n3A_3036 = arith.select %le3A_3035, %select_n3A_3016, %select_n3A_3021 : vector<16xi1>, vector<16xi32>
      %select_n3A_3037 = arith.select %le3A_3035, %select_n3A_3021, %select_n3A_3016 : vector<16xi1>, vector<16xi32>
      %select_n3A_3038 = arith.select %le3A_3035, %select_n3A_3018, %select_n3A_3023 : vector<16xi1>, vector<16xi32>
      %select_n3A_3039 = arith.select %le3A_3035, %select_n3A_3023, %select_n3A_3018 : vector<16xi1>, vector<16xi32>
      %le3A_3040 = arith.cmpi sle, %select_n3A_3017, %select_n3A_3022 : vector<16xi32>
      %select_n3A_3041 = arith.select %le3A_3040, %select_n3A_3017, %select_n3A_3022 : vector<16xi1>, vector<16xi32>
      %select_n3A_3042 = arith.select %le3A_3040, %select_n3A_3022, %select_n3A_3017 : vector<16xi1>, vector<16xi32>
      %select_n3A_3043 = arith.select %le3A_3040, %select_n3A_3019, %select_n3A_3024 : vector<16xi1>, vector<16xi32>
      %select_n3A_3044 = arith.select %le3A_3040, %select_n3A_3024, %select_n3A_3019 : vector<16xi1>, vector<16xi32>
      %le3A_3045 = arith.cmpi sle, %select_n3A_3026, %select_n3A_3031 : vector<16xi32>
      %select_n3A_3046 = arith.select %le3A_3045, %select_n3A_3026, %select_n3A_3031 : vector<16xi1>, vector<16xi32>
      %select_n3A_3047 = arith.select %le3A_3045, %select_n3A_3031, %select_n3A_3026 : vector<16xi1>, vector<16xi32>
      %select_n3A_3048 = arith.select %le3A_3045, %select_n3A_3028, %select_n3A_3033 : vector<16xi1>, vector<16xi32>
      %select_n3A_3049 = arith.select %le3A_3045, %select_n3A_3033, %select_n3A_3028 : vector<16xi1>, vector<16xi32>
      %le3A_3050 = arith.cmpi sle, %select_n3A_3027, %select_n3A_3032 : vector<16xi32>
      %select_n3A_3051 = arith.select %le3A_3050, %select_n3A_3027, %select_n3A_3032 : vector<16xi1>, vector<16xi32>
      %select_n3A_3052 = arith.select %le3A_3050, %select_n3A_3032, %select_n3A_3027 : vector<16xi1>, vector<16xi32>
      %select_n3A_3053 = arith.select %le3A_3050, %select_n3A_3029, %select_n3A_3034 : vector<16xi1>, vector<16xi32>
      %select_n3A_3054 = arith.select %le3A_3050, %select_n3A_3034, %select_n3A_3029 : vector<16xi1>, vector<16xi32>
      %masked_sort3A_3055 = arith.constant dense<true> : vector<16xi1>
      %masked_sort3A_3056 = arith.constant -2147483648 : i32
      %masked_sort3A_3057 = vector.broadcast %masked_sort3A_3056 : i32 to vector<16xi32>
      %masked_sort3A_3058 = arith.xori %select_n3A_3036, %masked_sort3A_3057 : vector<16xi32>
      %masked_sort3A_3059, %masked_sort3A_3060, %masked_sort3A_3061 = tpu.sort %masked_sort3A_3058, %select_n3A_3038 masked %masked_sort3A_3055 : (vector<16xi32>, vector<16xi32>, vector<16xi1>) -> (vector<16xi1>, vector<16xi32>, vector<16xi32>)
      %masked_sort3A_3062 = arith.xori %masked_sort3A_3060, %masked_sort3A_3057 : vector<16xi32>
      %masked_sort3A_3063 = arith.constant dense<true> : vector<16xi1>
      %masked_sort3A_3064 = arith.constant -2147483648 : i32
      %masked_sort3A_3065 = vector.broadcast %masked_sort3A_3064 : i32 to vector<16xi32>
      %masked_sort3A_3066 = arith.xori %select_n3A_3037, %masked_sort3A_3065 : vector<16xi32>
      %masked_sort3A_3067, %masked_sort3A_3068, %masked_sort3A_3069 = tpu.sort %masked_sort3A_3066, %select_n3A_3039 masked %masked_sort3A_3063 : (vector<16xi32>, vector<16xi32>, vector<16xi1>) -> (vector<16xi1>, vector<16xi32>, vector<16xi32>)
      %masked_sort3A_3070 = arith.xori %masked_sort3A_3068, %masked_sort3A_3065 : vector<16xi32>
      %masked_sort3A_3071 = arith.constant dense<true> : vector<16xi1>
      %masked_sort3A_3072 = arith.constant -2147483648 : i32
      %masked_sort3A_3073 = vector.broadcast %masked_sort3A_3072 : i32 to vector<16xi32>
      %masked_sort3A_3074 = arith.xori %select_n3A_3041, %masked_sort3A_3073 : vector<16xi32>
      %masked_sort3A_3075, %masked_sort3A_3076, %masked_sort3A_3077 = tpu.sort %masked_sort3A_3074, %select_n3A_3043 masked %masked_sort3A_3071 : (vector<16xi32>, vector<16xi32>, vector<16xi1>) -> (vector<16xi1>, vector<16xi32>, vector<16xi32>)
      %masked_sort3A_3078 = arith.xori %masked_sort3A_3076, %masked_sort3A_3073 : vector<16xi32>
      %masked_sort3A_3079 = arith.constant dense<true> : vector<16xi1>
      %masked_sort3A_3080 = arith.constant -2147483648 : i32
      %masked_sort3A_3081 = vector.broadcast %masked_sort3A_3080 : i32 to vector<16xi32>
      %masked_sort3A_3082 = arith.xori %select_n3A_3042, %masked_sort3A_3081 : vector<16xi32>
      %masked_sort3A_3083, %masked_sort3A_3084, %masked_sort3A_3085 = tpu.sort %masked_sort3A_3082, %select_n3A_3044 masked %masked_sort3A_3079 : (vector<16xi32>, vector<16xi32>, vector<16xi1>) -> (vector<16xi1>, vector<16xi32>, vector<16xi32>)
      %masked_sort3A_3086 = arith.xori %masked_sort3A_3084, %masked_sort3A_3081 : vector<16xi32>
      %masked_sort3A_3087 = arith.constant dense<true> : vector<16xi1>
      %masked_sort3A_3088 = arith.constant -2147483648 : i32
      %masked_sort3A_3089 = vector.broadcast %masked_sort3A_3088 : i32 to vector<16xi32>
      %masked_sort3A_3090 = arith.xori %select_n3A_3046, %masked_sort3A_3089 : vector<16xi32>
      %masked_sort3A_3091, %masked_sort3A_3092, %masked_sort3A_3093 = tpu.sort %masked_sort3A_3090, %select_n3A_3048 masked %masked_sort3A_3087 : (vector<16xi32>, vector<16xi32>, vector<16xi1>) -> (vector<16xi1>, vector<16xi32>, vector<16xi32>)
      %masked_sort3A_3094 = arith.xori %masked_sort3A_3092, %masked_sort3A_3089 : vector<16xi32>
      %masked_sort3A_3095 = arith.constant dense<true> : vector<16xi1>
      %masked_sort3A_3096 = arith.constant -2147483648 : i32
      %masked_sort3A_3097 = vector.broadcast %masked_sort3A_3096 : i32 to vector<16xi32>
      %masked_sort3A_3098 = arith.xori %select_n3A_3047, %masked_sort3A_3097 : vector<16xi32>
      %masked_sort3A_3099, %masked_sort3A_3100, %masked_sort3A_3101 = tpu.sort %masked_sort3A_3098, %select_n3A_3049 masked %masked_sort3A_3095 : (vector<16xi32>, vector<16xi32>, vector<16xi1>) -> (vector<16xi1>, vector<16xi32>, vector<16xi32>)
      %masked_sort3A_3102 = arith.xori %masked_sort3A_3100, %masked_sort3A_3097 : vector<16xi32>
      %masked_sort3A_3103 = arith.constant dense<true> : vector<16xi1>
      %masked_sort3A_3104 = arith.constant -2147483648 : i32
      %masked_sort3A_3105 = vector.broadcast %masked_sort3A_3104 : i32 to vector<16xi32>
      %masked_sort3A_3106 = arith.xori %select_n3A_3051, %masked_sort3A_3105 : vector<16xi32>
      %masked_sort3A_3107, %masked_sort3A_3108, %masked_sort3A_3109 = tpu.sort %masked_sort3A_3106, %select_n3A_3053 masked %masked_sort3A_3103 : (vector<16xi32>, vector<16xi32>, vector<16xi1>) -> (vector<16xi1>, vector<16xi32>, vector<16xi32>)
      %masked_sort3A_3110 = arith.xori %masked_sort3A_3108, %masked_sort3A_3105 : vector<16xi32>
      %masked_sort3A_3111 = arith.constant dense<true> : vector<16xi1>
      %masked_sort3A_3112 = arith.constant -2147483648 : i32
      %masked_sort3A_3113 = vector.broadcast %masked_sort3A_3112 : i32 to vector<16xi32>
      %masked_sort3A_3114 = arith.xori %select_n3A_3052, %masked_sort3A_3113 : vector<16xi32>
      %masked_sort3A_3115, %masked_sort3A_3116, %masked_sort3A_3117 = tpu.sort %masked_sort3A_3114, %select_n3A_3054 masked %masked_sort3A_3111 : (vector<16xi32>, vector<16xi32>, vector<16xi1>) -> (vector<16xi1>, vector<16xi32>, vector<16xi32>)
      %masked_sort3A_3118 = arith.xori %masked_sort3A_3116, %masked_sort3A_3113 : vector<16xi32>
      %rev3A_3119 = arith.constant 15 : i32
      %rev3A_3120 = vector.broadcast %rev3A_3119 : i32 to vector<16xi32>
      %rev3A_3121 = tpu.iota {dimensions = array<i32: 0>} : vector<16xi32>
      %rev3A_3122 = arith.subi %rev3A_3120, %rev3A_3121 : vector<16xi32>
      %rev3A_3123 = tpu.dynamic_gather %masked_sort3A_3118[%rev3A_3122] in [0] : vector<16xi32>, vector<16xi32> -> vector<16xi32>
      %rev3A_3124 = arith.constant 15 : i32
      %rev3A_3125 = vector.broadcast %rev3A_3124 : i32 to vector<16xi32>
      %rev3A_3126 = tpu.iota {dimensions = array<i32: 0>} : vector<16xi32>
      %rev3A_3127 = arith.subi %rev3A_3125, %rev3A_3126 : vector<16xi32>
      %rev3A_3128 = tpu.dynamic_gather %masked_sort3A_3110[%rev3A_3127] in [0] : vector<16xi32>, vector<16xi32> -> vector<16xi32>
      %rev3A_3129 = arith.constant 15 : i32
      %rev3A_3130 = vector.broadcast %rev3A_3129 : i32 to vector<16xi32>
      %rev3A_3131 = tpu.iota {dimensions = array<i32: 0>} : vector<16xi32>
      %rev3A_3132 = arith.subi %rev3A_3130, %rev3A_3131 : vector<16xi32>
      %rev3A_3133 = tpu.dynamic_gather %masked_sort3A_3102[%rev3A_3132] in [0] : vector<16xi32>, vector<16xi32> -> vector<16xi32>
      %rev3A_3134 = arith.constant 15 : i32
      %rev3A_3135 = vector.broadcast %rev3A_3134 : i32 to vector<16xi32>
      %rev3A_3136 = tpu.iota {dimensions = array<i32: 0>} : vector<16xi32>
      %rev3A_3137 = arith.subi %rev3A_3135, %rev3A_3136 : vector<16xi32>
      %rev3A_3138 = tpu.dynamic_gather %masked_sort3A_3094[%rev3A_3137] in [0] : vector<16xi32>, vector<16xi32> -> vector<16xi32>
      %rev3A_3139 = arith.constant 15 : i32
      %rev3A_3140 = vector.broadcast %rev3A_3139 : i32 to vector<16xi32>
      %rev3A_3141 = tpu.iota {dimensions = array<i32: 0>} : vector<16xi32>
      %rev3A_3142 = arith.subi %rev3A_3140, %rev3A_3141 : vector<16xi32>
      %rev3A_3143 = tpu.dynamic_gather %masked_sort3A_3086[%rev3A_3142] in [0] : vector<16xi32>, vector<16xi32> -> vector<16xi32>
      %rev3A_3144 = arith.constant 15 : i32
      %rev3A_3145 = vector.broadcast %rev3A_3144 : i32 to vector<16xi32>
      %rev3A_3146 = tpu.iota {dimensions = array<i32: 0>} : vector<16xi32>
      %rev3A_3147 = arith.subi %rev3A_3145, %rev3A_3146 : vector<16xi32>
      %rev3A_3148 = tpu.dynamic_gather %masked_sort3A_3078[%rev3A_3147] in [0] : vector<16xi32>, vector<16xi32> -> vector<16xi32>
      %rev3A_3149 = arith.constant 15 : i32
      %rev3A_3150 = vector.broadcast %rev3A_3149 : i32 to vector<16xi32>
      %rev3A_3151 = tpu.iota {dimensions = array<i32: 0>} : vector<16xi32>
      %rev3A_3152 = arith.subi %rev3A_3150, %rev3A_3151 : vector<16xi32>
      %rev3A_3153 = tpu.dynamic_gather %masked_sort3A_3070[%rev3A_3152] in [0] : vector<16xi32>, vector<16xi32> -> vector<16xi32>
      %rev3A_3154 = arith.constant 15 : i32
      %rev3A_3155 = vector.broadcast %rev3A_3154 : i32 to vector<16xi32>
      %rev3A_3156 = tpu.iota {dimensions = array<i32: 0>} : vector<16xi32>
      %rev3A_3157 = arith.subi %rev3A_3155, %rev3A_3156 : vector<16xi32>
      %rev3A_3158 = tpu.dynamic_gather %masked_sort3A_3062[%rev3A_3157] in [0] : vector<16xi32>, vector<16xi32> -> vector<16xi32>
      %rev3A_3159 = arith.constant 15 : i32
      %rev3A_3160 = vector.broadcast %rev3A_3159 : i32 to vector<16xi32>
      %rev3A_3161 = tpu.iota {dimensions = array<i32: 0>} : vector<16xi32>
      %rev3A_3162 = arith.subi %rev3A_3160, %rev3A_3161 : vector<16xi32>
      %rev3A_3163 = tpu.dynamic_gather %masked_sort3A_3117[%rev3A_3162] in [0] : vector<16xi32>, vector<16xi32> -> vector<16xi32>
      %rev3A_3164 = arith.constant 15 : i32
      %rev3A_3165 = vector.broadcast %rev3A_3164 : i32 to vector<16xi32>
      %rev3A_3166 = tpu.iota {dimensions = array<i32: 0>} : vector<16xi32>
      %rev3A_3167 = arith.subi %rev3A_3165, %rev3A_3166 : vector<16xi32>
      %rev3A_3168 = tpu.dynamic_gather %masked_sort3A_3109[%rev3A_3167] in [0] : vector<16xi32>, vector<16xi32> -> vector<16xi32>
      %rev3A_3169 = arith.constant 15 : i32
      %rev3A_3170 = vector.broadcast %rev3A_3169 : i32 to vector<16xi32>
      %rev3A_3171 = tpu.iota {dimensions = array<i32: 0>} : vector<16xi32>
      %rev3A_3172 = arith.subi %rev3A_3170, %rev3A_3171 : vector<16xi32>
      %rev3A_3173 = tpu.dynamic_gather %masked_sort3A_3101[%rev3A_3172] in [0] : vector<16xi32>, vector<16xi32> -> vector<16xi32>
      %rev3A_3174 = arith.constant 15 : i32
      %rev3A_3175 = vector.broadcast %rev3A_3174 : i32 to vector<16xi32>
      %rev3A_3176 = tpu.iota {dimensions = array<i32: 0>} : vector<16xi32>
      %rev3A_3177 = arith.subi %rev3A_3175, %rev3A_3176 : vector<16xi32>
      %rev3A_3178 = tpu.dynamic_gather %masked_sort3A_3093[%rev3A_3177] in [0] : vector<16xi32>, vector<16xi32> -> vector<16xi32>
      %rev3A_3179 = arith.constant 15 : i32
      %rev3A_3180 = vector.broadcast %rev3A_3179 : i32 to vector<16xi32>
      %rev3A_3181 = tpu.iota {dimensions = array<i32: 0>} : vector<16xi32>
      %rev3A_3182 = arith.subi %rev3A_3180, %rev3A_3181 : vector<16xi32>
      %rev3A_3183 = tpu.dynamic_gather %masked_sort3A_3085[%rev3A_3182] in [0] : vector<16xi32>, vector<16xi32> -> vector<16xi32>
      %rev3A_3184 = arith.constant 15 : i32
      %rev3A_3185 = vector.broadcast %rev3A_3184 : i32 to vector<16xi32>
      %rev3A_3186 = tpu.iota {dimensions = array<i32: 0>} : vector<16xi32>
      %rev3A_3187 = arith.subi %rev3A_3185, %rev3A_3186 : vector<16xi32>
      %rev3A_3188 = tpu.dynamic_gather %masked_sort3A_3077[%rev3A_3187] in [0] : vector<16xi32>, vector<16xi32> -> vector<16xi32>
      %rev3A_3189 = arith.constant 15 : i32
      %rev3A_3190 = vector.broadcast %rev3A_3189 : i32 to vector<16xi32>
      %rev3A_3191 = tpu.iota {dimensions = array<i32: 0>} : vector<16xi32>
      %rev3A_3192 = arith.subi %rev3A_3190, %rev3A_3191 : vector<16xi32>
      %rev3A_3193 = tpu.dynamic_gather %masked_sort3A_3069[%rev3A_3192] in [0] : vector<16xi32>, vector<16xi32> -> vector<16xi32>
      %rev3A_3194 = arith.constant 15 : i32
      %rev3A_3195 = vector.broadcast %rev3A_3194 : i32 to vector<16xi32>
      %rev3A_3196 = tpu.iota {dimensions = array<i32: 0>} : vector<16xi32>
      %rev3A_3197 = arith.subi %rev3A_3195, %rev3A_3196 : vector<16xi32>
      %rev3A_3198 = tpu.dynamic_gather %masked_sort3A_3061[%rev3A_3197] in [0] : vector<16xi32>, vector<16xi32> -> vector<16xi32>
      %le3A_3199 = arith.cmpi sle, %masked_sort3A_2898, %rev3A_3123 : vector<16xi32>
      %select_n3A_3200 = arith.select %le3A_3199, %masked_sort3A_2898, %rev3A_3123 : vector<16xi1>, vector<16xi32>
      %select_n3A_3201 = arith.select %le3A_3199, %rev3A_3123, %masked_sort3A_2898 : vector<16xi1>, vector<16xi32>
      %select_n3A_3202 = arith.select %le3A_3199, %masked_sort3A_2897, %rev3A_3163 : vector<16xi1>, vector<16xi32>
      %select_n3A_3203 = arith.select %le3A_3199, %rev3A_3163, %masked_sort3A_2897 : vector<16xi1>, vector<16xi32>
      %le3A_3204 = arith.cmpi sle, %masked_sort3A_2906, %rev3A_3128 : vector<16xi32>
      %select_n3A_3205 = arith.select %le3A_3204, %masked_sort3A_2906, %rev3A_3128 : vector<16xi1>, vector<16xi32>
      %select_n3A_3206 = arith.select %le3A_3204, %rev3A_3128, %masked_sort3A_2906 : vector<16xi1>, vector<16xi32>
      %select_n3A_3207 = arith.select %le3A_3204, %masked_sort3A_2905, %rev3A_3168 : vector<16xi1>, vector<16xi32>
      %select_n3A_3208 = arith.select %le3A_3204, %rev3A_3168, %masked_sort3A_2905 : vector<16xi1>, vector<16xi32>
      %le3A_3209 = arith.cmpi sle, %masked_sort3A_2914, %rev3A_3133 : vector<16xi32>
      %select_n3A_3210 = arith.select %le3A_3209, %masked_sort3A_2914, %rev3A_3133 : vector<16xi1>, vector<16xi32>
      %select_n3A_3211 = arith.select %le3A_3209, %rev3A_3133, %masked_sort3A_2914 : vector<16xi1>, vector<16xi32>
      %select_n3A_3212 = arith.select %le3A_3209, %masked_sort3A_2913, %rev3A_3173 : vector<16xi1>, vector<16xi32>
      %select_n3A_3213 = arith.select %le3A_3209, %rev3A_3173, %masked_sort3A_2913 : vector<16xi1>, vector<16xi32>
      %le3A_3214 = arith.cmpi sle, %masked_sort3A_2922, %rev3A_3138 : vector<16xi32>
      %select_n3A_3215 = arith.select %le3A_3214, %masked_sort3A_2922, %rev3A_3138 : vector<16xi1>, vector<16xi32>
      %select_n3A_3216 = arith.select %le3A_3214, %rev3A_3138, %masked_sort3A_2922 : vector<16xi1>, vector<16xi32>
      %select_n3A_3217 = arith.select %le3A_3214, %masked_sort3A_2921, %rev3A_3178 : vector<16xi1>, vector<16xi32>
      %select_n3A_3218 = arith.select %le3A_3214, %rev3A_3178, %masked_sort3A_2921 : vector<16xi1>, vector<16xi32>
      %le3A_3219 = arith.cmpi sle, %masked_sort3A_2930, %rev3A_3143 : vector<16xi32>
      %select_n3A_3220 = arith.select %le3A_3219, %masked_sort3A_2930, %rev3A_3143 : vector<16xi1>, vector<16xi32>
      %select_n3A_3221 = arith.select %le3A_3219, %rev3A_3143, %masked_sort3A_2930 : vector<16xi1>, vector<16xi32>
      %select_n3A_3222 = arith.select %le3A_3219, %masked_sort3A_2929, %rev3A_3183 : vector<16xi1>, vector<16xi32>
      %select_n3A_3223 = arith.select %le3A_3219, %rev3A_3183, %masked_sort3A_2929 : vector<16xi1>, vector<16xi32>
      %le3A_3224 = arith.cmpi sle, %masked_sort3A_2938, %rev3A_3148 : vector<16xi32>
      %select_n3A_3225 = arith.select %le3A_3224, %masked_sort3A_2938, %rev3A_3148 : vector<16xi1>, vector<16xi32>
      %select_n3A_3226 = arith.select %le3A_3224, %rev3A_3148, %masked_sort3A_2938 : vector<16xi1>, vector<16xi32>
      %select_n3A_3227 = arith.select %le3A_3224, %masked_sort3A_2937, %rev3A_3188 : vector<16xi1>, vector<16xi32>
      %select_n3A_3228 = arith.select %le3A_3224, %rev3A_3188, %masked_sort3A_2937 : vector<16xi1>, vector<16xi32>
      %le3A_3229 = arith.cmpi sle, %masked_sort3A_2946, %rev3A_3153 : vector<16xi32>
      %select_n3A_3230 = arith.select %le3A_3229, %masked_sort3A_2946, %rev3A_3153 : vector<16xi1>, vector<16xi32>
      %select_n3A_3231 = arith.select %le3A_3229, %rev3A_3153, %masked_sort3A_2946 : vector<16xi1>, vector<16xi32>
      %select_n3A_3232 = arith.select %le3A_3229, %masked_sort3A_2945, %rev3A_3193 : vector<16xi1>, vector<16xi32>
      %select_n3A_3233 = arith.select %le3A_3229, %rev3A_3193, %masked_sort3A_2945 : vector<16xi1>, vector<16xi32>
      %le3A_3234 = arith.cmpi sle, %masked_sort3A_2954, %rev3A_3158 : vector<16xi32>
      %select_n3A_3235 = arith.select %le3A_3234, %masked_sort3A_2954, %rev3A_3158 : vector<16xi1>, vector<16xi32>
      %select_n3A_3236 = arith.select %le3A_3234, %rev3A_3158, %masked_sort3A_2954 : vector<16xi1>, vector<16xi32>
      %select_n3A_3237 = arith.select %le3A_3234, %masked_sort3A_2953, %rev3A_3198 : vector<16xi1>, vector<16xi32>
      %select_n3A_3238 = arith.select %le3A_3234, %rev3A_3198, %masked_sort3A_2953 : vector<16xi1>, vector<16xi32>
      %le3A_3239 = arith.cmpi sle, %select_n3A_3200, %select_n3A_3220 : vector<16xi32>
      %select_n3A_3240 = arith.select %le3A_3239, %select_n3A_3200, %select_n3A_3220 : vector<16xi1>, vector<16xi32>
      %select_n3A_3241 = arith.select %le3A_3239, %select_n3A_3220, %select_n3A_3200 : vector<16xi1>, vector<16xi32>
      %select_n3A_3242 = arith.select %le3A_3239, %select_n3A_3202, %select_n3A_3222 : vector<16xi1>, vector<16xi32>
      %select_n3A_3243 = arith.select %le3A_3239, %select_n3A_3222, %select_n3A_3202 : vector<16xi1>, vector<16xi32>
      %le3A_3244 = arith.cmpi sle, %select_n3A_3205, %select_n3A_3225 : vector<16xi32>
      %select_n3A_3245 = arith.select %le3A_3244, %select_n3A_3205, %select_n3A_3225 : vector<16xi1>, vector<16xi32>
      %select_n3A_3246 = arith.select %le3A_3244, %select_n3A_3225, %select_n3A_3205 : vector<16xi1>, vector<16xi32>
      %select_n3A_3247 = arith.select %le3A_3244, %select_n3A_3207, %select_n3A_3227 : vector<16xi1>, vector<16xi32>
      %select_n3A_3248 = arith.select %le3A_3244, %select_n3A_3227, %select_n3A_3207 : vector<16xi1>, vector<16xi32>
      %le3A_3249 = arith.cmpi sle, %select_n3A_3210, %select_n3A_3230 : vector<16xi32>
      %select_n3A_3250 = arith.select %le3A_3249, %select_n3A_3210, %select_n3A_3230 : vector<16xi1>, vector<16xi32>
      %select_n3A_3251 = arith.select %le3A_3249, %select_n3A_3230, %select_n3A_3210 : vector<16xi1>, vector<16xi32>
      %select_n3A_3252 = arith.select %le3A_3249, %select_n3A_3212, %select_n3A_3232 : vector<16xi1>, vector<16xi32>
      %select_n3A_3253 = arith.select %le3A_3249, %select_n3A_3232, %select_n3A_3212 : vector<16xi1>, vector<16xi32>
      %le3A_3254 = arith.cmpi sle, %select_n3A_3215, %select_n3A_3235 : vector<16xi32>
      %select_n3A_3255 = arith.select %le3A_3254, %select_n3A_3215, %select_n3A_3235 : vector<16xi1>, vector<16xi32>
      %select_n3A_3256 = arith.select %le3A_3254, %select_n3A_3235, %select_n3A_3215 : vector<16xi1>, vector<16xi32>
      %select_n3A_3257 = arith.select %le3A_3254, %select_n3A_3217, %select_n3A_3237 : vector<16xi1>, vector<16xi32>
      %select_n3A_3258 = arith.select %le3A_3254, %select_n3A_3237, %select_n3A_3217 : vector<16xi1>, vector<16xi32>
      %le3A_3259 = arith.cmpi sle, %select_n3A_3201, %select_n3A_3221 : vector<16xi32>
      %select_n3A_3260 = arith.select %le3A_3259, %select_n3A_3201, %select_n3A_3221 : vector<16xi1>, vector<16xi32>
      %select_n3A_3261 = arith.select %le3A_3259, %select_n3A_3221, %select_n3A_3201 : vector<16xi1>, vector<16xi32>
      %select_n3A_3262 = arith.select %le3A_3259, %select_n3A_3203, %select_n3A_3223 : vector<16xi1>, vector<16xi32>
      %select_n3A_3263 = arith.select %le3A_3259, %select_n3A_3223, %select_n3A_3203 : vector<16xi1>, vector<16xi32>
      %le3A_3264 = arith.cmpi sle, %select_n3A_3206, %select_n3A_3226 : vector<16xi32>
      %select_n3A_3265 = arith.select %le3A_3264, %select_n3A_3206, %select_n3A_3226 : vector<16xi1>, vector<16xi32>
      %select_n3A_3266 = arith.select %le3A_3264, %select_n3A_3226, %select_n3A_3206 : vector<16xi1>, vector<16xi32>
      %select_n3A_3267 = arith.select %le3A_3264, %select_n3A_3208, %select_n3A_3228 : vector<16xi1>, vector<16xi32>
      %select_n3A_3268 = arith.select %le3A_3264, %select_n3A_3228, %select_n3A_3208 : vector<16xi1>, vector<16xi32>
      %le3A_3269 = arith.cmpi sle, %select_n3A_3211, %select_n3A_3231 : vector<16xi32>
      %select_n3A_3270 = arith.select %le3A_3269, %select_n3A_3211, %select_n3A_3231 : vector<16xi1>, vector<16xi32>
      %select_n3A_3271 = arith.select %le3A_3269, %select_n3A_3231, %select_n3A_3211 : vector<16xi1>, vector<16xi32>
      %select_n3A_3272 = arith.select %le3A_3269, %select_n3A_3213, %select_n3A_3233 : vector<16xi1>, vector<16xi32>
      %select_n3A_3273 = arith.select %le3A_3269, %select_n3A_3233, %select_n3A_3213 : vector<16xi1>, vector<16xi32>
      %le3A_3274 = arith.cmpi sle, %select_n3A_3216, %select_n3A_3236 : vector<16xi32>
      %select_n3A_3275 = arith.select %le3A_3274, %select_n3A_3216, %select_n3A_3236 : vector<16xi1>, vector<16xi32>
      %select_n3A_3276 = arith.select %le3A_3274, %select_n3A_3236, %select_n3A_3216 : vector<16xi1>, vector<16xi32>
      %select_n3A_3277 = arith.select %le3A_3274, %select_n3A_3218, %select_n3A_3238 : vector<16xi1>, vector<16xi32>
      %select_n3A_3278 = arith.select %le3A_3274, %select_n3A_3238, %select_n3A_3218 : vector<16xi1>, vector<16xi32>
      %le3A_3279 = arith.cmpi sle, %select_n3A_3240, %select_n3A_3250 : vector<16xi32>
      %select_n3A_3280 = arith.select %le3A_3279, %select_n3A_3240, %select_n3A_3250 : vector<16xi1>, vector<16xi32>
      %select_n3A_3281 = arith.select %le3A_3279, %select_n3A_3250, %select_n3A_3240 : vector<16xi1>, vector<16xi32>
      %select_n3A_3282 = arith.select %le3A_3279, %select_n3A_3242, %select_n3A_3252 : vector<16xi1>, vector<16xi32>
      %select_n3A_3283 = arith.select %le3A_3279, %select_n3A_3252, %select_n3A_3242 : vector<16xi1>, vector<16xi32>
      %le3A_3284 = arith.cmpi sle, %select_n3A_3245, %select_n3A_3255 : vector<16xi32>
      %select_n3A_3285 = arith.select %le3A_3284, %select_n3A_3245, %select_n3A_3255 : vector<16xi1>, vector<16xi32>
      %select_n3A_3286 = arith.select %le3A_3284, %select_n3A_3255, %select_n3A_3245 : vector<16xi1>, vector<16xi32>
      %select_n3A_3287 = arith.select %le3A_3284, %select_n3A_3247, %select_n3A_3257 : vector<16xi1>, vector<16xi32>
      %select_n3A_3288 = arith.select %le3A_3284, %select_n3A_3257, %select_n3A_3247 : vector<16xi1>, vector<16xi32>
      %le3A_3289 = arith.cmpi sle, %select_n3A_3241, %select_n3A_3251 : vector<16xi32>
      %select_n3A_3290 = arith.select %le3A_3289, %select_n3A_3241, %select_n3A_3251 : vector<16xi1>, vector<16xi32>
      %select_n3A_3291 = arith.select %le3A_3289, %select_n3A_3251, %select_n3A_3241 : vector<16xi1>, vector<16xi32>
      %select_n3A_3292 = arith.select %le3A_3289, %select_n3A_3243, %select_n3A_3253 : vector<16xi1>, vector<16xi32>
      %select_n3A_3293 = arith.select %le3A_3289, %select_n3A_3253, %select_n3A_3243 : vector<16xi1>, vector<16xi32>
      %le3A_3294 = arith.cmpi sle, %select_n3A_3246, %select_n3A_3256 : vector<16xi32>
      %select_n3A_3295 = arith.select %le3A_3294, %select_n3A_3246, %select_n3A_3256 : vector<16xi1>, vector<16xi32>
      %select_n3A_3296 = arith.select %le3A_3294, %select_n3A_3256, %select_n3A_3246 : vector<16xi1>, vector<16xi32>
      %select_n3A_3297 = arith.select %le3A_3294, %select_n3A_3248, %select_n3A_3258 : vector<16xi1>, vector<16xi32>
      %select_n3A_3298 = arith.select %le3A_3294, %select_n3A_3258, %select_n3A_3248 : vector<16xi1>, vector<16xi32>
      %le3A_3299 = arith.cmpi sle, %select_n3A_3260, %select_n3A_3270 : vector<16xi32>
      %select_n3A_3300 = arith.select %le3A_3299, %select_n3A_3260, %select_n3A_3270 : vector<16xi1>, vector<16xi32>
      %select_n3A_3301 = arith.select %le3A_3299, %select_n3A_3270, %select_n3A_3260 : vector<16xi1>, vector<16xi32>
      %select_n3A_3302 = arith.select %le3A_3299, %select_n3A_3262, %select_n3A_3272 : vector<16xi1>, vector<16xi32>
      %select_n3A_3303 = arith.select %le3A_3299, %select_n3A_3272, %select_n3A_3262 : vector<16xi1>, vector<16xi32>
      %le3A_3304 = arith.cmpi sle, %select_n3A_3265, %select_n3A_3275 : vector<16xi32>
      %select_n3A_3305 = arith.select %le3A_3304, %select_n3A_3265, %select_n3A_3275 : vector<16xi1>, vector<16xi32>
      %select_n3A_3306 = arith.select %le3A_3304, %select_n3A_3275, %select_n3A_3265 : vector<16xi1>, vector<16xi32>
      %select_n3A_3307 = arith.select %le3A_3304, %select_n3A_3267, %select_n3A_3277 : vector<16xi1>, vector<16xi32>
      %select_n3A_3308 = arith.select %le3A_3304, %select_n3A_3277, %select_n3A_3267 : vector<16xi1>, vector<16xi32>
      %le3A_3309 = arith.cmpi sle, %select_n3A_3261, %select_n3A_3271 : vector<16xi32>
      %select_n3A_3310 = arith.select %le3A_3309, %select_n3A_3261, %select_n3A_3271 : vector<16xi1>, vector<16xi32>
      %select_n3A_3311 = arith.select %le3A_3309, %select_n3A_3271, %select_n3A_3261 : vector<16xi1>, vector<16xi32>
      %select_n3A_3312 = arith.select %le3A_3309, %select_n3A_3263, %select_n3A_3273 : vector<16xi1>, vector<16xi32>
      %select_n3A_3313 = arith.select %le3A_3309, %select_n3A_3273, %select_n3A_3263 : vector<16xi1>, vector<16xi32>
      %le3A_3314 = arith.cmpi sle, %select_n3A_3266, %select_n3A_3276 : vector<16xi32>
      %select_n3A_3315 = arith.select %le3A_3314, %select_n3A_3266, %select_n3A_3276 : vector<16xi1>, vector<16xi32>
      %select_n3A_3316 = arith.select %le3A_3314, %select_n3A_3276, %select_n3A_3266 : vector<16xi1>, vector<16xi32>
      %select_n3A_3317 = arith.select %le3A_3314, %select_n3A_3268, %select_n3A_3278 : vector<16xi1>, vector<16xi32>
      %select_n3A_3318 = arith.select %le3A_3314, %select_n3A_3278, %select_n3A_3268 : vector<16xi1>, vector<16xi32>
      %le3A_3319 = arith.cmpi sle, %select_n3A_3280, %select_n3A_3285 : vector<16xi32>
      %select_n3A_3320 = arith.select %le3A_3319, %select_n3A_3280, %select_n3A_3285 : vector<16xi1>, vector<16xi32>
      %select_n3A_3321 = arith.select %le3A_3319, %select_n3A_3285, %select_n3A_3280 : vector<16xi1>, vector<16xi32>
      %select_n3A_3322 = arith.select %le3A_3319, %select_n3A_3282, %select_n3A_3287 : vector<16xi1>, vector<16xi32>
      %select_n3A_3323 = arith.select %le3A_3319, %select_n3A_3287, %select_n3A_3282 : vector<16xi1>, vector<16xi32>
      %le3A_3324 = arith.cmpi sle, %select_n3A_3281, %select_n3A_3286 : vector<16xi32>
      %select_n3A_3325 = arith.select %le3A_3324, %select_n3A_3281, %select_n3A_3286 : vector<16xi1>, vector<16xi32>
      %select_n3A_3326 = arith.select %le3A_3324, %select_n3A_3286, %select_n3A_3281 : vector<16xi1>, vector<16xi32>
      %select_n3A_3327 = arith.select %le3A_3324, %select_n3A_3283, %select_n3A_3288 : vector<16xi1>, vector<16xi32>
      %select_n3A_3328 = arith.select %le3A_3324, %select_n3A_3288, %select_n3A_3283 : vector<16xi1>, vector<16xi32>
      %le3A_3329 = arith.cmpi sle, %select_n3A_3290, %select_n3A_3295 : vector<16xi32>
      %select_n3A_3330 = arith.select %le3A_3329, %select_n3A_3290, %select_n3A_3295 : vector<16xi1>, vector<16xi32>
      %select_n3A_3331 = arith.select %le3A_3329, %select_n3A_3295, %select_n3A_3290 : vector<16xi1>, vector<16xi32>
      %select_n3A_3332 = arith.select %le3A_3329, %select_n3A_3292, %select_n3A_3297 : vector<16xi1>, vector<16xi32>
      %select_n3A_3333 = arith.select %le3A_3329, %select_n3A_3297, %select_n3A_3292 : vector<16xi1>, vector<16xi32>
      %le3A_3334 = arith.cmpi sle, %select_n3A_3291, %select_n3A_3296 : vector<16xi32>
      %select_n3A_3335 = arith.select %le3A_3334, %select_n3A_3291, %select_n3A_3296 : vector<16xi1>, vector<16xi32>
      %select_n3A_3336 = arith.select %le3A_3334, %select_n3A_3296, %select_n3A_3291 : vector<16xi1>, vector<16xi32>
      %select_n3A_3337 = arith.select %le3A_3334, %select_n3A_3293, %select_n3A_3298 : vector<16xi1>, vector<16xi32>
      %select_n3A_3338 = arith.select %le3A_3334, %select_n3A_3298, %select_n3A_3293 : vector<16xi1>, vector<16xi32>
      %le3A_3339 = arith.cmpi sle, %select_n3A_3300, %select_n3A_3305 : vector<16xi32>
      %select_n3A_3340 = arith.select %le3A_3339, %select_n3A_3300, %select_n3A_3305 : vector<16xi1>, vector<16xi32>
      %select_n3A_3341 = arith.select %le3A_3339, %select_n3A_3305, %select_n3A_3300 : vector<16xi1>, vector<16xi32>
      %select_n3A_3342 = arith.select %le3A_3339, %select_n3A_3302, %select_n3A_3307 : vector<16xi1>, vector<16xi32>
      %select_n3A_3343 = arith.select %le3A_3339, %select_n3A_3307, %select_n3A_3302 : vector<16xi1>, vector<16xi32>
      %le3A_3344 = arith.cmpi sle, %select_n3A_3301, %select_n3A_3306 : vector<16xi32>
      %select_n3A_3345 = arith.select %le3A_3344, %select_n3A_3301, %select_n3A_3306 : vector<16xi1>, vector<16xi32>
      %select_n3A_3346 = arith.select %le3A_3344, %select_n3A_3306, %select_n3A_3301 : vector<16xi1>, vector<16xi32>
      %select_n3A_3347 = arith.select %le3A_3344, %select_n3A_3303, %select_n3A_3308 : vector<16xi1>, vector<16xi32>
      %select_n3A_3348 = arith.select %le3A_3344, %select_n3A_3308, %select_n3A_3303 : vector<16xi1>, vector<16xi32>
      %le3A_3349 = arith.cmpi sle, %select_n3A_3310, %select_n3A_3315 : vector<16xi32>
      %select_n3A_3350 = arith.select %le3A_3349, %select_n3A_3310, %select_n3A_3315 : vector<16xi1>, vector<16xi32>
      %select_n3A_3351 = arith.select %le3A_3349, %select_n3A_3315, %select_n3A_3310 : vector<16xi1>, vector<16xi32>
      %select_n3A_3352 = arith.select %le3A_3349, %select_n3A_3312, %select_n3A_3317 : vector<16xi1>, vector<16xi32>
      %select_n3A_3353 = arith.select %le3A_3349, %select_n3A_3317, %select_n3A_3312 : vector<16xi1>, vector<16xi32>
      %le3A_3354 = arith.cmpi sle, %select_n3A_3311, %select_n3A_3316 : vector<16xi32>
      %select_n3A_3355 = arith.select %le3A_3354, %select_n3A_3311, %select_n3A_3316 : vector<16xi1>, vector<16xi32>
      %select_n3A_3356 = arith.select %le3A_3354, %select_n3A_3316, %select_n3A_3311 : vector<16xi1>, vector<16xi32>
      %select_n3A_3357 = arith.select %le3A_3354, %select_n3A_3313, %select_n3A_3318 : vector<16xi1>, vector<16xi32>
      %select_n3A_3358 = arith.select %le3A_3354, %select_n3A_3318, %select_n3A_3313 : vector<16xi1>, vector<16xi32>
      %masked_sort3A_3359 = arith.constant dense<true> : vector<16xi1>
      %masked_sort3A_3360 = arith.constant -2147483648 : i32
      %masked_sort3A_3361 = vector.broadcast %masked_sort3A_3360 : i32 to vector<16xi32>
      %masked_sort3A_3362 = arith.xori %select_n3A_3320, %masked_sort3A_3361 : vector<16xi32>
      %masked_sort3A_3363, %masked_sort3A_3364, %masked_sort3A_3365 = tpu.sort %masked_sort3A_3362, %select_n3A_3322 masked %masked_sort3A_3359 : (vector<16xi32>, vector<16xi32>, vector<16xi1>) -> (vector<16xi1>, vector<16xi32>, vector<16xi32>)
      %masked_sort3A_3366 = arith.xori %masked_sort3A_3364, %masked_sort3A_3361 : vector<16xi32>
      %masked_sort3A_3367 = arith.constant dense<true> : vector<16xi1>
      %masked_sort3A_3368 = arith.constant -2147483648 : i32
      %masked_sort3A_3369 = vector.broadcast %masked_sort3A_3368 : i32 to vector<16xi32>
      %masked_sort3A_3370 = arith.xori %select_n3A_3321, %masked_sort3A_3369 : vector<16xi32>
      %masked_sort3A_3371, %masked_sort3A_3372, %masked_sort3A_3373 = tpu.sort %masked_sort3A_3370, %select_n3A_3323 masked %masked_sort3A_3367 : (vector<16xi32>, vector<16xi32>, vector<16xi1>) -> (vector<16xi1>, vector<16xi32>, vector<16xi32>)
      %masked_sort3A_3374 = arith.xori %masked_sort3A_3372, %masked_sort3A_3369 : vector<16xi32>
      %masked_sort3A_3375 = arith.constant dense<true> : vector<16xi1>
      %masked_sort3A_3376 = arith.constant -2147483648 : i32
      %masked_sort3A_3377 = vector.broadcast %masked_sort3A_3376 : i32 to vector<16xi32>
      %masked_sort3A_3378 = arith.xori %select_n3A_3325, %masked_sort3A_3377 : vector<16xi32>
      %masked_sort3A_3379, %masked_sort3A_3380, %masked_sort3A_3381 = tpu.sort %masked_sort3A_3378, %select_n3A_3327 masked %masked_sort3A_3375 : (vector<16xi32>, vector<16xi32>, vector<16xi1>) -> (vector<16xi1>, vector<16xi32>, vector<16xi32>)
      %masked_sort3A_3382 = arith.xori %masked_sort3A_3380, %masked_sort3A_3377 : vector<16xi32>
      %masked_sort3A_3383 = arith.constant dense<true> : vector<16xi1>
      %masked_sort3A_3384 = arith.constant -2147483648 : i32
      %masked_sort3A_3385 = vector.broadcast %masked_sort3A_3384 : i32 to vector<16xi32>
      %masked_sort3A_3386 = arith.xori %select_n3A_3326, %masked_sort3A_3385 : vector<16xi32>
      %masked_sort3A_3387, %masked_sort3A_3388, %masked_sort3A_3389 = tpu.sort %masked_sort3A_3386, %select_n3A_3328 masked %masked_sort3A_3383 : (vector<16xi32>, vector<16xi32>, vector<16xi1>) -> (vector<16xi1>, vector<16xi32>, vector<16xi32>)
      %masked_sort3A_3390 = arith.xori %masked_sort3A_3388, %masked_sort3A_3385 : vector<16xi32>
      %masked_sort3A_3391 = arith.constant dense<true> : vector<16xi1>
      %masked_sort3A_3392 = arith.constant -2147483648 : i32
      %masked_sort3A_3393 = vector.broadcast %masked_sort3A_3392 : i32 to vector<16xi32>
      %masked_sort3A_3394 = arith.xori %select_n3A_3330, %masked_sort3A_3393 : vector<16xi32>
      %masked_sort3A_3395, %masked_sort3A_3396, %masked_sort3A_3397 = tpu.sort %masked_sort3A_3394, %select_n3A_3332 masked %masked_sort3A_3391 : (vector<16xi32>, vector<16xi32>, vector<16xi1>) -> (vector<16xi1>, vector<16xi32>, vector<16xi32>)
      %masked_sort3A_3398 = arith.xori %masked_sort3A_3396, %masked_sort3A_3393 : vector<16xi32>
      %masked_sort3A_3399 = arith.constant dense<true> : vector<16xi1>
      %masked_sort3A_3400 = arith.constant -2147483648 : i32
      %masked_sort3A_3401 = vector.broadcast %masked_sort3A_3400 : i32 to vector<16xi32>
      %masked_sort3A_3402 = arith.xori %select_n3A_3331, %masked_sort3A_3401 : vector<16xi32>
      %masked_sort3A_3403, %masked_sort3A_3404, %masked_sort3A_3405 = tpu.sort %masked_sort3A_3402, %select_n3A_3333 masked %masked_sort3A_3399 : (vector<16xi32>, vector<16xi32>, vector<16xi1>) -> (vector<16xi1>, vector<16xi32>, vector<16xi32>)
      %masked_sort3A_3406 = arith.xori %masked_sort3A_3404, %masked_sort3A_3401 : vector<16xi32>
      %masked_sort3A_3407 = arith.constant dense<true> : vector<16xi1>
      %masked_sort3A_3408 = arith.constant -2147483648 : i32
      %masked_sort3A_3409 = vector.broadcast %masked_sort3A_3408 : i32 to vector<16xi32>
      %masked_sort3A_3410 = arith.xori %select_n3A_3335, %masked_sort3A_3409 : vector<16xi32>
      %masked_sort3A_3411, %masked_sort3A_3412, %masked_sort3A_3413 = tpu.sort %masked_sort3A_3410, %select_n3A_3337 masked %masked_sort3A_3407 : (vector<16xi32>, vector<16xi32>, vector<16xi1>) -> (vector<16xi1>, vector<16xi32>, vector<16xi32>)
      %masked_sort3A_3414 = arith.xori %masked_sort3A_3412, %masked_sort3A_3409 : vector<16xi32>
      %masked_sort3A_3415 = arith.constant dense<true> : vector<16xi1>
      %masked_sort3A_3416 = arith.constant -2147483648 : i32
      %masked_sort3A_3417 = vector.broadcast %masked_sort3A_3416 : i32 to vector<16xi32>
      %masked_sort3A_3418 = arith.xori %select_n3A_3336, %masked_sort3A_3417 : vector<16xi32>
      %masked_sort3A_3419, %masked_sort3A_3420, %masked_sort3A_3421 = tpu.sort %masked_sort3A_3418, %select_n3A_3338 masked %masked_sort3A_3415 : (vector<16xi32>, vector<16xi32>, vector<16xi1>) -> (vector<16xi1>, vector<16xi32>, vector<16xi32>)
      %masked_sort3A_3422 = arith.xori %masked_sort3A_3420, %masked_sort3A_3417 : vector<16xi32>
      %masked_sort3A_3423 = arith.constant dense<true> : vector<16xi1>
      %masked_sort3A_3424 = arith.constant -2147483648 : i32
      %masked_sort3A_3425 = vector.broadcast %masked_sort3A_3424 : i32 to vector<16xi32>
      %masked_sort3A_3426 = arith.xori %select_n3A_3340, %masked_sort3A_3425 : vector<16xi32>
      %masked_sort3A_3427, %masked_sort3A_3428, %masked_sort3A_3429 = tpu.sort %masked_sort3A_3426, %select_n3A_3342 masked %masked_sort3A_3423 : (vector<16xi32>, vector<16xi32>, vector<16xi1>) -> (vector<16xi1>, vector<16xi32>, vector<16xi32>)
      %masked_sort3A_3430 = arith.xori %masked_sort3A_3428, %masked_sort3A_3425 : vector<16xi32>
      %masked_sort3A_3431 = arith.constant dense<true> : vector<16xi1>
      %masked_sort3A_3432 = arith.constant -2147483648 : i32
      %masked_sort3A_3433 = vector.broadcast %masked_sort3A_3432 : i32 to vector<16xi32>
      %masked_sort3A_3434 = arith.xori %select_n3A_3341, %masked_sort3A_3433 : vector<16xi32>
      %masked_sort3A_3435, %masked_sort3A_3436, %masked_sort3A_3437 = tpu.sort %masked_sort3A_3434, %select_n3A_3343 masked %masked_sort3A_3431 : (vector<16xi32>, vector<16xi32>, vector<16xi1>) -> (vector<16xi1>, vector<16xi32>, vector<16xi32>)
      %masked_sort3A_3438 = arith.xori %masked_sort3A_3436, %masked_sort3A_3433 : vector<16xi32>
      %masked_sort3A_3439 = arith.constant dense<true> : vector<16xi1>
      %masked_sort3A_3440 = arith.constant -2147483648 : i32
      %masked_sort3A_3441 = vector.broadcast %masked_sort3A_3440 : i32 to vector<16xi32>
      %masked_sort3A_3442 = arith.xori %select_n3A_3345, %masked_sort3A_3441 : vector<16xi32>
      %masked_sort3A_3443, %masked_sort3A_3444, %masked_sort3A_3445 = tpu.sort %masked_sort3A_3442, %select_n3A_3347 masked %masked_sort3A_3439 : (vector<16xi32>, vector<16xi32>, vector<16xi1>) -> (vector<16xi1>, vector<16xi32>, vector<16xi32>)
      %masked_sort3A_3446 = arith.xori %masked_sort3A_3444, %masked_sort3A_3441 : vector<16xi32>
      %masked_sort3A_3447 = arith.constant dense<true> : vector<16xi1>
      %masked_sort3A_3448 = arith.constant -2147483648 : i32
      %masked_sort3A_3449 = vector.broadcast %masked_sort3A_3448 : i32 to vector<16xi32>
      %masked_sort3A_3450 = arith.xori %select_n3A_3346, %masked_sort3A_3449 : vector<16xi32>
      %masked_sort3A_3451, %masked_sort3A_3452, %masked_sort3A_3453 = tpu.sort %masked_sort3A_3450, %select_n3A_3348 masked %masked_sort3A_3447 : (vector<16xi32>, vector<16xi32>, vector<16xi1>) -> (vector<16xi1>, vector<16xi32>, vector<16xi32>)
      %masked_sort3A_3454 = arith.xori %masked_sort3A_3452, %masked_sort3A_3449 : vector<16xi32>
      %masked_sort3A_3455 = arith.constant dense<true> : vector<16xi1>
      %masked_sort3A_3456 = arith.constant -2147483648 : i32
      %masked_sort3A_3457 = vector.broadcast %masked_sort3A_3456 : i32 to vector<16xi32>
      %masked_sort3A_3458 = arith.xori %select_n3A_3350, %masked_sort3A_3457 : vector<16xi32>
      %masked_sort3A_3459, %masked_sort3A_3460, %masked_sort3A_3461 = tpu.sort %masked_sort3A_3458, %select_n3A_3352 masked %masked_sort3A_3455 : (vector<16xi32>, vector<16xi32>, vector<16xi1>) -> (vector<16xi1>, vector<16xi32>, vector<16xi32>)
      %masked_sort3A_3462 = arith.xori %masked_sort3A_3460, %masked_sort3A_3457 : vector<16xi32>
      %masked_sort3A_3463 = arith.constant dense<true> : vector<16xi1>
      %masked_sort3A_3464 = arith.constant -2147483648 : i32
      %masked_sort3A_3465 = vector.broadcast %masked_sort3A_3464 : i32 to vector<16xi32>
      %masked_sort3A_3466 = arith.xori %select_n3A_3351, %masked_sort3A_3465 : vector<16xi32>
      %masked_sort3A_3467, %masked_sort3A_3468, %masked_sort3A_3469 = tpu.sort %masked_sort3A_3466, %select_n3A_3353 masked %masked_sort3A_3463 : (vector<16xi32>, vector<16xi32>, vector<16xi1>) -> (vector<16xi1>, vector<16xi32>, vector<16xi32>)
      %masked_sort3A_3470 = arith.xori %masked_sort3A_3468, %masked_sort3A_3465 : vector<16xi32>
      %masked_sort3A_3471 = arith.constant dense<true> : vector<16xi1>
      %masked_sort3A_3472 = arith.constant -2147483648 : i32
      %masked_sort3A_3473 = vector.broadcast %masked_sort3A_3472 : i32 to vector<16xi32>
      %masked_sort3A_3474 = arith.xori %select_n3A_3355, %masked_sort3A_3473 : vector<16xi32>
      %masked_sort3A_3475, %masked_sort3A_3476, %masked_sort3A_3477 = tpu.sort %masked_sort3A_3474, %select_n3A_3357 masked %masked_sort3A_3471 : (vector<16xi32>, vector<16xi32>, vector<16xi1>) -> (vector<16xi1>, vector<16xi32>, vector<16xi32>)
      %masked_sort3A_3478 = arith.xori %masked_sort3A_3476, %masked_sort3A_3473 : vector<16xi32>
      %masked_sort3A_3479 = arith.constant dense<true> : vector<16xi1>
      %masked_sort3A_3480 = arith.constant -2147483648 : i32
      %masked_sort3A_3481 = vector.broadcast %masked_sort3A_3480 : i32 to vector<16xi32>
      %masked_sort3A_3482 = arith.xori %select_n3A_3356, %masked_sort3A_3481 : vector<16xi32>
      %masked_sort3A_3483, %masked_sort3A_3484, %masked_sort3A_3485 = tpu.sort %masked_sort3A_3482, %select_n3A_3358 masked %masked_sort3A_3479 : (vector<16xi32>, vector<16xi32>, vector<16xi1>) -> (vector<16xi1>, vector<16xi32>, vector<16xi32>)
      %masked_sort3A_3486 = arith.xori %masked_sort3A_3484, %masked_sort3A_3481 : vector<16xi32>
      %swap3A_3487 = arith.constant 0 : index
      %swap3A_3488 = tpu.vector_load %arg10[%swap3A_3487] {strides = array<i32>} : memref<256xi32, #tpu.memory_space<vmem>>, vector<16xi32>,
      tpu.vector_store %arg10[%swap3A_3487], %masked_sort3A_3365 {strides = array<i32>} : memref<256xi32, #tpu.memory_space<vmem>>, vector<16xi32>,
      %swap3A_3489 = arith.constant 16 : index
      %swap3A_3490 = tpu.vector_load %arg10[%swap3A_3489] {strides = array<i32>} : memref<256xi32, #tpu.memory_space<vmem>>, vector<16xi32>,
      tpu.vector_store %arg10[%swap3A_3489], %masked_sort3A_3373 {strides = array<i32>} : memref<256xi32, #tpu.memory_space<vmem>>, vector<16xi32>,
      %swap3A_3491 = arith.constant 32 : index
      %swap3A_3492 = tpu.vector_load %arg10[%swap3A_3491] {strides = array<i32>} : memref<256xi32, #tpu.memory_space<vmem>>, vector<16xi32>,
      tpu.vector_store %arg10[%swap3A_3491], %masked_sort3A_3381 {strides = array<i32>} : memref<256xi32, #tpu.memory_space<vmem>>, vector<16xi32>,
      %swap3A_3493 = arith.constant 48 : index
      %swap3A_3494 = tpu.vector_load %arg10[%swap3A_3493] {strides = array<i32>} : memref<256xi32, #tpu.memory_space<vmem>>, vector<16xi32>,
      tpu.vector_store %arg10[%swap3A_3493], %masked_sort3A_3389 {strides = array<i32>} : memref<256xi32, #tpu.memory_space<vmem>>, vector<16xi32>,
      %swap3A_3495 = arith.constant 64 : index
      %swap3A_3496 = tpu.vector_load %arg10[%swap3A_3495] {strides = array<i32>} : memref<256xi32, #tpu.memory_space<vmem>>, vector<16xi32>,
      tpu.vector_store %arg10[%swap3A_3495], %masked_sort3A_3397 {strides = array<i32>} : memref<256xi32, #tpu.memory_space<vmem>>, vector<16xi32>,
      %swap3A_3497 = arith.constant 80 : index
      %swap3A_3498 = tpu.vector_load %arg10[%swap3A_3497] {strides = array<i32>} : memref<256xi32, #tpu.memory_space<vmem>>, vector<16xi32>,
      tpu.vector_store %arg10[%swap3A_3497], %masked_sort3A_3405 {strides = array<i32>} : memref<256xi32, #tpu.memory_space<vmem>>, vector<16xi32>,
      %swap3A_3499 = arith.constant 96 : index
      %swap3A_3500 = tpu.vector_load %arg10[%swap3A_3499] {strides = array<i32>} : memref<256xi32, #tpu.memory_space<vmem>>, vector<16xi32>,
      tpu.vector_store %arg10[%swap3A_3499], %masked_sort3A_3413 {strides = array<i32>} : memref<256xi32, #tpu.memory_space<vmem>>, vector<16xi32>,
      %swap3A_3501 = arith.constant 112 : index
      %swap3A_3502 = tpu.vector_load %arg10[%swap3A_3501] {strides = array<i32>} : memref<256xi32, #tpu.memory_space<vmem>>, vector<16xi32>,
      tpu.vector_store %arg10[%swap3A_3501], %masked_sort3A_3421 {strides = array<i32>} : memref<256xi32, #tpu.memory_space<vmem>>, vector<16xi32>,
      %swap3A_3503 = arith.constant 128 : index
      %swap3A_3504 = tpu.vector_load %arg10[%swap3A_3503] {strides = array<i32>} : memref<256xi32, #tpu.memory_space<vmem>>, vector<16xi32>,
      tpu.vector_store %arg10[%swap3A_3503], %masked_sort3A_3429 {strides = array<i32>} : memref<256xi32, #tpu.memory_space<vmem>>, vector<16xi32>,
      %swap3A_3505 = arith.constant 144 : index
      %swap3A_3506 = tpu.vector_load %arg10[%swap3A_3505] {strides = array<i32>} : memref<256xi32, #tpu.memory_space<vmem>>, vector<16xi32>,
      tpu.vector_store %arg10[%swap3A_3505], %masked_sort3A_3437 {strides = array<i32>} : memref<256xi32, #tpu.memory_space<vmem>>, vector<16xi32>,
      %swap3A_3507 = arith.constant 160 : index
      %swap3A_3508 = tpu.vector_load %arg10[%swap3A_3507] {strides = array<i32>} : memref<256xi32, #tpu.memory_space<vmem>>, vector<16xi32>,
      tpu.vector_store %arg10[%swap3A_3507], %masked_sort3A_3445 {strides = array<i32>} : memref<256xi32, #tpu.memory_space<vmem>>, vector<16xi32>,
      %swap3A_3509 = arith.constant 176 : index
      %swap3A_3510 = tpu.vector_load %arg10[%swap3A_3509] {strides = array<i32>} : memref<256xi32, #tpu.memory_space<vmem>>, vector<16xi32>,
      tpu.vector_store %arg10[%swap3A_3509], %masked_sort3A_3453 {strides = array<i32>} : memref<256xi32, #tpu.memory_space<vmem>>, vector<16xi32>,
      %swap3A_3511 = arith.constant 192 : index
      %swap3A_3512 = tpu.vector_load %arg10[%swap3A_3511] {strides = array<i32>} : memref<256xi32, #tpu.memory_space<vmem>>, vector<16xi32>,
      tpu.vector_store %arg10[%swap3A_3511], %masked_sort3A_3461 {strides = array<i32>} : memref<256xi32, #tpu.memory_space<vmem>>, vector<16xi32>,
      %swap3A_3513 = arith.constant 208 : index
      %swap3A_3514 = tpu.vector_load %arg10[%swap3A_3513] {strides = array<i32>} : memref<256xi32, #tpu.memory_space<vmem>>, vector<16xi32>,
      tpu.vector_store %arg10[%swap3A_3513], %masked_sort3A_3469 {strides = array<i32>} : memref<256xi32, #tpu.memory_space<vmem>>, vector<16xi32>,
      %swap3A_3515 = arith.constant 224 : index
      %swap3A_3516 = tpu.vector_load %arg10[%swap3A_3515] {strides = array<i32>} : memref<256xi32, #tpu.memory_space<vmem>>, vector<16xi32>,
      tpu.vector_store %arg10[%swap3A_3515], %masked_sort3A_3477 {strides = array<i32>} : memref<256xi32, #tpu.memory_space<vmem>>, vector<16xi32>,
      %swap3A_3517 = arith.constant 240 : index
      %swap3A_3518 = tpu.vector_load %arg10[%swap3A_3517] {strides = array<i32>} : memref<256xi32, #tpu.memory_space<vmem>>, vector<16xi32>,
      tpu.vector_store %arg10[%swap3A_3517], %masked_sort3A_3485 {strides = array<i32>} : memref<256xi32, #tpu.memory_space<vmem>>, vector<16xi32>,
      "tpu.region"() ({
        %run_scoped3A = tpu.sem_alloc : memref<!tpu.dma_semaphore, #tpu.memory_space<semaphore_mem>>
        %dma_start3A = arith.constant 0 : i32
        %dma_start3A_3519 = tpu.memref_slice %arg3[%add3A_10, %dma_start3A] : memref<128x256xi32, #tpu.memory_space<hbm>> -> memref<1x256xi32, #tpu.memory_space<hbm>>
        %dma_start3A_3520 = tpu.memref_squeeze %dma_start3A_3519 : memref<1x256xi32, #tpu.memory_space<hbm>> -> memref<256xi32, #tpu.memory_space<hbm>>
        %dma_start3A_3521 = arith.constant 0 : i32
        %dma_start3A_3522 = tpu.memref_slice %arg3[%add3A_10, %dma_start3A_3521] : memref<128x256xi32, #tpu.memory_space<hbm>> -> memref<1x256xi32, #tpu.memory_space<hbm>>
        %dma_start3A_3523 = tpu.memref_squeeze %dma_start3A_3522 : memref<1x256xi32, #tpu.memory_space<hbm>> -> memref<256xi32, #tpu.memory_space<hbm>>
        tpu.enqueue_dma source(%arg10 : memref<256xi32, #tpu.memory_space<vmem>>) target(%dma_start3A_3523 : memref<256xi32, #tpu.memory_space<hbm>>) target_semaphore(%run_scoped3A : memref<!tpu.dma_semaphore, #tpu.memory_space<semaphore_mem>>)
        %dma_wait3A = arith.constant 0 : i32
        %dma_wait3A_3524 = tpu.memref_slice %arg3[%add3A_10, %dma_wait3A] : memref<128x256xi32, #tpu.memory_space<hbm>> -> memref<1x256xi32, #tpu.memory_space<hbm>>
        %dma_wait3A_3525 = tpu.memref_squeeze %dma_wait3A_3524 : memref<1x256xi32, #tpu.memory_space<hbm>> -> memref<256xi32, #tpu.memory_space<hbm>>
        %dma_wait3A_3526 = arith.constant 0 : i32
        %dma_wait3A_3527 = tpu.memref_slice %arg3[%add3A_10, %dma_wait3A_3526] : memref<128x256xi32, #tpu.memory_space<hbm>> -> memref<1x256xi32, #tpu.memory_space<hbm>>
        %dma_wait3A_3528 = tpu.memref_squeeze %dma_wait3A_3527 : memref<1x256xi32, #tpu.memory_space<hbm>> -> memref<256xi32, #tpu.memory_space<hbm>>
        tpu.wait_dma2 semaphore(%run_scoped3A : memref<!tpu.dma_semaphore, #tpu.memory_space<semaphore_mem>>) src(%arg10 : memref<256xi32, #tpu.memory_space<vmem>>) dst(%dma_wait3A_3528 : memref<256xi32, #tpu.memory_space<hbm>>)
        tpu.yield
      }) : () -> ()
    }
    %scan3A_6 = arith.constant 4 : i32
    return
  }
}

</mosaic_0001>

<sc_bundles>
// kernel: _run.3.cloned.1.call-start
scs
__scs_entry_jumppad:
0x0: {  	(pc) =	sbr.rel $0x88, $3  }
0x1: {  	(tag) =	ssettag $0x0;
	lr =	simm.s32 $0x1  }
0x2: {  	[smem:$0x3FA0] =	sst lr;
	_ =	strace $0xD0000000  }
0x3: {  	_ = 	snop  }
0x4: {  	_ = 	snop  }
0x5: {  	_ = 	snop  }
0x6: {  	_ = 	snop  }
0x7: {  	_ = 	snop  }
__scs_overlays_trampoline_lowered:
0x8: {  	[smem:$0x3FAF] =	sst s0  }
0x9: {  	[smem:$0x3FB0] =	sst s1  }
0xa: {  	[smem:$0x3FB1] =	sst s2  }
0xb: {  	[smem:$0x3FB2] =	sst s3  }
0xc: {  	[smem:$0x3FB3] =	sst s4  }
0xd: {  	[smem:$0x3FB4] =	sst s5  }
0xe: {  	[smem:$0x3FB5] =	sst s6  }
0xf: {  	[smem:$0x3FB6] =	sst s7  }
0x10: {  	[smem:$0x3FB7] =	sst s8  }
0x11: {  	[smem:$0x3FB8] =	sst s9;
	s0 =	simm.s32 @!p0 $0x0  }
0x12: {  	s1 =	sld [smem:$0x3F9E];
	s0 =	simm.s32 @p0 $0x1  }
0x13: {  	[smem:$0x3FB9] =	sst s0;
	s0 =	simm.s32 @!p1 $0x0  }
0x14: {  	s2 =	sld [smem:$0x3F9D];
	s0 =	simm.s32 @p1 $0x1  }
0x15: {  	[smem:$0x3FBA] =	sst s0;
	s0 =	simm.s32 @!p2 $0x0  }
0x16: {  	s3 =	sld [smem:$0x3FDB];
	s0 =	simm.s32 @p2 $0x1  }
0x17: {  	s4 =	simm.s32 $0x1BF5;
	[smem:$0x3FBC] =	sst s0  }
0x18: {  	s0 =	sld [smem:$0x3F9F];
	_ =	swait.ge [sflag:s4], $0x0  }
0x19: {  	s7 =	sld [smem:$0x3FA0]  }
0x1a: {  	s8 =	sadd.s32 $0xFFFFE003, lr  }
0x1b: {  	s9 =	sadd.s32 $0xFFFFFEF7, lr;
	s5 =	simm.s32 $0xFFFFFFFF;
	p2 =	slt.u32 s8, $0xFFFFF086  }
0x1c: {  	p1 =	slt.u32 s9, $0xF7A;
	s5 =	simm.s32 @!p2 $0x0  }
0x1d: {  	s5 =	simm.s32 @p1 $0x1;
	p0 =	seq.s32 s7, s2  }
0x1e: {  	s7 =	smul.u32 @!p0 $0xF7A, s2;
	p2 =	seq.s32 @!p0 s5, $0x0  }
0x1f: {  	s9 =	smul.u32 $0xF7A, s1;
	s8 =	simm.s32 @!p0 $0x1BF5;
	p2 =	por !p2, p0  }
0x20: {  	[sflag:s8] =	ssyncset.s32 @!p0 $0xFFFFF086;
	s6 =	sadd.s32 @!p0 s3, s7;
	s7 =	simm.s32 @!p0 $0x108  }
0x21: {  	s3 =	sadd.s32 s3, s9;
	s6 =	sadd.s32 @!p0 $0x88, s6;
	s7 =	simm.s32 @p2 $0x1082  }
0x22: {  	[simem:s7], [sflag:s8] =	dma.local @!p0 [hbm:s6], $0xF7A  }
0x23: {  	s9 =	sor.u32 $0xD0000000, s2;
	s6 =	simm.s32 $0x108;
	_ =	swait.ge @!p0 [sflag:s8], $0x0  }
0x24: {  	s3 =	sadd.s32 $0x88, s3;
	s6 =	simm.s32 @!p1 $0x1082;
	[sflag:s4] =	ssyncset.s32 $0xFFFFF086  }
0x25: {  	[simem:s6], [sflag:s4] =	dma.local [hbm:s3], $0xF7A  }
0x26: {  	[smem:$0x3FA0] =	sst s1;
	(tag) =	ssettag s2;
	_ =	strace s9  }
0x27: {  	s1 =	sld [smem:$0x3FB0]  }
0x28: {  	s2 =	sld [smem:$0x3FB1]  }
0x29: {  	s4 =	sld [smem:$0x3FB3]  }
0x2a: {  	p0 =	seq.s32 s5, $0x0;
	s5 =	sld [smem:$0x3FB4]  }
0x2b: {  	s6 =	sld [smem:$0x3FB5]  }
0x2c: {  	s7 =	sld [smem:$0x3FB6]  }
0x2d: {  	s3 =	simm.s32 $0x108;
	s8 =	sld [smem:$0x3FB7]  }
0x2e: {  	s3 =	simm.s32 @!p0 $0x1082;
	s9 =	sld [smem:$0x3FB8]  }
0x2f: {  	lr =	sadd.s32 s0, s3;
	s0 =	sld [smem:$0x3FAF]  }
0x30: {  	s3 =	sld [smem:$0x3FB2]  }
0x31: {  	[smem:$0x3FBB] =	sst s10  }
0x32: {  	s10 =	sld [smem:$0x3FB9];
	_ =	sdelay $0x3  }
0x33: {  	p0 =	seq.s32 s10, $0x1;
	s10 =	sld [smem:$0x3FBB];
	_ =	sdelay $0x3  }
0x34: {  	[smem:$0x3FBB] =	sst s10  }
0x35: {  	s10 =	sld [smem:$0x3FBA];
	_ =	sdelay $0x3  }
0x36: {  	p1 =	seq.s32 s10, $0x1;
	s10 =	sld [smem:$0x3FBB];
	_ =	sdelay $0x3  }
0x37: {  	[smem:$0x3FBB] =	sst s10  }
0x38: {  	s10 =	sld [smem:$0x3FBC]  }
0x39: {  	_ = 	snop;
	(pc) =	sbr.ind lr, $3  }
0x3a: {  	_ = 	snop  }
0x3b: {  	_ = 	snop  }
0x3c: {  	p2 =	seq.s32 s10, $0x1;
	s10 =	sld [smem:$0x3FBB]  }
0x3d: {  	_ =	shalt  }
0x3e: {  	_ =	shalt  }
0x3f: {  	_ =	shalt  }
0x40: {  	_ =	shalt  }
0x41: {  	_ =	shalt  }
0x42: {  	_ =	shalt  }
0x43: {  	_ =	shalt  }
0x44: {  	_ =	shalt  }
0x45: {  	_ =	shalt  }
0x46: {  	_ =	shalt  }
0x47: {  	_ =	shalt  }
0x48: {  	_ =	shalt  }
0x49: {  	_ =	shalt  }
0x4a: {  	_ =	shalt  }
0x4b: {  	_ =	shalt  }
0x4c: {  	_ =	shalt  }
0x4d: {  	_ =	shalt  }
0x4e: {  	_ =	shalt  }
0x4f: {  	_ =	shalt  }
0x50: {  	_ =	shalt  }
0x51: {  	_ =	shalt  }
0x52: {  	_ =	shalt  }
0x53: {  	_ =	shalt  }
0x54: {  	_ =	shalt  }
0x55: {  	_ =	shalt  }
0x56: {  	_ =	shalt  }
0x57: {  	_ =	shalt  }
0x58: {  	_ =	shalt  }
0x59: {  	_ =	shalt  }
0x5a: {  	_ =	shalt  }
0x5b: {  	_ =	shalt  }
0x5c: {  	_ =	shalt  }
0x5d: {  	_ =	shalt  }
0x5e: {  	_ =	shalt  }
0x5f: {  	_ =	shalt  }
0x60: {  	_ =	shalt  }
0x61: {  	_ =	shalt  }
0x62: {  	_ =	shalt  }
0x63: {  	_ =	shalt  }
0x64: {  	_ =	shalt  }
0x65: {  	_ =	shalt  }
0x66: {  	_ =	shalt  }
0x67: {  	_ =	shalt  }
0x68: {  	_ =	shalt  }
0x69: {  	_ =	shalt  }
0x6a: {  	_ =	shalt  }
0x6b: {  	_ =	shalt  }
0x6c: {  	_ =	shalt  }
0x6d: {  	_ =	shalt  }
0x6e: {  	_ =	shalt  }
0x6f: {  	_ =	shalt  }
0x70: {  	_ =	shalt  }
0x71: {  	_ =	shalt  }
0x72: {  	_ =	shalt  }
0x73: {  	_ =	shalt  }
0x74: {  	_ =	shalt  }
0x75: {  	_ =	shalt  }
0x76: {  	_ =	shalt  }
0x77: {  	_ =	shalt  }
0x78: {  	_ =	shalt  }
0x79: {  	_ =	shalt  }
0x7a: {  	_ =	shalt  }
0x7b: {  	_ =	shalt  }
0x7c: {  	_ =	shalt  }
0x7d: {  	_ =	shalt  }
0x7e: {  	_ =	shalt  }
0x7f: {  	_ =	shalt  }
0x80: {  	_ =	shalt  }
0x81: {  	_ =	shalt  }
0x82: {  	_ =	shalt  }
0x83: {  	_ =	shalt  }
0x84: {  	_ =	shalt  }
0x85: {  	_ =	shalt  }
0x86: {  	_ =	shalt  }
0x87: {  	_ =	shalt  }
.Lfunc_end0:
.L_simem_size_0:
called_computation_lowered:
.L_overlay_start_0:
0x88: {  	s2 =	sld [smem:$0x3FD9]  }
0x89: {  	s3 =	sld [smem:$0x3FFE];
	_ =	sdelay $0x1  }
0x8a: {  	s1 =	srdreg.scid  }
0x8b: {  	s0 =	sand.u32 $0x1, s1  }
0x8c: {  	s18 =	sshll.u32 s0, $0xA;
	s2 =	sadd.s32 s3, s2  }
0x8d: {  	s2 =	sadd.s32 s2, s18  }
0x8e: {  	[smem:$0x3FC7] =	sst s2  }
0x8f: {  	_ = 	snop  }
0x90: {  	s2 =	sld [smem:$0x3FC9]  }
0x91: {  	s19 =	sld [smem:$0x3FD0];
	(tm) =	ssettm $0x1  }
0x92: {  	s4 =	sld [smem:$0x3FFB];
	_ =	sdelay $0x3  }
0x93: {  	_ =	strace s4  }
0x94: {  	s4 =	sld [smem:$0x3FFC];
	_ =	sdelay $0x3  }
0x95: {  	_ =	strace s4  }
0x96: {  	s4 =	sld [smem:$0x3FFD];
	_ =	sdelay $0x3  }
0x97: {  	_ =	strace s4  }
0x98: {  	_ =	strace $0x8FFFFFFF  }
0x99: {  	s20 =	sld [smem:$0x3FDB];
	_ =	sdelay $0x1  }
0x9a: {  	s5 =	simm.s32 $_scs_section_size  }
0x9b: {  	s6 =	simm.s32 $_size__tile_overlayer_lowered;
	s7 =	simm.s32 $_tile_overlayer_lowered  }
0x9c: {  	s23 =	simm.s32 $0x1BFF;
	s22 =	sshll.u32 s7, $0x1;
	s4 =	sadd.s32 s5, s20  }
0x9d: {  	s8 =	simm.s32 $0x0;
	s21 =	sshll.u32 s6, $0x1;
	s6 =	sadd.s32 s22, s4  }
0x9e: {  	[timem:s8], [sflag:s23] =	dma.local [hbm:s6], s21  }
0x9f: {  	_ =	swait.ge [sflag:s23], s21  }
0xa0: {  	s5 =	ssub.s32 $0x0, s21;
	[sflag:s23] =	ssyncset.done $0x0  }
0xa1: {  	[sflag:s23] =	ssyncadd.s32 s5;
	_ =	sdelay $0x1  }
0xa2: {  	s24 =	simm.s32 $0x1B8B  }
0xa3: {  	_ =	swait.ge [sflag:s24], $0x1  }
0xa4: {  	[sflag:s24] =	ssyncset.done $0x0  }
0xa5: {  	s25 =	simm.s32 $0x1B8E;
	[sflag:s24] =	ssyncadd.s32 $0xFFFFFFFF  }
0xa6: {  	s26 =	simm.s32 $execute0_lowered;
	[smem:$0x3FD2] =	sst s25  }
0xa7: {  	s5 =	sshll.u32 s26, $0x1;
	_ =	strace $0x80000046;
	[dreg:$0x1] =	wrdreg $0xFFFFFFFF  }
0xa8: {  	s28 =	simm.s32 $_size_execute0_lowered;
	s4 =	sadd.s32 s4, s5;
	[dreg:$0x0] =	wrdreg $0x0  }
0xa9: {  	s5 =	sshll.u32 s28, $0x1;
	[dreg:$0x2] =	wrdreg s4  }
0xaa: {  	[dreg:$0x3] =	wrdreg s5  }
0xab: {  	[dreg:$0x4] =	wrdreg $0xC0  }
0xac: {  	_ =	task [dreg:s8], $0x5FFFF  }
0xad: {  	[dreg:$0x1] =	wrdreg $0xFFFFFFFF  }
0xae: {  	[dreg:$0x0] =	wrdreg $0x60  }
0xaf: {  	[dreg:$0x2] =	wrdreg s2  }
0xb0: {  	[dreg:$0x3] =	wrdreg s19  }
0xb1: {  	[dreg:$0x4] =	wrdreg $0x9  }
0xb2: {  	_ =	task.clear_ibuf [dreg:s8], $0x5FFFF;
	_ =	strace $0x90000046  }
0xb3: {  	s29 =	simm.s32 $0x9;
	_ =	strace $0x80000048  }
0xb4: {  	_ =	swait.ge [sflag:s29], $0x1  }
0xb5: {  	[sflag:s29] =	ssyncadd.s32 $0xFFFFFFFF  }
0xb6: {  	_ =	strace $0x90000048  }
0xb7: {  	_ =	sfence  }
0xb8: {  	s30 =	sld [smem:$0x0];
	_ =	sdelay $0x2  }
0xb9: {  	s31 =	sshll.u32 s1, $0xD;
	s1 =	sshrl.u32 s1, $0x2  }
0xba: {  	s3 =	sand.u32 $0x4000, s31;
	s1 =	sadd.s32 s1, s30  }
0xbb: {  	s0 =	sor.u32 s3, s0;
	s1 =	sshll.u32 s1, $0x11  }
0xbc: {  	s0 =	sor.u32 s1, s0  }
0xbd: {  	s0 =	sadd.s32 $0x8F2B, s0  }
0xbe: {  	[sflag:s0] =	ssyncadd.remote.s32 $0x1  }
0xbf: {  	_ =	sfence.sel $0xFFFF  }
0xc0: {  	[dreg:$0x0] =	wrdreg $0xFFFFFFFF;
	(pc) =	sbr.abs _section_cstart, $3  }
0xc1: {  	[dreg:$0x1] =	wrdreg $0xFFFFFFFF  }
0xc2: {  	_ =	task.clear_ibuf [dreg:s8], $0x2FFFF;
	_ =	strace $0x9FFFFFFF  }
0xc3: {  	(tm) =	ssettm $0x7FFFFFFF  }
tec
execute0_lowered:
.L_overlay_start_1:
0x0: {  	(tag) =	ssettag $0x1  }
0x1: {  	v0 =	vlaneseq.u32;
	v1 =	vimm.s32 $0x0  }
0x2: {  	v2 =	vmul.u32 $0x2, v0;
	v5 =	vmul.u32 $0xFFFFFFFF, v0;
	v4 =	vmul.u32 $0x100, v0  }
0x3: {  	v6 =	vadd.s32 $0xF, v0;
	v9 =	vor.u32 $0x80000010, v0;
	v10 =	vadd.s32 $0x2F, v0  }
0x4: {  	s0 =	rddreg [dreg:$0x0];
	v11 =	vor.u32 $0x80000020, v0;
	v12 =	vadd.s32 $0x3F, v0;
	v13 =	vor.u32 $0x80000030, v0  }
0x5: {  	s2 =	rddreg [dreg:$0x1];
	s9 =	simm.s32 $0x4000;
	s10 =	simm.s32 $0x5000;
	v14 =	vadd.s32 $0x4F, v0;
	v15 =	vor.u32 $0x80000040, v0;
	v16 =	vadd.s32 $0x5F, v0  }
0x6: {  	s1 =	rddreg [dreg:$0x2];
	s3 =	simm.s32 $0x0;
	s13 =	simm.s32 $0x5100;
	v17 =	vor.u32 $0x80000050, v0;
	v18 =	vadd.s32 $0x6F, v0;
	v19 =	vor.u32 $0x80000060, v0  }
0x7: {  	s4 =	srdreg.scid;
	s15 =	simm.s32 $0x5200;
	s16 =	simm.s32 $0x5380;
	v20 =	vadd.s32 $0x7F, v0;
	v21 =	vor.u32 $0x80000070, v0;
	v22 =	vadd.s32 $0x8F, v0  }
.Ltmp0:
0x8: {  	s12 =	simm.s32 $0x80;
	s5 =	sand.u32 $0x1, s4;
	v23 =	vor.u32 $0x80000080, v0;
	v24 =	vadd.s32 $0x9F, v0;
	v25 =	vor.u32 $0x80000090, v0;
	(pc) =	sbr.rel .LBB2_1-.Ltmp0, $4  }
0x9: {  	s14 =	simm.s32 $0x1;
	[smem:$0x7FF] =	sst s3;
	v26 =	vadd.s32 $0xAF, v0;
	v27 =	vor.u32 $0x800000A0, v0;
	[tilespmem:$0x1FFD0] =	vst v6;
	v6 =	vor.u32 $0x80000000, v0;
	s7 =	ssub.s32 $0x2, s5  }
0xa: {  	s4 =	stileid.u32;
	v28 =	vadd.s32 $0xBF, v0;
	v29 =	vor.u32 $0x800000B0, v0;
	s5 =	sshll.u32 s5, $0x9;
	[tilespmem:$0x1FFE0] =	vst v6;
	v6 =	vadd.s32 $0x1F, v0;
	s8 =	sshrl.u32 s7, $0x1  }
0xb: {  	v3 =	vimm.s32 $0x1;
	v30 =	vadd.s32 $0xCF, v0;
	v31 =	vor.u32 $0x800000C0, v0;
	s6 =	sshll.u32 s4, $0xB;
	[tilespmem:$0x1FFF0] =	vst v6;
	s11 =	ssub.s32 s7, s8;
	s7 =	simm.s32 $0x400  }
0xc: {  	v32 =	vadd.s32 $0xDF, v0;
	v2 =	vor.u32 $0x1, v2;
	v5 =	vadd.s32 $0xF, v5;
	s8 =	sshll.u32 s4, $0x10;
	_ =	strace $0x80000047;
	s11 =	smax.u32 s11, $0x1  }
.LBB2_37:
0xd: {  	s3 =	sadd.s32 $0x1, s3  }
0xe: {  	p0 =	sne.s32 s3, s11  }
.Ltmp1:
0xf: {  	_ = 	snop;
	(pc) =	sbr.rel @!p0 .LBB2_38-.Ltmp1, $1  }
0x10: {  	_ =	sdelay $0x3  }
.LBB2_1:
0x11: {  	s17 =	simm.s32 $0x0  }
.LBB2_2:
0x12: {  	s18 =	sshll.u32 s17, $0x7  }
0x13: {  	s18 =	sadd.s32 s5, s18  }
0x14: {  	s19 =	sadd.s32 s8, s18  }
0x15: {  	s19 =	sshrl.u32 s19, $0x3  }
0x16: {  	s20 =	simm.s32 $0x0;
	s19 =	sadd.s32 s0, s19  }
0x17: {  	[tilespmem:s20], [sflag:$0x1] =	stream.strided.gather [hbm4b:s19+s12], $0x2000, s7, s12, $0x38;
	[tilespmem:$0x5480] =	vst v63  }
0x18: {  	_ =	swait.ge [sflag:s14], $0x2000  }
0x19: {  	[sflag:s14] =	ssyncset.done $0x0  }
0x1a: {  	s19 =	simm.s32 $0x0;
	[sflag:s14] =	ssyncadd.s32 $0xFFFFE000  }
0x1b: {  	s20 =	simm.s32 $0x40;
	v6 =	vld [tilespmem:s19+$0x0]  }
.LBB2_3:
0x1c: {  	_ =	sdelay $0x1  }
0x1d: {  	p0 =	sne.s32 s20, $0x7FC0  }
.Ltmp2:
0x1e: {  	_ = 	snop;
	(pc) =	sbr.rel @p0 .LBB2_3-.Ltmp2, $4  }
0x1f: {  	v33 =	vshra.s32 v6, $0x1F  }
0x20: {  	v34 =	vmov v6;
	v33 =	vand.u32 $0x7FFFFFFF, v33  }
0x21: {  	s21 =	sshra.s32 s20, $0x2;
	v33 =	vxor.u32 v34, v33  }
0x22: {  	s20 =	sadd.s32 $0x40, s20;
	v6 =	vld [tilespmem:s21+$0x0];
	[tilespmem:s19+$0x2000] =	vst v33;
	s19 =	smov.u32 s21  }
0x23: {  	_ =	sdelay $0x3  }
0x24: {  	v33 =	vshra.s32 v6, $0x1F  }
0x25: {  	v33 =	vand.u32 $0x7FFFFFFF, v33  }
0x26: {  	v6 =	vxor.u32 v6, v33  }
0x27: {  	s20 =	simm.s32 $0x0;
	[tilespmem:s19+$0x2000] =	vst v6;
	s19 =	simm.s32 $0x40  }
.LBB2_5:
0x28: {  	p0 =	sne.s32 s19, $0x3FC0;
	[tilespmem:s20+$0x4000] =	vst v1;
	s20 =	smov.u32 s19;
	s19 =	sadd.s32 $0x40, s19  }
.Ltmp3:
0x29: {  	(pc) =	sbr.rel @p0 .LBB2_5-.Ltmp3, $2  }
0x2a: {  	_ =	sdelay $0x2  }
0x2b: {  	s20 =	sshra.s32 s20, $0x2  }
0x2c: {  	[tilespmem:s20+$0x4000] =	vst v1;
	s19 =	simm.s32 $0x0;
	s21 =	simm.s32 $0x0;
	s20 =	simm.s32 $0x40  }
.LBB2_7:
0x2d: {  	p0 =	sne.s32 s20, $0x7FC0;
	v6 =	vld [tilespmem:s21+$0x2000];
	_ =	sdelay $0x4  }
0x2e: {  	v33 =	vshrl.u32 v6, $0x1F  }
0x2f: {  	v6 =	vshrl.u32 v6, $0x18;
	v33 =	vxor.u32 v2, v33  }
0x30: {  	v6 =	vand.u32 $0x7F, v6;
	v33 =	vshll.u32 v33, $0x7  }
0x31: {  	v6 =	vor.u32 v6, v33  }
.Ltmp4:
0x32: {  	(pc) =	sbr.rel @p0 .LBB2_7-.Ltmp4, $3  }
0x33: {  	_ =	sdelay $0x1  }
0x34: {  	s22 =	simm.s32 $0x4000  }
0x35: {  	s21 =	sshra.s32 s20, $0x2;
	s20 =	sadd.s32 $0x40, s20;
	[tilespmem:v6+s22+$0x0] =	vst.idx.add.s32.msk $0xffff, v3  }
0x36: {  	v6 =	vld [tilespmem:s21+$0x2000];
	_ =	sdelay $0x4  }
0x37: {  	v33 =	vshrl.u32 v6, $0x1F  }
0x38: {  	v6 =	vshrl.u32 v6, $0x18;
	v33 =	vxor.u32 v2, v33  }
0x39: {  	v6 =	vand.u32 $0x7F, v6;
	v33 =	vshll.u32 v33, $0x7  }
0x3a: {  	p2 =	por $0x0, $0x0;
	v6 =	vor.u32 v6, v33  }
.Ltmp5:
0x3b: {  	_ = 	snop;
	(pc) =	sbr.rel @p2 .LBB2_9-.Ltmp5, $2  }
0x3c: {  	_ =	sdelay $0x2  }
0x3d: {  	s24 =	simm.s32 $0x10;
	p0 =	por $0x0, $0x0;
	p1 =	por $0x0, $0x0;
	[tilespmem:v6+s22+$0x0] =	vst.idx.add.s32.msk $0xffff, v3  }
0x3e: {  	v6 =	vld [tilespmem:s22+$0x0];
	s20 =	sand.u32 $0xF0, s19  }
0x3f: {  	v33 =	vld [tilespmem:s20+$0x4100]  }
0x40: {  	v34 =	vld [tilespmem:s20+$0x4200]  }
0x41: {  	v35 =	vld [tilespmem:s20+$0x4300]  }
0x42: {  	v36 =	vld [tilespmem:s20+$0x4400]  }
0x43: {  	v37 =	vld [tilespmem:s20+$0x4500]  }
0x44: {  	v54 =	vld [tilespmem:s20+$0x4600];
	v6 =	vadd.s32 v6, v33  }
0x45: {  	v55 =	vld [tilespmem:s20+$0x4700];
	v6 =	vadd.s32 v34, v6  }
0x46: {  	v56 =	vld [tilespmem:s20+$0x4800];
	v6 =	vadd.s32 v35, v6  }
0x47: {  	v57 =	vld [tilespmem:s20+$0x4900];
	v6 =	vadd.s32 v36, v6  }
0x48: {  	v58 =	vld [tilespmem:s20+$0x4A00];
	v6 =	vadd.s32 v37, v6  }
0x49: {  	v59 =	vld [tilespmem:s20+$0x4B00];
	v6 =	vadd.s32 v54, v6  }
0x4a: {  	v60 =	vld [tilespmem:s20+$0x4C00];
	v6 =	vadd.s32 v55, v6  }
0x4b: {  	v61 =	vld [tilespmem:s20+$0x4D00];
	v6 =	vadd.s32 v56, v6  }
0x4c: {  	v62 =	vld [tilespmem:s20+$0x4E00];
	v6 =	vadd.s32 v57, v6  }
0x4d: {  	v63 =	vld [tilespmem:s20+$0x4F00];
	v6 =	vadd.s32 v58, v6  }
0x4e: {  	p2 =	por $0x0, $0x0;
	v6 =	vadd.s32 v59, v6  }
.Ltmp6:
0x4f: {  	v6 =	vadd.s32 v60, v6;
	(pc) =	sbr.rel @p2 .LBB2_11-.Ltmp6, $4  }
0x50: {  	v6 =	vadd.s32 v61, v6  }
0x51: {  	v6 =	vadd.s32 v62, v6  }
0x52: {  	v33 =	vadd.s32 v63, v6  }
0x53: {  	s23 =	simm.s32 $0x20;
	s22 =	simm.s32 $0x4010;
	p0 =	por $0x1, $0x1;
	(xrf0) =	vadd.scan.msk.s32 $0xffff, v33  }
0x54: {  	_ =	sdelay $0x3  }
0x55: {  	v6 =	vld [tilespmem:s22+$0x0];
	s20 =	sand.u32 $0xF0, s24  }
0x56: {  	v34 =	vld [tilespmem:s20+$0x4100];
	v39, _, _ =	vpop (xrf0)  }
0x57: {  	v35 =	vld [tilespmem:s20+$0x4200];
	v39 =	vadd.s32 s19, v39  }
0x58: {  	v36 =	vld [tilespmem:s20+$0x4300];
	vm0 =	vlt.s32 v39, $0x100;
	v39 =	vxor.u32 $0x80000000, v39  }
0x59: {  	v37 =	vld [tilespmem:s20+$0x4400];
	(xrf0) =	vmax.scan.msk.u32 $0xffff, v39;
	v56 =	vsel vm0, $0x1, v1  }
0x5a: {  	v38 =	vld [tilespmem:s20+$0x4500];
	v33 =	vnsel vm0, $0x0, v33;
	(xrf0) =	vadd.scan.msk.s32 $0xffff, v56  }
0x5b: {  	v50 =	vld [tilespmem:s20+$0x4600];
	v6 =	vadd.s32 v6, v34;
	(xrf0) =	vadd.scan.msk.s32 $0xffff, v33  }
0x5c: {  	v51 =	vld [tilespmem:s20+$0x4700];
	v6 =	vadd.s32 v35, v6  }
0x5d: {  	v52 =	vld [tilespmem:s20+$0x4800];
	v6 =	vadd.s32 v36, v6  }
0x5e: {  	v53 =	vld [tilespmem:s20+$0x4900];
	v6 =	vadd.s32 v37, v6  }
0x5f: {  	v54 =	vld [tilespmem:s20+$0x4A00];
	v6 =	vadd.s32 v38, v6;
	v61, _, _ =	vpop (xrf0)  }
0x60: {  	v55 =	vld [tilespmem:s20+$0x4B00];
	v6 =	vadd.s32 v50, v6;
	v62, _, _ =	vpop (xrf0);
	(v2sf) =	vpush v61, $0xF  }
0x61: {  	v57 =	vld [tilespmem:s20+$0x4C00];
	v6 =	vadd.s32 v51, v6;
	(v2sf) =	vpush v62, $0xF;
	v63, _, _ =	vpop (xrf0)  }
0x62: {  	v58 =	vld [tilespmem:s20+$0x4D00];
	v6 =	vadd.s32 v52, v6;
	(v2sf) =	vpush v63, $0xF  }
0x63: {  	v59 =	vld [tilespmem:s20+$0x4E00];
	v6 =	vadd.s32 v53, v6  }
0x64: {  	v60 =	vld [tilespmem:s20+$0x4F00];
	v6 =	vadd.s32 v54, v6  }
0x65: {  	v6 =	vadd.s32 v55, v6  }
0x66: {  	v6 =	vadd.s32 v57, v6  }
0x67: {  	v6 =	vadd.s32 v58, v6  }
0x68: {  	v6 =	vadd.s32 v59, v6  }
0x69: {  	p2 =	por $0x0, $0x0;
	v33 =	vadd.s32 v60, v6  }
.Ltmp7:
0x6a: {  	(xrf0) =	vadd.scan.msk.s32 $0xffff, v33;
	(pc) =	sbr.rel @p2 .LBB2_13-.Ltmp7, $3  }
0x6b: {  	_ =	sdelay $0x1  }
0x6c: {  	s24 =	simm.s32 $0x30;
	s22 =	simm.s32 $0x4020  }
0x6d: {  	p1 =	por $0x1, $0x1;
	s21 =	simm.s32 $0x0;
	s20 =	simm.s32 $0x0  }
.LBB2_14:
0x6e: {  	p2 =	seq.s32 s24, $0xF0;
	v6 =	vld [tilespmem:s22+$0x0];
	s25 =	sand.u32 $0xF0, s23;
	s23 =	spop (v2sf)  }
0x6f: {  	v34 =	vld [tilespmem:s25+$0x4100];
	v35, _, _ =	vpop (xrf0);
	s26 =	sxor.u32 $0x80000000, s23;
	s28 =	spop (v2sf);
	s23 =	smov.u32 s24  }
0x70: {  	v36 =	vld [tilespmem:s25+$0x4200];
	v35 =	vadd.s32 s26, v35;
	s20 =	sadd.s32 s20, s28;
	s26 =	spop (v2sf)  }
0x71: {  	v37 =	vld [tilespmem:s25+$0x4300];
	vm0 =	vlt.s32 v35, $0x100;
	v35 =	vxor.u32 $0x80000000, v35;
	s21 =	sadd.s32 s21, s26  }
0x72: {  	v38 =	vld [tilespmem:s25+$0x4400];
	v39 =	vsel vm0, $0x1, v1;
	v33 =	vnsel vm0, $0x0, v33;
	(xrf0) =	vmax.scan.msk.u32 $0xffff, v35  }
0x73: {  	v35 =	vld [tilespmem:s25+$0x4500];
	(xrf0) =	vadd.scan.msk.s32 $0xffff, v39  }
0x74: {  	v6 =	vadd.s32 v6, v34;
	v34 =	vld [tilespmem:s25+$0x4600];
	(xrf0) =	vadd.scan.msk.s32 $0xffff, v33  }
0x75: {  	v6 =	vadd.s32 v36, v6;
	v33 =	vld [tilespmem:s25+$0x4700]  }
0x76: {  	v6 =	vadd.s32 v37, v6;
	v36 =	vld [tilespmem:s25+$0x4800]  }
0x77: {  	v6 =	vadd.s32 v38, v6;
	v37 =	vld [tilespmem:s25+$0x4900]  }
0x78: {  	v6 =	vadd.s32 v35, v6;
	v35 =	vld [tilespmem:s25+$0x4A00];
	v38, _, _ =	vpop (xrf0)  }
0x79: {  	v6 =	vadd.s32 v34, v6;
	v34 =	vld [tilespmem:s25+$0x4B00];
	v39, _, _ =	vpop (xrf0);
	(v2sf) =	vpush v38, $0xF  }
0x7a: {  	v6 =	vadd.s32 v33, v6;
	v33 =	vld [tilespmem:s25+$0x4C00];
	(v2sf) =	vpush v39, $0xF;
	v38, _, _ =	vpop (xrf0)  }
0x7b: {  	v6 =	vadd.s32 v36, v6;
	v36 =	vld [tilespmem:s25+$0x4D00];
	(v2sf) =	vpush v38, $0xF  }
0x7c: {  	v6 =	vadd.s32 v37, v6;
	v37 =	vld [tilespmem:s25+$0x4E00]  }
0x7d: {  	v6 =	vadd.s32 v35, v6;
	v35 =	vld [tilespmem:s25+$0x4F00]  }
0x7e: {  	v6 =	vadd.s32 v34, v6  }
0x7f: {  	v6 =	vadd.s32 v33, v6  }
0x80: {  	v6 =	vadd.s32 v36, v6  }
0x81: {  	v6 =	vadd.s32 v37, v6  }
0x82: {  	v33 =	vadd.s32 v35, v6  }
.Ltmp8:
0x83: {  	(xrf0) =	vadd.scan.msk.s32 $0xffff, v33;
	(pc) =	sbr.rel @!p2 .LBB2_14-.Ltmp8, $2  }
0x84: {  	_ =	sdelay $0x2  }
0x85: {  	s22 =	sadd.s32 $0x10, s22;
	s24 =	sadd.s32 $0x10, s24  }
0x86: {  	s24 =	smov.u32 s23  }
.LBB2_16:
0x87: {  	s23 =	spop @p1 (v2sf)  }
0x88: {  	s25 =	simm.s32 $0x0;
	s23 =	sxor.u32 @p1 $0x80000000, s23  }
0x89: {  	v6 =	vld [tilespmem:s22+$0x0];
	s28 =	sand.u32 $0xF0, s24;
	v34, _, _ =	vpop @p0 (xrf0);
	s25 =	smov.u32 @p1 s23  }
0x8a: {  	v35 =	vld [tilespmem:s28+$0x4100];
	v34 =	vadd.s32 @p0 s25, v34  }
0x8b: {  	v36 =	vld [tilespmem:s28+$0x4200];
	v37 =	vxor.u32 @p0 $0x80000000, v34  }
0x8c: {  	v38 =	vld [tilespmem:s28+$0x4300];
	(xrf0) =	vmax.scan.msk.u32 @p0 $0xffff, v37  }
0x8d: {  	v50 =	vld [tilespmem:s28+$0x4400]  }
0x8e: {  	v39 =	vld [tilespmem:s28+$0x4500]  }
0x8f: {  	v51 =	vld [tilespmem:s28+$0x4600];
	v6 =	vadd.s32 v6, v35  }
0x90: {  	v52 =	vld [tilespmem:s28+$0x4700];
	v6 =	vadd.s32 v36, v6  }
0x91: {  	v53 =	vld [tilespmem:s28+$0x4800];
	v6 =	vadd.s32 v38, v6  }
0x92: {  	v54 =	vld [tilespmem:s28+$0x4900];
	v6 =	vadd.s32 v50, v6;
	v40, _, _ =	vpop @p0 (xrf0)  }
0x93: {  	v55 =	vld [tilespmem:s28+$0x4A00];
	v6 =	vadd.s32 v39, v6;
	(v2sf) =	vpush @p0 v40, $0xF  }
0x94: {  	v56 =	vld [tilespmem:s28+$0x4B00];
	v6 =	vadd.s32 v51, v6  }
0x95: {  	v57 =	vld [tilespmem:s28+$0x4C00];
	v6 =	vadd.s32 v52, v6  }
0x96: {  	v58 =	vld [tilespmem:s28+$0x4D00];
	v6 =	vadd.s32 v53, v6  }
0x97: {  	v59 =	vld [tilespmem:s28+$0x4E00];
	v6 =	vadd.s32 v54, v6  }
0x98: {  	v60 =	vld [tilespmem:s28+$0x4F00];
	v6 =	vadd.s32 v55, v6  }
0x99: {  	v6 =	vadd.s32 v56, v6  }
0x9a: {  	vm0 =	vlt.s32 @p0 v34, $0x100;
	v6 =	vadd.s32 v57, v6  }
0x9b: {  	v34 =	vsel @p0 vm0, $0x1, v1;
	v6 =	vadd.s32 v58, v6  }
0x9c: {  	v33 =	vnsel @p0 vm0, $0x0, v33;
	(xrf0) =	vadd.scan.msk.s32 @p0 $0xffff, v34;
	v6 =	vadd.s32 v59, v6  }
0x9d: {  	(xrf0) =	vadd.scan.msk.s32 @p0 $0xffff, v33;
	v6 =	vadd.s32 v60, v6  }
0x9e: {  	(xrf0) =	vadd.scan.msk.s32 $0xffff, v6;
	_ =	sdelay $0x1  }
0x9f: {  	s22 =	spop @p1 (v2sf)  }
0xa0: {  	s23 =	spop @p1 (v2sf)  }
0xa1: {  	v33, _, _ =	vpop @p0 (xrf0);
	s24 =	spop @p0 (v2sf)  }
0xa2: {  	s25 =	simm.s32 $0x0;
	v34, _, _ =	vpop @p0 (xrf0);
	s24 =	sxor.u32 @p0 $0x80000000, s24  }
0xa3: {  	v61, _, _ =	vpop (xrf0);
	s25 =	smov.u32 @p0 s24  }
0xa4: {  	v35 =	vadd.s32 s25, v61  }
0xa5: {  	vm15 =	vlt.s32 v35, $0x100;
	v35 =	vxor.u32 $0x80000000, v35  }
0xa6: {  	v62 =	vsel vm15, $0x1, v1;
	(xrf0) =	vmax.scan.msk.u32 $0xffff, v35  }
0xa7: {  	v6 =	vnsel vm15, $0x0, v6;
	(xrf0) =	vadd.scan.msk.s32 $0xffff, v62  }
0xa8: {  	(xrf0) =	vadd.scan.msk.s32 $0xffff, v6;
	_ =	sdelay $0x2  }
0xa9: {  	(v2sf) =	vpush @p0 v33, $0xF  }
0xaa: {  	(v2sf) =	vpush @p0 v34, $0xF;
	v6, _, _ =	vpop (xrf0)  }
0xab: {  	v63, _, _ =	vpop (xrf0);
	(v2sf) =	vpush v6, $0xF  }
0xac: {  	(v2sf) =	vpush v63, $0xF;
	v6, _, _ =	vpop (xrf0)  }
0xad: {  	(v2sf) =	vpush v6, $0xF;
	_ =	sdelay $0x9  }
0xae: {  	s20 =	sadd.s32 @p1 s20, s22;
	s22 =	simm.s32 $0x0  }
0xaf: {  	s21 =	sadd.s32 @p1 s21, s23;
	s23 =	simm.s32 $0x0;
	s24 =	spop @p0 (v2sf)  }
0xb0: {  	s22 =	smov.u32 @p1 s20;
	s23 =	smov.u32 @p1 s21;
	s25 =	spop @p0 (v2sf)  }
0xb1: {  	s21 =	simm.s32 $0x0;
	s20 =	sadd.s32 @p0 s22, s24;
	s29 =	spop (v2sf)  }
0xb2: {  	s22 =	sadd.s32 @p0 s23, s25;
	s21 =	smov.u32 @p0 s20;
	s30 =	spop (v2sf)  }
0xb3: {  	s19 =	smov.u32 @p0 s22;
	s22 =	simm.s32 $0x0;
	s31 =	spop (v2sf)  }
0xb4: {  	s20 =	sadd.s32 s21, s30;
	s21 =	simm.s32 $0x40;
	s19 =	sadd.s32 s19, s31  }
.LBB2_17:
0xb5: {  	p0 =	seq.s32 s21, $0x3FC0;
	[tilespmem:s22+$0x4000] =	vst v1;
	s22 =	smov.u32 s21;
	s21 =	sadd.s32 $0x40, s21  }
.Ltmp9:
0xb6: {  	(pc) =	sbr.rel @!p0 .LBB2_17-.Ltmp9, $2  }
0xb7: {  	_ =	sdelay $0x2  }
0xb8: {  	s22 =	sshra.s32 s22, $0x2  }
0xb9: {  	[tilespmem:s22+$0x4000] =	vst v1;
	s22 =	sxor.u32 $0x80, s20  }
0xba: {  	s21 =	simm.s32 $0x0;
	s20 =	simm.s32 $0x40;
	v6 =	vmov s22  }
.LBB2_19:
0xbb: {  	p0 =	seq.s32 s20, $0x7FC0;
	v33 =	vld [tilespmem:s21+$0x2000];
	_ =	sdelay $0x4  }
0xbc: {  	v34 =	vshrl.u32 v33, $0x18;
	v33 =	vshrl.u32 v33, $0x10  }
0xbd: {  	vm0 =	veq.s32 v34, v6;
	v33 =	vand.u32 $0xFF, v33  }
0xbe: {  	v33 =	vor.u32 v4, v33  }
.Ltmp10:
0xbf: {  	(pc) =	sbr.rel @!p0 .LBB2_19-.Ltmp10, $2  }
0xc0: {  	_ =	sdelay $0x2  }
0xc1: {  	s21 =	sshra.s32 s20, $0x2;
	s20 =	sadd.s32 $0x40, s20;
	[tilespmem:v33+s9+$0x0] =	vst.idx.add.s32.msk vm0, v3  }
0xc2: {  	v33 =	vld [tilespmem:s21+$0x2000];
	_ =	sdelay $0x4  }
0xc3: {  	v34 =	vshrl.u32 v33, $0x18;
	v33 =	vshrl.u32 v33, $0x10  }
0xc4: {  	vm0 =	veq.s32 v34, v6;
	v6 =	vand.u32 $0xFF, v33  }
0xc5: {  	v6 =	vor.u32 v4, v6;
	_ =	sdelay $0x4  }
0xc6: {  	s20 =	simm.s32 $0x0;
	s23 =	simm.s32 $0x4000;
	[tilespmem:v6+s9+$0x0] =	vst.idx.add.s32.msk vm0, v3  }
0xc7: {  	s30 =	sand.u32 $0xF0, s20;
	v6 =	vld [tilespmem:s23+$0x0]  }
0xc8: {  	v58 =	vld [tilespmem:s30+$0x4100]  }
0xc9: {  	v35 =	vld [tilespmem:s30+$0x4200]  }
0xca: {  	v36 =	vld [tilespmem:s30+$0x4300]  }
0xcb: {  	v37 =	vld [tilespmem:s30+$0x4400]  }
0xcc: {  	v38 =	vld [tilespmem:s30+$0x4500]  }
0xcd: {  	v59 =	vld [tilespmem:s30+$0x4600];
	v6 =	vadd.s32 v6, v58  }
0xce: {  	v60 =	vld [tilespmem:s30+$0x4700];
	v6 =	vadd.s32 v35, v6  }
0xcf: {  	v61 =	vld [tilespmem:s30+$0x4800];
	v6 =	vadd.s32 v36, v6  }
0xd0: {  	v62 =	vld [tilespmem:s30+$0x4900];
	v6 =	vadd.s32 v37, v6  }
0xd1: {  	v63 =	vld [tilespmem:s30+$0x4A00];
	v6 =	vadd.s32 v38, v6  }
0xd2: {  	v40 =	vld [tilespmem:s30+$0x4B00];
	v6 =	vadd.s32 v59, v6  }
0xd3: {  	v41 =	vld [tilespmem:s30+$0x4C00];
	v6 =	vadd.s32 v60, v6  }
0xd4: {  	v42 =	vld [tilespmem:s30+$0x4D00];
	v6 =	vadd.s32 v61, v6  }
0xd5: {  	v43 =	vld [tilespmem:s30+$0x4E00];
	v6 =	vadd.s32 v62, v6  }
0xd6: {  	v44 =	vld [tilespmem:s30+$0x4F00];
	v6 =	vadd.s32 v63, v6  }
0xd7: {  	v6 =	vadd.s32 v40, v6  }
0xd8: {  	v6 =	vadd.s32 v41, v6  }
0xd9: {  	v6 =	vadd.s32 v42, v6  }
0xda: {  	v6 =	vadd.s32 v43, v6  }
0xdb: {  	v6 =	vadd.s32 v44, v6  }
0xdc: {  	(xrf0) =	vadd.scan.msk.s32 $0xffff, v6;
	_ =	sdelay $0x3  }
0xdd: {  	s31 =	simm.s32 $0x10;
	s24 =	simm.s32 $0x4010  }
0xde: {  	v45 =	vld [tilespmem:s24+$0x0];
	s23 =	sand.u32 $0xF0, s31  }
0xdf: {  	s21 =	ssub.s32 $0x100, s19;
	v46 =	vld [tilespmem:s23+$0x4100];
	v40, _, _ =	vpop (xrf0)  }
0xe0: {  	v33 =	vmov s21;
	v47 =	vld [tilespmem:s23+$0x4200];
	v40 =	vadd.s32 s20, v40  }
0xe1: {  	v48 =	vld [tilespmem:s23+$0x4300];
	vm15 =	vlt.s32 v40, v33;
	v40 =	vxor.u32 $0x80000000, v40  }
0xe2: {  	v49 =	vld [tilespmem:s23+$0x4400];
	(xrf0) =	vmax.scan.msk.u32 $0xffff, v40;
	v56 =	vsel vm15, $0x1, v1  }
0xe3: {  	v39 =	vld [tilespmem:s23+$0x4500];
	v6 =	vnsel vm15, $0x0, v6;
	(xrf0) =	vadd.scan.msk.s32 $0xffff, v56  }
0xe4: {  	v50 =	vld [tilespmem:s23+$0x4600];
	v34 =	vadd.s32 v45, v46;
	(xrf0) =	vadd.scan.msk.s32 $0xffff, v6  }
0xe5: {  	v51 =	vld [tilespmem:s23+$0x4700];
	v34 =	vadd.s32 v47, v34  }
0xe6: {  	v52 =	vld [tilespmem:s23+$0x4800];
	v34 =	vadd.s32 v48, v34  }
0xe7: {  	v53 =	vld [tilespmem:s23+$0x4900];
	v34 =	vadd.s32 v49, v34  }
0xe8: {  	v54 =	vld [tilespmem:s23+$0x4A00];
	v34 =	vadd.s32 v39, v34;
	v61, _, _ =	vpop (xrf0)  }
0xe9: {  	v55 =	vld [tilespmem:s23+$0x4B00];
	v34 =	vadd.s32 v50, v34;
	v62, _, _ =	vpop (xrf0);
	(v2sf) =	vpush v61, $0xF  }
0xea: {  	v57 =	vld [tilespmem:s23+$0x4C00];
	v34 =	vadd.s32 v51, v34;
	(v2sf) =	vpush v62, $0xF;
	v63, _, _ =	vpop (xrf0)  }
0xeb: {  	v58 =	vld [tilespmem:s23+$0x4D00];
	v34 =	vadd.s32 v52, v34;
	(v2sf) =	vpush v63, $0xF  }
0xec: {  	v59 =	vld [tilespmem:s23+$0x4E00];
	v6 =	vadd.s32 v53, v34  }
0xed: {  	v60 =	vld [tilespmem:s23+$0x4F00];
	v6 =	vadd.s32 v54, v6  }
0xee: {  	v6 =	vadd.s32 v55, v6  }
0xef: {  	v6 =	vadd.s32 v57, v6  }
0xf0: {  	v6 =	vadd.s32 v58, v6  }
0xf1: {  	v6 =	vadd.s32 v59, v6  }
0xf2: {  	v6 =	vadd.s32 v60, v6  }
0xf3: {  	(xrf0) =	vadd.scan.msk.s32 $0xffff, v6;
	_ =	sdelay $0x2  }
0xf4: {  	s26 =	simm.s32 $0x30  }
0xf5: {  	s25 =	simm.s32 $0x4020;
	s24 =	simm.s32 $0x20;
	s23 =	simm.s32 $0x0  }
.LBB2_21:
0xf6: {  	p0 =	seq.s32 s26, $0xF0;
	v34 =	vld [tilespmem:s25+$0x0];
	s28 =	sand.u32 $0xF0, s24;
	s24 =	spop (v2sf)  }
0xf7: {  	v35 =	vld [tilespmem:s28+$0x4100];
	v36, _, _ =	vpop (xrf0);
	s29 =	sxor.u32 $0x80000000, s24;
	s30 =	spop (v2sf);
	s24 =	smov.u32 s26  }
0xf8: {  	v37 =	vld [tilespmem:s28+$0x4200];
	v36 =	vadd.s32 s29, v36;
	s20 =	sadd.s32 s20, s30;
	s29 =	spop (v2sf)  }
0xf9: {  	v38 =	vld [tilespmem:s28+$0x4300];
	vm0 =	vlt.s32 v36, v33;
	v36 =	vxor.u32 $0x80000000, v36;
	s23 =	sadd.s32 s23, s29  }
0xfa: {  	v39 =	vld [tilespmem:s28+$0x4400];
	v40 =	vsel vm0, $0x1, v1;
	v6 =	vnsel vm0, $0x0, v6;
	(xrf0) =	vmax.scan.msk.u32 $0xffff, v36  }
0xfb: {  	v36 =	vld [tilespmem:s28+$0x4500];
	(xrf0) =	vadd.scan.msk.s32 $0xffff, v40  }
0xfc: {  	v34 =	vadd.s32 v34, v35;
	v35 =	vld [tilespmem:s28+$0x4600];
	(xrf0) =	vadd.scan.msk.s32 $0xffff, v6  }
0xfd: {  	v6 =	vadd.s32 v37, v34;
	v34 =	vld [tilespmem:s28+$0x4700]  }
0xfe: {  	v6 =	vadd.s32 v38, v6;
	v37 =	vld [tilespmem:s28+$0x4800]  }
0xff: {  	v6 =	vadd.s32 v39, v6;
	v38 =	vld [tilespmem:s28+$0x4900]  }
0x100: {  	v6 =	vadd.s32 v36, v6;
	v36 =	vld [tilespmem:s28+$0x4A00];
	v39, _, _ =	vpop (xrf0)  }
0x101: {  	v6 =	vadd.s32 v35, v6;
	v35 =	vld [tilespmem:s28+$0x4B00];
	v40, _, _ =	vpop (xrf0);
	(v2sf) =	vpush v39, $0xF  }
0x102: {  	v6 =	vadd.s32 v34, v6;
	v34 =	vld [tilespmem:s28+$0x4C00];
	(v2sf) =	vpush v40, $0xF;
	v39, _, _ =	vpop (xrf0)  }
0x103: {  	v6 =	vadd.s32 v37, v6;
	v37 =	vld [tilespmem:s28+$0x4D00];
	(v2sf) =	vpush v39, $0xF  }
0x104: {  	v6 =	vadd.s32 v38, v6;
	v38 =	vld [tilespmem:s28+$0x4E00]  }
0x105: {  	v6 =	vadd.s32 v36, v6;
	v36 =	vld [tilespmem:s28+$0x4F00]  }
0x106: {  	v6 =	vadd.s32 v35, v6  }
0x107: {  	v6 =	vadd.s32 v34, v6  }
0x108: {  	v6 =	vadd.s32 v37, v6  }
0x109: {  	v6 =	vadd.s32 v38, v6  }
0x10a: {  	v6 =	vadd.s32 v36, v6  }
.Ltmp11:
0x10b: {  	(xrf0) =	vadd.scan.msk.s32 $0xffff, v6;
	(pc) =	sbr.rel @!p0 .LBB2_21-.Ltmp11, $2  }
0x10c: {  	_ =	sdelay $0x2  }
0x10d: {  	s25 =	sadd.s32 $0x10, s25;
	s26 =	sadd.s32 $0x10, s26  }
0x10e: {  	v34 =	vld [tilespmem:s25+$0x0];
	s24 =	sand.u32 $0xF0, s24;
	s31 =	spop (v2sf)  }
0x10f: {  	v35 =	vld [tilespmem:s24+$0x4100];
	v36, _, _ =	vpop (xrf0);
	s25 =	sxor.u32 $0x80000000, s31  }
0x110: {  	v37 =	vld [tilespmem:s24+$0x4200];
	v36 =	vadd.s32 s25, v36  }
0x111: {  	v38 =	vld [tilespmem:s24+$0x4300];
	v39 =	vxor.u32 $0x80000000, v36  }
0x112: {  	v40 =	vld [tilespmem:s24+$0x4400];
	(xrf0) =	vmax.scan.msk.u32 $0xffff, v39  }
0x113: {  	v46 =	vld [tilespmem:s24+$0x4500]  }
0x114: {  	v47 =	vld [tilespmem:s24+$0x4600];
	v34 =	vadd.s32 v34, v35  }
0x115: {  	v48 =	vld [tilespmem:s24+$0x4700];
	v34 =	vadd.s32 v37, v34  }
0x116: {  	v49 =	vld [tilespmem:s24+$0x4800];
	v34 =	vadd.s32 v38, v34  }
0x117: {  	v50 =	vld [tilespmem:s24+$0x4900];
	v34 =	vadd.s32 v40, v34  }
0x118: {  	v51 =	vld [tilespmem:s24+$0x4A00];
	v34 =	vadd.s32 v46, v34;
	v41, _, _ =	vpop (xrf0)  }
0x119: {  	v52 =	vld [tilespmem:s24+$0x4B00];
	v34 =	vadd.s32 v47, v34;
	(v2sf) =	vpush v41, $0xF  }
0x11a: {  	v53 =	vld [tilespmem:s24+$0x4C00];
	v34 =	vadd.s32 v48, v34  }
0x11b: {  	v54 =	vld [tilespmem:s24+$0x4D00];
	v34 =	vadd.s32 v49, v34  }
0x11c: {  	v55 =	vld [tilespmem:s24+$0x4E00];
	v34 =	vadd.s32 v50, v34  }
0x11d: {  	v56 =	vld [tilespmem:s24+$0x4F00];
	v34 =	vadd.s32 v51, v34  }
0x11e: {  	v34 =	vadd.s32 v52, v34  }
0x11f: {  	vm0 =	vlt.s32 v36, v33;
	v34 =	vadd.s32 v53, v34  }
0x120: {  	v57 =	vsel vm0, $0x1, v1;
	v34 =	vadd.s32 v54, v34  }
0x121: {  	v6 =	vnsel vm0, $0x0, v6;
	(xrf0) =	vadd.scan.msk.s32 $0xffff, v57;
	v34 =	vadd.s32 v55, v34  }
0x122: {  	(xrf0) =	vadd.scan.msk.s32 $0xffff, v6;
	v6 =	vadd.s32 v56, v34  }
0x123: {  	(xrf0) =	vadd.scan.msk.s32 $0xffff, v6;
	_ =	sdelay $0x2  }
0x124: {  	s25 =	spop (v2sf)  }
0x125: {  	s30 =	spop (v2sf);
	v58, _, _ =	vpop (xrf0)  }
0x126: {  	v59, _, _ =	vpop (xrf0);
	s26 =	spop (v2sf)  }
0x127: {  	v60, _, _ =	vpop (xrf0);
	s26 =	sxor.u32 $0x80000000, s26  }
0x128: {  	v36 =	vadd.s32 s26, v60  }
0x129: {  	vm15 =	vlt.s32 v36, v33;
	v61 =	vxor.u32 $0x80000000, v36  }
0x12a: {  	v62 =	vsel vm15, $0x1, v1;
	(xrf0) =	vmax.scan.msk.u32 $0xffff, v61  }
0x12b: {  	v6 =	vnsel vm15, $0x0, v6;
	(xrf0) =	vadd.scan.msk.s32 $0xffff, v62  }
0x12c: {  	(xrf0) =	vadd.scan.msk.s32 $0xffff, v6;
	_ =	sdelay $0x2  }
0x12d: {  	(v2sf) =	vpush v58, $0xF  }
0x12e: {  	(v2sf) =	vpush v59, $0xF;
	v6, _, _ =	vpop (xrf0)  }
0x12f: {  	v63, _, _ =	vpop (xrf0);
	(v2sf) =	vpush v6, $0xF  }
0x130: {  	(v2sf) =	vpush v63, $0xF;
	v6, _, _ =	vpop (xrf0)  }
0x131: {  	(v2sf) =	vpush v6, $0xF;
	_ =	sdelay $0xa  }
0x132: {  	s31 =	spop (v2sf)  }
0x133: {  	s28 =	spop (v2sf)  }
0x134: {  	s24 =	simm.s32 $0x40;
	s29 =	spop (v2sf)  }
0x135: {  	s20 =	sadd.s32 s20, s25;
	s23 =	sadd.s32 s23, s30;
	s30 =	spop (v2sf)  }
0x136: {  	s20 =	sadd.s32 s20, s31;
	s25 =	sadd.s32 s23, s28;
	s31 =	spop (v2sf)  }
0x137: {  	s23 =	sadd.s32 s20, s30;
	s20 =	sadd.s32 s25, s31;
	s25 =	simm.s32 $0x0  }
.LBB2_23:
0x138: {  	p0 =	seq.s32 s24, $0x3FC0;
	[tilespmem:s25+$0x4000] =	vst v1;
	s25 =	smov.u32 s24;
	s24 =	sadd.s32 $0x40, s24  }
.Ltmp12:
0x139: {  	(pc) =	sbr.rel @!p0 .LBB2_23-.Ltmp12, $2  }
0x13a: {  	_ =	sdelay $0x2  }
0x13b: {  	s25 =	sshra.s32 s25, $0x2  }
0x13c: {  	s22 =	sshll.u32 s22, $0x8  }
0x13d: {  	s22 =	sor.u32 s22, s23  }
0x13e: {  	[tilespmem:s25+$0x4000] =	vst v1;
	s24 =	simm.s32 $0x0;
	s23 =	simm.s32 $0x40;
	v6 =	vmov s22  }
.LBB2_25:
0x13f: {  	p0 =	seq.s32 s23, $0x7FC0;
	v33 =	vld [tilespmem:s24+$0x2000];
	_ =	sdelay $0x4  }
0x140: {  	v34 =	vshrl.u32 v33, $0x10;
	v33 =	vshrl.u32 v33, $0x8  }
0x141: {  	vm0 =	veq.s32 v34, v6;
	v33 =	vand.u32 $0xFF, v33  }
0x142: {  	v33 =	vor.u32 v4, v33  }
.Ltmp13:
0x143: {  	(pc) =	sbr.rel @!p0 .LBB2_25-.Ltmp13, $2  }
0x144: {  	_ =	sdelay $0x2  }
0x145: {  	s24 =	sshra.s32 s23, $0x2;
	s23 =	sadd.s32 $0x40, s23;
	[tilespmem:v33+s9+$0x0] =	vst.idx.add.s32.msk vm0, v3  }
0x146: {  	v33 =	vld [tilespmem:s24+$0x2000];
	_ =	sdelay $0x4  }
0x147: {  	v34 =	vshrl.u32 v33, $0x10;
	v33 =	vshrl.u32 v33, $0x8  }
0x148: {  	vm0 =	veq.s32 v34, v6;
	v6 =	vand.u32 $0xFF, v33  }
0x149: {  	v6 =	vor.u32 v4, v6;
	_ =	sdelay $0x4  }
0x14a: {  	s23 =	ssub.s32 s21, s20;
	s21 =	simm.s32 $0x0;
	s29 =	simm.s32 $0x4000;
	[tilespmem:v6+s9+$0x0] =	vst.idx.add.s32.msk vm0, v3  }
0x14b: {  	s30 =	sand.u32 $0xF0, s21;
	v6 =	vld [tilespmem:s29+$0x0]  }
0x14c: {  	v58 =	vld [tilespmem:s30+$0x4100]  }
0x14d: {  	v35 =	vld [tilespmem:s30+$0x4200]  }
0x14e: {  	v36 =	vld [tilespmem:s30+$0x4300]  }
0x14f: {  	v37 =	vld [tilespmem:s30+$0x4400]  }
0x150: {  	v38 =	vld [tilespmem:s30+$0x4500]  }
0x151: {  	v59 =	vld [tilespmem:s30+$0x4600];
	v6 =	vadd.s32 v6, v58  }
0x152: {  	v60 =	vld [tilespmem:s30+$0x4700];
	v6 =	vadd.s32 v35, v6  }
0x153: {  	v61 =	vld [tilespmem:s30+$0x4800];
	v6 =	vadd.s32 v36, v6  }
0x154: {  	v62 =	vld [tilespmem:s30+$0x4900];
	v6 =	vadd.s32 v37, v6  }
0x155: {  	v63 =	vld [tilespmem:s30+$0x4A00];
	v6 =	vadd.s32 v38, v6  }
0x156: {  	v40 =	vld [tilespmem:s30+$0x4B00];
	v6 =	vadd.s32 v59, v6  }
0x157: {  	v41 =	vld [tilespmem:s30+$0x4C00];
	v6 =	vadd.s32 v60, v6  }
0x158: {  	v42 =	vld [tilespmem:s30+$0x4D00];
	v6 =	vadd.s32 v61, v6  }
0x159: {  	v43 =	vld [tilespmem:s30+$0x4E00];
	v6 =	vadd.s32 v62, v6  }
0x15a: {  	v44 =	vld [tilespmem:s30+$0x4F00];
	v6 =	vadd.s32 v63, v6  }
0x15b: {  	v6 =	vadd.s32 v40, v6  }
0x15c: {  	v6 =	vadd.s32 v41, v6  }
0x15d: {  	v6 =	vadd.s32 v42, v6  }
0x15e: {  	v6 =	vadd.s32 v43, v6  }
0x15f: {  	v6 =	vadd.s32 v44, v6  }
0x160: {  	(xrf0) =	vadd.scan.msk.s32 $0xffff, v6;
	_ =	sdelay $0x3  }
0x161: {  	s31 =	simm.s32 $0x10;
	s25 =	simm.s32 $0x4010  }
0x162: {  	s24 =	sand.u32 $0xF0, s31;
	v45 =	vld [tilespmem:s25+$0x0]  }
0x163: {  	v46 =	vld [tilespmem:s24+$0x4100];
	v40, _, _ =	vpop (xrf0)  }
0x164: {  	v33 =	vmov s23;
	v47 =	vld [tilespmem:s24+$0x4200];
	v40 =	vadd.s32 s21, v40  }
0x165: {  	v48 =	vld [tilespmem:s24+$0x4300];
	vm15 =	vlt.s32 v40, v33;
	v40 =	vxor.u32 $0x80000000, v40  }
0x166: {  	v49 =	vld [tilespmem:s24+$0x4400];
	(xrf0) =	vmax.scan.msk.u32 $0xffff, v40;
	v56 =	vsel vm15, $0x1, v1  }
0x167: {  	v39 =	vld [tilespmem:s24+$0x4500];
	v6 =	vnsel vm15, $0x0, v6;
	(xrf0) =	vadd.scan.msk.s32 $0xffff, v56  }
0x168: {  	v50 =	vld [tilespmem:s24+$0x4600];
	v34 =	vadd.s32 v45, v46;
	(xrf0) =	vadd.scan.msk.s32 $0xffff, v6  }
0x169: {  	v51 =	vld [tilespmem:s24+$0x4700];
	v34 =	vadd.s32 v47, v34  }
0x16a: {  	v52 =	vld [tilespmem:s24+$0x4800];
	v34 =	vadd.s32 v48, v34  }
0x16b: {  	v53 =	vld [tilespmem:s24+$0x4900];
	v34 =	vadd.s32 v49, v34  }
0x16c: {  	v54 =	vld [tilespmem:s24+$0x4A00];
	v34 =	vadd.s32 v39, v34;
	v61, _, _ =	vpop (xrf0)  }
0x16d: {  	v55 =	vld [tilespmem:s24+$0x4B00];
	v34 =	vadd.s32 v50, v34;
	v62, _, _ =	vpop (xrf0);
	(v2sf) =	vpush v61, $0xF  }
0x16e: {  	v57 =	vld [tilespmem:s24+$0x4C00];
	v34 =	vadd.s32 v51, v34;
	(v2sf) =	vpush v62, $0xF;
	v63, _, _ =	vpop (xrf0)  }
0x16f: {  	v58 =	vld [tilespmem:s24+$0x4D00];
	v34 =	vadd.s32 v52, v34;
	(v2sf) =	vpush v63, $0xF  }
0x170: {  	v59 =	vld [tilespmem:s24+$0x4E00];
	v6 =	vadd.s32 v53, v34  }
0x171: {  	v60 =	vld [tilespmem:s24+$0x4F00];
	v6 =	vadd.s32 v54, v6  }
0x172: {  	v6 =	vadd.s32 v55, v6  }
0x173: {  	v6 =	vadd.s32 v57, v6  }
0x174: {  	v6 =	vadd.s32 v58, v6  }
0x175: {  	v6 =	vadd.s32 v59, v6  }
0x176: {  	v6 =	vadd.s32 v60, v6  }
0x177: {  	(xrf0) =	vadd.scan.msk.s32 $0xffff, v6;
	_ =	sdelay $0x2  }
0x178: {  	s28 =	simm.s32 $0x30  }
0x179: {  	s26 =	simm.s32 $0x4020;
	s25 =	simm.s32 $0x20;
	s24 =	simm.s32 $0x0  }
.LBB2_27:
0x17a: {  	p0 =	seq.s32 s28, $0xF0;
	v34 =	vld [tilespmem:s26+$0x0];
	s29 =	sand.u32 $0xF0, s25;
	s25 =	spop (v2sf)  }
0x17b: {  	v35 =	vld [tilespmem:s29+$0x4100];
	v36, _, _ =	vpop (xrf0);
	s30 =	sxor.u32 $0x80000000, s25;
	s31 =	spop (v2sf);
	s25 =	smov.u32 s28  }
0x17c: {  	v37 =	vld [tilespmem:s29+$0x4200];
	v36 =	vadd.s32 s30, v36;
	s21 =	sadd.s32 s21, s31;
	s30 =	spop (v2sf)  }
0x17d: {  	v38 =	vld [tilespmem:s29+$0x4300];
	vm0 =	vlt.s32 v36, v33;
	v36 =	vxor.u32 $0x80000000, v36;
	s24 =	sadd.s32 s24, s30  }
0x17e: {  	v39 =	vld [tilespmem:s29+$0x4400];
	v40 =	vsel vm0, $0x1, v1;
	v6 =	vnsel vm0, $0x0, v6;
	(xrf0) =	vmax.scan.msk.u32 $0xffff, v36  }
0x17f: {  	v36 =	vld [tilespmem:s29+$0x4500];
	(xrf0) =	vadd.scan.msk.s32 $0xffff, v40  }
0x180: {  	v34 =	vadd.s32 v34, v35;
	v35 =	vld [tilespmem:s29+$0x4600];
	(xrf0) =	vadd.scan.msk.s32 $0xffff, v6  }
0x181: {  	v6 =	vadd.s32 v37, v34;
	v34 =	vld [tilespmem:s29+$0x4700]  }
0x182: {  	v6 =	vadd.s32 v38, v6;
	v37 =	vld [tilespmem:s29+$0x4800]  }
0x183: {  	v6 =	vadd.s32 v39, v6;
	v38 =	vld [tilespmem:s29+$0x4900]  }
0x184: {  	v6 =	vadd.s32 v36, v6;
	v36 =	vld [tilespmem:s29+$0x4A00];
	v39, _, _ =	vpop (xrf0)  }
0x185: {  	v6 =	vadd.s32 v35, v6;
	v35 =	vld [tilespmem:s29+$0x4B00];
	v40, _, _ =	vpop (xrf0);
	(v2sf) =	vpush v39, $0xF  }
0x186: {  	v6 =	vadd.s32 v34, v6;
	v34 =	vld [tilespmem:s29+$0x4C00];
	(v2sf) =	vpush v40, $0xF;
	v39, _, _ =	vpop (xrf0)  }
0x187: {  	v6 =	vadd.s32 v37, v6;
	v37 =	vld [tilespmem:s29+$0x4D00];
	(v2sf) =	vpush v39, $0xF  }
0x188: {  	v6 =	vadd.s32 v38, v6;
	v38 =	vld [tilespmem:s29+$0x4E00]  }
0x189: {  	v6 =	vadd.s32 v36, v6;
	v36 =	vld [tilespmem:s29+$0x4F00]  }
0x18a: {  	v6 =	vadd.s32 v35, v6  }
0x18b: {  	v6 =	vadd.s32 v34, v6  }
0x18c: {  	v6 =	vadd.s32 v37, v6  }
0x18d: {  	v6 =	vadd.s32 v38, v6  }
0x18e: {  	v6 =	vadd.s32 v36, v6  }
.Ltmp14:
0x18f: {  	(xrf0) =	vadd.scan.msk.s32 $0xffff, v6;
	(pc) =	sbr.rel @!p0 .LBB2_27-.Ltmp14, $2  }
0x190: {  	_ =	sdelay $0x2  }
0x191: {  	s26 =	sadd.s32 $0x10, s26;
	s28 =	sadd.s32 $0x10, s28  }
0x192: {  	v34 =	vld [tilespmem:s26+$0x0];
	s25 =	sand.u32 $0xF0, s25;
	s30 =	spop (v2sf)  }
0x193: {  	v35 =	vld [tilespmem:s25+$0x4100];
	v36, _, _ =	vpop (xrf0);
	s26 =	sxor.u32 $0x80000000, s30  }
0x194: {  	v37 =	vld [tilespmem:s25+$0x4200];
	v36 =	vadd.s32 s26, v36  }
0x195: {  	v38 =	vld [tilespmem:s25+$0x4300];
	v39 =	vxor.u32 $0x80000000, v36  }
0x196: {  	v40 =	vld [tilespmem:s25+$0x4400];
	(xrf0) =	vmax.scan.msk.u32 $0xffff, v39  }
0x197: {  	v46 =	vld [tilespmem:s25+$0x4500]  }
0x198: {  	v47 =	vld [tilespmem:s25+$0x4600];
	v34 =	vadd.s32 v34, v35  }
0x199: {  	v48 =	vld [tilespmem:s25+$0x4700];
	v34 =	vadd.s32 v37, v34  }
0x19a: {  	v49 =	vld [tilespmem:s25+$0x4800];
	v34 =	vadd.s32 v38, v34  }
0x19b: {  	v50 =	vld [tilespmem:s25+$0x4900];
	v34 =	vadd.s32 v40, v34  }
0x19c: {  	v51 =	vld [tilespmem:s25+$0x4A00];
	v34 =	vadd.s32 v46, v34;
	v41, _, _ =	vpop (xrf0)  }
0x19d: {  	v52 =	vld [tilespmem:s25+$0x4B00];
	v34 =	vadd.s32 v47, v34;
	(v2sf) =	vpush v41, $0xF  }
0x19e: {  	v53 =	vld [tilespmem:s25+$0x4C00];
	v34 =	vadd.s32 v48, v34  }
0x19f: {  	v54 =	vld [tilespmem:s25+$0x4D00];
	v34 =	vadd.s32 v49, v34  }
0x1a0: {  	v55 =	vld [tilespmem:s25+$0x4E00];
	v34 =	vadd.s32 v50, v34  }
0x1a1: {  	v56 =	vld [tilespmem:s25+$0x4F00];
	v34 =	vadd.s32 v51, v34  }
0x1a2: {  	v34 =	vadd.s32 v52, v34  }
0x1a3: {  	vm0 =	vlt.s32 v36, v33;
	v34 =	vadd.s32 v53, v34  }
0x1a4: {  	v57 =	vsel vm0, $0x1, v1;
	v34 =	vadd.s32 v54, v34  }
0x1a5: {  	v6 =	vnsel vm0, $0x0, v6;
	(xrf0) =	vadd.scan.msk.s32 $0xffff, v57;
	v34 =	vadd.s32 v55, v34  }
0x1a6: {  	(xrf0) =	vadd.scan.msk.s32 $0xffff, v6;
	v6 =	vadd.s32 v56, v34  }
0x1a7: {  	(xrf0) =	vadd.scan.msk.s32 $0xffff, v6;
	_ =	sdelay $0x2  }
0x1a8: {  	s25 =	spop (v2sf)  }
0x1a9: {  	s26 =	spop (v2sf);
	v58, _, _ =	vpop (xrf0)  }
0x1aa: {  	v59, _, _ =	vpop (xrf0);
	s28 =	spop (v2sf)  }
0x1ab: {  	v60, _, _ =	vpop (xrf0);
	s28 =	sxor.u32 $0x80000000, s28  }
0x1ac: {  	v36 =	vadd.s32 s28, v60  }
0x1ad: {  	vm15 =	vlt.s32 v36, v33;
	v61 =	vxor.u32 $0x80000000, v36  }
0x1ae: {  	v62 =	vsel vm15, $0x1, v1;
	(xrf0) =	vmax.scan.msk.u32 $0xffff, v61  }
0x1af: {  	v6 =	vnsel vm15, $0x0, v6;
	(xrf0) =	vadd.scan.msk.s32 $0xffff, v62  }
0x1b0: {  	(xrf0) =	vadd.scan.msk.s32 $0xffff, v6;
	_ =	sdelay $0x2  }
0x1b1: {  	(v2sf) =	vpush v58, $0xF  }
0x1b2: {  	(v2sf) =	vpush v59, $0xF;
	v6, _, _ =	vpop (xrf0)  }
0x1b3: {  	v63, _, _ =	vpop (xrf0);
	(v2sf) =	vpush v6, $0xF  }
0x1b4: {  	(v2sf) =	vpush v63, $0xF;
	v6, _, _ =	vpop (xrf0)  }
0x1b5: {  	(v2sf) =	vpush v6, $0xF;
	_ =	sdelay $0xa  }
0x1b6: {  	s31 =	spop (v2sf)  }
0x1b7: {  	s29 =	spop (v2sf)  }
0x1b8: {  	s21 =	sadd.s32 s21, s25;
	s30 =	spop (v2sf)  }
0x1b9: {  	s25 =	simm.s32 $0x40;
	s24 =	sadd.s32 s24, s26;
	s30 =	spop (v2sf)  }
0x1ba: {  	s21 =	sadd.s32 s21, s31;
	s26 =	sadd.s32 s24, s29;
	s31 =	spop (v2sf)  }
0x1bb: {  	s24 =	sadd.s32 s21, s30;
	s21 =	sadd.s32 s26, s31;
	s26 =	simm.s32 $0x0  }
.LBB2_29:
0x1bc: {  	p0 =	seq.s32 s25, $0x3FC0;
	[tilespmem:s26+$0x4000] =	vst v1;
	s26 =	smov.u32 s25;
	s25 =	sadd.s32 $0x40, s25  }
.Ltmp15:
0x1bd: {  	(pc) =	sbr.rel @!p0 .LBB2_29-.Ltmp15, $2  }
0x1be: {  	_ =	sdelay $0x2  }
0x1bf: {  	s26 =	sshra.s32 s26, $0x2  }
0x1c0: {  	s22 =	sshll.u32 s22, $0x8  }
0x1c1: {  	s22 =	sor.u32 s22, s24  }
0x1c2: {  	[tilespmem:s26+$0x4000] =	vst v1;
	s25 =	simm.s32 $0x0;
	s24 =	simm.s32 $0x40;
	v6 =	vmov s22  }
.LBB2_31:
0x1c3: {  	p0 =	seq.s32 s24, $0x7FC0;
	v33 =	vld [tilespmem:s25+$0x2000];
	_ =	sdelay $0x4  }
0x1c4: {  	v34 =	vshrl.u32 v33, $0x8  }
0x1c5: {  	v33 =	vand.u32 $0xFF, v33;
	vm0 =	veq.s32 v34, v6  }
0x1c6: {  	v33 =	vor.u32 v4, v33  }
.Ltmp16:
0x1c7: {  	(pc) =	sbr.rel @!p0 .LBB2_31-.Ltmp16, $2  }
0x1c8: {  	_ =	sdelay $0x2  }
0x1c9: {  	s25 =	sshra.s32 s24, $0x2;
	s24 =	sadd.s32 $0x40, s24;
	[tilespmem:v33+s9+$0x0] =	vst.idx.add.s32.msk vm0, v3  }
0x1ca: {  	v33 =	vld [tilespmem:s25+$0x2000];
	_ =	sdelay $0x4  }
0x1cb: {  	v34 =	vshrl.u32 v33, $0x8  }
0x1cc: {  	vm0 =	veq.s32 v34, v6;
	v6 =	vand.u32 $0xFF, v33  }
0x1cd: {  	v6 =	vor.u32 v4, v6;
	_ =	sdelay $0x3  }
0x1ce: {  	s23 =	ssub.s32 s23, s21  }
0x1cf: {  	s24 =	simm.s32 $0x4000;
	v33 =	vmov s23;
	s23 =	simm.s32 $0x0;
	[tilespmem:v6+s9+$0x0] =	vst.idx.add.s32.msk vm0, v3  }
0x1d0: {  	s29 =	sand.u32 $0xF0, s23;
	v6 =	vld [tilespmem:s24+$0x0]  }
0x1d1: {  	v58 =	vld [tilespmem:s29+$0x4100]  }
0x1d2: {  	v35 =	vld [tilespmem:s29+$0x4200]  }
0x1d3: {  	v36 =	vld [tilespmem:s29+$0x4300]  }
0x1d4: {  	v37 =	vld [tilespmem:s29+$0x4400]  }
0x1d5: {  	v38 =	vld [tilespmem:s29+$0x4500]  }
0x1d6: {  	v59 =	vld [tilespmem:s29+$0x4600];
	v6 =	vadd.s32 v6, v58  }
0x1d7: {  	v60 =	vld [tilespmem:s29+$0x4700];
	v6 =	vadd.s32 v35, v6  }
0x1d8: {  	v61 =	vld [tilespmem:s29+$0x4800];
	v6 =	vadd.s32 v36, v6  }
0x1d9: {  	v62 =	vld [tilespmem:s29+$0x4900];
	v6 =	vadd.s32 v37, v6  }
0x1da: {  	v63 =	vld [tilespmem:s29+$0x4A00];
	v6 =	vadd.s32 v38, v6  }
0x1db: {  	v40 =	vld [tilespmem:s29+$0x4B00];
	v6 =	vadd.s32 v59, v6  }
0x1dc: {  	v41 =	vld [tilespmem:s29+$0x4C00];
	v6 =	vadd.s32 v60, v6  }
0x1dd: {  	v42 =	vld [tilespmem:s29+$0x4D00];
	v6 =	vadd.s32 v61, v6  }
0x1de: {  	v43 =	vld [tilespmem:s29+$0x4E00];
	v6 =	vadd.s32 v62, v6  }
0x1df: {  	v44 =	vld [tilespmem:s29+$0x4F00];
	v6 =	vadd.s32 v63, v6  }
0x1e0: {  	v6 =	vadd.s32 v40, v6  }
0x1e1: {  	v6 =	vadd.s32 v41, v6  }
0x1e2: {  	v6 =	vadd.s32 v42, v6  }
0x1e3: {  	v6 =	vadd.s32 v43, v6  }
0x1e4: {  	v6 =	vadd.s32 v44, v6  }
0x1e5: {  	(xrf0) =	vadd.scan.msk.s32 $0xffff, v6;
	_ =	sdelay $0x3  }
0x1e6: {  	s30 =	simm.s32 $0x10;
	s31 =	simm.s32 $0x4010  }
0x1e7: {  	v45 =	vld [tilespmem:s31+$0x0];
	s24 =	sand.u32 $0xF0, s30  }
0x1e8: {  	v46 =	vld [tilespmem:s24+$0x4100];
	v40, _, _ =	vpop (xrf0)  }
0x1e9: {  	v47 =	vld [tilespmem:s24+$0x4200];
	v40 =	vadd.s32 s23, v40  }
0x1ea: {  	v48 =	vld [tilespmem:s24+$0x4300];
	vm15 =	vlt.s32 v40, v33;
	v40 =	vxor.u32 $0x80000000, v40  }
0x1eb: {  	v49 =	vld [tilespmem:s24+$0x4400];
	(xrf0) =	vmax.scan.msk.u32 $0xffff, v40;
	v56 =	vsel vm15, $0x1, v1  }
0x1ec: {  	v39 =	vld [tilespmem:s24+$0x4500];
	v6 =	vnsel vm15, $0x0, v6;
	(xrf0) =	vadd.scan.msk.s32 $0xffff, v56  }
0x1ed: {  	v50 =	vld [tilespmem:s24+$0x4600];
	v34 =	vadd.s32 v45, v46;
	(xrf0) =	vadd.scan.msk.s32 $0xffff, v6  }
0x1ee: {  	v51 =	vld [tilespmem:s24+$0x4700];
	v34 =	vadd.s32 v47, v34  }
0x1ef: {  	v52 =	vld [tilespmem:s24+$0x4800];
	v34 =	vadd.s32 v48, v34  }
0x1f0: {  	v53 =	vld [tilespmem:s24+$0x4900];
	v34 =	vadd.s32 v49, v34  }
0x1f1: {  	v54 =	vld [tilespmem:s24+$0x4A00];
	v34 =	vadd.s32 v39, v34;
	v61, _, _ =	vpop (xrf0)  }
0x1f2: {  	v55 =	vld [tilespmem:s24+$0x4B00];
	v34 =	vadd.s32 v50, v34;
	v62, _, _ =	vpop (xrf0);
	(v2sf) =	vpush v61, $0xF  }
0x1f3: {  	v57 =	vld [tilespmem:s24+$0x4C00];
	v34 =	vadd.s32 v51, v34;
	(v2sf) =	vpush v62, $0xF;
	v63, _, _ =	vpop (xrf0)  }
0x1f4: {  	v58 =	vld [tilespmem:s24+$0x4D00];
	v34 =	vadd.s32 v52, v34;
	(v2sf) =	vpush v63, $0xF  }
0x1f5: {  	v59 =	vld [tilespmem:s24+$0x4E00];
	v6 =	vadd.s32 v53, v34  }
0x1f6: {  	v60 =	vld [tilespmem:s24+$0x4F00];
	v6 =	vadd.s32 v54, v6  }
0x1f7: {  	v6 =	vadd.s32 v55, v6  }
0x1f8: {  	v6 =	vadd.s32 v57, v6  }
0x1f9: {  	v6 =	vadd.s32 v58, v6  }
0x1fa: {  	v6 =	vadd.s32 v59, v6  }
0x1fb: {  	v6 =	vadd.s32 v60, v6  }
0x1fc: {  	(xrf0) =	vadd.scan.msk.s32 $0xffff, v6;
	_ =	sdelay $0x2  }
0x1fd: {  	s25 =	simm.s32 $0x20  }
0x1fe: {  	s28 =	simm.s32 $0x30;
	s26 =	simm.s32 $0x4020;
	s24 =	simm.s32 $0x0  }
.LBB2_33:
0x1ff: {  	p0 =	sne.s32 s28, $0xF0;
	v34 =	vld [tilespmem:s26+$0x0];
	s29 =	sand.u32 $0xF0, s25;
	s25 =	spop (v2sf)  }
0x200: {  	v35 =	vld [tilespmem:s29+$0x4100];
	v36, _, _ =	vpop (xrf0);
	s30 =	sxor.u32 $0x80000000, s25;
	s31 =	spop (v2sf);
	s25 =	smov.u32 s28  }
0x201: {  	v37 =	vld [tilespmem:s29+$0x4200];
	v36 =	vadd.s32 s30, v36;
	s23 =	sadd.s32 s23, s31;
	s30 =	spop (v2sf)  }
0x202: {  	v38 =	vld [tilespmem:s29+$0x4300];
	vm0 =	vlt.s32 v36, v33;
	v36 =	vxor.u32 $0x80000000, v36;
	s24 =	sadd.s32 s24, s30  }
0x203: {  	v39 =	vld [tilespmem:s29+$0x4400];
	v40 =	vsel vm0, $0x1, v1;
	v6 =	vnsel vm0, $0x0, v6;
	(xrf0) =	vmax.scan.msk.u32 $0xffff, v36  }
0x204: {  	v36 =	vld [tilespmem:s29+$0x4500];
	(xrf0) =	vadd.scan.msk.s32 $0xffff, v40  }
0x205: {  	v34 =	vadd.s32 v34, v35;
	v35 =	vld [tilespmem:s29+$0x4600];
	(xrf0) =	vadd.scan.msk.s32 $0xffff, v6  }
0x206: {  	v6 =	vadd.s32 v37, v34;
	v34 =	vld [tilespmem:s29+$0x4700]  }
0x207: {  	v6 =	vadd.s32 v38, v6;
	v37 =	vld [tilespmem:s29+$0x4800]  }
0x208: {  	v6 =	vadd.s32 v39, v6;
	v38 =	vld [tilespmem:s29+$0x4900]  }
0x209: {  	v6 =	vadd.s32 v36, v6;
	v36 =	vld [tilespmem:s29+$0x4A00];
	v39, _, _ =	vpop (xrf0)  }
0x20a: {  	v6 =	vadd.s32 v35, v6;
	v35 =	vld [tilespmem:s29+$0x4B00];
	v40, _, _ =	vpop (xrf0);
	(v2sf) =	vpush v39, $0xF  }
0x20b: {  	v6 =	vadd.s32 v34, v6;
	v34 =	vld [tilespmem:s29+$0x4C00];
	(v2sf) =	vpush v40, $0xF;
	v39, _, _ =	vpop (xrf0)  }
0x20c: {  	v6 =	vadd.s32 v37, v6;
	v37 =	vld [tilespmem:s29+$0x4D00];
	(v2sf) =	vpush v39, $0xF  }
0x20d: {  	v6 =	vadd.s32 v38, v6;
	v38 =	vld [tilespmem:s29+$0x4E00]  }
0x20e: {  	v6 =	vadd.s32 v36, v6;
	v36 =	vld [tilespmem:s29+$0x4F00]  }
0x20f: {  	v6 =	vadd.s32 v35, v6  }
0x210: {  	v6 =	vadd.s32 v34, v6  }
0x211: {  	v6 =	vadd.s32 v37, v6  }
0x212: {  	v6 =	vadd.s32 v38, v6  }
0x213: {  	v6 =	vadd.s32 v36, v6  }
.Ltmp17:
0x214: {  	(xrf0) =	vadd.scan.msk.s32 $0xffff, v6;
	(pc) =	sbr.rel @p0 .LBB2_33-.Ltmp17, $2  }
0x215: {  	_ =	sdelay $0x2  }
0x216: {  	s26 =	sadd.s32 $0x10, s26;
	s28 =	sadd.s32 $0x10, s28  }
0x217: {  	v34 =	vld [tilespmem:s26+$0x0];
	s25 =	sand.u32 $0xF0, s25;
	s30 =	spop (v2sf)  }
0x218: {  	v35 =	vld [tilespmem:s25+$0x4100];
	v36, _, _ =	vpop (xrf0);
	s26 =	sxor.u32 $0x80000000, s30  }
0x219: {  	v37 =	vld [tilespmem:s25+$0x4200];
	v36 =	vadd.s32 s26, v36  }
0x21a: {  	v38 =	vld [tilespmem:s25+$0x4300];
	v39 =	vxor.u32 $0x80000000, v36  }
0x21b: {  	v40 =	vld [tilespmem:s25+$0x4400];
	(xrf0) =	vmax.scan.msk.u32 $0xffff, v39  }
0x21c: {  	v58 =	vld [tilespmem:s25+$0x4500]  }
0x21d: {  	v59 =	vld [tilespmem:s25+$0x4600];
	v34 =	vadd.s32 v34, v35  }
0x21e: {  	v60 =	vld [tilespmem:s25+$0x4700];
	v34 =	vadd.s32 v37, v34  }
0x21f: {  	v61 =	vld [tilespmem:s25+$0x4800];
	v34 =	vadd.s32 v38, v34  }
0x220: {  	v62 =	vld [tilespmem:s25+$0x4900];
	v34 =	vadd.s32 v40, v34  }
0x221: {  	v63 =	vld [tilespmem:s25+$0x4A00];
	v34 =	vadd.s32 v58, v34;
	v41, _, _ =	vpop (xrf0)  }
0x222: {  	v44 =	vld [tilespmem:s25+$0x4B00];
	v34 =	vadd.s32 v59, v34;
	(v2sf) =	vpush v41, $0xF  }
0x223: {  	v45 =	vld [tilespmem:s25+$0x4C00];
	v34 =	vadd.s32 v60, v34  }
0x224: {  	v46 =	vld [tilespmem:s25+$0x4D00];
	v34 =	vadd.s32 v61, v34  }
0x225: {  	v47 =	vld [tilespmem:s25+$0x4E00];
	v34 =	vadd.s32 v62, v34  }
0x226: {  	v48 =	vld [tilespmem:s25+$0x4F00];
	v34 =	vadd.s32 v63, v34  }
0x227: {  	v34 =	vadd.s32 v44, v34  }
0x228: {  	vm0 =	vlt.s32 v36, v33;
	v34 =	vadd.s32 v45, v34  }
0x229: {  	v49 =	vsel vm0, $0x1, v1;
	v34 =	vadd.s32 v46, v34  }
0x22a: {  	v6 =	vnsel vm0, $0x0, v6;
	(xrf0) =	vadd.scan.msk.s32 $0xffff, v49;
	v34 =	vadd.s32 v47, v34  }
0x22b: {  	(xrf0) =	vadd.scan.msk.s32 $0xffff, v6;
	v6 =	vadd.s32 v48, v34  }
0x22c: {  	(xrf0) =	vadd.scan.msk.s32 $0xffff, v6;
	_ =	sdelay $0x2  }
0x22d: {  	s31 =	spop (v2sf)  }
0x22e: {  	s26 =	spop (v2sf);
	v50, _, _ =	vpop (xrf0)  }
0x22f: {  	v51, _, _ =	vpop (xrf0);
	s28 =	spop (v2sf)  }
0x230: {  	v52, _, _ =	vpop (xrf0);
	s28 =	sxor.u32 $0x80000000, s28  }
0x231: {  	v36 =	vadd.s32 s28, v52  }
0x232: {  	vm14 =	vlt.s32 v36, v33;
	v53 =	vxor.u32 $0x80000000, v36  }
0x233: {  	v54 =	vsel vm14, $0x1, v1;
	(xrf0) =	vmax.scan.msk.u32 $0xffff, v53  }
0x234: {  	(xrf0) =	vadd.scan.msk.s32 $0xffff, v54;
	_ =	sdelay $0x3  }
0x235: {  	(v2sf) =	vpush v50, $0xF  }
0x236: {  	(v2sf) =	vpush v51, $0xF;
	v33, _, _ =	vpop (xrf0)  }
0x237: {  	v55, _, _ =	vpop (xrf0);
	(v2sf) =	vpush v33, $0xF  }
0x238: {  	(v2sf) =	vpush v55, $0xF;
	_ =	sdelay $0x3  }
0x239: {  	v6 =	vnsel vm14, $0x0, v6  }
0x23a: {  	(xrf0) =	vadd.scan.msk.s32 $0xffff, v6;
	_ =	sdelay $0x5  }
0x23b: {  	v6, _, _ =	vpop (xrf0)  }
0x23c: {  	s28 =	spop (v2sf);
	(v2sf) =	vpush v6, $0xF  }
0x23d: {  	s30 =	simm.s32 $0x2000;
	s29 =	spop (v2sf)  }
0x23e: {  	s23 =	sadd.s32 s23, s31;
	v56 =	vld [tilespmem:s30+$0x0];
	s31 =	spop (v2sf)  }
0x23f: {  	s23 =	sadd.s32 s23, s28;
	s25 =	spop (v2sf)  }
0x240: {  	s22 =	sshll.u32 s22, $0x8;
	s23 =	sadd.s32 s23, s25  }
0x241: {  	s22 =	sor.u32 s22, s23  }
0x242: {  	v6 =	vmov s22  }
0x243: {  	vm15 =	veq.s32 v56, v6  }
0x244: {  	v57 =	vsel vm15, $0x1, v1  }
0x245: {  	(xrf0) =	vadd.scan.msk.s32 $0xffff, v57;
	_ =	sdelay $0x4  }
0x246: {  	s28 =	sadd.s32 s24, s26  }
0x247: {  	s19 =	sadd.s32 s20, s19;
	s22 =	sadd.s32 s28, s29;
	s29 =	spop (v2sf);
	v58, _, _ =	vpop (xrf0)  }
0x248: {  	s19 =	sadd.s32 s21, s19;
	s30 =	sadd.s32 s22, s29;
	(v2sf) =	vpush v58, $0xF  }
0x249: {  	s19 =	sadd.s32 s30, s19  }
0x24a: {  	s20 =	ssub.s32 $0x100, s19;
	s19 =	simm.s32 $0x0  }
0x24b: {  	v33 =	vmov s20;
	v59 =	vadd.s32 s19, v58  }
0x24c: {  	vm1 =	vle.s32 v59, v33  }
0x24d: {  	vm2 =	vlt.s32 v56, v6;
	vm0 =	vmand vm15, vm1  }
0x24e: {  	vm0 =	vmor vm2, vm0  }
0x24f: {  	v60 =	vsel vm0, $0x1, v1  }
0x250: {  	(xrf0) =	vadd.scan.msk.s32 $0xffff, v60;
	_ =	sdelay $0x2  }
0x251: {  	v61 =	vmov s19  }
0x252: {  	v35 =	vadd.s32 $0xFFFFFFFF, v61  }
0x253: {  	v35 =	vbroadcast v35, $0x0  }
0x254: {  	v62, _, _ =	vpop (xrf0)  }
0x255: {  	v35 =	vadd.s32 v62, v35;
	s31 =	spop (v2sf);
	(v2sf) =	vpush v62, $0xF;
	_ =	sdelay $0x4  }
0x256: {  	v63 =	vor.u32 s19, v0;
	[tilespmem:v35+s10+$0x0] =	vst.idx.msk vm0, v56  }
0x257: {  	s22 =	simm.s32 $0x2010;
	[tilespmem:v35+s13+$0x0] =	vst.idx.msk vm0, v63  }
0x258: {  	s23 =	simm.s32 $0x20;
	s20 =	simm.s32 $0x10;
	s21 =	sadd.s32 $0x0, s31;
	v34 =	vld [tilespmem:s22+$0x0]  }
.LBB2_35:
0x259: {  	p0 =	sne.s32 s23, $0x1FF0;
	_ =	sdelay $0x3  }
0x25a: {  	vm0 =	vlt.s32 v34, v6;
	vm1 =	veq.s32 v34, v6  }
0x25b: {  	v35 =	vsel vm1, $0x1, v1  }
0x25c: {  	(xrf0) =	vadd.scan.msk.s32 $0xffff, v35  }
0x25d: {  	s24 =	spop (v2sf)  }
0x25e: {  	s19 =	sadd.s32 s19, s24  }
0x25f: {  	v35 =	vmov s19  }
0x260: {  	v35 =	vadd.s32 $0xFFFFFFFF, v35  }
0x261: {  	v35 =	vbroadcast v35, $0x0  }
0x262: {  	v36, _, _ =	vpop (xrf0)  }
0x263: {  	v37 =	vadd.s32 s21, v36;
	(v2sf) =	vpush v36, $0xF  }
0x264: {  	vm2 =	vle.s32 v37, v33  }
0x265: {  	vm1 =	vmand vm1, vm2  }
0x266: {  	vm0 =	vmor vm0, vm1  }
0x267: {  	v36 =	vsel vm0, $0x1, v1  }
0x268: {  	(xrf0) =	vadd.scan.msk.s32 $0xffff, v36;
	_ =	sdelay $0x5  }
0x269: {  	v36, _, _ =	vpop (xrf0)  }
0x26a: {  	v35 =	vadd.s32 v36, v35;
	(v2sf) =	vpush v36, $0xF;
	_ =	sdelay $0x2  }
.Ltmp18:
0x26b: {  	s24 =	spop (v2sf);
	(pc) =	sbr.rel @p0 .LBB2_35-.Ltmp18, $4  }
0x26c: {  	s21 =	sadd.s32 s21, s24  }
0x26d: {  	v36 =	vor.u32 s20, v0;
	s20 =	smov.u32 s23;
	[tilespmem:v35+s10+$0x0] =	vst.idx.msk vm0, v34  }
0x26e: {  	s22 =	sadd.s32 $0x10, s22;
	[tilespmem:v35+s13+$0x0] =	vst.idx.msk vm0, v36  }
0x26f: {  	s23 =	sadd.s32 $0x10, s23;
	v34 =	vld [tilespmem:s22+$0x0]  }
0x270: {  	_ =	sdelay $0x3  }
0x271: {  	vm0 =	veq.s32 v34, v6  }
0x272: {  	v35 =	vsel vm0, $0x1, v1  }
0x273: {  	(xrf0) =	vadd.scan.msk.s32 $0xffff, v35;
	_ =	sdelay $0x5  }
0x274: {  	v35, _, _ =	vpop (xrf0)  }
0x275: {  	v36 =	vadd.s32 s21, v35  }
0x276: {  	vm1 =	vle.s32 v36, v33  }
0x277: {  	vm2 =	vlt.s32 v34, v6;
	vm0 =	vmand vm0, vm1  }
0x278: {  	(v2sf) =	vpush v35, $0xF;
	vm0 =	vmor vm2, vm0  }
0x279: {  	v6 =	vsel vm0, $0x1, v1  }
0x27a: {  	(xrf0) =	vadd.scan.msk.s32 $0xffff, v6  }
0x27b: {  	s25 =	spop (v2sf)  }
0x27c: {  	s19 =	sadd.s32 s19, s25  }
0x27d: {  	v6 =	vmov s19  }
0x27e: {  	v6 =	vadd.s32 $0xFFFFFFFF, v6  }
0x27f: {  	v6 =	vbroadcast v6, $0x0  }
0x280: {  	v54, _, _ =	vpop (xrf0)  }
0x281: {  	v6 =	vadd.s32 v54, v6;
	_ =	sdelay $0x4  }
0x282: {  	v55 =	vor.u32 s20, v0;
	[tilespmem:v6+s10+$0x0] =	vst.idx.msk vm0, v34  }
0x283: {  	(v2sf) =	vpush v54, $0xF;
	s26 =	spop (v2sf);
	[tilespmem:v6+s13+$0x0] =	vst.idx.msk vm0, v55  }
0x284: {  	v6 =	vld [tilespmem:$0x5000]  }
0x285: {  	v56 =	vld [tilespmem:$0x5010]  }
0x286: {  	v57 =	vld [tilespmem:$0x5020]  }
0x287: {  	v58 =	vld [tilespmem:$0x5030]  }
0x288: {  	v59 =	vld [tilespmem:$0x5040]  }
0x289: {  	v37 =	vld [tilespmem:$0x5050]  }
0x28a: {  	v38 =	vld [tilespmem:$0x5060]  }
0x28b: {  	v39 =	vld [tilespmem:$0x5070]  }
0x28c: {  	v40 =	vld [tilespmem:$0x5080]  }
0x28d: {  	v41 =	vld [tilespmem:$0x5090]  }
0x28e: {  	v42 =	vld [tilespmem:$0x50A0]  }
0x28f: {  	v43 =	vld [tilespmem:$0x50B0]  }
0x290: {  	v44 =	vld [tilespmem:$0x50C0]  }
0x291: {  	v45 =	vld [tilespmem:$0x50D0]  }
0x292: {  	v46 =	vld [tilespmem:$0x50E0]  }
0x293: {  	v47 =	vld [tilespmem:$0x50F0]  }
0x294: {  	v48 =	vld [tilespmem:$0x5100]  }
0x295: {  	v49 =	vld [tilespmem:$0x5110]  }
0x296: {  	v50 =	vld [tilespmem:$0x5120]  }
0x297: {  	v51 =	vld [tilespmem:$0x5130]  }
0x298: {  	v52 =	vld [tilespmem:$0x5140];
	v6 =	vxor.u32 $0x80000000, v6  }
0x299: {  	v53 =	vld [tilespmem:$0x5150];
	(xrf1) =	vsort.ascd.msk.u32 $0xffff, v6, v48;
	v6 =	vxor.u32 $0x80000000, v56  }
0x29a: {  	v60 =	vld [tilespmem:$0x5160];
	(xrf1) =	vsort.ascd.msk.u32 $0xffff, v6, v49;
	v6 =	vxor.u32 $0x80000000, v57  }
0x29b: {  	v61 =	vld [tilespmem:$0x5170];
	(xrf1) =	vsort.ascd.msk.u32 $0xffff, v6, v50;
	v6 =	vxor.u32 $0x80000000, v58  }
0x29c: {  	v62 =	vld [tilespmem:$0x5180];
	(xrf1) =	vsort.ascd.msk.u32 $0xffff, v6, v51;
	v6 =	vxor.u32 $0x80000000, v59  }
0x29d: {  	v63 =	vld [tilespmem:$0x5190];
	(xrf1) =	vsort.ascd.msk.u32 $0xffff, v6, v52;
	v6 =	vxor.u32 $0x80000000, v37  }
0x29e: {  	v48 =	vld [tilespmem:$0x51A0];
	(xrf1) =	vsort.ascd.msk.u32 $0xffff, v6, v53;
	v6 =	vxor.u32 $0x80000000, v38  }
0x29f: {  	v49 =	vld [tilespmem:$0x51B0];
	(xrf1) =	vsort.ascd.msk.u32 $0xffff, v6, v60;
	v6 =	vxor.u32 $0x80000000, v39  }
0x2a0: {  	v50 =	vld [tilespmem:$0x51C0];
	(xrf1) =	vsort.ascd.msk.u32 $0xffff, v6, v61;
	v6 =	vxor.u32 $0x80000000, v40  }
0x2a1: {  	v51 =	vld [tilespmem:$0x51D0];
	(xrf1) =	vsort.ascd.msk.u32 $0xffff, v6, v62;
	v6 =	vxor.u32 $0x80000000, v41  }
0x2a2: {  	v52 =	vld [tilespmem:$0x51E0];
	(xrf1) =	vsort.ascd.msk.u32 $0xffff, v6, v63;
	v6 =	vxor.u32 $0x80000000, v42  }
0x2a3: {  	(xrf1) =	vsort.ascd.msk.u32 $0xffff, v6, v48;
	v6 =	vxor.u32 $0x80000000, v43  }
0x2a4: {  	(xrf1) =	vsort.ascd.msk.u32 $0xffff, v6, v49;
	v6 =	vxor.u32 $0x80000000, v44  }
0x2a5: {  	v53 =	vld [tilespmem:$0x51F0];
	(xrf1) =	vsort.ascd.msk.u32 $0xffff, v6, v50;
	v6 =	vxor.u32 $0x80000000, v45  }
0x2a6: {  	(xrf1) =	vsort.ascd.msk.u32 $0xffff, v6, v51;
	v6 =	vxor.u32 $0x80000000, v46  }
0x2a7: {  	v54, v34, _ =	vpop (xrf1);
	(xrf1) =	vsort.ascd.msk.u32 $0xffff, v6, v52;
	v6 =	vxor.u32 $0x80000000, v47;
	_ =	sdelay $0x1  }
0x2a8: {  	v55, v37, _ =	vpop (xrf1)  }
0x2a9: {  	(xrf1) =	vsort.ascd.msk.u32 $0xffff, v6, v53;
	v6, v36, _ =	vpop (xrf1)  }
0x2aa: {  	v56, v39, _ =	vpop (xrf1)  }
0x2ab: {  	v35 =	vxor.u32 $0x80000000, v55;
	v57, v41, _ =	vpop (xrf1)  }
0x2ac: {  	v33 =	vxor.u32 $0x80000000, v54;
	v35 =	vperm.xlane v35, v5;
	v58, v43, _ =	vpop (xrf1)  }
0x2ad: {  	v37 =	vperm.xlane v37, v5;
	v6 =	vxor.u32 $0x80000000, v6;
	v38 =	vxor.u32 $0x80000000, v56;
	v59, v45, _ =	vpop (xrf1)  }
0x2ae: {  	vm4 =	vgt.s32 v33, v35;
	v39 =	vperm.xlane v39, v5;
	v40 =	vxor.u32 $0x80000000, v57;
	v60, v47, _ =	vpop (xrf1)  }
0x2af: {  	v38 =	vperm.xlane v38, v5;
	v7 =	vsel vm4, v35, v33;
	v33 =	vsel vm4, v33, v35;
	v61, v49, _ =	vpop (xrf1)  }
0x2b0: {  	v35 =	vsel vm4, v37, v34;
	v34 =	vsel vm4, v34, v37;
	v42 =	vxor.u32 $0x80000000, v58;
	v62, v51, _ =	vpop (xrf1)  }
0x2b1: {  	v7 =	vxor.u32 $0x80000000, v7;
	v44 =	vxor.u32 $0x80000000, v59;
	v42 =	vperm.xlane v42, v5;
	v63, v53, _ =	vpop (xrf1)  }
0x2b2: {  	vm5 =	vgt.s32 v6, v38;
	v46 =	vxor.u32 $0x80000000, v60;
	v50 =	vxor.u32 $0x80000000, v62;
	v54, v55, _ =	vpop (xrf1)  }
0x2b3: {  	v48 =	vxor.u32 $0x80000000, v61;
	vm6 =	vgt.s32 v40, v42;
	v50 =	vperm.xlane v50, v5;
	v56, v57, _ =	vpop (xrf1)  }
0x2b4: {  	v52 =	vxor.u32 $0x80000000, v63;
	v54 =	vxor.u32 $0x80000000, v54;
	v58, v59, _ =	vpop (xrf1);
	v56 =	vxor.u32 $0x80000000, v56  }
0x2b5: {  	vm8 =	vgt.s32 v48, v50;
	v60, v61, _ =	vpop (xrf1);
	v58 =	vxor.u32 $0x80000000, v58;
	(xrf1) =	vsort.ascd.msk.u32 $0xffff, v7, v35;
	v7 =	vxor.u32 $0x80000000, v33  }
0x2b6: {  	v33 =	vsel vm5, v38, v6;
	v6 =	vsel vm5, v6, v38;
	v35 =	vsel vm5, v39, v36  }
0x2b7: {  	v60 =	vxor.u32 $0x80000000, v60;
	v62, v63, _ =	vpop (xrf1);
	(xrf1) =	vsort.ascd.msk.u32 $0xffff, v7, v34;
	v7 =	vsel vm5, v36, v39;
	v33 =	vxor.u32 $0x80000000, v33  }
0x2b8: {  	v34 =	vperm.xlane v43, v5;
	v6 =	vxor.u32 $0x80000000, v6;
	(xrf1) =	vsort.ascd.msk.u32 $0xffff, v33, v35;
	v33 =	vperm.xlane v46, v5  }
0x2b9: {  	v46 =	vsel vm6, v42, v40;
	v42 =	vsel vm6, v40, v42;
	v40 =	vperm.xlane v51, v5  }
0x2ba: {  	v43 =	vsel vm6, v34, v41;
	(xrf1) =	vsort.ascd.msk.u32 $0xffff, v6, v7;
	v6 =	vxor.u32 $0x80000000, v46;
	v7 =	vperm.xlane v47, v5  }
0x2bb: {  	v34 =	vsel vm6, v41, v34;
	v41 =	vperm.xlane v54, v5;
	vm7 =	vgt.s32 v44, v33  }
0x2bc: {  	(xrf1) =	vsort.ascd.msk.u32 $0xffff, v6, v43;
	v6 =	vxor.u32 $0x80000000, v42;
	v42 =	vsel vm8, v50, v48;
	v43 =	vsel vm8, v48, v50  }
0x2bd: {  	v48 =	vperm.xlane v59, v5;
	v46 =	vsel vm7, v33, v44;
	v33 =	vsel vm7, v44, v33  }
0x2be: {  	v62 =	vxor.u32 $0x80000000, v62;
	v47 =	vsel vm7, v7, v45;
	(xrf1) =	vsort.ascd.msk.u32 $0xffff, v6, v34;
	v6 =	vsel vm7, v45, v7  }
0x2bf: {  	v44 =	vsel vm8, v40, v49;
	vm9 =	vgt.s32 v52, v41;
	v7 =	vxor.u32 $0x80000000, v46  }
0x2c0: {  	v34 =	vsel vm8, v49, v40;
	(xrf1) =	vsort.ascd.msk.u32 $0xffff, v7, v47;
	v7 =	vxor.u32 $0x80000000, v33;
	v47 =	vperm.xlane v58, v5  }
0x2c1: {  	v45 =	vsel vm9, v41, v52;
	(xrf1) =	vsort.ascd.msk.u32 $0xffff, v7, v6;
	v6 =	vxor.u32 $0x80000000, v42;
	v7 =	vperm.xlane v55, v5  }
0x2c2: {  	v33 =	vsel vm9, v52, v41;
	(xrf1) =	vsort.ascd.msk.u32 $0xffff, v6, v44;
	v6 =	vxor.u32 $0x80000000, v43;
	vm10 =	vgt.s32 v56, v47  }
0x2c3: {  	v46 =	vsel vm9, v7, v53;
	(xrf1) =	vsort.ascd.msk.u32 $0xffff, v6, v34;
	v6 =	vsel vm9, v53, v7;
	v7 =	vxor.u32 $0x80000000, v45  }
0x2c4: {  	v49 =	vperm.xlane v62, v5;
	v50 =	vsel vm10, v47, v56;
	(xrf1) =	vsort.ascd.msk.u32 $0xffff, v7, v46;
	v7 =	vxor.u32 $0x80000000, v33  }
0x2c5: {  	v51 =	vsel vm10, v56, v47;
	v52 =	vsel vm10, v48, v57;
	(xrf1) =	vsort.ascd.msk.u32 $0xffff, v7, v6;
	v6 =	vxor.u32 $0x80000000, v50  }
0x2c6: {  	v34 =	vsel vm10, v57, v48;
	v7 =	vperm.xlane v63, v5;
	(xrf1) =	vsort.ascd.msk.u32 $0xffff, v6, v52;
	v6 =	vxor.u32 $0x80000000, v51  }
0x2c7: {  	vm11 =	vgt.s32 v60, v49;
	(xrf1) =	vsort.ascd.msk.u32 $0xffff, v6, v34  }
0x2c8: {  	v6 =	vsel vm11, v60, v49;
	v54 =	vsel vm11, v7, v61;
	v7 =	vsel vm11, v61, v7  }
0x2c9: {  	v53 =	vsel vm11, v49, v60;
	v6 =	vxor.u32 $0x80000000, v6  }
0x2ca: {  	v55 =	vxor.u32 $0x80000000, v53;
	v56, v36, _ =	vpop (xrf1)  }
0x2cb: {  	(xrf1) =	vsort.ascd.msk.u32 $0xffff, v55, v54;
	v33, v34, _ =	vpop (xrf1)  }
0x2cc: {  	(xrf1) =	vsort.ascd.msk.u32 $0xffff, v6, v7;
	v6, v7, _ =	vpop (xrf1)  }
0x2cd: {  	v57, v38, _ =	vpop (xrf1)  }
0x2ce: {  	v35 =	vxor.u32 $0x80000000, v56;
	v58, v40, _ =	vpop (xrf1)  }
0x2cf: {  	v6 =	vxor.u32 $0x80000000, v6;
	v7 =	vperm.xlane v7, v5;
	v37 =	vxor.u32 $0x80000000, v57;
	v59, v42, _ =	vpop (xrf1)  }
0x2d0: {  	v33 =	vxor.u32 $0x80000000, v33;
	v6 =	vperm.xlane v6, v5;
	v37 =	vperm.xlane v37, v5;
	v43, v44, _ =	vpop (xrf1)  }
0x2d1: {  	v38 =	vperm.xlane v38, v5;
	v39 =	vxor.u32 $0x80000000, v58;
	v41 =	vxor.u32 $0x80000000, v59;
	v45, v46, _ =	vpop (xrf1)  }
0x2d2: {  	vm13 =	vgt.s32 v33, v6;
	v43 =	vxor.u32 $0x80000000, v43;
	vm12 =	vgt.s32 v35, v37;
	v63, v48, _ =	vpop (xrf1)  }
0x2d3: {  	v45 =	vxor.u32 $0x80000000, v45;
	v43 =	vperm.xlane v43, v5;
	v47 =	vxor.u32 $0x80000000, v63  }
0x2d4: {  	v63 =	vsel vm12, v37, v35;
	v35 =	vsel vm12, v35, v37;
	v37 =	vsel vm12, v38, v36  }
0x2d5: {  	v60, v50, _ =	vpop (xrf1);
	v36 =	vsel vm12, v36, v38;
	v38 =	vsel vm13, v6, v33;
	v6 =	vsel vm13, v33, v6  }
0x2d6: {  	v33 =	vsel vm13, v7, v34;
	v7 =	vsel vm13, v34, v7;
	v49 =	vxor.u32 $0x80000000, v60  }
0x2d7: {  	v61, v52, _ =	vpop (xrf1);
	vm14 =	vgt.s32 v63, v38;
	vm15 =	vgt.s32 v35, v6;
	vm5 =	vgt.s32 v41, v43  }
0x2d8: {  	v51 =	vxor.u32 $0x80000000, v61;
	v34 =	vsel vm14, v38, v63;
	v38 =	vsel vm14, v63, v38  }
0x2d9: {  	v62, v54, _ =	vpop (xrf1);
	v63 =	vsel vm14, v33, v37;
	v33 =	vsel vm14, v37, v33;
	v37 =	vsel vm15, v6, v35  }
0x2da: {  	v6 =	vsel vm15, v35, v6;
	v35 =	vsel vm15, v7, v36;
	v7 =	vsel vm15, v36, v7;
	v55, v56, _ =	vpop (xrf1)  }
0x2db: {  	v53 =	vxor.u32 $0x80000000, v62;
	v34 =	vxor.u32 $0x80000000, v34;
	v37 =	vxor.u32 $0x80000000, v37;
	v57, v58, _ =	vpop (xrf1)  }
0x2dc: {  	v6 =	vxor.u32 $0x80000000, v6;
	v59, v60, _ =	vpop (xrf1);
	(xrf1) =	vsort.ascd.msk.u32 $0xffff, v34, v63;
	v63 =	vxor.u32 $0x80000000, v38;
	v38 =	vperm.xlane v45, v5  }
0x2dd: {  	v45 =	vperm.xlane v46, v5;
	v46 =	vperm.xlane v44, v5;
	v44 =	vsel vm5, v43, v41  }
0x2de: {  	v55 =	vxor.u32 $0x80000000, v55;
	v34 =	vsel vm5, v41, v43;
	v43 =	vperm.xlane v53, v5;
	v61, v62, _ =	vpop (xrf1);
	(xrf1) =	vsort.ascd.msk.u32 $0xffff, v63, v33  }
0x2df: {  	v57 =	vxor.u32 $0x80000000, v57;
	v59 =	vxor.u32 $0x80000000, v59;
	(xrf1) =	vsort.ascd.msk.u32 $0xffff, v37, v35;
	vm4 =	vgt.s32 v39, v38  }
0x2e0: {  	v35 =	vsel vm5, v42, v46;
	vm8 =	vgt.s32 v47, v43;
	v63 =	vsel vm4, v38, v39  }
0x2e1: {  	v37 =	vsel vm4, v39, v38;
	v38 =	vsel vm4, v45, v40;
	v33 =	vsel vm4, v40, v45  }
0x2e2: {  	v61 =	vxor.u32 $0x80000000, v61;
	v45 =	vsel vm5, v46, v42;
	(xrf1) =	vsort.ascd.msk.u32 $0xffff, v6, v7;
	vm6 =	vgt.s32 v63, v44  }
0x2e3: {  	vm7 =	vgt.s32 v37, v34;
	v46 =	vsel vm6, v44, v63;
	v36 =	vsel vm6, v63, v44  }
0x2e4: {  	v63 =	vsel vm6, v45, v38;
	v6 =	vsel vm6, v38, v45;
	v7 =	vsel vm7, v34, v37  }
0x2e5: {  	v34 =	vsel vm7, v37, v34;
	v44 =	vsel vm7, v35, v33;
	v42 =	vxor.u32 $0x80000000, v46  }
0x2e6: {  	v33 =	vsel vm7, v33, v35;
	v45 =	vperm.xlane v54, v5;
	v36 =	vxor.u32 $0x80000000, v36;
	(xrf1) =	vsort.ascd.msk.u32 $0xffff, v42, v63  }
0x2e7: {  	v37 =	vsel vm8, v47, v43;
	(xrf1) =	vsort.ascd.msk.u32 $0xffff, v36, v6;
	v6 =	vxor.u32 $0x80000000, v7;
	v7 =	vperm.xlane v51, v5  }
0x2e8: {  	v46 =	vperm.xlane v52, v5;
	v52 =	vsel vm8, v45, v48;
	v35 =	vsel vm8, v48, v45  }
0x2e9: {  	v51 =	vsel vm8, v43, v47;
	(xrf1) =	vsort.ascd.msk.u32 $0xffff, v6, v44;
	v6 =	vxor.u32 $0x80000000, v34;
	vm9 =	vgt.s32 v49, v7  }
0x2ea: {  	v53 =	vsel vm9, v7, v49;
	v7 =	vsel vm9, v49, v7;
	v54 =	vsel vm9, v46, v50  }
0x2eb: {  	v34 =	vsel vm9, v50, v46;
	v49 =	vperm.xlane v61, v5;
	vm10 =	vgt.s32 v51, v53  }
0x2ec: {  	v50 =	vperm.xlane v62, v5;
	vm11 =	vgt.s32 v37, v7;
	v63 =	vsel vm10, v53, v51  }
0x2ed: {  	(xrf1) =	vsort.ascd.msk.u32 $0xffff, v6, v33;
	v36 =	vsel vm10, v51, v53;
	v44 =	vsel vm10, v54, v52;
	v45 =	vxor.u32 $0x80000000, v63  }
0x2ee: {  	v6 =	vsel vm10, v52, v54;
	v46 =	vsel vm11, v7, v37;
	v47 =	vxor.u32 $0x80000000, v36;
	(xrf1) =	vsort.ascd.msk.u32 $0xffff, v45, v44  }
0x2ef: {  	v7 =	vsel vm11, v37, v7;
	v48 =	vsel vm11, v34, v35;
	(xrf1) =	vsort.ascd.msk.u32 $0xffff, v47, v6;
	v6 =	vxor.u32 $0x80000000, v46  }
0x2f0: {  	vm12 =	vgt.s32 v55, v49;
	(xrf1) =	vsort.ascd.msk.u32 $0xffff, v6, v48;
	v6 =	vxor.u32 $0x80000000, v7;
	v7 =	vperm.xlane v59, v5  }
0x2f1: {  	v34 =	vsel vm11, v35, v34;
	v51 =	vperm.xlane v60, v5;
	v52 =	vsel vm12, v49, v55  }
0x2f2: {  	v33 =	vsel vm12, v55, v49;
	v53 =	vsel vm12, v50, v56;
	vm13 =	vgt.s32 v57, v7  }
0x2f3: {  	v35 =	vsel vm12, v56, v50;
	v54 =	vsel vm13, v7, v57;
	v7 =	vsel vm13, v57, v7  }
0x2f4: {  	v55 =	vsel vm13, v51, v58;
	v36 =	vsel vm13, v58, v51;
	vm14 =	vgt.s32 v52, v54  }
0x2f5: {  	vm15 =	vgt.s32 v33, v7;
	v56 =	vsel vm14, v54, v52;
	v37 =	vsel vm14, v52, v54  }
0x2f6: {  	(xrf1) =	vsort.ascd.msk.u32 $0xffff, v6, v34;
	v6 =	vsel vm14, v55, v53;
	v38 =	vsel vm14, v53, v55;
	v57 =	vxor.u32 $0x80000000, v56  }
0x2f7: {  	v58 =	vsel vm15, v7, v33;
	v7 =	vsel vm15, v33, v7;
	(xrf1) =	vsort.ascd.msk.u32 $0xffff, v57, v6;
	v6 =	vxor.u32 $0x80000000, v37  }
0x2f8: {  	v59 =	vsel vm15, v36, v35;
	v35 =	vsel vm15, v35, v36;
	(xrf1) =	vsort.ascd.msk.u32 $0xffff, v6, v38;
	v6 =	vxor.u32 $0x80000000, v58  }
0x2f9: {  	v60, v37, _ =	vpop (xrf1);
	(xrf1) =	vsort.ascd.msk.u32 $0xffff, v6, v59;
	v6 =	vxor.u32 $0x80000000, v7;
	_ =	sdelay $0x1  }
0x2fa: {  	v7, v33, _ =	vpop (xrf1)  }
0x2fb: {  	(xrf1) =	vsort.ascd.msk.u32 $0xffff, v6, v35;
	v6, v35, _ =	vpop (xrf1)  }
0x2fc: {  	v61, v38, _ =	vpop (xrf1)  }
0x2fd: {  	v62, v40, _ =	vpop (xrf1)  }
0x2fe: {  	v63, v42, _ =	vpop (xrf1)  }
0x2ff: {  	v34 =	vxor.u32 $0x80000000, v60;
	v7 =	vxor.u32 $0x80000000, v7;
	v6 =	vxor.u32 $0x80000000, v6;
	v56, v44, _ =	vpop (xrf1)  }
0x300: {  	v36 =	vxor.u32 $0x80000000, v61;
	v39 =	vxor.u32 $0x80000000, v62;
	v40 =	vperm.xlane v40, v5;
	v57, v46, _ =	vpop (xrf1)  }
0x301: {  	v41 =	vxor.u32 $0x80000000, v63;
	v39 =	vperm.xlane v39, v5;
	v42 =	vperm.xlane v42, v5;
	v58, v48, _ =	vpop (xrf1)  }
0x302: {  	v43 =	vxor.u32 $0x80000000, v56;
	v41 =	vperm.xlane v41, v5;
	v44 =	vperm.xlane v44, v5;
	v59, v50, _ =	vpop (xrf1)  }
0x303: {  	v45 =	vxor.u32 $0x80000000, v57;
	v43 =	vperm.xlane v43, v5;
	v46 =	vperm.xlane v46, v5;
	v60, v52, _ =	vpop (xrf1)  }
0x304: {  	vm7 =	vgt.s32 v36, v39;
	v47 =	vxor.u32 $0x80000000, v58;
	v45 =	vperm.xlane v45, v5;
	v61, v54, _ =	vpop (xrf1)  }
0x305: {  	vm6 =	vgt.s32 v6, v41;
	v49 =	vxor.u32 $0x80000000, v59;
	vm5 =	vgt.s32 v7, v43;
	v62, v56, _ =	vpop (xrf1)  }
0x306: {  	v51 =	vxor.u32 $0x80000000, v60;
	vm4 =	vgt.s32 v34, v45;
	v53 =	vxor.u32 $0x80000000, v61;
	v63, v58, _ =	vpop (xrf1)  }
0x307: {  	v55 =	vxor.u32 $0x80000000, v62;
	v57 =	vxor.u32 $0x80000000, v63;
	v63 =	vsel vm4, v45, v34  }
0x308: {  	v34 =	vsel vm4, v34, v45;
	v45 =	vsel vm4, v46, v37;
	v37 =	vsel vm4, v37, v46  }
0x309: {  	v46 =	vsel vm5, v43, v7;
	v7 =	vsel vm5, v7, v43;
	v43 =	vsel vm5, v44, v33  }
0x30a: {  	v33 =	vsel vm5, v33, v44;
	v44 =	vsel vm6, v41, v6;
	v6 =	vsel vm6, v6, v41  }
0x30b: {  	v41 =	vsel vm6, v42, v35;
	v35 =	vsel vm6, v35, v42;
	v42 =	vsel vm7, v39, v36  }
0x30c: {  	v59, v60, _ =	vpop (xrf1);
	v36 =	vsel vm7, v36, v39;
	v39 =	vsel vm7, v40, v38;
	v38 =	vsel vm7, v38, v40  }
0x30d: {  	v59 =	vxor.u32 $0x80000000, v59;
	v61, v62, _ =	vpop (xrf1);
	vm8 =	vgt.s32 v63, v44;
	vm9 =	vgt.s32 v46, v42  }
0x30e: {  	vm10 =	vgt.s32 v34, v6;
	vm11 =	vgt.s32 v7, v36;
	v61 =	vxor.u32 $0x80000000, v61  }
0x30f: {  	v40 =	vsel vm8, v44, v63;
	v44 =	vsel vm8, v63, v44;
	v63 =	vsel vm8, v41, v45  }
0x310: {  	v41 =	vsel vm8, v45, v41;
	v45 =	vsel vm9, v42, v46;
	v42 =	vsel vm9, v46, v42  }
0x311: {  	v46 =	vsel vm9, v39, v43;
	v39 =	vsel vm9, v43, v39;
	v43 =	vsel vm10, v6, v34  }
0x312: {  	v6 =	vsel vm10, v34, v6;
	v34 =	vsel vm10, v35, v37;
	v35 =	vsel vm10, v37, v35  }
0x313: {  	v37 =	vsel vm11, v36, v7;
	v7 =	vsel vm11, v7, v36;
	v36 =	vsel vm11, v38, v33  }
0x314: {  	v33 =	vsel vm11, v33, v38;
	v62 =	vperm.xlane v62, v5;
	vm12 =	vgt.s32 v40, v45  }
0x315: {  	vm13 =	vgt.s32 v44, v42;
	vm14 =	vgt.s32 v43, v37;
	vm15 =	vgt.s32 v6, v7  }
0x316: {  	v38 =	vsel vm12, v45, v40;
	v40 =	vsel vm12, v40, v45;
	v45 =	vsel vm12, v46, v63  }
0x317: {  	v46 =	vsel vm12, v63, v46;
	v63 =	vsel vm13, v42, v44;
	v42 =	vsel vm13, v44, v42  }
0x318: {  	v44 =	vsel vm13, v39, v41;
	v39 =	vsel vm13, v41, v39;
	v41 =	vsel vm14, v37, v43  }
0x319: {  	v37 =	vsel vm14, v43, v37;
	v38 =	vxor.u32 $0x80000000, v38;
	v42 =	vxor.u32 $0x80000000, v42  }
0x31a: {  	(xrf1) =	vsort.ascd.msk.u32 $0xffff, v38, v45;
	v38 =	vxor.u32 $0x80000000, v40;
	v45 =	vsel vm14, v36, v34;
	v34 =	vsel vm14, v34, v36  }
0x31b: {  	v36 =	vperm.xlane v57, v5;
	v57 =	vperm.xlane v56, v5;
	(xrf1) =	vsort.ascd.msk.u32 $0xffff, v38, v46;
	v46 =	vxor.u32 $0x80000000, v63  }
0x31c: {  	v43 =	vxor.u32 $0x80000000, v41;
	v63 =	vsel vm15, v7, v6;
	v6 =	vsel vm15, v6, v7;
	(xrf1) =	vsort.ascd.msk.u32 $0xffff, v46, v44  }
0x31d: {  	v7 =	vsel vm15, v33, v35;
	v33 =	vsel vm15, v35, v33;
	v44 =	vxor.u32 $0x80000000, v37;
	(xrf1) =	vsort.ascd.msk.u32 $0xffff, v42, v39  }
0x31e: {  	v46 =	vxor.u32 $0x80000000, v63;
	v63 =	vperm.xlane v60, v5;
	(xrf1) =	vsort.ascd.msk.u32 $0xffff, v43, v45;
	v45 =	vperm.xlane v61, v5  }
0x31f: {  	vm6 =	vgt.s32 v51, v36;
	v61 =	vperm.xlane v59, v5;
	(xrf1) =	vsort.ascd.msk.u32 $0xffff, v44, v34  }
0x320: {  	v6 =	vxor.u32 $0x80000000, v6;
	(xrf1) =	vsort.ascd.msk.u32 $0xffff, v46, v7;
	v7 =	vperm.xlane v55, v5;
	vm4 =	vgt.s32 v47, v45  }
0x321: {  	v55 =	vperm.xlane v58, v5;
	vm5 =	vgt.s32 v49, v61;
	v58 =	vsel vm4, v45, v47  }
0x322: {  	v37 =	vsel vm4, v47, v45;
	v59 =	vsel vm4, v62, v48;
	v34 =	vsel vm4, v48, v62  }
0x323: {  	v60 =	vsel vm5, v61, v49;
	v35 =	vsel vm5, v49, v61;
	v61 =	vsel vm5, v63, v50  }
0x324: {  	v38 =	vsel vm5, v50, v63;
	v62 =	vsel vm6, v36, v51;
	v36 =	vsel vm6, v51, v36  }
0x325: {  	v63 =	vsel vm6, v55, v52;
	vm7 =	vgt.s32 v53, v7;
	v39 =	vsel vm6, v52, v55  }
0x326: {  	vm8 =	vgt.s32 v58, v62;
	vm10 =	vgt.s32 v37, v36;
	v52 =	vsel vm7, v7, v53  }
0x327: {  	v7 =	vsel vm7, v53, v7;
	v55 =	vsel vm7, v57, v54;
	v40 =	vsel vm7, v54, v57  }
0x328: {  	v56 =	vsel vm8, v62, v58;
	v41 =	vsel vm8, v58, v62;
	v57 =	vsel vm8, v63, v59  }
0x329: {  	v42 =	vsel vm8, v59, v63;
	vm9 =	vgt.s32 v60, v52;
	vm11 =	vgt.s32 v35, v7  }
0x32a: {  	v58 =	vsel vm9, v52, v60;
	v43 =	vsel vm9, v60, v52;
	v59 =	vsel vm9, v55, v61  }
0x32b: {  	v44 =	vsel vm9, v61, v55;
	v60 =	vsel vm10, v36, v37;
	v36 =	vsel vm10, v37, v36  }
0x32c: {  	v61 =	vsel vm10, v39, v34;
	v34 =	vsel vm10, v34, v39;
	v62 =	vsel vm11, v7, v35  }
0x32d: {  	v7 =	vsel vm11, v35, v7;
	v63 =	vsel vm11, v40, v38;
	v38 =	vsel vm11, v38, v40  }
0x32e: {  	vm12 =	vgt.s32 v56, v58;
	vm13 =	vgt.s32 v41, v43;
	vm14 =	vgt.s32 v60, v62  }
0x32f: {  	vm15 =	vgt.s32 v36, v7;
	v52 =	vsel vm12, v58, v56;
	v46 =	vsel vm12, v56, v58  }
0x330: {  	(xrf1) =	vsort.ascd.msk.u32 $0xffff, v6, v33;
	v53 =	vsel vm12, v59, v57;
	v6 =	vsel vm12, v57, v59;
	v40 =	vxor.u32 $0x80000000, v52  }
0x331: {  	v54 =	vsel vm13, v43, v41;
	v41 =	vsel vm13, v41, v43;
	v56 =	vxor.u32 $0x80000000, v46;
	(xrf1) =	vsort.ascd.msk.u32 $0xffff, v40, v53  }
0x332: {  	v55 =	vsel vm13, v44, v42;
	v42 =	vsel vm13, v42, v44;
	(xrf1) =	vsort.ascd.msk.u32 $0xffff, v56, v6;
	v6 =	vxor.u32 $0x80000000, v54  }
0x333: {  	v57 =	vsel vm14, v62, v60;
	v39 =	vsel vm14, v60, v62;
	(xrf1) =	vsort.ascd.msk.u32 $0xffff, v6, v55;
	v6 =	vxor.u32 $0x80000000, v41  }
0x334: {  	v58 =	vsel vm14, v63, v61;
	v59 =	vsel vm14, v61, v63;
	(xrf1) =	vsort.ascd.msk.u32 $0xffff, v6, v42;
	v6 =	vxor.u32 $0x80000000, v57  }
0x335: {  	v60 =	vsel vm15, v7, v36;
	v7 =	vsel vm15, v36, v7;
	(xrf1) =	vsort.ascd.msk.u32 $0xffff, v6, v58;
	v6 =	vxor.u32 $0x80000000, v39  }
0x336: {  	v61 =	vsel vm15, v38, v34;
	v34 =	vsel vm15, v34, v38;
	(xrf1) =	vsort.ascd.msk.u32 $0xffff, v6, v59;
	v6 =	vxor.u32 $0x80000000, v60  }
0x337: {  	v62, v35, _ =	vpop (xrf1);
	(xrf1) =	vsort.ascd.msk.u32 $0xffff, v6, v61;
	v6 =	vxor.u32 $0x80000000, v7;
	_ =	sdelay $0x1  }
0x338: {  	v7, v36, _ =	vpop (xrf1);
	(xrf1) =	vsort.ascd.msk.u32 $0xffff, v6, v34  }
0x339: {  	v6, v34, _ =	vpop (xrf1)  }
0x33a: {  	v37, v38, _ =	vpop (xrf1)  }
0x33b: {  	v39, v40, _ =	vpop (xrf1)  }
0x33c: {  	v41, v42, _ =	vpop (xrf1)  }
0x33d: {  	v43, v44, _ =	vpop (xrf1)  }
0x33e: {  	v33 =	vxor.u32 $0x80000000, v62;
	v7 =	vxor.u32 $0x80000000, v7;
	v45, v46, _ =	vpop (xrf1)  }
0x33f: {  	v6 =	vxor.u32 $0x80000000, v6;
	v37 =	vxor.u32 $0x80000000, v37;
	v39 =	vxor.u32 $0x80000000, v39;
	v47, v48, _ =	vpop (xrf1)  }
0x340: {  	v41 =	vxor.u32 $0x80000000, v41;
	v43 =	vxor.u32 $0x80000000, v43;
	v45 =	vxor.u32 $0x80000000, v45;
	v49, v50, _ =	vpop (xrf1)  }
0x341: {  	v47 =	vxor.u32 $0x80000000, v47;
	v48 =	vperm.xlane v48, v5;
	v51, v52, _ =	vpop (xrf1);
	v49 =	vxor.u32 $0x80000000, v49  }
0x342: {  	v47 =	vperm.xlane v47, v5;
	v50 =	vperm.xlane v50, v5;
	v53, v54, _ =	vpop (xrf1);
	v51 =	vxor.u32 $0x80000000, v51  }
0x343: {  	v49 =	vperm.xlane v49, v5;
	v52 =	vperm.xlane v52, v5;
	v55, v56, _ =	vpop (xrf1);
	v53 =	vxor.u32 $0x80000000, v53  }
0x344: {  	v51 =	vperm.xlane v51, v5;
	v54 =	vperm.xlane v54, v5;
	vm11 =	vgt.s32 v45, v47;
	v57, v58, _ =	vpop (xrf1)  }
0x345: {  	v55 =	vxor.u32 $0x80000000, v55;
	v53 =	vperm.xlane v53, v5;
	v56 =	vperm.xlane v56, v5;
	v59, v60, _ =	vpop (xrf1)  }
0x346: {  	vm10 =	vgt.s32 v43, v49;
	v57 =	vxor.u32 $0x80000000, v57;
	v55 =	vperm.xlane v55, v5;
	v61, v62, _ =	vpop (xrf1)  }
0x347: {  	v58 =	vperm.xlane v58, v5;
	vm9 =	vgt.s32 v41, v51;
	v61 =	vxor.u32 $0x80000000, v61  }
0x348: {  	v59 =	vxor.u32 $0x80000000, v59;
	v57 =	vperm.xlane v57, v5;
	v61 =	vperm.xlane v61, v5  }
0x349: {  	v60 =	vperm.xlane v60, v5;
	vm8 =	vgt.s32 v39, v53;
	v59 =	vperm.xlane v59, v5  }
0x34a: {  	v62 =	vperm.xlane v62, v5;
	vm7 =	vgt.s32 v37, v55;
	vm4 =	vgt.s32 v33, v61  }
0x34b: {  	vm6 =	vgt.s32 v6, v57;
	vm5 =	vgt.s32 v7, v59;
	v63 =	vsel vm4, v61, v33  }
0x34c: {  	v33 =	vsel vm4, v33, v61;
	v61 =	vsel vm4, v62, v35;
	v35 =	vsel vm4, v35, v62  }
0x34d: {  	v62 =	vsel vm5, v59, v7;
	v7 =	vsel vm5, v7, v59;
	v59 =	vsel vm5, v60, v36  }
0x34e: {  	v36 =	vsel vm5, v36, v60;
	v60 =	vsel vm6, v57, v6;
	v6 =	vsel vm6, v6, v57  }
0x34f: {  	v57 =	vsel vm6, v58, v34;
	v34 =	vsel vm6, v34, v58;
	v58 =	vsel vm7, v55, v37  }
0x350: {  	v37 =	vsel vm7, v37, v55;
	v55 =	vsel vm7, v56, v38;
	v38 =	vsel vm7, v38, v56  }
0x351: {  	v56 =	vsel vm8, v53, v39;
	v39 =	vsel vm8, v39, v53;
	v53 =	vsel vm8, v54, v40  }
0x352: {  	v40 =	vsel vm8, v40, v54;
	v54 =	vsel vm9, v51, v41;
	v41 =	vsel vm9, v41, v51  }
0x353: {  	v51 =	vsel vm9, v52, v42;
	v42 =	vsel vm9, v42, v52;
	v52 =	vsel vm10, v49, v43  }
0x354: {  	v43 =	vsel vm10, v43, v49;
	v49 =	vsel vm10, v50, v44;
	v44 =	vsel vm10, v44, v50  }
0x355: {  	v50 =	vsel vm11, v47, v45;
	v45 =	vsel vm11, v45, v47;
	v47 =	vsel vm11, v48, v46  }
0x356: {  	v46 =	vsel vm11, v46, v48;
	vm12 =	vgt.s32 v63, v56;
	vm13 =	vgt.s32 v62, v54  }
0x357: {  	vm14 =	vgt.s32 v60, v52;
	vm15 =	vgt.s32 v58, v50;
	vm4 =	vgt.s32 v33, v39  }
0x358: {  	vm5 =	vgt.s32 v7, v41;
	vm6 =	vgt.s32 v6, v43;
	vm7 =	vgt.s32 v37, v45  }
0x359: {  	v48 =	vsel vm12, v56, v63;
	v56 =	vsel vm12, v63, v56;
	v63 =	vsel vm12, v53, v61  }
0x35a: {  	v53 =	vsel vm12, v61, v53;
	v61 =	vsel vm13, v54, v62;
	v54 =	vsel vm13, v62, v54  }
0x35b: {  	v62 =	vsel vm13, v51, v59;
	v51 =	vsel vm13, v59, v51;
	v59 =	vsel vm14, v52, v60  }
0x35c: {  	v52 =	vsel vm14, v60, v52;
	v60 =	vsel vm14, v49, v57;
	v49 =	vsel vm14, v57, v49  }
0x35d: {  	v57 =	vsel vm15, v50, v58;
	v50 =	vsel vm15, v58, v50;
	v58 =	vsel vm15, v47, v55  }
0x35e: {  	v47 =	vsel vm15, v55, v47;
	v55 =	vsel vm4, v39, v33;
	v33 =	vsel vm4, v33, v39  }
0x35f: {  	v39 =	vsel vm4, v40, v35;
	v35 =	vsel vm4, v35, v40;
	v40 =	vsel vm5, v41, v7  }
0x360: {  	v7 =	vsel vm5, v7, v41;
	v41 =	vsel vm5, v42, v36;
	v36 =	vsel vm5, v36, v42  }
0x361: {  	v42 =	vsel vm6, v43, v6;
	v6 =	vsel vm6, v6, v43;
	v43 =	vsel vm6, v44, v34  }
0x362: {  	v34 =	vsel vm6, v34, v44;
	v44 =	vsel vm7, v45, v37;
	v37 =	vsel vm7, v37, v45  }
0x363: {  	v45 =	vsel vm7, v46, v38;
	v38 =	vsel vm7, v38, v46;
	vm8 =	vgt.s32 v48, v59  }
0x364: {  	vm9 =	vgt.s32 v61, v57;
	vm10 =	vgt.s32 v56, v52;
	vm11 =	vgt.s32 v54, v50  }
0x365: {  	vm12 =	vgt.s32 v55, v42;
	vm13 =	vgt.s32 v40, v44;
	vm14 =	vgt.s32 v33, v6  }
0x366: {  	vm15 =	vgt.s32 v7, v37;
	v46 =	vsel vm8, v59, v48;
	v48 =	vsel vm8, v48, v59  }
0x367: {  	v59 =	vsel vm8, v60, v63;
	v60 =	vsel vm8, v63, v60;
	v63 =	vsel vm9, v57, v61  }
0x368: {  	v57 =	vsel vm9, v61, v57;
	v61 =	vsel vm9, v58, v62;
	v58 =	vsel vm9, v62, v58  }
0x369: {  	v62 =	vsel vm10, v52, v56;
	v52 =	vsel vm10, v56, v52;
	v56 =	vsel vm10, v49, v53  }
0x36a: {  	v49 =	vsel vm10, v53, v49;
	v53 =	vsel vm11, v50, v54;
	v50 =	vsel vm11, v54, v50  }
0x36b: {  	v54 =	vsel vm11, v47, v51;
	v47 =	vsel vm11, v51, v47;
	v51 =	vsel vm12, v42, v55  }
0x36c: {  	v42 =	vsel vm12, v55, v42;
	v55 =	vsel vm12, v43, v39;
	v39 =	vsel vm12, v39, v43  }
0x36d: {  	v43 =	vsel vm13, v44, v40;
	v40 =	vsel vm13, v40, v44;
	v44 =	vsel vm13, v45, v41  }
0x36e: {  	v41 =	vsel vm13, v41, v45;
	v45 =	vsel vm14, v6, v33;
	v6 =	vsel vm14, v33, v6  }
0x36f: {  	v33 =	vsel vm14, v34, v35;
	v34 =	vsel vm14, v35, v34;
	v35 =	vsel vm15, v37, v7  }
0x370: {  	v7 =	vsel vm15, v7, v37;
	v37 =	vsel vm15, v38, v36;
	v36 =	vsel vm15, v36, v38  }
0x371: {  	vm4 =	vgt.s32 v46, v63;
	vm5 =	vgt.s32 v48, v57;
	vm6 =	vgt.s32 v62, v53  }
0x372: {  	vm7 =	vgt.s32 v52, v50;
	vm8 =	vgt.s32 v51, v43;
	vm9 =	vgt.s32 v42, v40  }
0x373: {  	vm10 =	vgt.s32 v45, v35;
	vm11 =	vgt.s32 v6, v7;
	v38 =	vsel vm4, v63, v46  }
0x374: {  	v46 =	vsel vm4, v46, v63;
	v63 =	vsel vm4, v61, v59;
	v38 =	vxor.u32 $0x80000000, v38  }
0x375: {  	v59 =	vsel vm4, v59, v61;
	v61 =	vsel vm5, v57, v48;
	(xrf1) =	vsort.ascd.msk.u32 $0xffff, v38, v63;
	v63 =	vxor.u32 $0x80000000, v46  }
0x376: {  	v48 =	vsel vm5, v48, v57;
	v57 =	vsel vm5, v58, v60;
	v61 =	vxor.u32 $0x80000000, v61;
	(xrf1) =	vsort.ascd.msk.u32 $0xffff, v63, v59  }
0x377: {  	v58 =	vsel vm5, v60, v58;
	v60 =	vsel vm6, v53, v62;
	v63 =	vxor.u32 $0x80000000, v48;
	(xrf1) =	vsort.ascd.msk.u32 $0xffff, v61, v57  }
0x378: {  	v53 =	vsel vm6, v62, v53;
	v46 =	vsel vm6, v54, v56;
	v59 =	vxor.u32 $0x80000000, v60;
	(xrf1) =	vsort.ascd.msk.u32 $0xffff, v63, v58  }
0x379: {  	v62 =	vsel vm7, v50, v52;
	v54 =	vsel vm6, v56, v54;
	v60 =	vxor.u32 $0x80000000, v53;
	(xrf1) =	vsort.ascd.msk.u32 $0xffff, v59, v46  }
0x37a: {  	v52 =	vsel vm7, v52, v50;
	v62 =	vxor.u32 $0x80000000, v62;
	v57 =	vsel vm7, v47, v49;
	(xrf1) =	vsort.ascd.msk.u32 $0xffff, v60, v54  }
0x37b: {  	v52 =	vxor.u32 $0x80000000, v52;
	v47 =	vsel vm7, v49, v47;
	v61 =	vsel vm8, v43, v51;
	(xrf1) =	vsort.ascd.msk.u32 $0xffff, v62, v57  }
0x37c: {  	v43 =	vsel vm8, v51, v43;
	v63 =	vsel vm8, v44, v55;
	v54 =	vxor.u32 $0x80000000, v61;
	(xrf1) =	vsort.ascd.msk.u32 $0xffff, v52, v47  }
0x37d: {  	v53 =	vsel vm9, v40, v42;
	v44 =	vsel vm8, v55, v44;
	v56 =	vxor.u32 $0x80000000, v43;
	(xrf1) =	vsort.ascd.msk.u32 $0xffff, v54, v63  }
0x37e: {  	v40 =	vsel vm9, v42, v40;
	v55 =	vsel vm9, v41, v39;
	v57 =	vxor.u32 $0x80000000, v53;
	(xrf1) =	vsort.ascd.msk.u32 $0xffff, v56, v44  }
0x37f: {  	v39 =	vsel vm9, v39, v41;
	v58 =	vsel vm10, v35, v45;
	v59 =	vxor.u32 $0x80000000, v40;
	(xrf1) =	vsort.ascd.msk.u32 $0xffff, v57, v55  }
0x380: {  	v35 =	vsel vm10, v45, v35;
	v60 =	vsel vm10, v37, v33;
	v61 =	vxor.u32 $0x80000000, v58;
	(xrf1) =	vsort.ascd.msk.u32 $0xffff, v59, v39  }
0x381: {  	v35 =	vxor.u32 $0x80000000, v35;
	v33 =	vsel vm10, v33, v37;
	v62 =	vsel vm11, v7, v6;
	(xrf1) =	vsort.ascd.msk.u32 $0xffff, v61, v60  }
0x382: {  	v6 =	vsel vm11, v6, v7;
	v7 =	vsel vm11, v36, v34;
	v63 =	vxor.u32 $0x80000000, v62;
	(xrf1) =	vsort.ascd.msk.u32 $0xffff, v35, v33  }
0x383: {  	v34 =	vsel vm11, v34, v36;
	v6 =	vxor.u32 $0x80000000, v6;
	v37, v47, _ =	vpop (xrf1);
	(xrf1) =	vsort.ascd.msk.u32 $0xffff, v63, v7  }
0x384: {  	v38, v48, _ =	vpop (xrf1);
	(xrf1) =	vsort.ascd.msk.u32 $0xffff, v6, v34  }
0x385: {  	v39, v46, _ =	vpop (xrf1)  }
0x386: {  	v40, v45, _ =	vpop (xrf1)  }
0x387: {  	v41, v44, _ =	vpop (xrf1)  }
0x388: {  	v49, v43, _ =	vpop (xrf1)  }
0x389: {  	v7 =	vxor.u32 $0x80000000, v37;
	v50, v42, _ =	vpop (xrf1)  }
0x38a: {  	[tilespmem:$0x5210] =	vst v7;
	v58 =	vxor.u32 $0x80000000, v41;
	v51, v41, _ =	vpop (xrf1)  }
0x38b: {  	v6 =	vxor.u32 $0x80000000, v38;
	[tilespmem:$0x5200] =	vst v7;
	v56 =	vxor.u32 $0x80000000, v40;
	v52, v40, _ =	vpop (xrf1)  }
0x38c: {  	v55 =	vxor.u32 $0x80000000, v39;
	[tilespmem:$0x5220] =	vst v6;
	v53, v39, _ =	vpop (xrf1)  }
0x38d: {  	[tilespmem:$0x5230] =	vst v55;
	v54, v38, _ =	vpop (xrf1)  }
0x38e: {  	[tilespmem:$0x5240] =	vst v56;
	v57, v37, _ =	vpop (xrf1)  }
0x38f: {  	v60 =	vxor.u32 $0x80000000, v49;
	[tilespmem:$0x5250] =	vst v58;
	v49, v33, _ =	vpop (xrf1)  }
0x390: {  	v62 =	vxor.u32 $0x80000000, v50;
	[tilespmem:$0x5260] =	vst v60;
	v50, v34, _ =	vpop (xrf1)  }
0x391: {  	v8 =	vxor.u32 $0x80000000, v51;
	[tilespmem:$0x5270] =	vst v62;
	v51, v35, _ =	vpop (xrf1)  }
0x392: {  	v63 =	vxor.u32 $0x80000000, v52;
	[tilespmem:$0x5280] =	vst v8;
	v61 =	vxor.u32 $0x80000000, v53;
	v52, v36, _ =	vpop (xrf1)  }
0x393: {  	[tilespmem:$0x5290] =	vst v63;
	v59 =	vxor.u32 $0x80000000, v54;
	v54 =	vxor.u32 $0x80000000, v49;
	v49 =	vxor.u32 $0x80000000, v52;
	v52 =	vld [tilespmem:$0x1FFD0]  }
0x394: {  	[tilespmem:$0x52A0] =	vst v61  }
0x395: {  	v57 =	vxor.u32 $0x80000000, v57;
	[tilespmem:$0x52B0] =	vst v59  }
0x396: {  	[tilespmem:$0x52C0] =	vst v57  }
0x397: {  	v53 =	vxor.u32 $0x80000000, v50;
	[tilespmem:$0x52D0] =	vst v54  }
0x398: {  	v51 =	vxor.u32 $0x80000000, v51;
	[tilespmem:$0x52E0] =	vst v53  }
0x399: {  	[tilespmem:$0x52F0] =	vst v51  }
0x39a: {  	[tilespmem:$0x5300] =	vst v49  }
0x39b: {  	v50 =	vld.idx.msk [tilespmem:v52+s15+$0x0], $0xffff;
	_ =	sdelay $0x4  }
0x39c: {  	vm12 =	veq.s32 v7, v50;
	v7 =	vld [tilespmem:$0x1FFE0];
	_ =	sdelay $0x4  }
0x39d: {  	v7 =	vsel vm12, $0x80000000, v7  }
0x39e: {  	(xrf0) =	vmax.scan.msk.u32 $0xffff, v7;
	_ =	sdelay $0x5  }
0x39f: {  	v7, _, _ =	vpop (xrf0)  }
0x3a0: {  	v7 =	vxor.u32 $0x80000000, v7  }
0x3a1: {  	vm13 =	vgt.s32 v7, $0x0  }
0x3a2: {  	v50 =	vnsel vm13, $0x0, v7  }
0x3a3: {  	v7 =	vor.u32 $0x80000000, v50  }
0x3a4: {  	(xrf0) =	vmax.scan.msk.u32 $0xffff, v7;
	_ =	sdelay $0x5  }
0x3a5: {  	v7, _, _ =	vpop (xrf0)  }
0x3a6: {  	(v2sf) =	vpush v7, $0xF;
	v7 =	vld [tilespmem:$0x1FFF0];
	_ =	sdelay $0x7  }
0x3a7: {  	v7 =	vld.idx.msk [tilespmem:v7+s15+$0x0], $0xffff;
	_ =	sdelay $0x4  }
0x3a8: {  	vm14 =	veq.s32 v6, v7  }
0x3a9: {  	v6 =	vsel vm14, $0x80000000, v9  }
0x3aa: {  	(xrf0) =	vmax.scan.msk.u32 $0xffff, v6;
	_ =	sdelay $0x4  }
0x3ab: {  	s28 =	spop (v2sf)  }
0x3ac: {  	s19 =	spop (v2sf);
	v6, _, _ =	vpop (xrf0)  }
0x3ad: {  	s19 =	sxor.u32 $0x80000000, s19;
	v6 =	vxor.u32 $0x80000000, v6  }
0x3ae: {  	vm15 =	vgt.s32 v6, s19  }
0x3af: {  	v52 =	vnsel vm15, s19, v6  }
0x3b0: {  	v6 =	vxor.u32 $0x80000000, v52  }
0x3b1: {  	(xrf0) =	vmax.scan.msk.u32 $0xffff, v6;
	_ =	sdelay $0x5  }
0x3b2: {  	v6, _, _ =	vpop (xrf0)  }
0x3b3: {  	(v2sf) =	vpush v6, $0xF;
	_ =	sdelay $0x1  }
0x3b4: {  	v6 =	vld.idx.msk [tilespmem:v10+s15+$0x0], $0xffff;
	_ =	sdelay $0x4  }
0x3b5: {  	vm4 =	veq.s32 v55, v6  }
0x3b6: {  	v6 =	vsel vm4, $0x80000000, v11  }
0x3b7: {  	(xrf0) =	vmax.scan.msk.u32 $0xffff, v6;
	_ =	sdelay $0x5  }
0x3b8: {  	v6, _, _ =	vpop (xrf0);
	s29 =	spop (v2sf)  }
0x3b9: {  	v6 =	vxor.u32 $0x80000000, v6;
	s19 =	sxor.u32 $0x80000000, s29  }
0x3ba: {  	vm5 =	vgt.s32 v6, s19  }
0x3bb: {  	v55 =	vnsel vm5, s19, v6  }
0x3bc: {  	v6 =	vxor.u32 $0x80000000, v55  }
0x3bd: {  	(xrf0) =	vmax.scan.msk.u32 $0xffff, v6;
	_ =	sdelay $0x5  }
0x3be: {  	v6, _, _ =	vpop (xrf0)  }
0x3bf: {  	(v2sf) =	vpush v6, $0xF;
	_ =	sdelay $0x1  }
0x3c0: {  	v6 =	vld.idx.msk [tilespmem:v12+s15+$0x0], $0xffff;
	_ =	sdelay $0x4  }
0x3c1: {  	vm6 =	veq.s32 v56, v6  }
0x3c2: {  	v6 =	vsel vm6, $0x80000000, v13  }
0x3c3: {  	(xrf0) =	vmax.scan.msk.u32 $0xffff, v6;
	_ =	sdelay $0x5  }
0x3c4: {  	v6, _, _ =	vpop (xrf0);
	s30 =	spop (v2sf)  }
0x3c5: {  	v6 =	vxor.u32 $0x80000000, v6;
	s19 =	sxor.u32 $0x80000000, s30  }
0x3c6: {  	vm7 =	vgt.s32 v6, s19  }
0x3c7: {  	v56 =	vnsel vm7, s19, v6  }
0x3c8: {  	v6 =	vxor.u32 $0x80000000, v56  }
0x3c9: {  	(xrf0) =	vmax.scan.msk.u32 $0xffff, v6;
	_ =	sdelay $0x5  }
0x3ca: {  	v6, _, _ =	vpop (xrf0)  }
0x3cb: {  	(v2sf) =	vpush v6, $0xF;
	_ =	sdelay $0x1  }
0x3cc: {  	v6 =	vld.idx.msk [tilespmem:v14+s15+$0x0], $0xffff;
	_ =	sdelay $0x4  }
0x3cd: {  	vm8 =	veq.s32 v58, v6  }
0x3ce: {  	v6 =	vsel vm8, $0x80000000, v15  }
0x3cf: {  	(xrf0) =	vmax.scan.msk.u32 $0xffff, v6;
	_ =	sdelay $0x5  }
0x3d0: {  	v6, _, _ =	vpop (xrf0);
	s31 =	spop (v2sf)  }
0x3d1: {  	v6 =	vxor.u32 $0x80000000, v6;
	s19 =	sxor.u32 $0x80000000, s31  }
0x3d2: {  	vm9 =	vgt.s32 v6, s19  }
0x3d3: {  	v58 =	vnsel vm9, s19, v6  }
0x3d4: {  	v6 =	vxor.u32 $0x80000000, v58  }
0x3d5: {  	(xrf0) =	vmax.scan.msk.u32 $0xffff, v6;
	_ =	sdelay $0x5  }
0x3d6: {  	v6, _, _ =	vpop (xrf0)  }
0x3d7: {  	(v2sf) =	vpush v6, $0xF;
	_ =	sdelay $0x1  }
0x3d8: {  	v6 =	vld.idx.msk [tilespmem:v16+s15+$0x0], $0xffff;
	_ =	sdelay $0x4  }
0x3d9: {  	vm10 =	veq.s32 v60, v6  }
0x3da: {  	v6 =	vsel vm10, $0x80000000, v17  }
0x3db: {  	(xrf0) =	vmax.scan.msk.u32 $0xffff, v6;
	_ =	sdelay $0x5  }
0x3dc: {  	v6, _, _ =	vpop (xrf0);
	s20 =	spop (v2sf)  }
0x3dd: {  	v6 =	vxor.u32 $0x80000000, v6;
	s19 =	sxor.u32 $0x80000000, s20  }
0x3de: {  	vm11 =	vgt.s32 v6, s19  }
0x3df: {  	v60 =	vnsel vm11, s19, v6  }
0x3e0: {  	v6 =	vxor.u32 $0x80000000, v60  }
0x3e1: {  	(xrf0) =	vmax.scan.msk.u32 $0xffff, v6;
	_ =	sdelay $0x5  }
0x3e2: {  	v6, _, _ =	vpop (xrf0)  }
0x3e3: {  	(v2sf) =	vpush v6, $0xF;
	_ =	sdelay $0x1  }
0x3e4: {  	v6 =	vld.idx.msk [tilespmem:v18+s15+$0x0], $0xffff;
	_ =	sdelay $0x4  }
0x3e5: {  	vm12 =	veq.s32 v62, v6  }
0x3e6: {  	v6 =	vsel vm12, $0x80000000, v19  }
0x3e7: {  	(xrf0) =	vmax.scan.msk.u32 $0xffff, v6;
	_ =	sdelay $0x5  }
0x3e8: {  	v6, _, _ =	vpop (xrf0);
	s21 =	spop (v2sf)  }
0x3e9: {  	v6 =	vxor.u32 $0x80000000, v6;
	s19 =	sxor.u32 $0x80000000, s21  }
0x3ea: {  	vm13 =	vgt.s32 v6, s19  }
0x3eb: {  	v62 =	vnsel vm13, s19, v6  }
0x3ec: {  	v6 =	vxor.u32 $0x80000000, v62  }
0x3ed: {  	(xrf0) =	vmax.scan.msk.u32 $0xffff, v6;
	_ =	sdelay $0x5  }
0x3ee: {  	v6, _, _ =	vpop (xrf0)  }
0x3ef: {  	(v2sf) =	vpush v6, $0xF;
	_ =	sdelay $0x1  }
0x3f0: {  	v6 =	vld.idx.msk [tilespmem:v20+s15+$0x0], $0xffff;
	_ =	sdelay $0x4  }
0x3f1: {  	vm14 =	veq.s32 v8, v6  }
0x3f2: {  	v6 =	vsel vm14, $0x80000000, v21  }
0x3f3: {  	(xrf0) =	vmax.scan.msk.u32 $0xffff, v6;
	_ =	sdelay $0x5  }
0x3f4: {  	v6, _, _ =	vpop (xrf0);
	s22 =	spop (v2sf)  }
0x3f5: {  	v6 =	vxor.u32 $0x80000000, v6;
	s19 =	sxor.u32 $0x80000000, s22  }
0x3f6: {  	vm15 =	vgt.s32 v6, s19  }
0x3f7: {  	v6 =	vnsel vm15, s19, v6  }
0x3f8: {  	v7 =	vxor.u32 $0x80000000, v6  }
0x3f9: {  	(xrf0) =	vmax.scan.msk.u32 $0xffff, v7;
	_ =	sdelay $0x5  }
0x3fa: {  	v7, _, _ =	vpop (xrf0)  }
0x3fb: {  	(v2sf) =	vpush v7, $0xF;
	_ =	sdelay $0x1  }
0x3fc: {  	v7 =	vld.idx.msk [tilespmem:v22+s15+$0x0], $0xffff;
	_ =	sdelay $0x4  }
0x3fd: {  	vm4 =	veq.s32 v63, v7  }
0x3fe: {  	v7 =	vsel vm4, $0x80000000, v23  }
0x3ff: {  	(xrf0) =	vmax.scan.msk.u32 $0xffff, v7;
	_ =	sdelay $0x5  }
0x400: {  	v7, _, _ =	vpop (xrf0);
	s23 =	spop (v2sf)  }
0x401: {  	v7 =	vxor.u32 $0x80000000, v7;
	s19 =	sxor.u32 $0x80000000, s23  }
0x402: {  	vm5 =	vgt.s32 v7, s19  }
0x403: {  	v7 =	vnsel vm5, s19, v7  }
0x404: {  	v8 =	vxor.u32 $0x80000000, v7  }
0x405: {  	(xrf0) =	vmax.scan.msk.u32 $0xffff, v8;
	_ =	sdelay $0x5  }
0x406: {  	v8, _, _ =	vpop (xrf0)  }
0x407: {  	(v2sf) =	vpush v8, $0xF;
	_ =	sdelay $0x1  }
0x408: {  	v8 =	vld.idx.msk [tilespmem:v24+s15+$0x0], $0xffff;
	_ =	sdelay $0x4  }
0x409: {  	vm6 =	veq.s32 v61, v8  }
0x40a: {  	v8 =	vsel vm6, $0x80000000, v25  }
0x40b: {  	(xrf0) =	vmax.scan.msk.u32 $0xffff, v8;
	_ =	sdelay $0x5  }
0x40c: {  	v8, _, _ =	vpop (xrf0);
	s24 =	spop (v2sf)  }
0x40d: {  	v8 =	vxor.u32 $0x80000000, v8;
	s19 =	sxor.u32 $0x80000000, s24  }
0x40e: {  	vm7 =	vgt.s32 v8, s19  }
0x40f: {  	v8 =	vnsel vm7, s19, v8  }
0x410: {  	v61 =	vxor.u32 $0x80000000, v8  }
0x411: {  	(xrf0) =	vmax.scan.msk.u32 $0xffff, v61;
	_ =	sdelay $0x5  }
0x412: {  	v61, _, _ =	vpop (xrf0)  }
0x413: {  	(v2sf) =	vpush v61, $0xF;
	_ =	sdelay $0x1  }
0x414: {  	v61 =	vld.idx.msk [tilespmem:v26+s15+$0x0], $0xffff;
	_ =	sdelay $0x4  }
0x415: {  	vm8 =	veq.s32 v59, v61  }
0x416: {  	v59 =	vsel vm8, $0x80000000, v27  }
0x417: {  	(xrf0) =	vmax.scan.msk.u32 $0xffff, v59;
	_ =	sdelay $0x5  }
0x418: {  	v59, _, _ =	vpop (xrf0);
	s25 =	spop (v2sf)  }
0x419: {  	v59 =	vxor.u32 $0x80000000, v59;
	s19 =	sxor.u32 $0x80000000, s25  }
0x41a: {  	vm9 =	vgt.s32 v59, s19  }
0x41b: {  	v59 =	vnsel vm9, s19, v59  }
0x41c: {  	v61 =	vxor.u32 $0x80000000, v59  }
0x41d: {  	(xrf0) =	vmax.scan.msk.u32 $0xffff, v61;
	_ =	sdelay $0x5  }
0x41e: {  	v61, _, _ =	vpop (xrf0)  }
0x41f: {  	(v2sf) =	vpush v61, $0xF;
	_ =	sdelay $0x1  }
0x420: {  	v61 =	vld.idx.msk [tilespmem:v28+s15+$0x0], $0xffff;
	_ =	sdelay $0x4  }
0x421: {  	vm10 =	veq.s32 v57, v61  }
0x422: {  	v57 =	vsel vm10, $0x80000000, v29  }
0x423: {  	(xrf0) =	vmax.scan.msk.u32 $0xffff, v57;
	_ =	sdelay $0x5  }
0x424: {  	v57, _, _ =	vpop (xrf0);
	s26 =	spop (v2sf)  }
0x425: {  	v57 =	vxor.u32 $0x80000000, v57;
	s19 =	sxor.u32 $0x80000000, s26  }
0x426: {  	vm11 =	vgt.s32 v57, s19  }
0x427: {  	v57 =	vnsel vm11, s19, v57  }
0x428: {  	v61 =	vxor.u32 $0x80000000, v57  }
0x429: {  	(xrf0) =	vmax.scan.msk.u32 $0xffff, v61;
	_ =	sdelay $0x5  }
0x42a: {  	v61, _, _ =	vpop (xrf0)  }
0x42b: {  	(v2sf) =	vpush v61, $0xF;
	_ =	sdelay $0x1  }
0x42c: {  	v61 =	vld.idx.msk [tilespmem:v30+s15+$0x0], $0xffff;
	_ =	sdelay $0x4  }
0x42d: {  	vm12 =	veq.s32 v54, v61  }
0x42e: {  	v54 =	vsel vm12, $0x80000000, v31  }
0x42f: {  	(xrf0) =	vmax.scan.msk.u32 $0xffff, v54;
	_ =	sdelay $0x5  }
0x430: {  	v54, _, _ =	vpop (xrf0);
	s28 =	spop (v2sf)  }
0x431: {  	v54 =	vxor.u32 $0x80000000, v54;
	s19 =	sxor.u32 $0x80000000, s28  }
0x432: {  	vm13 =	vgt.s32 v54, s19  }
0x433: {  	v54 =	vnsel vm13, s19, v54  }
0x434: {  	v61 =	vxor.u32 $0x80000000, v54  }
0x435: {  	(xrf0) =	vmax.scan.msk.u32 $0xffff, v61;
	_ =	sdelay $0x5  }
0x436: {  	v61, _, _ =	vpop (xrf0)  }
0x437: {  	(v2sf) =	vpush v61, $0xF;
	_ =	sdelay $0x1  }
0x438: {  	v61 =	vld.idx.msk [tilespmem:v32+s15+$0x0], $0xffff;
	_ =	sdelay $0x4  }
0x439: {  	vm14 =	veq.s32 v53, v61;
	v61 =	vor.u32 $0x800000D0, v0  }
0x43a: {  	v53 =	vsel vm14, $0x80000000, v61  }
0x43b: {  	(xrf0) =	vmax.scan.msk.u32 $0xffff, v53;
	_ =	sdelay $0x5  }
0x43c: {  	v53, _, _ =	vpop (xrf0);
	s29 =	spop (v2sf)  }
0x43d: {  	v53 =	vxor.u32 $0x80000000, v53;
	s19 =	sxor.u32 $0x80000000, s29  }
0x43e: {  	vm15 =	vgt.s32 v53, s19  }
0x43f: {  	v53 =	vnsel vm15, s19, v53  }
0x440: {  	v61 =	vxor.u32 $0x80000000, v53  }
0x441: {  	(xrf0) =	vmax.scan.msk.u32 $0xffff, v61;
	_ =	sdelay $0x3  }
0x442: {  	v61 =	vadd.s32 $0xEF, v0;
	_ =	sdelay $0x1  }
0x443: {  	v63, _, _ =	vpop (xrf0)  }
0x444: {  	(v2sf) =	vpush v63, $0xF;
	_ =	sdelay $0x1  }
0x445: {  	v61 =	vld.idx.msk [tilespmem:v61+s15+$0x0], $0xffff;
	_ =	sdelay $0x4  }
0x446: {  	v63 =	vor.u32 $0x800000E0, v0;
	vm4 =	veq.s32 v51, v61  }
0x447: {  	v51 =	vsel vm4, $0x80000000, v63  }
0x448: {  	(xrf0) =	vmax.scan.msk.u32 $0xffff, v51;
	_ =	sdelay $0x5  }
0x449: {  	v51, _, _ =	vpop (xrf0);
	s30 =	spop (v2sf)  }
0x44a: {  	v51 =	vxor.u32 $0x80000000, v51;
	s19 =	sxor.u32 $0x80000000, s30  }
0x44b: {  	vm5 =	vgt.s32 v51, s19  }
0x44c: {  	v51 =	vnsel vm5, s19, v51  }
0x44d: {  	v61 =	vxor.u32 $0x80000000, v51  }
0x44e: {  	(xrf0) =	vmax.scan.msk.u32 $0xffff, v61;
	_ =	sdelay $0x2  }
0x44f: {  	v61 =	vadd.s32 $0xFF, v0;
	_ =	sdelay $0x2  }
0x450: {  	v63, _, _ =	vpop (xrf0)  }
0x451: {  	(v2sf) =	vpush v63, $0xF  }
0x452: {  	v61 =	vld.idx.msk [tilespmem:v61+s15+$0x0], $0xffff  }
0x453: {  	v50 =	vshll.u32 v50, $0xD;
	v52 =	vshll.u32 v52, $0xD  }
0x454: {  	v50 =	vadd.s32 v47, v50;
	v52 =	vadd.s32 v48, v52  }
0x455: {  	v55 =	vshll.u32 v55, $0xD;
	v56 =	vshll.u32 v56, $0xD;
	v58 =	vshll.u32 v58, $0xD  }
0x456: {  	v63 =	vxor.u32 $0x80000000, v50;
	v50 =	vadd.s32 v45, v56;
	v56 =	vadd.s32 v44, v58  }
0x457: {  	v58 =	vxor.u32 $0x80000000, v52;
	(xrf1) =	vsort.ascd.msk.u32 $0xffff, v63, v47;
	vm6 =	veq.s32 v49, v61;
	v61 =	vor.u32 $0x800000F0, v0  }
0x458: {  	v55 =	vadd.s32 v46, v55;
	v6 =	vshll.u32 v6, $0xD;
	(xrf1) =	vsort.ascd.msk.u32 $0xffff, v58, v48;
	v49 =	vsel vm6, $0x80000000, v61  }
0x459: {  	v6 =	vadd.s32 v41, v6;
	v61 =	vshll.u32 v62, $0xD;
	v62 =	vxor.u32 $0x80000000, v55;
	(xrf0) =	vmax.scan.msk.u32 $0xffff, v49  }
0x45a: {  	v60 =	vshll.u32 v60, $0xD;
	v6 =	vxor.u32 $0x80000000, v6;
	v55 =	vxor.u32 $0x80000000, v50;
	(xrf1) =	vsort.ascd.msk.u32 $0xffff, v62, v46  }
0x45b: {  	v7 =	vshll.u32 v7, $0xD;
	v63 =	vadd.s32 v43, v60;
	v58 =	vxor.u32 $0x80000000, v56;
	(xrf1) =	vsort.ascd.msk.u32 $0xffff, v55, v45  }
0x45c: {  	v7 =	vadd.s32 v40, v7;
	v60 =	vxor.u32 $0x80000000, v63;
	v52 =	vadd.s32 v42, v61;
	(xrf1) =	vsort.ascd.msk.u32 $0xffff, v58, v44  }
0x45d: {  	v8 =	vshll.u32 v8, $0xD;
	v47 =	vshll.u32 v54, $0xD;
	v62 =	vxor.u32 $0x80000000, v52;
	(xrf1) =	vsort.ascd.msk.u32 $0xffff, v60, v43  }
0x45e: {  	v8 =	vadd.s32 v39, v8;
	v48 =	vadd.s32 v33, v47;
	v61 =	vshll.u32 v59, $0xD;
	(xrf1) =	vsort.ascd.msk.u32 $0xffff, v62, v42  }
0x45f: {  	v46 =	vshll.u32 v57, $0xD;
	v63 =	vadd.s32 v38, v61;
	(xrf1) =	vsort.ascd.msk.u32 $0xffff, v6, v41;
	v6 =	vxor.u32 $0x80000000, v7  }
0x460: {  	v7 =	vadd.s32 v37, v46;
	v49, _, _ =	vpop (xrf0);
	(xrf1) =	vsort.ascd.msk.u32 $0xffff, v6, v40;
	v6 =	vxor.u32 $0x80000000, v8;
	v8 =	vshll.u32 v53, $0xD;
	s31 =	spop (v2sf)  }
0x461: {  	v50 =	vxor.u32 $0x80000000, v49;
	(xrf1) =	vsort.ascd.msk.u32 $0xffff, v6, v39;
	v6 =	vxor.u32 $0x80000000, v63;
	v8 =	vadd.s32 v34, v8;
	s19 =	sxor.u32 $0x80000000, s31  }
0x462: {  	(xrf1) =	vsort.ascd.msk.u32 $0xffff, v6, v38;
	v6 =	vxor.u32 $0x80000000, v7;
	v7 =	vshll.u32 v51, $0xD;
	vm7 =	vgt.s32 v50, s19  }
0x463: {  	(xrf1) =	vsort.ascd.msk.u32 $0xffff, v6, v37;
	v6 =	vxor.u32 $0x80000000, v48;
	v7 =	vadd.s32 v35, v7;
	v52 =	vnsel vm7, s19, v50  }
0x464: {  	(xrf1) =	vsort.ascd.msk.u32 $0xffff, v6, v33;
	v6 =	vxor.u32 $0x80000000, v8;
	v53 =	vshll.u32 v52, $0xD  }
0x465: {  	(xrf1) =	vsort.ascd.msk.u32 $0xffff, v6, v34;
	v6 =	vxor.u32 $0x80000000, v7;
	v8 =	vadd.s32 v36, v53  }
0x466: {  	v7, v33, _ =	vpop (xrf1);
	(xrf1) =	vsort.ascd.msk.u32 $0xffff, v6, v35;
	v6 =	vxor.u32 $0x80000000, v8;
	_ =	sdelay $0x1  }
0x467: {  	v8, v34, _ =	vpop (xrf1)  }
0x468: {  	(xrf1) =	vsort.ascd.msk.u32 $0xffff, v6, v36;
	v6, v35, _ =	vpop (xrf1)  }
0x469: {  	v54, v37, _ =	vpop (xrf1)  }
0x46a: {  	v55, v39, _ =	vpop (xrf1)  }
0x46b: {  	v56, v41, _ =	vpop (xrf1)  }
0x46c: {  	v57, v43, _ =	vpop (xrf1)  }
0x46d: {  	v7 =	vxor.u32 $0x80000000, v7;
	v58, v45, _ =	vpop (xrf1)  }
0x46e: {  	v8 =	vxor.u32 $0x80000000, v8;
	v34 =	vperm.xlane v34, v5;
	v6 =	vxor.u32 $0x80000000, v6;
	v59, v47, _ =	vpop (xrf1)  }
0x46f: {  	v8 =	vperm.xlane v8, v5;
	v36 =	vxor.u32 $0x80000000, v54;
	v37 =	vperm.xlane v37, v5;
	v61, v49, _ =	vpop (xrf1)  }
0x470: {  	v38 =	vxor.u32 $0x80000000, v55;
	v36 =	vperm.xlane v36, v5;
	v40 =	vxor.u32 $0x80000000, v56;
	v62, v51, _ =	vpop (xrf1)  }
0x471: {  	vm8 =	vgt.s32 v7, v8;
	v41 =	vperm.xlane v41, v5;
	v40 =	vperm.xlane v40, v5;
	v63, v53, _ =	vpop (xrf1)  }
0x472: {  	v42 =	vxor.u32 $0x80000000, v57;
	vm9 =	vgt.s32 v6, v36;
	v44 =	vxor.u32 $0x80000000, v58;
	v60, v55, _ =	vpop (xrf1)  }
0x473: {  	v46 =	vxor.u32 $0x80000000, v59;
	vm10 =	vgt.s32 v38, v40;
	v48 =	vxor.u32 $0x80000000, v61;
	v61, v57, _ =	vpop (xrf1)  }
0x474: {  	v50 =	vxor.u32 $0x80000000, v62;
	v52 =	vxor.u32 $0x80000000, v63;
	v63 =	vsel vm9, v37, v35;
	v62, v59, _ =	vpop (xrf1)  }
0x475: {  	v54 =	vxor.u32 $0x80000000, v60;
	v56 =	vxor.u32 $0x80000000, v61;
	v58 =	vxor.u32 $0x80000000, v62  }
0x476: {  	v60, v61, _ =	vpop (xrf1);
	v62 =	vsel vm8, v8, v7;
	v7 =	vsel vm8, v7, v8;
	v8 =	vsel vm8, v34, v33  }
0x477: {  	v33 =	vsel vm8, v33, v34;
	v60 =	vxor.u32 $0x80000000, v60;
	v62 =	vxor.u32 $0x80000000, v62  }
0x478: {  	v7 =	vxor.u32 $0x80000000, v7;
	(xrf1) =	vsort.ascd.msk.u32 $0xffff, v62, v8;
	v8 =	vsel vm9, v36, v6;
	v6 =	vsel vm9, v6, v36  }
0x479: {  	v62 =	vsel vm10, v38, v40;
	(xrf1) =	vsort.ascd.msk.u32 $0xffff, v7, v33;
	v7 =	vsel vm9, v35, v37;
	v8 =	vxor.u32 $0x80000000, v8  }
0x47a: {  	v6 =	vxor.u32 $0x80000000, v6;
	(xrf1) =	vsort.ascd.msk.u32 $0xffff, v8, v63;
	v8 =	vperm.xlane v44, v5;
	v44 =	vsel vm10, v40, v38  }
0x47b: {  	v33 =	vsel vm10, v39, v41;
	v63 =	vsel vm10, v41, v39;
	(xrf1) =	vsort.ascd.msk.u32 $0xffff, v6, v7;
	v6 =	vxor.u32 $0x80000000, v44  }
0x47c: {  	v7 =	vperm.xlane v45, v5;
	vm11 =	vgt.s32 v42, v8;
	(xrf1) =	vsort.ascd.msk.u32 $0xffff, v6, v63;
	v6 =	vxor.u32 $0x80000000, v62  }
0x47d: {  	v40 =	vsel vm11, v8, v42;
	v8 =	vsel vm11, v42, v8;
	v42 =	vperm.xlane v48, v5  }
0x47e: {  	v41 =	vsel vm11, v7, v43;
	(xrf1) =	vsort.ascd.msk.u32 $0xffff, v6, v33;
	v6 =	vsel vm11, v43, v7;
	v7 =	vxor.u32 $0x80000000, v40  }
0x47f: {  	v43 =	vperm.xlane v49, v5;
	(xrf1) =	vsort.ascd.msk.u32 $0xffff, v7, v41;
	v7 =	vxor.u32 $0x80000000, v8;
	vm12 =	vgt.s32 v46, v42  }
0x480: {  	v8 =	vperm.xlane v52, v5;
	v44 =	vsel vm12, v42, v46;
	v45 =	vsel vm12, v46, v42  }
0x481: {  	v46 =	vsel vm12, v43, v47;
	(xrf1) =	vsort.ascd.msk.u32 $0xffff, v7, v6;
	v7 =	vperm.xlane v53, v5;
	v6 =	vxor.u32 $0x80000000, v44  }
0x482: {  	v33 =	vsel vm12, v47, v43;
	vm13 =	vgt.s32 v50, v8;
	(xrf1) =	vsort.ascd.msk.u32 $0xffff, v6, v46;
	v6 =	vxor.u32 $0x80000000, v45  }
0x483: {  	v48 =	vsel vm13, v8, v50;
	v8 =	vsel vm13, v50, v8;
	v50 =	vperm.xlane v56, v5  }
0x484: {  	v49 =	vsel vm13, v7, v51;
	(xrf1) =	vsort.ascd.msk.u32 $0xffff, v6, v33;
	v6 =	vsel vm13, v51, v7;
	v7 =	vxor.u32 $0x80000000, v48  }
0x485: {  	v52 =	vperm.xlane v57, v5;
	(xrf1) =	vsort.ascd.msk.u32 $0xffff, v7, v49;
	v7 =	vxor.u32 $0x80000000, v8;
	vm14 =	vgt.s32 v54, v50  }
0x486: {  	v8 =	vperm.xlane v60, v5;
	v53 =	vsel vm14, v50, v54;
	v54 =	vsel vm14, v54, v50  }
0x487: {  	v56 =	vsel vm14, v52, v55;
	(xrf1) =	vsort.ascd.msk.u32 $0xffff, v7, v6;
	v7 =	vperm.xlane v61, v5;
	v6 =	vxor.u32 $0x80000000, v53  }
0x488: {  	v33 =	vsel vm14, v55, v52;
	vm15 =	vgt.s32 v58, v8;
	(xrf1) =	vsort.ascd.msk.u32 $0xffff, v6, v56;
	v6 =	vxor.u32 $0x80000000, v54  }
0x489: {  	v57 =	vsel vm15, v8, v58;
	(xrf1) =	vsort.ascd.msk.u32 $0xffff, v6, v33  }
0x48a: {  	v6 =	vsel vm15, v58, v8;
	v8 =	vsel vm15, v7, v59;
	v7 =	vsel vm15, v59, v7  }
0x48b: {  	v6 =	vxor.u32 $0x80000000, v6  }
0x48c: {  	v60, v35, _ =	vpop (xrf1);
	v58 =	vxor.u32 $0x80000000, v57  }
0x48d: {  	(xrf1) =	vsort.ascd.msk.u32 $0xffff, v58, v8;
	v8, v33, _ =	vpop (xrf1)  }
0x48e: {  	(xrf1) =	vsort.ascd.msk.u32 $0xffff, v6, v7;
	v6, v7, _ =	vpop (xrf1)  }
0x48f: {  	v61, v37, _ =	vpop (xrf1)  }
0x490: {  	v56, v39, _ =	vpop (xrf1)  }
0x491: {  	v57, v41, _ =	vpop (xrf1)  }
0x492: {  	v34 =	vxor.u32 $0x80000000, v60;
	v8 =	vxor.u32 $0x80000000, v8;
	v6 =	vxor.u32 $0x80000000, v6;
	v58, v43, _ =	vpop (xrf1)  }
0x493: {  	v7 =	vperm.xlane v7, v5;
	v36 =	vxor.u32 $0x80000000, v61;
	v6 =	vperm.xlane v6, v5;
	v59, v45, _ =	vpop (xrf1)  }
0x494: {  	v37 =	vperm.xlane v37, v5;
	v38 =	vxor.u32 $0x80000000, v56;
	v36 =	vperm.xlane v36, v5;
	v62, v47, _ =	vpop (xrf1)  }
0x495: {  	v40 =	vxor.u32 $0x80000000, v57;
	vm5 =	vgt.s32 v8, v6;
	v42 =	vxor.u32 $0x80000000, v58;
	v48, v49, _ =	vpop (xrf1)  }
0x496: {  	vm4 =	vgt.s32 v34, v36;
	v43 =	vperm.xlane v43, v5;
	v42 =	vperm.xlane v42, v5;
	v63, v51, _ =	vpop (xrf1)  }
0x497: {  	v44 =	vxor.u32 $0x80000000, v59;
	v46 =	vxor.u32 $0x80000000, v62;
	v48 =	vxor.u32 $0x80000000, v48;
	v60, v53, _ =	vpop (xrf1)  }
0x498: {  	vm9 =	vgt.s32 v40, v42;
	v50 =	vxor.u32 $0x80000000, v63;
	v63 =	vsel vm5, v6, v8;
	v61, v55, _ =	vpop (xrf1)  }
0x499: {  	v6 =	vsel vm5, v8, v6;
	v8 =	vsel vm5, v7, v33;
	v7 =	vsel vm5, v33, v7;
	v62, v57, _ =	vpop (xrf1)  }
0x49a: {  	v52 =	vxor.u32 $0x80000000, v60;
	v54 =	vxor.u32 $0x80000000, v61;
	v56 =	vxor.u32 $0x80000000, v62  }
0x49b: {  	v62 =	vsel vm4, v36, v34;
	v34 =	vsel vm4, v34, v36;
	v36 =	vsel vm4, v37, v35  }
0x49c: {  	v35 =	vsel vm4, v35, v37;
	vm6 =	vgt.s32 v62, v63;
	vm7 =	vgt.s32 v34, v6  }
0x49d: {  	v33 =	vsel vm6, v63, v62;
	v37 =	vsel vm6, v62, v63;
	v62 =	vsel vm6, v8, v36  }
0x49e: {  	v8 =	vsel vm6, v36, v8;
	v36 =	vsel vm7, v6, v34;
	v63 =	vperm.xlane v44, v5  }
0x49f: {  	v6 =	vsel vm7, v34, v6;
	v34 =	vsel vm7, v7, v35;
	v33 =	vxor.u32 $0x80000000, v33  }
0x4a0: {  	v58, v59, _ =	vpop (xrf1);
	v7 =	vsel vm7, v35, v7;
	(xrf1) =	vsort.ascd.msk.u32 $0xffff, v33, v62;
	v62 =	vxor.u32 $0x80000000, v37;
	vm8 =	vgt.s32 v38, v63  }
0x4a1: {  	v60, v61, _ =	vpop (xrf1);
	v33 =	vsel vm9, v40, v42;
	(xrf1) =	vsort.ascd.msk.u32 $0xffff, v62, v8;
	v8 =	vxor.u32 $0x80000000, v36;
	v35 =	vsel vm8, v63, v38  }
0x4a2: {  	v6 =	vxor.u32 $0x80000000, v6;
	v36 =	vsel vm8, v38, v63;
	v62 =	vsel vm9, v43, v41;
	(xrf1) =	vsort.ascd.msk.u32 $0xffff, v8, v34  }
0x4a3: {  	v8 =	vperm.xlane v45, v5;
	v45 =	vsel vm9, v42, v40;
	v34 =	vsel vm9, v41, v43  }
0x4a4: {  	v60 =	vxor.u32 $0x80000000, v60;
	vm11 =	vgt.s32 v36, v33;
	vm10 =	vgt.s32 v35, v45;
	(xrf1) =	vsort.ascd.msk.u32 $0xffff, v6, v7  }
0x4a5: {  	v7 =	vsel vm11, v33, v36;
	v33 =	vsel vm11, v36, v33;
	v44 =	vsel vm8, v8, v39  }
0x4a6: {  	v8 =	vsel vm8, v39, v8;
	v63 =	vsel vm10, v45, v35;
	v35 =	vsel vm10, v35, v45  }
0x4a7: {  	v42 =	vsel vm10, v62, v44;
	v6 =	vsel vm10, v44, v62;
	v43 =	vxor.u32 $0x80000000, v63  }
0x4a8: {  	v35 =	vxor.u32 $0x80000000, v35;
	v44 =	vperm.xlane v52, v5;
	v45 =	vsel vm11, v34, v8;
	(xrf1) =	vsort.ascd.msk.u32 $0xffff, v43, v42  }
0x4a9: {  	v8 =	vsel vm11, v8, v34;
	v52 =	vperm.xlane v51, v5;
	(xrf1) =	vsort.ascd.msk.u32 $0xffff, v35, v6;
	v6 =	vxor.u32 $0x80000000, v7  }
0x4aa: {  	v7 =	vperm.xlane v50, v5;
	v50 =	vperm.xlane v53, v5;
	vm12 =	vgt.s32 v46, v44  }
0x4ab: {  	(xrf1) =	vsort.ascd.msk.u32 $0xffff, v6, v45;
	v6 =	vxor.u32 $0x80000000, v33;
	v53 =	vsel vm12, v44, v46;
	v36 =	vsel vm12, v46, v44  }
0x4ac: {  	v62 =	vsel vm12, v50, v47;
	vm13 =	vgt.s32 v48, v7;
	v34 =	vsel vm12, v47, v50  }
0x4ad: {  	v50 =	vperm.xlane v59, v5;
	v63 =	vsel vm13, v7, v48;
	v7 =	vsel vm13, v48, v7  }
0x4ae: {  	v44 =	vsel vm13, v52, v49;
	v33 =	vsel vm13, v49, v52;
	vm14 =	vgt.s32 v53, v63  }
0x4af: {  	v49 =	vperm.xlane v61, v5;
	vm15 =	vgt.s32 v36, v7;
	v45 =	vsel vm14, v63, v53  }
0x4b0: {  	(xrf1) =	vsort.ascd.msk.u32 $0xffff, v6, v8;
	v35 =	vsel vm14, v53, v63;
	v46 =	vsel vm14, v44, v62;
	v8 =	vxor.u32 $0x80000000, v45  }
0x4b1: {  	v6 =	vsel vm14, v62, v44;
	v47 =	vsel vm15, v7, v36;
	(xrf1) =	vsort.ascd.msk.u32 $0xffff, v8, v46;
	v8 =	vxor.u32 $0x80000000, v35  }
0x4b2: {  	v58 =	vxor.u32 $0x80000000, v58;
	v7 =	vsel vm15, v36, v7;
	(xrf1) =	vsort.ascd.msk.u32 $0xffff, v8, v6;
	v8 =	vperm.xlane v60, v5  }
0x4b3: {  	v48 =	vsel vm15, v33, v34;
	v33 =	vsel vm15, v34, v33;
	v6 =	vxor.u32 $0x80000000, v47  }
0x4b4: {  	(xrf1) =	vsort.ascd.msk.u32 $0xffff, v6, v48;
	v6 =	vxor.u32 $0x80000000, v7;
	v7 =	vperm.xlane v58, v5;
	vm4 =	vgt.s32 v54, v8  }
0x4b5: {  	(xrf1) =	vsort.ascd.msk.u32 $0xffff, v6, v33;
	v51 =	vsel vm4, v8, v54;
	v8 =	vsel vm4, v54, v8  }
0x4b6: {  	vm5 =	vgt.s32 v56, v7;
	v52 =	vsel vm4, v49, v55;
	v34 =	vsel vm4, v55, v49  }
0x4b7: {  	v53 =	vsel vm5, v7, v56;
	v7 =	vsel vm5, v56, v7;
	v54 =	vsel vm5, v50, v57  }
0x4b8: {  	v35 =	vsel vm5, v57, v50;
	vm6 =	vgt.s32 v51, v53;
	vm7 =	vgt.s32 v8, v7  }
0x4b9: {  	v55 =	vsel vm6, v53, v51;
	v36 =	vsel vm6, v51, v53;
	v6 =	vsel vm6, v54, v52  }
0x4ba: {  	v37 =	vsel vm6, v52, v54;
	v57 =	vsel vm7, v7, v8;
	v56 =	vxor.u32 $0x80000000, v55  }
0x4bb: {  	v7 =	vsel vm7, v8, v7;
	v8 =	vsel vm7, v35, v34;
	(xrf1) =	vsort.ascd.msk.u32 $0xffff, v56, v6;
	v6 =	vxor.u32 $0x80000000, v36  }
0x4bc: {  	v34 =	vsel vm7, v34, v35;
	(xrf1) =	vsort.ascd.msk.u32 $0xffff, v6, v37;
	v6 =	vxor.u32 $0x80000000, v57  }
0x4bd: {  	v58, v36, _ =	vpop (xrf1);
	(xrf1) =	vsort.ascd.msk.u32 $0xffff, v6, v8;
	v6 =	vxor.u32 $0x80000000, v7;
	_ =	sdelay $0x1  }
0x4be: {  	v7, v8, _ =	vpop (xrf1)  }
0x4bf: {  	(xrf1) =	vsort.ascd.msk.u32 $0xffff, v6, v34;
	v6, v34, _ =	vpop (xrf1)  }
0x4c0: {  	v59, v37, _ =	vpop (xrf1)  }
0x4c1: {  	v33 =	vxor.u32 $0x80000000, v58;
	v7 =	vxor.u32 $0x80000000, v7;
	v60, v39, _ =	vpop (xrf1)  }
0x4c2: {  	v6 =	vxor.u32 $0x80000000, v6;
	v35 =	vxor.u32 $0x80000000, v59;
	v61, v41, _ =	vpop (xrf1);
	v38 =	vxor.u32 $0x80000000, v60  }
0x4c3: {  	v39 =	vperm.xlane v39, v5;
	v62, v43, _ =	vpop (xrf1);
	v40 =	vxor.u32 $0x80000000, v61;
	v38 =	vperm.xlane v38, v5  }
0x4c4: {  	v41 =	vperm.xlane v41, v5;
	v63, v45, _ =	vpop (xrf1);
	v42 =	vxor.u32 $0x80000000, v62;
	v40 =	vperm.xlane v40, v5  }
0x4c5: {  	v43 =	vperm.xlane v43, v5;
	v56, v47, _ =	vpop (xrf1);
	v44 =	vxor.u32 $0x80000000, v63;
	v42 =	vperm.xlane v42, v5  }
0x4c6: {  	v45 =	vperm.xlane v45, v5;
	vm11 =	vgt.s32 v35, v38;
	v57, v49, _ =	vpop (xrf1);
	v46 =	vxor.u32 $0x80000000, v56  }
0x4c7: {  	v44 =	vperm.xlane v44, v5;
	vm10 =	vgt.s32 v6, v40;
	v58, v51, _ =	vpop (xrf1);
	v48 =	vxor.u32 $0x80000000, v57  }
0x4c8: {  	vm9 =	vgt.s32 v7, v42;
	v63 =	vsel vm10, v40, v6;
	v6 =	vsel vm10, v6, v40;
	v59, v53, _ =	vpop (xrf1)  }
0x4c9: {  	v40 =	vsel vm10, v41, v34;
	v34 =	vsel vm10, v34, v41;
	v41 =	vsel vm11, v38, v35;
	v60, v55, _ =	vpop (xrf1)  }
0x4ca: {  	v35 =	vsel vm11, v35, v38;
	v38 =	vsel vm11, v39, v37;
	v37 =	vsel vm11, v37, v39;
	v61, v57, _ =	vpop (xrf1)  }
0x4cb: {  	v50 =	vxor.u32 $0x80000000, v58;
	vm8 =	vgt.s32 v33, v44;
	v52 =	vxor.u32 $0x80000000, v59;
	v62, v59, _ =	vpop (xrf1)  }
0x4cc: {  	v54 =	vxor.u32 $0x80000000, v60;
	v56 =	vxor.u32 $0x80000000, v61;
	v58 =	vxor.u32 $0x80000000, v62  }
0x4cd: {  	v62 =	vsel vm8, v44, v33;
	v33 =	vsel vm8, v33, v44;
	v44 =	vsel vm8, v45, v36  }
0x4ce: {  	v60, v61, _ =	vpop (xrf1);
	v36 =	vsel vm8, v36, v45;
	v45 =	vsel vm9, v42, v7;
	v7 =	vsel vm9, v7, v42  }
0x4cf: {  	v42 =	vsel vm9, v43, v8;
	v8 =	vsel vm9, v8, v43;
	v60 =	vxor.u32 $0x80000000, v60  }
0x4d0: {  	vm12 =	vgt.s32 v62, v63;
	vm13 =	vgt.s32 v45, v41;
	vm14 =	vgt.s32 v33, v6  }
0x4d1: {  	vm15 =	vgt.s32 v7, v35;
	v39 =	vsel vm12, v63, v62;
	v43 =	vsel vm12, v62, v63  }
0x4d2: {  	v62 =	vsel vm12, v40, v44;
	v40 =	vsel vm12, v44, v40;
	v44 =	vsel vm13, v41, v45  }
0x4d3: {  	v41 =	vsel vm13, v45, v41;
	v63 =	vsel vm13, v38, v42;
	v38 =	vsel vm13, v42, v38  }
0x4d4: {  	v42 =	vsel vm14, v6, v33;
	v6 =	vsel vm14, v33, v6;
	v33 =	vsel vm14, v34, v36  }
0x4d5: {  	v34 =	vsel vm14, v36, v34;
	v36 =	vsel vm15, v35, v7;
	v7 =	vsel vm15, v7, v35  }
0x4d6: {  	v35 =	vsel vm15, v37, v8;
	v8 =	vsel vm15, v8, v37;
	vm4 =	vgt.s32 v39, v44  }
0x4d7: {  	vm5 =	vgt.s32 v43, v41;
	vm6 =	vgt.s32 v42, v36;
	vm7 =	vgt.s32 v6, v7  }
0x4d8: {  	v37 =	vsel vm4, v44, v39;
	v39 =	vsel vm4, v39, v44;
	v44 =	vsel vm4, v63, v62  }
0x4d9: {  	v45 =	vsel vm4, v62, v63;
	v62 =	vsel vm5, v41, v43;
	v41 =	vsel vm5, v43, v41  }
0x4da: {  	v43 =	vsel vm5, v38, v40;
	v38 =	vsel vm5, v40, v38;
	v40 =	vsel vm6, v36, v42  }
0x4db: {  	v36 =	vsel vm6, v42, v36;
	v42 =	vsel vm7, v7, v6;
	v37 =	vxor.u32 $0x80000000, v37  }
0x4dc: {  	v6 =	vsel vm7, v6, v7;
	v7 =	vsel vm7, v8, v34;
	(xrf1) =	vsort.ascd.msk.u32 $0xffff, v37, v44;
	v44 =	vxor.u32 $0x80000000, v39  }
0x4dd: {  	v8 =	vsel vm7, v34, v8;
	v63 =	vxor.u32 $0x80000000, v62;
	v39 =	vsel vm6, v35, v33;
	(xrf1) =	vsort.ascd.msk.u32 $0xffff, v44, v45  }
0x4de: {  	v33 =	vsel vm6, v33, v35;
	v35 =	vperm.xlane v56, v5;
	v44 =	vxor.u32 $0x80000000, v41;
	(xrf1) =	vsort.ascd.msk.u32 $0xffff, v63, v43  }
0x4df: {  	v56 =	vperm.xlane v59, v5;
	v45 =	vxor.u32 $0x80000000, v40;
	v63 =	vperm.xlane v60, v5;
	(xrf1) =	vsort.ascd.msk.u32 $0xffff, v44, v38  }
0x4e0: {  	v62 =	vxor.u32 $0x80000000, v36;
	v59 =	vperm.xlane v55, v5;
	vm10 =	vgt.s32 v50, v35;
	(xrf1) =	vsort.ascd.msk.u32 $0xffff, v45, v39  }
0x4e1: {  	v45 =	vperm.xlane v58, v5;
	v58 =	vperm.xlane v57, v5;
	vm8 =	vgt.s32 v46, v63  }
0x4e2: {  	v44 =	vxor.u32 $0x80000000, v42;
	(xrf1) =	vsort.ascd.msk.u32 $0xffff, v62, v33;
	v60 =	vsel vm8, v63, v46;
	v36 =	vsel vm8, v46, v63  }
0x4e3: {  	v6 =	vxor.u32 $0x80000000, v6;
	(xrf1) =	vsort.ascd.msk.u32 $0xffff, v44, v7;
	v7 =	vperm.xlane v54, v5;
	v54 =	vperm.xlane v61, v5  }
0x4e4: {  	vm9 =	vgt.s32 v48, v45;
	v55 =	vsel vm10, v58, v51;
	v38 =	vsel vm10, v51, v58  }
0x4e5: {  	v62 =	vsel vm9, v45, v48;
	v34 =	vsel vm9, v48, v45;
	v63 =	vsel vm9, v56, v49  }
0x4e6: {  	v37 =	vsel vm9, v49, v56;
	v61 =	vsel vm8, v54, v47;
	v33 =	vsel vm8, v47, v54  }
0x4e7: {  	v54 =	vsel vm10, v35, v50;
	v35 =	vsel vm10, v50, v35;
	vm11 =	vgt.s32 v52, v7  }
0x4e8: {  	v56 =	vsel vm11, v7, v52;
	v7 =	vsel vm11, v52, v7;
	v57 =	vsel vm11, v59, v53  }
0x4e9: {  	v39 =	vsel vm11, v53, v59;
	vm12 =	vgt.s32 v60, v54;
	vm14 =	vgt.s32 v36, v35  }
0x4ea: {  	v58 =	vsel vm12, v54, v60;
	v40 =	vsel vm12, v60, v54;
	vm13 =	vgt.s32 v62, v56  }
0x4eb: {  	v59 =	vsel vm12, v55, v61;
	v41 =	vsel vm12, v61, v55;
	vm15 =	vgt.s32 v34, v7  }
0x4ec: {  	v60 =	vsel vm13, v56, v62;
	v42 =	vsel vm13, v62, v56;
	v61 =	vsel vm13, v57, v63  }
0x4ed: {  	v43 =	vsel vm13, v63, v57;
	v62 =	vsel vm14, v35, v36;
	v35 =	vsel vm14, v36, v35  }
0x4ee: {  	v63 =	vsel vm14, v38, v33;
	v33 =	vsel vm14, v33, v38;
	v52 =	vsel vm15, v7, v34  }
0x4ef: {  	v7 =	vsel vm15, v34, v7;
	v53 =	vsel vm15, v39, v37;
	v37 =	vsel vm15, v37, v39  }
0x4f0: {  	vm4 =	vgt.s32 v58, v60;
	vm5 =	vgt.s32 v40, v42;
	vm6 =	vgt.s32 v62, v52  }
0x4f1: {  	vm7 =	vgt.s32 v35, v7;
	v54 =	vsel vm4, v60, v58;
	v45 =	vsel vm4, v58, v60  }
0x4f2: {  	(xrf1) =	vsort.ascd.msk.u32 $0xffff, v6, v8;
	v55 =	vsel vm4, v61, v59;
	v6 =	vsel vm4, v59, v61;
	v39 =	vxor.u32 $0x80000000, v54  }
0x4f3: {  	v8 =	vsel vm5, v42, v40;
	v40 =	vsel vm5, v40, v42;
	v57 =	vxor.u32 $0x80000000, v45;
	(xrf1) =	vsort.ascd.msk.u32 $0xffff, v39, v55  }
0x4f4: {  	v56 =	vsel vm5, v43, v41;
	v41 =	vsel vm5, v41, v43;
	(xrf1) =	vsort.ascd.msk.u32 $0xffff, v57, v6;
	v6 =	vxor.u32 $0x80000000, v8  }
0x4f5: {  	v38 =	vsel vm6, v62, v52;
	v8 =	vsel vm6, v52, v62;
	(xrf1) =	vsort.ascd.msk.u32 $0xffff, v6, v56;
	v6 =	vxor.u32 $0x80000000, v40  }
0x4f6: {  	v58 =	vsel vm6, v53, v63;
	(xrf1) =	vsort.ascd.msk.u32 $0xffff, v6, v41;
	v6 =	vxor.u32 $0x80000000, v8;
	v8 =	vsel vm6, v63, v53  }
0x4f7: {  	v59 =	vsel vm7, v7, v35;
	v7 =	vsel vm7, v35, v7;
	(xrf1) =	vsort.ascd.msk.u32 $0xffff, v6, v58;
	v6 =	vxor.u32 $0x80000000, v38  }
0x4f8: {  	v60 =	vsel vm7, v37, v33;
	v33 =	vsel vm7, v33, v37;
	(xrf1) =	vsort.ascd.msk.u32 $0xffff, v6, v8;
	v6 =	vxor.u32 $0x80000000, v59  }
0x4f9: {  	v8, v34, _ =	vpop (xrf1);
	(xrf1) =	vsort.ascd.msk.u32 $0xffff, v6, v60;
	v6 =	vxor.u32 $0x80000000, v7;
	_ =	sdelay $0x1  }
0x4fa: {  	v7, v35, _ =	vpop (xrf1)  }
0x4fb: {  	(xrf1) =	vsort.ascd.msk.u32 $0xffff, v6, v33;
	v6, v33, _ =	vpop (xrf1)  }
0x4fc: {  	v61, v37, _ =	vpop (xrf1)  }
0x4fd: {  	v62, v39, _ =	vpop (xrf1)  }
0x4fe: {  	v40, v41, _ =	vpop (xrf1)  }
0x4ff: {  	v42, v43, _ =	vpop (xrf1)  }
0x500: {  	v8 =	vxor.u32 $0x80000000, v8;
	v7 =	vxor.u32 $0x80000000, v7;
	v44, v45, _ =	vpop (xrf1)  }
0x501: {  	v6 =	vxor.u32 $0x80000000, v6;
	v36 =	vxor.u32 $0x80000000, v61;
	v38 =	vxor.u32 $0x80000000, v62;
	v46, v47, _ =	vpop (xrf1)  }
0x502: {  	v40 =	vxor.u32 $0x80000000, v40;
	v42 =	vxor.u32 $0x80000000, v42;
	v44 =	vxor.u32 $0x80000000, v44;
	v48, v49, _ =	vpop (xrf1)  }
0x503: {  	v46 =	vxor.u32 $0x80000000, v46;
	v47 =	vperm.xlane v47, v5;
	v50, v51, _ =	vpop (xrf1);
	v48 =	vxor.u32 $0x80000000, v48  }
0x504: {  	v46 =	vperm.xlane v46, v5;
	v49 =	vperm.xlane v49, v5;
	v52, v53, _ =	vpop (xrf1);
	v50 =	vxor.u32 $0x80000000, v50  }
0x505: {  	v48 =	vperm.xlane v48, v5;
	v51 =	vperm.xlane v51, v5;
	v52 =	vxor.u32 $0x80000000, v52  }
0x506: {  	v54, v55, _ =	vpop (xrf1);
	v50 =	vperm.xlane v50, v5;
	v53 =	vperm.xlane v53, v5;
	vm15 =	vgt.s32 v44, v46  }
0x507: {  	v56, v57, _ =	vpop (xrf1);
	v54 =	vxor.u32 $0x80000000, v54;
	v52 =	vperm.xlane v52, v5;
	v55 =	vperm.xlane v55, v5  }
0x508: {  	vm14 =	vgt.s32 v42, v48;
	v58, v59, _ =	vpop (xrf1);
	v56 =	vxor.u32 $0x80000000, v56;
	v54 =	vperm.xlane v54, v5  }
0x509: {  	v57 =	vperm.xlane v57, v5;
	vm13 =	vgt.s32 v40, v50;
	v58 =	vxor.u32 $0x80000000, v58  }
0x50a: {  	v60, v61, _ =	vpop (xrf1);
	v56 =	vperm.xlane v56, v5;
	v59 =	vperm.xlane v59, v5;
	vm12 =	vgt.s32 v38, v52  }
0x50b: {  	v60 =	vxor.u32 $0x80000000, v60;
	v58 =	vperm.xlane v58, v5;
	v61 =	vperm.xlane v61, v5  }
0x50c: {  	vm11 =	vgt.s32 v36, v54;
	v63 =	vsel vm12, v52, v38;
	v38 =	vsel vm12, v38, v52  }
0x50d: {  	v52 =	vsel vm12, v53, v39;
	v39 =	vsel vm12, v39, v53;
	v53 =	vsel vm13, v50, v40  }
0x50e: {  	v40 =	vsel vm13, v40, v50;
	v50 =	vsel vm13, v51, v41;
	v41 =	vsel vm13, v41, v51  }
0x50f: {  	v51 =	vsel vm14, v48, v42;
	v42 =	vsel vm14, v42, v48;
	v48 =	vsel vm14, v49, v43  }
0x510: {  	v43 =	vsel vm14, v43, v49;
	v49 =	vsel vm15, v46, v44;
	v60 =	vperm.xlane v60, v5  }
0x511: {  	v44 =	vsel vm15, v44, v46;
	v46 =	vsel vm15, v47, v45;
	v45 =	vsel vm15, v45, v47  }
0x512: {  	vm10 =	vgt.s32 v6, v56;
	vm9 =	vgt.s32 v7, v58;
	vm8 =	vgt.s32 v8, v60  }
0x513: {  	v62 =	vsel vm8, v60, v8;
	v8 =	vsel vm8, v8, v60;
	v60 =	vsel vm8, v61, v34  }
0x514: {  	v34 =	vsel vm8, v34, v61;
	v61 =	vsel vm9, v58, v7;
	v7 =	vsel vm9, v7, v58  }
0x515: {  	v58 =	vsel vm9, v59, v35;
	v35 =	vsel vm9, v35, v59;
	v59 =	vsel vm10, v56, v6  }
0x516: {  	v6 =	vsel vm10, v6, v56;
	v56 =	vsel vm10, v57, v33;
	v33 =	vsel vm10, v33, v57  }
0x517: {  	v57 =	vsel vm11, v54, v36;
	v36 =	vsel vm11, v36, v54;
	v54 =	vsel vm11, v55, v37  }
0x518: {  	v37 =	vsel vm11, v37, v55;
	vm4 =	vgt.s32 v62, v63;
	vm5 =	vgt.s32 v61, v53  }
0x519: {  	vm6 =	vgt.s32 v59, v51;
	vm7 =	vgt.s32 v57, v49;
	vm8 =	vgt.s32 v8, v38  }
0x51a: {  	vm9 =	vgt.s32 v7, v40;
	vm10 =	vgt.s32 v6, v42;
	vm11 =	vgt.s32 v36, v44  }
0x51b: {  	v47 =	vsel vm4, v63, v62;
	v55 =	vsel vm4, v62, v63;
	v62 =	vsel vm4, v52, v60  }
0x51c: {  	v52 =	vsel vm4, v60, v52;
	v60 =	vsel vm5, v53, v61;
	v53 =	vsel vm5, v61, v53  }
0x51d: {  	v61 =	vsel vm5, v50, v58;
	v50 =	vsel vm5, v58, v50;
	v58 =	vsel vm6, v51, v59  }
0x51e: {  	v51 =	vsel vm6, v59, v51;
	v63 =	vsel vm6, v48, v56;
	v48 =	vsel vm6, v56, v48  }
0x51f: {  	v56 =	vsel vm7, v49, v57;
	v49 =	vsel vm7, v57, v49;
	v57 =	vsel vm7, v46, v54  }
0x520: {  	v46 =	vsel vm7, v54, v46;
	v54 =	vsel vm8, v38, v8;
	v8 =	vsel vm8, v8, v38  }
0x521: {  	v38 =	vsel vm8, v39, v34;
	v34 =	vsel vm8, v34, v39;
	v39 =	vsel vm9, v40, v7  }
0x522: {  	v7 =	vsel vm9, v7, v40;
	v40 =	vsel vm9, v41, v35;
	v35 =	vsel vm9, v35, v41  }
0x523: {  	v41 =	vsel vm10, v42, v6;
	v6 =	vsel vm10, v6, v42;
	v42 =	vsel vm10, v43, v33  }
0x524: {  	v33 =	vsel vm10, v33, v43;
	v43 =	vsel vm11, v44, v36;
	v36 =	vsel vm11, v36, v44  }
0x525: {  	v44 =	vsel vm11, v45, v37;
	v37 =	vsel vm11, v37, v45;
	vm12 =	vgt.s32 v47, v58  }
0x526: {  	vm13 =	vgt.s32 v60, v56;
	vm14 =	vgt.s32 v55, v51;
	vm15 =	vgt.s32 v53, v49  }
0x527: {  	vm4 =	vgt.s32 v54, v41;
	vm5 =	vgt.s32 v39, v43;
	vm6 =	vgt.s32 v8, v6  }
0x528: {  	vm7 =	vgt.s32 v7, v36;
	v45 =	vsel vm12, v58, v47;
	v47 =	vsel vm12, v47, v58  }
0x529: {  	v58 =	vsel vm12, v63, v62;
	v59 =	vsel vm12, v62, v63;
	v62 =	vsel vm13, v56, v60  }
0x52a: {  	v56 =	vsel vm13, v60, v56;
	v60 =	vsel vm13, v57, v61;
	v57 =	vsel vm13, v61, v57  }
0x52b: {  	v61 =	vsel vm14, v51, v55;
	v51 =	vsel vm14, v55, v51;
	v55 =	vsel vm14, v48, v52  }
0x52c: {  	v48 =	vsel vm14, v52, v48;
	v52 =	vsel vm15, v49, v53;
	v49 =	vsel vm15, v53, v49  }
0x52d: {  	v53 =	vsel vm15, v46, v50;
	v46 =	vsel vm15, v50, v46;
	v50 =	vsel vm4, v41, v54  }
0x52e: {  	v41 =	vsel vm4, v54, v41;
	v54 =	vsel vm4, v42, v38;
	v38 =	vsel vm4, v38, v42  }
0x52f: {  	v42 =	vsel vm5, v43, v39;
	v39 =	vsel vm5, v39, v43;
	v43 =	vsel vm5, v44, v40  }
0x530: {  	v40 =	vsel vm5, v40, v44;
	v44 =	vsel vm6, v6, v8;
	v6 =	vsel vm6, v8, v6  }
0x531: {  	v8 =	vsel vm6, v33, v34;
	v33 =	vsel vm6, v34, v33;
	v34 =	vsel vm7, v36, v7  }
0x532: {  	v7 =	vsel vm7, v7, v36;
	v36 =	vsel vm7, v37, v35;
	v35 =	vsel vm7, v35, v37  }
0x533: {  	vm8 =	vgt.s32 v45, v62;
	vm9 =	vgt.s32 v47, v56;
	vm10 =	vgt.s32 v61, v52  }
0x534: {  	vm11 =	vgt.s32 v51, v49;
	vm12 =	vgt.s32 v50, v42;
	vm13 =	vgt.s32 v41, v39  }
0x535: {  	vm14 =	vgt.s32 v44, v34;
	vm15 =	vgt.s32 v6, v7;
	v37 =	vsel vm8, v62, v45  }
0x536: {  	v45 =	vsel vm8, v45, v62;
	v62 =	vsel vm8, v60, v58;
	v58 =	vsel vm8, v58, v60  }
0x537: {  	v60 =	vsel vm9, v56, v47;
	v47 =	vsel vm9, v47, v56;
	v37 =	vxor.u32 $0x80000000, v37  }
0x538: {  	v56 =	vsel vm9, v57, v59;
	v57 =	vsel vm9, v59, v57;
	v63 =	vxor.u32 $0x80000000, v45;
	(xrf1) =	vsort.ascd.msk.u32 $0xffff, v37, v62  }
0x539: {  	v59 =	vsel vm10, v52, v61;
	v52 =	vsel vm10, v61, v52;
	v61 =	vxor.u32 $0x80000000, v60;
	(xrf1) =	vsort.ascd.msk.u32 $0xffff, v63, v58  }
0x53a: {  	v45 =	vsel vm10, v53, v55;
	v53 =	vsel vm10, v55, v53;
	v63 =	vxor.u32 $0x80000000, v47;
	(xrf1) =	vsort.ascd.msk.u32 $0xffff, v61, v56  }
0x53b: {  	v59 =	vxor.u32 $0x80000000, v59;
	v55 =	vsel vm13, v40, v38;
	v38 =	vsel vm13, v38, v40;
	(xrf1) =	vsort.ascd.msk.u32 $0xffff, v63, v57  }
0x53c: {  	v60 =	vxor.u32 $0x80000000, v52;
	v62 =	vsel vm11, v49, v51;
	v58 =	vsel vm11, v46, v48;
	(xrf1) =	vsort.ascd.msk.u32 $0xffff, v59, v45  }
0x53d: {  	v46 =	vsel vm11, v48, v46;
	v62 =	vxor.u32 $0x80000000, v62;
	v56 =	vsel vm11, v51, v49;
	(xrf1) =	vsort.ascd.msk.u32 $0xffff, v60, v53  }
0x53e: {  	v61 =	vsel vm12, v42, v50;
	v42 =	vsel vm12, v50, v42;
	v52 =	vxor.u32 $0x80000000, v56;
	(xrf1) =	vsort.ascd.msk.u32 $0xffff, v62, v58  }
0x53f: {  	v63 =	vsel vm12, v43, v54;
	v43 =	vsel vm12, v54, v43;
	v54 =	vxor.u32 $0x80000000, v61;
	(xrf1) =	vsort.ascd.msk.u32 $0xffff, v52, v46  }
0x540: {  	v56 =	vxor.u32 $0x80000000, v42;
	v53 =	vsel vm13, v39, v41;
	v39 =	vsel vm13, v41, v39;
	(xrf1) =	vsort.ascd.msk.u32 $0xffff, v54, v63  }
0x541: {  	v60 =	vsel vm14, v36, v8;
	v57 =	vxor.u32 $0x80000000, v53;
	v58 =	vsel vm14, v34, v44;
	(xrf1) =	vsort.ascd.msk.u32 $0xffff, v56, v43  }
0x542: {  	v34 =	vsel vm14, v44, v34;
	v59 =	vxor.u32 $0x80000000, v39;
	v62 =	vsel vm15, v7, v6;
	(xrf1) =	vsort.ascd.msk.u32 $0xffff, v57, v55  }
0x543: {  	v6 =	vsel vm15, v6, v7;
	v7 =	vsel vm15, v35, v33;
	v61 =	vxor.u32 $0x80000000, v58;
	(xrf1) =	vsort.ascd.msk.u32 $0xffff, v59, v38  }
0x544: {  	v8 =	vsel vm14, v8, v36;
	v34 =	vxor.u32 $0x80000000, v34;
	v6 =	vxor.u32 $0x80000000, v6;
	(xrf1) =	vsort.ascd.msk.u32 $0xffff, v61, v60  }
0x545: {  	(xrf1) =	vsort.ascd.msk.u32 $0xffff, v34, v8;
	v8 =	vxor.u32 $0x80000000, v62  }
0x546: {  	v33 =	vsel vm15, v33, v35;
	_, v63, _ =	vpop (xrf1);
	(xrf1) =	vsort.ascd.msk.u32 $0xffff, v8, v7  }
0x547: {  	_, v7, _ =	vpop (xrf1);
	(xrf1) =	vsort.ascd.msk.u32 $0xffff, v6, v33;
	[tilespmem:$0x5380] =	vst v63  }
0x548: {  	_, v6, _ =	vpop (xrf1);
	[tilespmem:$0x5390] =	vst v7  }
0x549: {  	_, v7, _ =	vpop (xrf1);
	[tilespmem:$0x53A0] =	vst v6  }
0x54a: {  	_, v6, _ =	vpop (xrf1);
	[tilespmem:$0x53B0] =	vst v7  }
0x54b: {  	_, v7, _ =	vpop (xrf1);
	[tilespmem:$0x53C0] =	vst v6  }
0x54c: {  	_, v6, _ =	vpop (xrf1);
	[tilespmem:$0x53D0] =	vst v7  }
0x54d: {  	_, v7, _ =	vpop (xrf1);
	[tilespmem:$0x53E0] =	vst v6  }
0x54e: {  	_, v6, _ =	vpop (xrf1);
	[tilespmem:$0x53F0] =	vst v7  }
0x54f: {  	_, v7, _ =	vpop (xrf1);
	[tilespmem:$0x5400] =	vst v6  }
0x550: {  	_, v6, _ =	vpop (xrf1);
	[tilespmem:$0x5410] =	vst v7  }
0x551: {  	_, v7, _ =	vpop (xrf1);
	[tilespmem:$0x5420] =	vst v6  }
0x552: {  	_, v6, _ =	vpop (xrf1);
	[tilespmem:$0x5430] =	vst v7  }
0x553: {  	_, v7, _ =	vpop (xrf1);
	[tilespmem:$0x5440] =	vst v6  }
0x554: {  	s18 =	sadd.s32 s6, s18;
	_, v6, _ =	vpop (xrf1);
	[tilespmem:$0x5450] =	vst v7  }
0x555: {  	s17 =	sadd.s32 $0x1, s17;
	s18 =	sshrl.u32 s18, $0x3;
	_, v7, _ =	vpop (xrf1);
	[tilespmem:$0x5460] =	vst v6  }
0x556: {  	p0 =	sne.s32 s17, $0x4;
	s18 =	sadd.s32 s2, s18;
	[tilespmem:$0x5470] =	vst v7  }
0x557: {  	[hbm4b:s18+s12] =	stream.strided.scatter [tilespmem:s16], [sflag:$0x1], $0x100, s7, s12, $0x38;
	[tilespmem:$0x5480] =	vst v63  }
.Ltmp19:
0x558: {  	_ = 	snop;
	(pc) =	sbr.rel @p0 .LBB2_2-.Ltmp19, $4  }
.Ltmp20:
0x559: {  	_ = 	snop;
	(pc) =	sbr.rel @!p0 .LBB2_37-.Ltmp20, $4  }
0x55a: {  	_ =	swait.ge [sflag:s14], $0x100  }
0x55b: {  	[sflag:s14] =	ssyncset.done $0x0  }
0x55c: {  	[sflag:s14] =	ssyncadd.s32 $0xFFFFFF00  }
0x55d: {  	_ = 	snop  }
.LBB2_9:
.Ltmp21:
0x55e: {  	(pc) =	sbr.rel .LBB2_16-.Ltmp21, $2  }
0x55f: {  	_ =	sdelay $0x2  }
0x560: {  	s24 =	simm.s32 $0x0;
	s20 =	simm.s32 $0x0;
	s21 =	simm.s32 $0x0  }
.LBB2_11:
.Ltmp22:
0x561: {  	(pc) =	sbr.rel .LBB2_16-.Ltmp22, $2  }
0x562: {  	_ =	sdelay $0x2  }
0x563: {  	s20 =	simm.s32 $0x0;
	s21 =	simm.s32 $0x0  }
.LBB2_13:
.Ltmp23:
0x564: {  	(pc) =	sbr.rel .LBB2_16-.Ltmp23, $2  }
0x565: {  	_ =	sdelay $0x2  }
0x566: {  	s24 =	simm.s32 $0x20;
	s20 =	simm.s32 $0x0;
	s21 =	simm.s32 $0x0  }
.LBB2_38:
0x567: {  	_ =	sfence.sel $0x180000  }
0x568: {  	[bflag:$0x0] =	sbarrier.arrive $0xFFFF  }
0x569: {  	p0 =	sne.s32 s4, $0x0;
	_ =	strace $0x90000047  }
0x56a: {  	s0 =	sadd.s32 @!p0 $0x100000, s1;
	[bflag:$0x2] =	sbarrier.arrive $0xFFFF  }
0x56b: {  	[sflag:s0] =	ssyncadd.tile.s32 @!p0 $0x1;
	_ =	shalt  }
.Lfunc_end2:
_tile_overlayer_lowered:
.L_overlay_start_2:
0x56c: {  	(tag) =	ssettag $0x2  }
0x56d: {  	s0 =	rddreg [dreg:$0x0];
	s2 =	stileid.u32  }
0x56e: {  	s1 =	rddreg [dreg:$0x1];
	p0 =	sne.s32 s2, $0x0  }
0x56f: {  	s3 =	rddreg [dreg:$0x2];
	[bflag:$0x3] =	sbarrier.arrive $0xFFFF;
	s2 =	simm.s32 @!p0 $0x1C01  }
0x570: {  	[timem:s3], [sflag:s2] =	dma.local @!p0 [hbm:s0], s1  }
0x571: {  	s0 =	simm.s32 @!p0 $0x1  }
0x572: {  	_ =	swait.ge @!p0 [sflag:s0], s1  }
0x573: {  	s1 =	ssub.s32 @!p0 $0x0, s1;
	[sflag:s0] =	ssyncset.done @!p0 $0x0  }
0x574: {  	[sflag:s0] =	ssyncadd.s32 @!p0 s1  }
0x575: {  	[bflag:$0x3] =	sbarrier.arrive $0xFFFF  }
0x576: {  	_ =	shalt  }

</sc_bundles>
